<compile_context>
chip_gen: v7x
topology: tpu7x:2x2x1
jax: 0.10.2.dev20260603
libtpu: 0.0.44.dev20260713+nightly
codegen_flags: <defaults>
</compile_context>

<pallas_src>
import functools
import math

import jax
import jax.numpy as jnp
from jax import lax
from jax.experimental import pallas as pl
from jax.experimental.pallas import tpu as pltpu
from jax.experimental.pallas import tpu_sc as plsc

B = 2
N = 2048
DIM = 1024
HEADS = 16
DIM_HEAD = 64
G = 2
W = 256
NQ = 128
NKV = 256
INNER = HEADS * DIM_HEAD
NB = N // W
NWIN = NB - 1
BW = B * NWIN
CTX = N - W
SCALE = DIM_HEAD ** -0.5
LOGPAD = 128
F32 = jnp.float32
BF16 = jnp.bfloat16


def _fused_body(x_ref, g_ref, b_ref, wqkv_ref, wr_ref, wo_ref,
                local_ref, log_ref, ring, o_scr):
    t = pl.program_id(0)
    xb = x_ref[0]
    mu = jnp.mean(xb, axis=1, keepdims=True)
    var = jnp.mean((xb - mu) ** 2, axis=1, keepdims=True)
    xn = (xb - mu) / jnp.sqrt(var + 1e-5) * g_ref[0][None, :] + b_ref[0][None, :]
    cur = t % 2
    ring[cur] = jnp.dot(xn.astype(BF16), wqkv_ref[...],
                        preferred_element_type=F32)
    log_ref[0] = jnp.dot(xb, wr_ref[...], preferred_element_type=F32)

    prv = 1 - cur
    first = t % NB == 0
    rows = lax.broadcasted_iota(jnp.int32, (W, W), 0)
    cols = lax.broadcasted_iota(jnp.int32, (W, W), 1)
    causal = rows >= cols
    neg = jnp.full((W, W), -1e9, F32)
    dn = (((1,), (1,)), ((), ()))
    for h in range(HEADS):
        sl = slice(h * DIM_HEAD, (h + 1) * DIM_HEAD)
        slk = slice(INNER + h * DIM_HEAD, INNER + (h + 1) * DIM_HEAD)
        slv = slice(2 * INNER + h * DIM_HEAD, 2 * INNER + (h + 1) * DIM_HEAD)
        qh = ring[cur, :, sl] * SCALE
        kc = ring[cur, :, slk]
        vc = ring[cur, :, slv]
        kp = ring[prv, :, slk]
        vp = jnp.where(first, jnp.zeros((W, DIM_HEAD), F32),
                       ring[prv, :, slv])
        sim_c = lax.dot_general(qh, kc, dn, preferred_element_type=F32)
        sim_p = lax.dot_general(qh, kp, dn, preferred_element_type=F32)
        sim_c = jnp.where(causal, sim_c, -1e9)
        sim_p = jnp.where(first, neg, sim_p)
        m = jnp.maximum(jnp.max(sim_c, axis=1, keepdims=True),
                        jnp.max(sim_p, axis=1, keepdims=True))
        pc = jnp.exp(sim_c - m)
        pp = jnp.exp(sim_p - m)
        den = jnp.sum(pc, axis=1, keepdims=True) + jnp.sum(pp, axis=1, keepdims=True)
        o = (jnp.dot(pc, vc, preferred_element_type=F32)
             + jnp.dot(pp, vp, preferred_element_type=F32)) / den
        o_scr[:, sl] = o.astype(BF16)
    local_ref[0] = jnp.dot(o_scr[...], wo_ref[...], preferred_element_type=F32)


def _fused_call(x3, ln_g, ln_b, Wqkv, Wr_pad, Wo_local):
    return pl.pallas_call(
        _fused_body,
        grid=(B * NB,),
        in_specs=[
            pl.BlockSpec((1, W, DIM), lambda t: (t, 0, 0)),
            pl.BlockSpec((1, DIM), lambda t: (0, 0)),
            pl.BlockSpec((1, DIM), lambda t: (0, 0)),
            pl.BlockSpec((DIM, 3 * INNER), lambda t: (0, 0)),
            pl.BlockSpec((DIM, LOGPAD), lambda t: (0, 0)),
            pl.BlockSpec((INNER, DIM), lambda t: (0, 0)),
        ],
        out_specs=[
            pl.BlockSpec((1, W, DIM), lambda t: (t, 0, 0)),
            pl.BlockSpec((1, W, LOGPAD), lambda t: (t, 0, 0)),
        ],
        out_shape=[
            jax.ShapeDtypeStruct((B * NB, W, DIM), F32),
            jax.ShapeDtypeStruct((B * NB, W, LOGPAD), F32),
        ],
        scratch_shapes=[pltpu.VMEM((2, W, 3 * INNER), F32),
                        pltpu.VMEM((W, INNER), BF16)],
    )(x3, ln_g, ln_b, Wqkv, Wr_pad, Wo_local)


def _grouped_body(xq_ref, xc_ref, qs_ref, kvs_ref, kvb_ref, gq_ref, gc_ref,
                  wq_ref, wkv_ref, wo_ref, nk_ref, nv_ref, out_ref, o_scr):
    dn = (((1,), (1,)), ((), ()))
    xq = xq_ref[...]
    nq = jnp.sqrt(jnp.sum(xq * xq, axis=1, keepdims=True))
    xqn = xq / jnp.maximum(nq, 1e-12) * (DIM ** 0.5) * gq_ref[0, 0][None, :]
    xc = xc_ref[...]
    nc = jnp.sqrt(jnp.sum(xc * xc, axis=1, keepdims=True))
    xcn = xc / jnp.maximum(nc, 1e-12) * (DIM ** 0.5) * gc_ref[0, 0][None, :]
    q = lax.dot_general(xqn.astype(BF16), wq_ref[0], dn,
                        preferred_element_type=F32)
    kv = lax.dot_general(xcn.astype(BF16), wkv_ref[0], dn,
                         preferred_element_type=F32)
    k = kv[:, :INNER]
    v = kv[:, INNER:] * kvs_ref[0, 0][:, None]
    bias = kvb_ref[0, 0][None, :]
    for h in range(HEADS):
        sl = slice(h * DIM_HEAD, (h + 1) * DIM_HEAD)
        qh = q[:, sl] * SCALE
        kh = k[:, sl]
        vh = v[:, sl]
        sim = lax.dot_general(qh, kh, dn, preferred_element_type=F32) + bias
        nkh = nk_ref[0, h][None, :]
        nvh = nv_ref[0, h][None, :]
        simn = jnp.sum(qh * nkh, axis=1)
        m = jnp.maximum(jnp.max(sim, axis=1), simn)
        p = jnp.exp(sim - m[:, None])
        pn = jnp.exp(simn - m)
        den = jnp.sum(p, axis=1) + pn
        o = (jnp.dot(p, vh, preferred_element_type=F32) + pn[:, None] * nvh)
        o_scr[:, sl] = (o / den[:, None]).astype(BF16)
    out = lax.dot_general(o_scr[...], wo_ref[0], dn, preferred_element_type=F32)
    out_ref[0] = out * qs_ref[0, 0][:, None]


def _grouped_call(gat, qs, kvs, kvb, gq, gc, Wq, Wkv, Wout, nk, nv):
    qrows = BW * G * NQ // NKV
    return pl.pallas_call(
        _grouped_body,
        grid=(G, BW),
        in_specs=[
            pl.BlockSpec((NQ, DIM), lambda g, w: (w * G + g, 0)),
            pl.BlockSpec((NKV, DIM), lambda g, w: (qrows + w * G + g, 0)),
            pl.BlockSpec((1, 1, NQ), lambda g, w: (w * G + g, 0, 0)),
            pl.BlockSpec((1, 1, NKV), lambda g, w: (w * G + g, 0, 0)),
            pl.BlockSpec((1, 1, NKV), lambda g, w: (w * G + g, 0, 0)),
            pl.BlockSpec((1, 1, DIM), lambda g, w: (g, 0, 0)),
            pl.BlockSpec((1, 1, DIM), lambda g, w: (g, 0, 0)),
            pl.BlockSpec((1, INNER, DIM), lambda g, w: (g, 0, 0)),
            pl.BlockSpec((1, 2 * INNER, DIM), lambda g, w: (g, 0, 0)),
            pl.BlockSpec((1, DIM, INNER), lambda g, w: (g, 0, 0)),
            pl.BlockSpec((1, HEADS, DIM_HEAD), lambda g, w: (g, 0, 0)),
            pl.BlockSpec((1, HEADS, DIM_HEAD), lambda g, w: (g, 0, 0)),
        ],
        out_specs=pl.BlockSpec((1, NQ, DIM), lambda g, w: (w * G + g, 0, 0)),
        out_shape=jax.ShapeDtypeStruct((BW * G, NQ, DIM), F32),
        scratch_shapes=[pltpu.VMEM((NQ, INNER), BF16)],
    )(gat, gat, qs, kvs, kvb, gq, gc, Wq, Wkv, Wout, nk, nv)


def _topk_body(R, L, K, v_ref, idx_ref, val_ref, ut_scr):
    _SIGN = jnp.int32(-2 ** 31)
    r_ = lax.broadcasted_iota(jnp.int32, (L, L), 0)
    c_ = lax.broadcasted_iota(jnp.int32, (L, L), 1)
    ut_scr[...] = (r_ < c_).astype(F32)

    v = v_ref[...]
    b = lax.bitcast_convert_type(v, jnp.int32)
    key = jnp.where(b >= 0, b, ~b ^ _SIGN)

    def step(i, t):
        cand = t | (jnp.int32(1) << (31 - i))
        cnt = jnp.sum((key >= (cand ^ _SIGN)).astype(jnp.int32),
                      axis=1, keepdims=True)
        return jnp.where(cnt >= K, cand, t)

    t = lax.fori_loop(0, 32, step, jnp.zeros((R, 1), jnp.int32))
    kth = t ^ _SIGN
    gt = key > kth
    eq = key == kth
    fill = (K - jnp.sum(gt.astype(jnp.int32), axis=1, keepdims=True)).astype(F32)
    eq_rank = jnp.dot(eq.astype(F32), ut_scr[...],
                      preferred_element_type=F32)
    sel = gt | (eq & (eq_rank < fill))
    rank = jnp.dot(sel.astype(F32), ut_scr[...],
                   preferred_element_type=F32)
    jrow = lax.broadcasted_iota(jnp.int32, (K, L), 0).astype(F32)
    lane = lax.broadcasted_iota(jnp.int32, (K, L), 1).astype(F32)
    for r in range(R):
        m = jnp.where((jrow == rank[r:r + 1, :]) & sel[r:r + 1, :], 1.0, 0.0)
        idx_ref[r] = jnp.sum(m * lane, axis=1).astype(jnp.int32)
        val_ref[r] = jnp.sum(m * v[r:r + 1, :], axis=1)


def _topk_call(vals2, K):
    R, L = vals2.shape
    return pl.pallas_call(
        functools.partial(_topk_body, R, L, K),
        grid=(1,),
        in_specs=[pl.BlockSpec((R, L), lambda i: (0, 0))],
        out_specs=[pl.BlockSpec((R, K), lambda i: (0, 0)),
                   pl.BlockSpec((R, K), lambda i: (0, 0))],
        out_shape=[jax.ShapeDtypeStruct((R, K), jnp.int32),
                   jax.ShapeDtypeStruct((R, K), F32)],
        scratch_shapes=[pltpu.VMEM((L, L), F32)],
    )(vals2)


NROWS = BW * G * (NQ + NKV)
NWORK = 32
PER_WORK = NROWS // NWORK
SC_CHUNK = 48
SC_NCH = PER_WORK // SC_CHUNK


def _sc_gather(xf, idx):
    mesh = plsc.VectorSubcoreMesh(core_axis_name="c", subcore_axis_name="s")

    @functools.partial(
        pl.kernel, mesh=mesh,
        out_type=jax.ShapeDtypeStruct((NROWS, DIM), F32),
        scratch_types=[
            pltpu.VMEM((PER_WORK,), jnp.int32),
            pltpu.VMEM((2, SC_CHUNK, DIM), F32),
            pltpu.SemaphoreType.DMA,
            pltpu.SemaphoreType.DMA,
            pltpu.SemaphoreType.DMA,
            pltpu.SemaphoreType.DMA,
        ],
    )
    def gk(idx_hbm, xf_hbm, out_hbm, idx_v, rows_v, g0, g1, w0, w1):
        wid = lax.axis_index("s") * 2 + lax.axis_index("c")
        base = wid * PER_WORK
        pltpu.sync_copy(idx_hbm.at[pl.ds(base, PER_WORK)], idx_v)
        gsem = (g0, g1)
        wsem = (w0, w1)
        gcp = [None, None]
        wcp = [None, None]
        gcp[0] = pltpu.async_copy(
            xf_hbm.at[idx_v.at[pl.ds(0, SC_CHUNK)]], rows_v.at[0], g0)
        for ci in range(SC_NCH):
            cur = ci % 2
            nxt = 1 - cur
            if ci + 1 < SC_NCH:
                if wcp[nxt] is not None:
                    wcp[nxt].wait()
                gcp[nxt] = pltpu.async_copy(
                    xf_hbm.at[idx_v.at[pl.ds((ci + 1) * SC_CHUNK, SC_CHUNK)]],
                    rows_v.at[nxt], gsem[nxt])
            gcp[cur].wait()
            wcp[cur] = pltpu.async_copy(
                rows_v.at[cur],
                out_hbm.at[pl.ds(base + ci * SC_CHUNK, SC_CHUNK)], wsem[cur])
        wcp[(SC_NCH - 1) % 2].wait()
        if SC_NCH >= 2:
            wcp[(SC_NCH - 2) % 2].wait()

    return gk(idx, xf)


def _scatter_body(af_ref, qif_ref, local_ref, out_ref):
    t = pl.program_id(0)
    routed = t % NB != 0
    loc = local_ref[0]
    qv = qif_ref[0, 0]
    pos = lax.broadcasted_iota(jnp.int32, (G * NQ, W), 1)
    P = (pos == qv[:, None]).astype(F32)
    af = af_ref[0]
    scat = lax.dot_general(P, af, (((0,), (0,)), ((), ())),
                           preferred_element_type=F32)
    cnt = jnp.sum(P, axis=0)
    add = scat / jnp.maximum(cnt, 1e-5)[:, None]
    out_ref[0] = loc + jnp.where(routed, add, 0.0)


def _scatter_call(af, qif, local3):
    def w_idx(t):
        return jnp.where(t % NB == 0, 0, t - t // NB - 1)

    return pl.pallas_call(
        _scatter_body,
        grid=(B * NB,),
        in_specs=[
            pl.BlockSpec((1, G * NQ, DIM), lambda t: (w_idx(t), 0, 0)),
            pl.BlockSpec((1, 1, G * NQ), lambda t: (w_idx(t), 0, 0)),
            pl.BlockSpec((1, W, DIM), lambda t: (t, 0, 0)),
        ],
        out_specs=pl.BlockSpec((1, W, DIM), lambda t: (t, 0, 0)),
        out_shape=jax.ShapeDtypeStruct((B * NB, W, DIM), F32),
    )(af, qif, local3)


def kernel(x, ln_g, ln_b, Wqkv, Wo_local, Wr_q, Wr_kv, gamma_q, gamma_c,
           Wq, Wkv, Wout, null_kv):
    x3 = x.reshape(B * NB, W, DIM)
    Wr_pad = jnp.concatenate(
        [Wr_q, Wr_kv, jnp.zeros((DIM, LOGPAD - 2 * G), F32)], axis=1)

    local3, logits = _fused_call(x3, ln_g.reshape(1, DIM), ln_b.reshape(1, DIM),
                                 Wqkv.astype(BF16), Wr_pad,
                                 Wo_local.astype(BF16))

    lq = logits[:, :, 0:G].reshape(B, NB, W, G)[:, 1:]
    lq = lq.transpose(0, 1, 3, 2).reshape(BW, G, W)
    q_idx3, q_vals3 = _topk_call(lq.reshape(BW * G, W), NQ)
    q_idx = q_idx3.reshape(BW, G, NQ)
    q_scores = jax.nn.sigmoid(q_vals3.reshape(BW, G, NQ))

    lkv = logits[:, :, G:2 * G].reshape(B, N, G)[:, :CTX]
    lkv = lkv.transpose(0, 2, 1)
    win = jnp.arange(NWIN)
    limits = (win + 1) * W
    ctx_mask = jnp.arange(CTX)[None, :] < limits[:, None]
    lkv_m = jnp.where(ctx_mask[None, :, None, :], lkv[:, None, :, :], -1e9)
    lkv_m = lkv_m.reshape(BW, G, CTX)
    kv_idx3, kv_vals3 = _topk_call(lkv_m.reshape(BW * G, CTX), NKV)
    kv_idx = kv_idx3.reshape(BW, G, NKV)
    kv_scores = jax.nn.sigmoid(kv_vals3.reshape(BW, G, NKV))
    lim_bw = limits[jnp.arange(BW) % NWIN]
    kv_valid = kv_idx < lim_bw[:, None, None]
    kv_bias = jnp.where(kv_valid, 0.0, -1e9).astype(F32)

    b_of = jnp.arange(BW) // NWIN
    w_of = jnp.arange(BW) % NWIN
    xf = x.reshape(B * N, DIM)
    q_glob = q_idx + ((w_of + 1) * W)[:, None, None] + (b_of * N)[:, None, None]
    kv_glob = kv_idx + (b_of * N)[:, None, None]
    all_idx = jnp.concatenate(
        [q_glob.reshape(-1), kv_glob.reshape(-1)]).astype(jnp.int32)
    gat = _sc_gather(xf, all_idx)

    nk = null_kv[0, :, :, 0, :]
    nv = null_kv[1, :, :, 0, :]
    attn_out = _grouped_call(
        gat,
        q_scores.reshape(BW * G, 1, NQ),
        kv_scores.reshape(BW * G, 1, NKV),
        kv_bias.reshape(BW * G, 1, NKV),
        gamma_q.reshape(G, 1, DIM), gamma_c.reshape(G, 1, DIM),
        Wq.astype(BF16), Wkv.astype(BF16), Wout.astype(BF16),
        nk, nv)

    af = attn_out.reshape(BW, G * NQ, DIM)
    qif = q_idx.reshape(BW, 1, G * NQ)
    out = _scatter_call(af, qif, local3)
    return out.reshape(B, N, DIM)

# --- scband reference (transcript-rebuilt; emitter-appended) ---
"""Pipeline reference for scband-mixture-of-autoregressive-attention-52956946759874 (READ-ONLY COPY).

The authoritative reference and input builder live on the scoring server;
editing this copy changes nothing except your own understanding.
"""

import math
import jax, jax.numpy as jnp
import numpy as np

B = 2
N = 2048
DIM = 1024
HEADS = 16
DIM_HEAD = 64
G = 2
W = 256
NQ = 128
NKV = 256
INNER = HEADS * DIM_HEAD

def setup_inputs(seed: int = 0):
    key = jax.random.key(seed)
    ks = jax.random.split(key, 10)
    return {
        'x': jax.random.normal(ks[0], (B, N, DIM), jnp.float32),
        'ln_g': jnp.ones((DIM,), jnp.float32),
        'ln_b': jnp.zeros((DIM,), jnp.float32),
        'Wqkv': jax.random.normal(ks[1], (DIM, 3 * INNER), jnp.float32) * 0.02,
        'Wo_local': jax.random.normal(ks[2], (INNER, DIM), jnp.float32) * 0.02,
        'Wr_q': jax.random.normal(ks[3], (DIM, G), jnp.float32) * 0.02,
        'Wr_kv': jax.random.normal(ks[4], (DIM, G), jnp.float32) * 0.02,
        'gamma_q': jnp.ones((G, DIM), jnp.float32),
        'gamma_c': jnp.ones((G, DIM), jnp.float32),
        'Wq': jax.random.normal(ks[5], (G, INNER, DIM), jnp.float32) * 0.02,
        'Wkv': jax.random.normal(ks[6], (G, 2 * INNER, DIM), jnp.float32) * 0.02,
        'Wout': jax.random.normal(ks[7], (G, DIM, INNER), jnp.float32) * 0.02,
        'null_kv': jax.random.normal(ks[8], (2, G, HEADS, 1, DIM_HEAD), jnp.float32),
    }

def _local_attn(x, ln_g, ln_b, Wqkv, Wo_local):
    b, n, d = x.shape
    mu = jnp.mean(x, axis=-1, keepdims=True)
    var = jnp.var(x, axis=-1, keepdims=True)
    xn = (x - mu) / jnp.sqrt(var + 1e-5) * ln_g + ln_b
    qkv = xn @ Wqkv
    q, k, v = jnp.split(qkv, 3, axis=-1)
    def sh(t):
        return t.reshape(b, n, HEADS, DIM_HEAD).transpose(0, 2, 1, 3)
    q, k, v = sh(q), sh(k), sh(v)
    nb = n // W
    qb = q.reshape(b, HEADS, nb, W, DIM_HEAD)
    kb = k.reshape(b, HEADS, nb, W, DIM_HEAD)
    vb = v.reshape(b, HEADS, nb, W, DIM_HEAD)
    k_prev = jnp.pad(kb, ((0, 0), (0, 0), (1, 0), (0, 0), (0, 0)))[:, :, :-1]
    v_prev = jnp.pad(vb, ((0, 0), (0, 0), (1, 0), (0, 0), (0, 0)))[:, :, :-1]
    kc = jnp.concatenate([k_prev, kb], axis=3)
    vc = jnp.concatenate([v_prev, vb], axis=3)
    sim = jnp.einsum('bhnwd,bhnkd->bhnwk', qb, kc) * (DIM_HEAD ** -0.5)
    q_pos = jnp.arange(n).reshape(nb, W)
    k_pos = jnp.concatenate([q_pos - W, q_pos], axis=-1)
    m = (q_pos[:, :, None] >= k_pos[:, None, :]) & (k_pos[:, None, :] >= 0)
    sim = jnp.where(m[None, None], sim, -1e9)
    attn = jax.nn.softmax(sim, axis=-1)
    o = jnp.einsum('bhnwk,bhnkd->bhnwd', attn, vc)
    o = o.reshape(b, HEADS, n, DIM_HEAD).transpose(0, 2, 1, 3).reshape(b, n, INNER)
    return o @ Wo_local

def _route(x, Wr, mask, num_tokens):
    Bx, n, d = x.shape
    logits = jnp.einsum('bnd,dg->bgn', x, Wr)
    logits = jnp.where(mask[:, None, :], logits, -1e9)
    vals, idx = jax.lax.top_k(logits, num_tokens)
    scores = jax.nn.sigmoid(vals)
    xb = jnp.broadcast_to(x[:, None], (Bx, G, n, d))
    routed = jnp.take_along_axis(xb, idx[..., None], axis=2)
    mb = jnp.broadcast_to(mask[:, None], (Bx, G, n))
    routed_mask = jnp.take_along_axis(mb, idx, axis=2)
    return idx, scores, routed, routed_mask

def _rms(t, gamma):
    nrm = jnp.sqrt(jnp.sum(t * t, axis=-1, keepdims=True))
    normed = t / jnp.maximum(nrm, 1e-12)
    return normed * (DIM ** 0.5) * gamma[None, :, None, :]

def _grouped_attn(q_tok, kv_tok, kv_mask, gamma_q, gamma_c, Wq, Wkv, Wout, null_kv, values_scale, output_scale):
    Bq = q_tok.shape[0]
    xq = _rms(q_tok, gamma_q)
    xc = _rms(kv_tok, gamma_c)
    q = jnp.einsum('bgnd,ged->bgne', xq, Wq)
    kv = jnp.einsum('bgnd,ged->bgne', xc, Wkv)
    k, v = jnp.split(kv, 2, axis=-1)
    def sh(t):
        return t.reshape(t.shape[0], t.shape[1], t.shape[2], HEADS, DIM_HEAD).transpose(0, 1, 3, 2, 4)
    q, k, v = sh(q), sh(k), sh(v)
    v = v * values_scale
    nk = jnp.broadcast_to(null_kv[0][None], (Bq, G, HEADS, 1, DIM_HEAD))
    nv = jnp.broadcast_to(null_kv[1][None], (Bq, G, HEADS, 1, DIM_HEAD))
    k = jnp.concatenate([nk, k], axis=3)
    v = jnp.concatenate([nv, v], axis=3)
    m = jnp.concatenate([jnp.ones((Bq, G, 1), bool), kv_mask], axis=-1)
    sim = jnp.einsum('bghnd,bghkd->bghnk', q, k) * (DIM_HEAD ** -0.5)
    sim = jnp.where(m[:, :, None, None, :], sim, -1e9)
    attn = jax.nn.softmax(sim, axis=-1)
    o = jnp.einsum('bghnk,bghkd->bghnd', attn, v)
    o = o.transpose(0, 1, 3, 2, 4).reshape(Bq, G, -1, INNER)
    o = jnp.einsum('bgne,gde->bgnd', o, Wout)
    return o * output_scale

def reference(x, ln_g, ln_b, Wqkv, Wo_local, Wr_q, Wr_kv, gamma_q, gamma_c, Wq, Wkv, Wout, null_kv):
    b, n, d = x.shape
    nw = math.ceil(n / W) - 1
    local_out = _local_attn(x, ln_g, ln_b, Wqkv, Wo_local)
    if nw == 0:
        return local_out
    padded = math.ceil(n / W) * W
    xp = jnp.pad(x, ((0, 0), (0, padded - n), (0, 0)))
    mask_full = jnp.broadcast_to((jnp.arange(padded) < n)[None], (b, padded))
    context = jnp.broadcast_to(xp[:, None, :-W, :], (b, nw, padded - W, d)).reshape(b * nw, padded - W, d)
    cm = jnp.tril(jnp.ones((nw, nw), bool))
    cm = jnp.repeat(cm, W, axis=1)
    cm = jnp.broadcast_to(cm[None], (b, nw, nw * W)).reshape(b * nw, nw * W)
    xw = xp.reshape(b, padded // W, W, d)[:, 1:].reshape(b * nw, W, d)
    mw = mask_full.reshape(b, padded // W, W)[:, 1:].reshape(b * nw, W)
    q_idx, q_scores, queries, q_mask = _route(xw, Wr_q, mw, NQ)
    kv_idx, kv_scores, key_values, kv_mask = _route(context, Wr_kv, cm, NKV)
    values_scale = kv_scores[:, :, None, :, None]
    output_scale = q_scores[..., None]
    attn_out = _grouped_attn(queries, key_values, kv_mask, gamma_q, gamma_c, Wq, Wkv, Wout, null_kv, values_scale, output_scale)
    Bw = b * nw
    qif = q_idx.reshape(Bw, G * NQ)
    af = attn_out.reshape(Bw, G * NQ, d)
    rows = jnp.arange(Bw)[:, None]
    out = jnp.zeros((Bw, W, d), jnp.float32).at[rows, qif].add(af)
    ones = q_mask.reshape(Bw, G * NQ).astype(jnp.float32)
    counts = jnp.zeros((Bw, W), jnp.float32).at[rows, qif].add(ones)
    out = out / jnp.maximum(counts[..., None], 1e-5)
    out = out.reshape(b, nw * W, d)
    out = jnp.pad(out, ((0, 0), (W, 0), (0, 0)))[:, :n]
    return out + local_out

if __name__ == "__main__":
    import jax
    _d = setup_inputs()
    print(jax.jit(kernel)(*tuple(_d.values())))

</pallas_src>

<mosaic_0001>
#map = affine_map<(d0, d1) -> (0)>
#map1 = affine_map<(d0, d1) -> (0, 0)>
module attributes {stable_mosaic.version = 14 : i64} {
  func.func @gk(%arg0: i32, %arg1: i32, %arg2: memref<10752xi32, #tpu.memory_space<hbm>>, %arg3: memref<4096x1024xf32, #tpu.memory_space<hbm>>, %arg4: memref<10752x1024xf32, #tpu.memory_space<hbm>>, %arg5: memref<336xi32, #tpu.memory_space<vmem>>, %arg6: memref<2x48x1024xf32, #tpu.memory_space<vmem>>, %arg7: memref<!tpu.dma_semaphore, #tpu.memory_space<semaphore_mem>>, %arg8: memref<!tpu.dma_semaphore, #tpu.memory_space<semaphore_mem>>, %arg9: memref<!tpu.dma_semaphore, #tpu.memory_space<semaphore_mem>>, %arg10: memref<!tpu.dma_semaphore, #tpu.memory_space<semaphore_mem>>) attributes {dimension_semantics = [#tpu.dimension_semantics<core_parallel>, #tpu.dimension_semantics<subcore_parallel>], iteration_bounds = array<i64: 2, 16>, scalar_prefetch = 0 : i64, scratch_operands = 6 : i64, tpu.core_type = #tpu.core_type<sc_vector_subcore>, window_params = [{transform_indices = #map}, {transform_indices = #map1}, {transform_indices = #map1}]} {
    %mul3A = arith.constant 2 : i32
    %mul3A_0 = arith.muli %arg1, %mul3A : i32
    %add3A = arith.addi %mul3A_0, %arg0 : i32
    %mul3A_1 = arith.constant 336 : i32
    %mul3A_2 = arith.muli %add3A, %mul3A_1 : i32
    "tpu.region"() ({
      %run_scoped3A = tpu.sem_alloc : memref<!tpu.dma_semaphore, #tpu.memory_space<semaphore_mem>>
      %dma_start3A_337 = tpu.memref_slice %arg2[%mul3A_2] : memref<10752xi32, #tpu.memory_space<hbm>> -> memref<336xi32, #tpu.memory_space<hbm>>
      %dma_start3A_338 = tpu.memref_slice %arg2[%mul3A_2] : memref<10752xi32, #tpu.memory_space<hbm>> -> memref<336xi32, #tpu.memory_space<hbm>>
      tpu.enqueue_dma source(%dma_start3A_338 : memref<336xi32, #tpu.memory_space<hbm>>) target(%arg5 : memref<336xi32, #tpu.memory_space<vmem>>) target_semaphore(%run_scoped3A : memref<!tpu.dma_semaphore, #tpu.memory_space<semaphore_mem>>)
      %dma_wait3A_339 = tpu.memref_slice %arg2[%mul3A_2] : memref<10752xi32, #tpu.memory_space<hbm>> -> memref<336xi32, #tpu.memory_space<hbm>>
      %dma_wait3A_340 = tpu.memref_slice %arg2[%mul3A_2] : memref<10752xi32, #tpu.memory_space<hbm>> -> memref<336xi32, #tpu.memory_space<hbm>>
      tpu.wait_dma2 semaphore(%run_scoped3A : memref<!tpu.dma_semaphore, #tpu.memory_space<semaphore_mem>>) src(%dma_wait3A_340 : memref<336xi32, #tpu.memory_space<hbm>>) dst(%arg5 : memref<336xi32, #tpu.memory_space<vmem>>)
      tpu.yield
    }) : () -> ()
    %dma_start3A = arith.constant 0 : i32
    %dma_start3A_3 = arith.constant 0 : i32
    %dma_start3A_4 = arith.constant 0 : i32
    %dma_start3A_5 = tpu.memref_slice %arg6[%dma_start3A, %dma_start3A_3, %dma_start3A_4] : memref<2x48x1024xf32, #tpu.memory_space<vmem>> -> memref<1x48x1024xf32, #tpu.memory_space<vmem>>
    %dma_start3A_6 = tpu.memref_squeeze %dma_start3A_5 : memref<1x48x1024xf32, #tpu.memory_space<vmem>> -> memref<48x1024xf32, #tpu.memory_space<vmem>>
    %dma_start3A_7 = arith.constant 0 : i32
    %dma_start3A_8 = tpu.memref_slice %arg5[%dma_start3A_7] : memref<336xi32, #tpu.memory_space<vmem>> -> memref<48xi32, #tpu.memory_space<vmem>>
    %dma_start3A_9 = arith.constant 0 : i32
    %dma_start3A_10 = arith.constant 0 : i32
    %dma_start3A_11 = tpu.memref_slice %arg3[%dma_start3A_9, %dma_start3A_10] : memref<4096x1024xf32, #tpu.memory_space<hbm>> -> memref<4096x1024xf32, #tpu.memory_space<hbm>>
    tpu.enqueue_indirect_dma source(%dma_start3A_11 : memref<4096x1024xf32, #tpu.memory_space<hbm>>) target(%dma_start3A_6 : memref<48x1024xf32, #tpu.memory_space<vmem>>) offsets(%dma_start3A_8 : memref<48xi32, #tpu.memory_space<vmem>>) semaphore(%arg7 : memref<!tpu.dma_semaphore, #tpu.memory_space<semaphore_mem>>)
    %dma_start3A_12 = arith.constant 1 : i32
    %dma_start3A_13 = arith.constant 0 : i32
    %dma_start3A_14 = arith.constant 0 : i32
    %dma_start3A_15 = tpu.memref_slice %arg6[%dma_start3A_12, %dma_start3A_13, %dma_start3A_14] : memref<2x48x1024xf32, #tpu.memory_space<vmem>> -> memref<1x48x1024xf32, #tpu.memory_space<vmem>>
    %dma_start3A_16 = tpu.memref_squeeze %dma_start3A_15 : memref<1x48x1024xf32, #tpu.memory_space<vmem>> -> memref<48x1024xf32, #tpu.memory_space<vmem>>
    %dma_start3A_17 = arith.constant 48 : i32
    %dma_start3A_18 = tpu.memref_slice %arg5[%dma_start3A_17] : memref<336xi32, #tpu.memory_space<vmem>> -> memref<48xi32, #tpu.memory_space<vmem>>
    %dma_start3A_19 = arith.constant 0 : i32
    %dma_start3A_20 = arith.constant 0 : i32
    %dma_start3A_21 = tpu.memref_slice %arg3[%dma_start3A_19, %dma_start3A_20] : memref<4096x1024xf32, #tpu.memory_space<hbm>> -> memref<4096x1024xf32, #tpu.memory_space<hbm>>
    tpu.enqueue_indirect_dma source(%dma_start3A_21 : memref<4096x1024xf32, #tpu.memory_space<hbm>>) target(%dma_start3A_16 : memref<48x1024xf32, #tpu.memory_space<vmem>>) offsets(%dma_start3A_18 : memref<48xi32, #tpu.memory_space<vmem>>) semaphore(%arg8 : memref<!tpu.dma_semaphore, #tpu.memory_space<semaphore_mem>>)
    %dma_wait3A = arith.constant 0 : i32
    %dma_wait3A_22 = arith.constant 0 : i32
    %dma_wait3A_23 = arith.constant 0 : i32
    %dma_wait3A_24 = tpu.memref_slice %arg6[%dma_wait3A, %dma_wait3A_22, %dma_wait3A_23] : memref<2x48x1024xf32, #tpu.memory_space<vmem>> -> memref<1x48x1024xf32, #tpu.memory_space<vmem>>
    %dma_wait3A_25 = tpu.memref_squeeze %dma_wait3A_24 : memref<1x48x1024xf32, #tpu.memory_space<vmem>> -> memref<48x1024xf32, #tpu.memory_space<vmem>>
    %dma_wait3A_26 = arith.constant 0 : i32
    %dma_wait3A_27 = tpu.memref_slice %arg5[%dma_wait3A_26] : memref<336xi32, #tpu.memory_space<vmem>> -> memref<48xi32, #tpu.memory_space<vmem>>
    %dma_wait3A_28 = arith.constant 0 : i32
    %dma_wait3A_29 = arith.constant 0 : i32
    %dma_wait3A_30 = tpu.memref_slice %arg3[%dma_wait3A_28, %dma_wait3A_29] : memref<4096x1024xf32, #tpu.memory_space<hbm>> -> memref<4096x1024xf32, #tpu.memory_space<hbm>>
    tpu.wait_indirect_dma semaphore(%arg7 : memref<!tpu.dma_semaphore, #tpu.memory_space<semaphore_mem>>) src(%dma_wait3A_30 : memref<4096x1024xf32, #tpu.memory_space<hbm>>) dst(%dma_wait3A_25 : memref<48x1024xf32, #tpu.memory_space<vmem>>)
    %add3A_31 = arith.constant 0 : i32
    %add3A_32 = arith.addi %mul3A_2, %add3A_31 : i32
    %dma_start3A_33 = arith.constant 0 : i32
    %dma_start3A_34 = arith.constant 0 : i32
    %dma_start3A_35 = arith.constant 0 : i32
    %dma_start3A_36 = tpu.memref_slice %arg6[%dma_start3A_33, %dma_start3A_34, %dma_start3A_35] : memref<2x48x1024xf32, #tpu.memory_space<vmem>> -> memref<1x48x1024xf32, #tpu.memory_space<vmem>>
    %dma_start3A_37 = tpu.memref_squeeze %dma_start3A_36 : memref<1x48x1024xf32, #tpu.memory_space<vmem>> -> memref<48x1024xf32, #tpu.memory_space<vmem>>
    %dma_start3A_38 = arith.constant 0 : i32
    %dma_start3A_39 = tpu.memref_slice %arg4[%add3A_32, %dma_start3A_38] : memref<10752x1024xf32, #tpu.memory_space<hbm>> -> memref<48x1024xf32, #tpu.memory_space<hbm>>
    %dma_start3A_40 = arith.constant 0 : i32
    %dma_start3A_41 = tpu.memref_slice %arg4[%add3A_32, %dma_start3A_40] : memref<10752x1024xf32, #tpu.memory_space<hbm>> -> memref<48x1024xf32, #tpu.memory_space<hbm>>
    %dma_start3A_42 = arith.constant 0 : i32
    %dma_start3A_43 = arith.constant 0 : i32
    %dma_start3A_44 = tpu.memref_slice %arg6[%dma_start3A_33, %dma_start3A_42, %dma_start3A_43] : memref<2x48x1024xf32, #tpu.memory_space<vmem>> -> memref<1x48x1024xf32, #tpu.memory_space<vmem>>
    %dma_start3A_45 = tpu.memref_squeeze %dma_start3A_44 : memref<1x48x1024xf32, #tpu.memory_space<vmem>> -> memref<48x1024xf32, #tpu.memory_space<vmem>>
    tpu.enqueue_dma source(%dma_start3A_45 : memref<48x1024xf32, #tpu.memory_space<vmem>>) target(%dma_start3A_41 : memref<48x1024xf32, #tpu.memory_space<hbm>>) target_semaphore(%arg9 : memref<!tpu.dma_semaphore, #tpu.memory_space<semaphore_mem>>)
    %dma_wait3A_46 = arith.constant 0 : i32
    %dma_wait3A_47 = arith.constant 0 : i32
    %dma_wait3A_48 = arith.constant 0 : i32
    %dma_wait3A_49 = tpu.memref_slice %arg6[%dma_wait3A_46, %dma_wait3A_47, %dma_wait3A_48] : memref<2x48x1024xf32, #tpu.memory_space<vmem>> -> memref<1x48x1024xf32, #tpu.memory_space<vmem>>
    %dma_wait3A_50 = tpu.memref_squeeze %dma_wait3A_49 : memref<1x48x1024xf32, #tpu.memory_space<vmem>> -> memref<48x1024xf32, #tpu.memory_space<vmem>>
    %dma_wait3A_51 = arith.constant 0 : i32
    %dma_wait3A_52 = tpu.memref_slice %arg4[%add3A_32, %dma_wait3A_51] : memref<10752x1024xf32, #tpu.memory_space<hbm>> -> memref<48x1024xf32, #tpu.memory_space<hbm>>
    %dma_wait3A_53 = arith.constant 0 : i32
    %dma_wait3A_54 = tpu.memref_slice %arg4[%add3A_32, %dma_wait3A_53] : memref<10752x1024xf32, #tpu.memory_space<hbm>> -> memref<48x1024xf32, #tpu.memory_space<hbm>>
    %dma_wait3A_55 = arith.constant 0 : i32
    %dma_wait3A_56 = arith.constant 0 : i32
    %dma_wait3A_57 = tpu.memref_slice %arg6[%dma_wait3A_46, %dma_wait3A_55, %dma_wait3A_56] : memref<2x48x1024xf32, #tpu.memory_space<vmem>> -> memref<1x48x1024xf32, #tpu.memory_space<vmem>>
    %dma_wait3A_58 = tpu.memref_squeeze %dma_wait3A_57 : memref<1x48x1024xf32, #tpu.memory_space<vmem>> -> memref<48x1024xf32, #tpu.memory_space<vmem>>
    tpu.wait_dma2 semaphore(%arg9 : memref<!tpu.dma_semaphore, #tpu.memory_space<semaphore_mem>>) src(%dma_wait3A_58 : memref<48x1024xf32, #tpu.memory_space<vmem>>) dst(%dma_wait3A_54 : memref<48x1024xf32, #tpu.memory_space<hbm>>)
    %dma_start3A_59 = arith.constant 0 : i32
    %dma_start3A_60 = arith.constant 0 : i32
    %dma_start3A_61 = arith.constant 0 : i32
    %dma_start3A_62 = tpu.memref_slice %arg6[%dma_start3A_59, %dma_start3A_60, %dma_start3A_61] : memref<2x48x1024xf32, #tpu.memory_space<vmem>> -> memref<1x48x1024xf32, #tpu.memory_space<vmem>>
    %dma_start3A_63 = tpu.memref_squeeze %dma_start3A_62 : memref<1x48x1024xf32, #tpu.memory_space<vmem>> -> memref<48x1024xf32, #tpu.memory_space<vmem>>
    %dma_start3A_64 = arith.constant 96 : i32
    %dma_start3A_65 = tpu.memref_slice %arg5[%dma_start3A_64] : memref<336xi32, #tpu.memory_space<vmem>> -> memref<48xi32, #tpu.memory_space<vmem>>
    %dma_start3A_66 = arith.constant 0 : i32
    %dma_start3A_67 = arith.constant 0 : i32
    %dma_start3A_68 = tpu.memref_slice %arg3[%dma_start3A_66, %dma_start3A_67] : memref<4096x1024xf32, #tpu.memory_space<hbm>> -> memref<4096x1024xf32, #tpu.memory_space<hbm>>
    tpu.enqueue_indirect_dma source(%dma_start3A_68 : memref<4096x1024xf32, #tpu.memory_space<hbm>>) target(%dma_start3A_63 : memref<48x1024xf32, #tpu.memory_space<vmem>>) offsets(%dma_start3A_65 : memref<48xi32, #tpu.memory_space<vmem>>) semaphore(%arg7 : memref<!tpu.dma_semaphore, #tpu.memory_space<semaphore_mem>>)
    %dma_wait3A_69 = arith.constant 1 : i32
    %dma_wait3A_70 = arith.constant 0 : i32
    %dma_wait3A_71 = arith.constant 0 : i32
    %dma_wait3A_72 = tpu.memref_slice %arg6[%dma_wait3A_69, %dma_wait3A_70, %dma_wait3A_71] : memref<2x48x1024xf32, #tpu.memory_space<vmem>> -> memref<1x48x1024xf32, #tpu.memory_space<vmem>>
    %dma_wait3A_73 = tpu.memref_squeeze %dma_wait3A_72 : memref<1x48x1024xf32, #tpu.memory_space<vmem>> -> memref<48x1024xf32, #tpu.memory_space<vmem>>
    %dma_wait3A_74 = arith.constant 48 : i32
    %dma_wait3A_75 = tpu.memref_slice %arg5[%dma_wait3A_74] : memref<336xi32, #tpu.memory_space<vmem>> -> memref<48xi32, #tpu.memory_space<vmem>>
    %dma_wait3A_76 = arith.constant 0 : i32
    %dma_wait3A_77 = arith.constant 0 : i32
    %dma_wait3A_78 = tpu.memref_slice %arg3[%dma_wait3A_76, %dma_wait3A_77] : memref<4096x1024xf32, #tpu.memory_space<hbm>> -> memref<4096x1024xf32, #tpu.memory_space<hbm>>
    tpu.wait_indirect_dma semaphore(%arg8 : memref<!tpu.dma_semaphore, #tpu.memory_space<semaphore_mem>>) src(%dma_wait3A_78 : memref<4096x1024xf32, #tpu.memory_space<hbm>>) dst(%dma_wait3A_73 : memref<48x1024xf32, #tpu.memory_space<vmem>>)
    %add3A_79 = arith.constant 48 : i32
    %add3A_80 = arith.addi %mul3A_2, %add3A_79 : i32
    %dma_start3A_81 = arith.constant 1 : i32
    %dma_start3A_82 = arith.constant 0 : i32
    %dma_start3A_83 = arith.constant 0 : i32
    %dma_start3A_84 = tpu.memref_slice %arg6[%dma_start3A_81, %dma_start3A_82, %dma_start3A_83] : memref<2x48x1024xf32, #tpu.memory_space<vmem>> -> memref<1x48x1024xf32, #tpu.memory_space<vmem>>
    %dma_start3A_85 = tpu.memref_squeeze %dma_start3A_84 : memref<1x48x1024xf32, #tpu.memory_space<vmem>> -> memref<48x1024xf32, #tpu.memory_space<vmem>>
    %dma_start3A_86 = arith.constant 0 : i32
    %dma_start3A_87 = tpu.memref_slice %arg4[%add3A_80, %dma_start3A_86] : memref<10752x1024xf32, #tpu.memory_space<hbm>> -> memref<48x1024xf32, #tpu.memory_space<hbm>>
    %dma_start3A_88 = arith.constant 0 : i32
    %dma_start3A_89 = tpu.memref_slice %arg4[%add3A_80, %dma_start3A_88] : memref<10752x1024xf32, #tpu.memory_space<hbm>> -> memref<48x1024xf32, #tpu.memory_space<hbm>>
    %dma_start3A_90 = arith.constant 0 : i32
    %dma_start3A_91 = arith.constant 0 : i32
    %dma_start3A_92 = tpu.memref_slice %arg6[%dma_start3A_81, %dma_start3A_90, %dma_start3A_91] : memref<2x48x1024xf32, #tpu.memory_space<vmem>> -> memref<1x48x1024xf32, #tpu.memory_space<vmem>>
    %dma_start3A_93 = tpu.memref_squeeze %dma_start3A_92 : memref<1x48x1024xf32, #tpu.memory_space<vmem>> -> memref<48x1024xf32, #tpu.memory_space<vmem>>
    tpu.enqueue_dma source(%dma_start3A_93 : memref<48x1024xf32, #tpu.memory_space<vmem>>) target(%dma_start3A_89 : memref<48x1024xf32, #tpu.memory_space<hbm>>) target_semaphore(%arg10 : memref<!tpu.dma_semaphore, #tpu.memory_space<semaphore_mem>>)
    %dma_wait3A_94 = arith.constant 1 : i32
    %dma_wait3A_95 = arith.constant 0 : i32
    %dma_wait3A_96 = arith.constant 0 : i32
    %dma_wait3A_97 = tpu.memref_slice %arg6[%dma_wait3A_94, %dma_wait3A_95, %dma_wait3A_96] : memref<2x48x1024xf32, #tpu.memory_space<vmem>> -> memref<1x48x1024xf32, #tpu.memory_space<vmem>>
    %dma_wait3A_98 = tpu.memref_squeeze %dma_wait3A_97 : memref<1x48x1024xf32, #tpu.memory_space<vmem>> -> memref<48x1024xf32, #tpu.memory_space<vmem>>
    %dma_wait3A_99 = arith.constant 0 : i32
    %dma_wait3A_100 = tpu.memref_slice %arg4[%add3A_80, %dma_wait3A_99] : memref<10752x1024xf32, #tpu.memory_space<hbm>> -> memref<48x1024xf32, #tpu.memory_space<hbm>>
    %dma_wait3A_101 = arith.constant 0 : i32
    %dma_wait3A_102 = tpu.memref_slice %arg4[%add3A_80, %dma_wait3A_101] : memref<10752x1024xf32, #tpu.memory_space<hbm>> -> memref<48x1024xf32, #tpu.memory_space<hbm>>
    %dma_wait3A_103 = arith.constant 0 : i32
    %dma_wait3A_104 = arith.constant 0 : i32
    %dma_wait3A_105 = tpu.memref_slice %arg6[%dma_wait3A_94, %dma_wait3A_103, %dma_wait3A_104] : memref<2x48x1024xf32, #tpu.memory_space<vmem>> -> memref<1x48x1024xf32, #tpu.memory_space<vmem>>
    %dma_wait3A_106 = tpu.memref_squeeze %dma_wait3A_105 : memref<1x48x1024xf32, #tpu.memory_space<vmem>> -> memref<48x1024xf32, #tpu.memory_space<vmem>>
    tpu.wait_dma2 semaphore(%arg10 : memref<!tpu.dma_semaphore, #tpu.memory_space<semaphore_mem>>) src(%dma_wait3A_106 : memref<48x1024xf32, #tpu.memory_space<vmem>>) dst(%dma_wait3A_102 : memref<48x1024xf32, #tpu.memory_space<hbm>>)
    %dma_start3A_107 = arith.constant 1 : i32
    %dma_start3A_108 = arith.constant 0 : i32
    %dma_start3A_109 = arith.constant 0 : i32
    %dma_start3A_110 = tpu.memref_slice %arg6[%dma_start3A_107, %dma_start3A_108, %dma_start3A_109] : memref<2x48x1024xf32, #tpu.memory_space<vmem>> -> memref<1x48x1024xf32, #tpu.memory_space<vmem>>
    %dma_start3A_111 = tpu.memref_squeeze %dma_start3A_110 : memref<1x48x1024xf32, #tpu.memory_space<vmem>> -> memref<48x1024xf32, #tpu.memory_space<vmem>>
    %dma_start3A_112 = arith.constant 144 : i32
    %dma_start3A_113 = tpu.memref_slice %arg5[%dma_start3A_112] : memref<336xi32, #tpu.memory_space<vmem>> -> memref<48xi32, #tpu.memory_space<vmem>>
    %dma_start3A_114 = arith.constant 0 : i32
    %dma_start3A_115 = arith.constant 0 : i32
    %dma_start3A_116 = tpu.memref_slice %arg3[%dma_start3A_114, %dma_start3A_115] : memref<4096x1024xf32, #tpu.memory_space<hbm>> -> memref<4096x1024xf32, #tpu.memory_space<hbm>>
    tpu.enqueue_indirect_dma source(%dma_start3A_116 : memref<4096x1024xf32, #tpu.memory_space<hbm>>) target(%dma_start3A_111 : memref<48x1024xf32, #tpu.memory_space<vmem>>) offsets(%dma_start3A_113 : memref<48xi32, #tpu.memory_space<vmem>>) semaphore(%arg8 : memref<!tpu.dma_semaphore, #tpu.memory_space<semaphore_mem>>)
    %dma_wait3A_117 = arith.constant 0 : i32
    %dma_wait3A_118 = arith.constant 0 : i32
    %dma_wait3A_119 = arith.constant 0 : i32
    %dma_wait3A_120 = tpu.memref_slice %arg6[%dma_wait3A_117, %dma_wait3A_118, %dma_wait3A_119] : memref<2x48x1024xf32, #tpu.memory_space<vmem>> -> memref<1x48x1024xf32, #tpu.memory_space<vmem>>
    %dma_wait3A_121 = tpu.memref_squeeze %dma_wait3A_120 : memref<1x48x1024xf32, #tpu.memory_space<vmem>> -> memref<48x1024xf32, #tpu.memory_space<vmem>>
    %dma_wait3A_122 = arith.constant 96 : i32
    %dma_wait3A_123 = tpu.memref_slice %arg5[%dma_wait3A_122] : memref<336xi32, #tpu.memory_space<vmem>> -> memref<48xi32, #tpu.memory_space<vmem>>
    %dma_wait3A_124 = arith.constant 0 : i32
    %dma_wait3A_125 = arith.constant 0 : i32
    %dma_wait3A_126 = tpu.memref_slice %arg3[%dma_wait3A_124, %dma_wait3A_125] : memref<4096x1024xf32, #tpu.memory_space<hbm>> -> memref<4096x1024xf32, #tpu.memory_space<hbm>>
    tpu.wait_indirect_dma semaphore(%arg7 : memref<!tpu.dma_semaphore, #tpu.memory_space<semaphore_mem>>) src(%dma_wait3A_126 : memref<4096x1024xf32, #tpu.memory_space<hbm>>) dst(%dma_wait3A_121 : memref<48x1024xf32, #tpu.memory_space<vmem>>)
    %add3A_127 = arith.constant 96 : i32
    %add3A_128 = arith.addi %mul3A_2, %add3A_127 : i32
    %dma_start3A_129 = arith.constant 0 : i32
    %dma_start3A_130 = arith.constant 0 : i32
    %dma_start3A_131 = arith.constant 0 : i32
    %dma_start3A_132 = tpu.memref_slice %arg6[%dma_start3A_129, %dma_start3A_130, %dma_start3A_131] : memref<2x48x1024xf32, #tpu.memory_space<vmem>> -> memref<1x48x1024xf32, #tpu.memory_space<vmem>>
    %dma_start3A_133 = tpu.memref_squeeze %dma_start3A_132 : memref<1x48x1024xf32, #tpu.memory_space<vmem>> -> memref<48x1024xf32, #tpu.memory_space<vmem>>
    %dma_start3A_134 = arith.constant 0 : i32
    %dma_start3A_135 = tpu.memref_slice %arg4[%add3A_128, %dma_start3A_134] : memref<10752x1024xf32, #tpu.memory_space<hbm>> -> memref<48x1024xf32, #tpu.memory_space<hbm>>
    %dma_start3A_136 = arith.constant 0 : i32
    %dma_start3A_137 = tpu.memref_slice %arg4[%add3A_128, %dma_start3A_136] : memref<10752x1024xf32, #tpu.memory_space<hbm>> -> memref<48x1024xf32, #tpu.memory_space<hbm>>
    %dma_start3A_138 = arith.constant 0 : i32
    %dma_start3A_139 = arith.constant 0 : i32
    %dma_start3A_140 = tpu.memref_slice %arg6[%dma_start3A_129, %dma_start3A_138, %dma_start3A_139] : memref<2x48x1024xf32, #tpu.memory_space<vmem>> -> memref<1x48x1024xf32, #tpu.memory_space<vmem>>
    %dma_start3A_141 = tpu.memref_squeeze %dma_start3A_140 : memref<1x48x1024xf32, #tpu.memory_space<vmem>> -> memref<48x1024xf32, #tpu.memory_space<vmem>>
    tpu.enqueue_dma source(%dma_start3A_141 : memref<48x1024xf32, #tpu.memory_space<vmem>>) target(%dma_start3A_137 : memref<48x1024xf32, #tpu.memory_space<hbm>>) target_semaphore(%arg9 : memref<!tpu.dma_semaphore, #tpu.memory_space<semaphore_mem>>)
    %dma_wait3A_142 = arith.constant 0 : i32
    %dma_wait3A_143 = arith.constant 0 : i32
    %dma_wait3A_144 = arith.constant 0 : i32
    %dma_wait3A_145 = tpu.memref_slice %arg6[%dma_wait3A_142, %dma_wait3A_143, %dma_wait3A_144] : memref<2x48x1024xf32, #tpu.memory_space<vmem>> -> memref<1x48x1024xf32, #tpu.memory_space<vmem>>
    %dma_wait3A_146 = tpu.memref_squeeze %dma_wait3A_145 : memref<1x48x1024xf32, #tpu.memory_space<vmem>> -> memref<48x1024xf32, #tpu.memory_space<vmem>>
    %dma_wait3A_147 = arith.constant 0 : i32
    %dma_wait3A_148 = tpu.memref_slice %arg4[%add3A_128, %dma_wait3A_147] : memref<10752x1024xf32, #tpu.memory_space<hbm>> -> memref<48x1024xf32, #tpu.memory_space<hbm>>
    %dma_wait3A_149 = arith.constant 0 : i32
    %dma_wait3A_150 = tpu.memref_slice %arg4[%add3A_128, %dma_wait3A_149] : memref<10752x1024xf32, #tpu.memory_space<hbm>> -> memref<48x1024xf32, #tpu.memory_space<hbm>>
    %dma_wait3A_151 = arith.constant 0 : i32
    %dma_wait3A_152 = arith.constant 0 : i32
    %dma_wait3A_153 = tpu.memref_slice %arg6[%dma_wait3A_142, %dma_wait3A_151, %dma_wait3A_152] : memref<2x48x1024xf32, #tpu.memory_space<vmem>> -> memref<1x48x1024xf32, #tpu.memory_space<vmem>>
    %dma_wait3A_154 = tpu.memref_squeeze %dma_wait3A_153 : memref<1x48x1024xf32, #tpu.memory_space<vmem>> -> memref<48x1024xf32, #tpu.memory_space<vmem>>
    tpu.wait_dma2 semaphore(%arg9 : memref<!tpu.dma_semaphore, #tpu.memory_space<semaphore_mem>>) src(%dma_wait3A_154 : memref<48x1024xf32, #tpu.memory_space<vmem>>) dst(%dma_wait3A_150 : memref<48x1024xf32, #tpu.memory_space<hbm>>)
    %dma_start3A_155 = arith.constant 0 : i32
    %dma_start3A_156 = arith.constant 0 : i32
    %dma_start3A_157 = arith.constant 0 : i32
    %dma_start3A_158 = tpu.memref_slice %arg6[%dma_start3A_155, %dma_start3A_156, %dma_start3A_157] : memref<2x48x1024xf32, #tpu.memory_space<vmem>> -> memref<1x48x1024xf32, #tpu.memory_space<vmem>>
    %dma_start3A_159 = tpu.memref_squeeze %dma_start3A_158 : memref<1x48x1024xf32, #tpu.memory_space<vmem>> -> memref<48x1024xf32, #tpu.memory_space<vmem>>
    %dma_start3A_160 = arith.constant 192 : i32
    %dma_start3A_161 = tpu.memref_slice %arg5[%dma_start3A_160] : memref<336xi32, #tpu.memory_space<vmem>> -> memref<48xi32, #tpu.memory_space<vmem>>
    %dma_start3A_162 = arith.constant 0 : i32
    %dma_start3A_163 = arith.constant 0 : i32
    %dma_start3A_164 = tpu.memref_slice %arg3[%dma_start3A_162, %dma_start3A_163] : memref<4096x1024xf32, #tpu.memory_space<hbm>> -> memref<4096x1024xf32, #tpu.memory_space<hbm>>
    tpu.enqueue_indirect_dma source(%dma_start3A_164 : memref<4096x1024xf32, #tpu.memory_space<hbm>>) target(%dma_start3A_159 : memref<48x1024xf32, #tpu.memory_space<vmem>>) offsets(%dma_start3A_161 : memref<48xi32, #tpu.memory_space<vmem>>) semaphore(%arg7 : memref<!tpu.dma_semaphore, #tpu.memory_space<semaphore_mem>>)
    %dma_wait3A_165 = arith.constant 1 : i32
    %dma_wait3A_166 = arith.constant 0 : i32
    %dma_wait3A_167 = arith.constant 0 : i32
    %dma_wait3A_168 = tpu.memref_slice %arg6[%dma_wait3A_165, %dma_wait3A_166, %dma_wait3A_167] : memref<2x48x1024xf32, #tpu.memory_space<vmem>> -> memref<1x48x1024xf32, #tpu.memory_space<vmem>>
    %dma_wait3A_169 = tpu.memref_squeeze %dma_wait3A_168 : memref<1x48x1024xf32, #tpu.memory_space<vmem>> -> memref<48x1024xf32, #tpu.memory_space<vmem>>
    %dma_wait3A_170 = arith.constant 144 : i32
    %dma_wait3A_171 = tpu.memref_slice %arg5[%dma_wait3A_170] : memref<336xi32, #tpu.memory_space<vmem>> -> memref<48xi32, #tpu.memory_space<vmem>>
    %dma_wait3A_172 = arith.constant 0 : i32
    %dma_wait3A_173 = arith.constant 0 : i32
    %dma_wait3A_174 = tpu.memref_slice %arg3[%dma_wait3A_172, %dma_wait3A_173] : memref<4096x1024xf32, #tpu.memory_space<hbm>> -> memref<4096x1024xf32, #tpu.memory_space<hbm>>
    tpu.wait_indirect_dma semaphore(%arg8 : memref<!tpu.dma_semaphore, #tpu.memory_space<semaphore_mem>>) src(%dma_wait3A_174 : memref<4096x1024xf32, #tpu.memory_space<hbm>>) dst(%dma_wait3A_169 : memref<48x1024xf32, #tpu.memory_space<vmem>>)
    %add3A_175 = arith.constant 144 : i32
    %add3A_176 = arith.addi %mul3A_2, %add3A_175 : i32
    %dma_start3A_177 = arith.constant 1 : i32
    %dma_start3A_178 = arith.constant 0 : i32
    %dma_start3A_179 = arith.constant 0 : i32
    %dma_start3A_180 = tpu.memref_slice %arg6[%dma_start3A_177, %dma_start3A_178, %dma_start3A_179] : memref<2x48x1024xf32, #tpu.memory_space<vmem>> -> memref<1x48x1024xf32, #tpu.memory_space<vmem>>
    %dma_start3A_181 = tpu.memref_squeeze %dma_start3A_180 : memref<1x48x1024xf32, #tpu.memory_space<vmem>> -> memref<48x1024xf32, #tpu.memory_space<vmem>>
    %dma_start3A_182 = arith.constant 0 : i32
    %dma_start3A_183 = tpu.memref_slice %arg4[%add3A_176, %dma_start3A_182] : memref<10752x1024xf32, #tpu.memory_space<hbm>> -> memref<48x1024xf32, #tpu.memory_space<hbm>>
    %dma_start3A_184 = arith.constant 0 : i32
    %dma_start3A_185 = tpu.memref_slice %arg4[%add3A_176, %dma_start3A_184] : memref<10752x1024xf32, #tpu.memory_space<hbm>> -> memref<48x1024xf32, #tpu.memory_space<hbm>>
    %dma_start3A_186 = arith.constant 0 : i32
    %dma_start3A_187 = arith.constant 0 : i32
    %dma_start3A_188 = tpu.memref_slice %arg6[%dma_start3A_177, %dma_start3A_186, %dma_start3A_187] : memref<2x48x1024xf32, #tpu.memory_space<vmem>> -> memref<1x48x1024xf32, #tpu.memory_space<vmem>>
    %dma_start3A_189 = tpu.memref_squeeze %dma_start3A_188 : memref<1x48x1024xf32, #tpu.memory_space<vmem>> -> memref<48x1024xf32, #tpu.memory_space<vmem>>
    tpu.enqueue_dma source(%dma_start3A_189 : memref<48x1024xf32, #tpu.memory_space<vmem>>) target(%dma_start3A_185 : memref<48x1024xf32, #tpu.memory_space<hbm>>) target_semaphore(%arg10 : memref<!tpu.dma_semaphore, #tpu.memory_space<semaphore_mem>>)
    %dma_wait3A_190 = arith.constant 1 : i32
    %dma_wait3A_191 = arith.constant 0 : i32
    %dma_wait3A_192 = arith.constant 0 : i32
    %dma_wait3A_193 = tpu.memref_slice %arg6[%dma_wait3A_190, %dma_wait3A_191, %dma_wait3A_192] : memref<2x48x1024xf32, #tpu.memory_space<vmem>> -> memref<1x48x1024xf32, #tpu.memory_space<vmem>>
    %dma_wait3A_194 = tpu.memref_squeeze %dma_wait3A_193 : memref<1x48x1024xf32, #tpu.memory_space<vmem>> -> memref<48x1024xf32, #tpu.memory_space<vmem>>
    %dma_wait3A_195 = arith.constant 0 : i32
    %dma_wait3A_196 = tpu.memref_slice %arg4[%add3A_176, %dma_wait3A_195] : memref<10752x1024xf32, #tpu.memory_space<hbm>> -> memref<48x1024xf32, #tpu.memory_space<hbm>>
    %dma_wait3A_197 = arith.constant 0 : i32
    %dma_wait3A_198 = tpu.memref_slice %arg4[%add3A_176, %dma_wait3A_197] : memref<10752x1024xf32, #tpu.memory_space<hbm>> -> memref<48x1024xf32, #tpu.memory_space<hbm>>
    %dma_wait3A_199 = arith.constant 0 : i32
    %dma_wait3A_200 = arith.constant 0 : i32
    %dma_wait3A_201 = tpu.memref_slice %arg6[%dma_wait3A_190, %dma_wait3A_199, %dma_wait3A_200] : memref<2x48x1024xf32, #tpu.memory_space<vmem>> -> memref<1x48x1024xf32, #tpu.memory_space<vmem>>
    %dma_wait3A_202 = tpu.memref_squeeze %dma_wait3A_201 : memref<1x48x1024xf32, #tpu.memory_space<vmem>> -> memref<48x1024xf32, #tpu.memory_space<vmem>>
    tpu.wait_dma2 semaphore(%arg10 : memref<!tpu.dma_semaphore, #tpu.memory_space<semaphore_mem>>) src(%dma_wait3A_202 : memref<48x1024xf32, #tpu.memory_space<vmem>>) dst(%dma_wait3A_198 : memref<48x1024xf32, #tpu.memory_space<hbm>>)
    %dma_start3A_203 = arith.constant 1 : i32
    %dma_start3A_204 = arith.constant 0 : i32
    %dma_start3A_205 = arith.constant 0 : i32
    %dma_start3A_206 = tpu.memref_slice %arg6[%dma_start3A_203, %dma_start3A_204, %dma_start3A_205] : memref<2x48x1024xf32, #tpu.memory_space<vmem>> -> memref<1x48x1024xf32, #tpu.memory_space<vmem>>
    %dma_start3A_207 = tpu.memref_squeeze %dma_start3A_206 : memref<1x48x1024xf32, #tpu.memory_space<vmem>> -> memref<48x1024xf32, #tpu.memory_space<vmem>>
    %dma_start3A_208 = arith.constant 240 : i32
    %dma_start3A_209 = tpu.memref_slice %arg5[%dma_start3A_208] : memref<336xi32, #tpu.memory_space<vmem>> -> memref<48xi32, #tpu.memory_space<vmem>>
    %dma_start3A_210 = arith.constant 0 : i32
    %dma_start3A_211 = arith.constant 0 : i32
    %dma_start3A_212 = tpu.memref_slice %arg3[%dma_start3A_210, %dma_start3A_211] : memref<4096x1024xf32, #tpu.memory_space<hbm>> -> memref<4096x1024xf32, #tpu.memory_space<hbm>>
    tpu.enqueue_indirect_dma source(%dma_start3A_212 : memref<4096x1024xf32, #tpu.memory_space<hbm>>) target(%dma_start3A_207 : memref<48x1024xf32, #tpu.memory_space<vmem>>) offsets(%dma_start3A_209 : memref<48xi32, #tpu.memory_space<vmem>>) semaphore(%arg8 : memref<!tpu.dma_semaphore, #tpu.memory_space<semaphore_mem>>)
    %dma_wait3A_213 = arith.constant 0 : i32
    %dma_wait3A_214 = arith.constant 0 : i32
    %dma_wait3A_215 = arith.constant 0 : i32
    %dma_wait3A_216 = tpu.memref_slice %arg6[%dma_wait3A_213, %dma_wait3A_214, %dma_wait3A_215] : memref<2x48x1024xf32, #tpu.memory_space<vmem>> -> memref<1x48x1024xf32, #tpu.memory_space<vmem>>
    %dma_wait3A_217 = tpu.memref_squeeze %dma_wait3A_216 : memref<1x48x1024xf32, #tpu.memory_space<vmem>> -> memref<48x1024xf32, #tpu.memory_space<vmem>>
    %dma_wait3A_218 = arith.constant 192 : i32
    %dma_wait3A_219 = tpu.memref_slice %arg5[%dma_wait3A_218] : memref<336xi32, #tpu.memory_space<vmem>> -> memref<48xi32, #tpu.memory_space<vmem>>
    %dma_wait3A_220 = arith.constant 0 : i32
    %dma_wait3A_221 = arith.constant 0 : i32
    %dma_wait3A_222 = tpu.memref_slice %arg3[%dma_wait3A_220, %dma_wait3A_221] : memref<4096x1024xf32, #tpu.memory_space<hbm>> -> memref<4096x1024xf32, #tpu.memory_space<hbm>>
    tpu.wait_indirect_dma semaphore(%arg7 : memref<!tpu.dma_semaphore, #tpu.memory_space<semaphore_mem>>) src(%dma_wait3A_222 : memref<4096x1024xf32, #tpu.memory_space<hbm>>) dst(%dma_wait3A_217 : memref<48x1024xf32, #tpu.memory_space<vmem>>)
    %add3A_223 = arith.constant 192 : i32
    %add3A_224 = arith.addi %mul3A_2, %add3A_223 : i32
    %dma_start3A_225 = arith.constant 0 : i32
    %dma_start3A_226 = arith.constant 0 : i32
    %dma_start3A_227 = arith.constant 0 : i32
    %dma_start3A_228 = tpu.memref_slice %arg6[%dma_start3A_225, %dma_start3A_226, %dma_start3A_227] : memref<2x48x1024xf32, #tpu.memory_space<vmem>> -> memref<1x48x1024xf32, #tpu.memory_space<vmem>>
    %dma_start3A_229 = tpu.memref_squeeze %dma_start3A_228 : memref<1x48x1024xf32, #tpu.memory_space<vmem>> -> memref<48x1024xf32, #tpu.memory_space<vmem>>
    %dma_start3A_230 = arith.constant 0 : i32
    %dma_start3A_231 = tpu.memref_slice %arg4[%add3A_224, %dma_start3A_230] : memref<10752x1024xf32, #tpu.memory_space<hbm>> -> memref<48x1024xf32, #tpu.memory_space<hbm>>
    %dma_start3A_232 = arith.constant 0 : i32
    %dma_start3A_233 = tpu.memref_slice %arg4[%add3A_224, %dma_start3A_232] : memref<10752x1024xf32, #tpu.memory_space<hbm>> -> memref<48x1024xf32, #tpu.memory_space<hbm>>
    %dma_start3A_234 = arith.constant 0 : i32
    %dma_start3A_235 = arith.constant 0 : i32
    %dma_start3A_236 = tpu.memref_slice %arg6[%dma_start3A_225, %dma_start3A_234, %dma_start3A_235] : memref<2x48x1024xf32, #tpu.memory_space<vmem>> -> memref<1x48x1024xf32, #tpu.memory_space<vmem>>
    %dma_start3A_237 = tpu.memref_squeeze %dma_start3A_236 : memref<1x48x1024xf32, #tpu.memory_space<vmem>> -> memref<48x1024xf32, #tpu.memory_space<vmem>>
    tpu.enqueue_dma source(%dma_start3A_237 : memref<48x1024xf32, #tpu.memory_space<vmem>>) target(%dma_start3A_233 : memref<48x1024xf32, #tpu.memory_space<hbm>>) target_semaphore(%arg9 : memref<!tpu.dma_semaphore, #tpu.memory_space<semaphore_mem>>)
    %dma_wait3A_238 = arith.constant 0 : i32
    %dma_wait3A_239 = arith.constant 0 : i32
    %dma_wait3A_240 = arith.constant 0 : i32
    %dma_wait3A_241 = tpu.memref_slice %arg6[%dma_wait3A_238, %dma_wait3A_239, %dma_wait3A_240] : memref<2x48x1024xf32, #tpu.memory_space<vmem>> -> memref<1x48x1024xf32, #tpu.memory_space<vmem>>
    %dma_wait3A_242 = tpu.memref_squeeze %dma_wait3A_241 : memref<1x48x1024xf32, #tpu.memory_space<vmem>> -> memref<48x1024xf32, #tpu.memory_space<vmem>>
    %dma_wait3A_243 = arith.constant 0 : i32
    %dma_wait3A_244 = tpu.memref_slice %arg4[%add3A_224, %dma_wait3A_243] : memref<10752x1024xf32, #tpu.memory_space<hbm>> -> memref<48x1024xf32, #tpu.memory_space<hbm>>
    %dma_wait3A_245 = arith.constant 0 : i32
    %dma_wait3A_246 = tpu.memref_slice %arg4[%add3A_224, %dma_wait3A_245] : memref<10752x1024xf32, #tpu.memory_space<hbm>> -> memref<48x1024xf32, #tpu.memory_space<hbm>>
    %dma_wait3A_247 = arith.constant 0 : i32
    %dma_wait3A_248 = arith.constant 0 : i32
    %dma_wait3A_249 = tpu.memref_slice %arg6[%dma_wait3A_238, %dma_wait3A_247, %dma_wait3A_248] : memref<2x48x1024xf32, #tpu.memory_space<vmem>> -> memref<1x48x1024xf32, #tpu.memory_space<vmem>>
    %dma_wait3A_250 = tpu.memref_squeeze %dma_wait3A_249 : memref<1x48x1024xf32, #tpu.memory_space<vmem>> -> memref<48x1024xf32, #tpu.memory_space<vmem>>
    tpu.wait_dma2 semaphore(%arg9 : memref<!tpu.dma_semaphore, #tpu.memory_space<semaphore_mem>>) src(%dma_wait3A_250 : memref<48x1024xf32, #tpu.memory_space<vmem>>) dst(%dma_wait3A_246 : memref<48x1024xf32, #tpu.memory_space<hbm>>)
    %dma_start3A_251 = arith.constant 0 : i32
    %dma_start3A_252 = arith.constant 0 : i32
    %dma_start3A_253 = arith.constant 0 : i32
    %dma_start3A_254 = tpu.memref_slice %arg6[%dma_start3A_251, %dma_start3A_252, %dma_start3A_253] : memref<2x48x1024xf32, #tpu.memory_space<vmem>> -> memref<1x48x1024xf32, #tpu.memory_space<vmem>>
    %dma_start3A_255 = tpu.memref_squeeze %dma_start3A_254 : memref<1x48x1024xf32, #tpu.memory_space<vmem>> -> memref<48x1024xf32, #tpu.memory_space<vmem>>
    %dma_start3A_256 = arith.constant 288 : i32
    %dma_start3A_257 = tpu.memref_slice %arg5[%dma_start3A_256] : memref<336xi32, #tpu.memory_space<vmem>> -> memref<48xi32, #tpu.memory_space<vmem>>
    %dma_start3A_258 = arith.constant 0 : i32
    %dma_start3A_259 = arith.constant 0 : i32
    %dma_start3A_260 = tpu.memref_slice %arg3[%dma_start3A_258, %dma_start3A_259] : memref<4096x1024xf32, #tpu.memory_space<hbm>> -> memref<4096x1024xf32, #tpu.memory_space<hbm>>
    tpu.enqueue_indirect_dma source(%dma_start3A_260 : memref<4096x1024xf32, #tpu.memory_space<hbm>>) target(%dma_start3A_255 : memref<48x1024xf32, #tpu.memory_space<vmem>>) offsets(%dma_start3A_257 : memref<48xi32, #tpu.memory_space<vmem>>) semaphore(%arg7 : memref<!tpu.dma_semaphore, #tpu.memory_space<semaphore_mem>>)
    %dma_wait3A_261 = arith.constant 1 : i32
    %dma_wait3A_262 = arith.constant 0 : i32
    %dma_wait3A_263 = arith.constant 0 : i32
    %dma_wait3A_264 = tpu.memref_slice %arg6[%dma_wait3A_261, %dma_wait3A_262, %dma_wait3A_263] : memref<2x48x1024xf32, #tpu.memory_space<vmem>> -> memref<1x48x1024xf32, #tpu.memory_space<vmem>>
    %dma_wait3A_265 = tpu.memref_squeeze %dma_wait3A_264 : memref<1x48x1024xf32, #tpu.memory_space<vmem>> -> memref<48x1024xf32, #tpu.memory_space<vmem>>
    %dma_wait3A_266 = arith.constant 240 : i32
    %dma_wait3A_267 = tpu.memref_slice %arg5[%dma_wait3A_266] : memref<336xi32, #tpu.memory_space<vmem>> -> memref<48xi32, #tpu.memory_space<vmem>>
    %dma_wait3A_268 = arith.constant 0 : i32
    %dma_wait3A_269 = arith.constant 0 : i32
    %dma_wait3A_270 = tpu.memref_slice %arg3[%dma_wait3A_268, %dma_wait3A_269] : memref<4096x1024xf32, #tpu.memory_space<hbm>> -> memref<4096x1024xf32, #tpu.memory_space<hbm>>
    tpu.wait_indirect_dma semaphore(%arg8 : memref<!tpu.dma_semaphore, #tpu.memory_space<semaphore_mem>>) src(%dma_wait3A_270 : memref<4096x1024xf32, #tpu.memory_space<hbm>>) dst(%dma_wait3A_265 : memref<48x1024xf32, #tpu.memory_space<vmem>>)
    %add3A_271 = arith.constant 240 : i32
    %add3A_272 = arith.addi %mul3A_2, %add3A_271 : i32
    %dma_start3A_273 = arith.constant 1 : i32
    %dma_start3A_274 = arith.constant 0 : i32
    %dma_start3A_275 = arith.constant 0 : i32
    %dma_start3A_276 = tpu.memref_slice %arg6[%dma_start3A_273, %dma_start3A_274, %dma_start3A_275] : memref<2x48x1024xf32, #tpu.memory_space<vmem>> -> memref<1x48x1024xf32, #tpu.memory_space<vmem>>
    %dma_start3A_277 = tpu.memref_squeeze %dma_start3A_276 : memref<1x48x1024xf32, #tpu.memory_space<vmem>> -> memref<48x1024xf32, #tpu.memory_space<vmem>>
    %dma_start3A_278 = arith.constant 0 : i32
    %dma_start3A_279 = tpu.memref_slice %arg4[%add3A_272, %dma_start3A_278] : memref<10752x1024xf32, #tpu.memory_space<hbm>> -> memref<48x1024xf32, #tpu.memory_space<hbm>>
    %dma_start3A_280 = arith.constant 0 : i32
    %dma_start3A_281 = tpu.memref_slice %arg4[%add3A_272, %dma_start3A_280] : memref<10752x1024xf32, #tpu.memory_space<hbm>> -> memref<48x1024xf32, #tpu.memory_space<hbm>>
    %dma_start3A_282 = arith.constant 0 : i32
    %dma_start3A_283 = arith.constant 0 : i32
    %dma_start3A_284 = tpu.memref_slice %arg6[%dma_start3A_273, %dma_start3A_282, %dma_start3A_283] : memref<2x48x1024xf32, #tpu.memory_space<vmem>> -> memref<1x48x1024xf32, #tpu.memory_space<vmem>>
    %dma_start3A_285 = tpu.memref_squeeze %dma_start3A_284 : memref<1x48x1024xf32, #tpu.memory_space<vmem>> -> memref<48x1024xf32, #tpu.memory_space<vmem>>
    tpu.enqueue_dma source(%dma_start3A_285 : memref<48x1024xf32, #tpu.memory_space<vmem>>) target(%dma_start3A_281 : memref<48x1024xf32, #tpu.memory_space<hbm>>) target_semaphore(%arg10 : memref<!tpu.dma_semaphore, #tpu.memory_space<semaphore_mem>>)
    %dma_wait3A_286 = arith.constant 0 : i32
    %dma_wait3A_287 = arith.constant 0 : i32
    %dma_wait3A_288 = arith.constant 0 : i32
    %dma_wait3A_289 = tpu.memref_slice %arg6[%dma_wait3A_286, %dma_wait3A_287, %dma_wait3A_288] : memref<2x48x1024xf32, #tpu.memory_space<vmem>> -> memref<1x48x1024xf32, #tpu.memory_space<vmem>>
    %dma_wait3A_290 = tpu.memref_squeeze %dma_wait3A_289 : memref<1x48x1024xf32, #tpu.memory_space<vmem>> -> memref<48x1024xf32, #tpu.memory_space<vmem>>
    %dma_wait3A_291 = arith.constant 288 : i32
    %dma_wait3A_292 = tpu.memref_slice %arg5[%dma_wait3A_291] : memref<336xi32, #tpu.memory_space<vmem>> -> memref<48xi32, #tpu.memory_space<vmem>>
    %dma_wait3A_293 = arith.constant 0 : i32
    %dma_wait3A_294 = arith.constant 0 : i32
    %dma_wait3A_295 = tpu.memref_slice %arg3[%dma_wait3A_293, %dma_wait3A_294] : memref<4096x1024xf32, #tpu.memory_space<hbm>> -> memref<4096x1024xf32, #tpu.memory_space<hbm>>
    tpu.wait_indirect_dma semaphore(%arg7 : memref<!tpu.dma_semaphore, #tpu.memory_space<semaphore_mem>>) src(%dma_wait3A_295 : memref<4096x1024xf32, #tpu.memory_space<hbm>>) dst(%dma_wait3A_290 : memref<48x1024xf32, #tpu.memory_space<vmem>>)
    %add3A_296 = arith.constant 288 : i32
    %add3A_297 = arith.addi %mul3A_2, %add3A_296 : i32
    %dma_start3A_298 = arith.constant 0 : i32
    %dma_start3A_299 = arith.constant 0 : i32
    %dma_start3A_300 = arith.constant 0 : i32
    %dma_start3A_301 = tpu.memref_slice %arg6[%dma_start3A_298, %dma_start3A_299, %dma_start3A_300] : memref<2x48x1024xf32, #tpu.memory_space<vmem>> -> memref<1x48x1024xf32, #tpu.memory_space<vmem>>
    %dma_start3A_302 = tpu.memref_squeeze %dma_start3A_301 : memref<1x48x1024xf32, #tpu.memory_space<vmem>> -> memref<48x1024xf32, #tpu.memory_space<vmem>>
    %dma_start3A_303 = arith.constant 0 : i32
    %dma_start3A_304 = tpu.memref_slice %arg4[%add3A_297, %dma_start3A_303] : memref<10752x1024xf32, #tpu.memory_space<hbm>> -> memref<48x1024xf32, #tpu.memory_space<hbm>>
    %dma_start3A_305 = arith.constant 0 : i32
    %dma_start3A_306 = tpu.memref_slice %arg4[%add3A_297, %dma_start3A_305] : memref<10752x1024xf32, #tpu.memory_space<hbm>> -> memref<48x1024xf32, #tpu.memory_space<hbm>>
    %dma_start3A_307 = arith.constant 0 : i32
    %dma_start3A_308 = arith.constant 0 : i32
    %dma_start3A_309 = tpu.memref_slice %arg6[%dma_start3A_298, %dma_start3A_307, %dma_start3A_308] : memref<2x48x1024xf32, #tpu.memory_space<vmem>> -> memref<1x48x1024xf32, #tpu.memory_space<vmem>>
    %dma_start3A_310 = tpu.memref_squeeze %dma_start3A_309 : memref<1x48x1024xf32, #tpu.memory_space<vmem>> -> memref<48x1024xf32, #tpu.memory_space<vmem>>
    tpu.enqueue_dma source(%dma_start3A_310 : memref<48x1024xf32, #tpu.memory_space<vmem>>) target(%dma_start3A_306 : memref<48x1024xf32, #tpu.memory_space<hbm>>) target_semaphore(%arg9 : memref<!tpu.dma_semaphore, #tpu.memory_space<semaphore_mem>>)
    %dma_wait3A_311 = arith.constant 0 : i32
    %dma_wait3A_312 = arith.constant 0 : i32
    %dma_wait3A_313 = arith.constant 0 : i32
    %dma_wait3A_314 = tpu.memref_slice %arg6[%dma_wait3A_311, %dma_wait3A_312, %dma_wait3A_313] : memref<2x48x1024xf32, #tpu.memory_space<vmem>> -> memref<1x48x1024xf32, #tpu.memory_space<vmem>>
    %dma_wait3A_315 = tpu.memref_squeeze %dma_wait3A_314 : memref<1x48x1024xf32, #tpu.memory_space<vmem>> -> memref<48x1024xf32, #tpu.memory_space<vmem>>
    %dma_wait3A_316 = arith.constant 0 : i32
    %dma_wait3A_317 = tpu.memref_slice %arg4[%add3A_297, %dma_wait3A_316] : memref<10752x1024xf32, #tpu.memory_space<hbm>> -> memref<48x1024xf32, #tpu.memory_space<hbm>>
    %dma_wait3A_318 = arith.constant 0 : i32
    %dma_wait3A_319 = tpu.memref_slice %arg4[%add3A_297, %dma_wait3A_318] : memref<10752x1024xf32, #tpu.memory_space<hbm>> -> memref<48x1024xf32, #tpu.memory_space<hbm>>
    %dma_wait3A_320 = arith.constant 0 : i32
    %dma_wait3A_321 = arith.constant 0 : i32
    %dma_wait3A_322 = tpu.memref_slice %arg6[%dma_wait3A_311, %dma_wait3A_320, %dma_wait3A_321] : memref<2x48x1024xf32, #tpu.memory_space<vmem>> -> memref<1x48x1024xf32, #tpu.memory_space<vmem>>
    %dma_wait3A_323 = tpu.memref_squeeze %dma_wait3A_322 : memref<1x48x1024xf32, #tpu.memory_space<vmem>> -> memref<48x1024xf32, #tpu.memory_space<vmem>>
    tpu.wait_dma2 semaphore(%arg9 : memref<!tpu.dma_semaphore, #tpu.memory_space<semaphore_mem>>) src(%dma_wait3A_323 : memref<48x1024xf32, #tpu.memory_space<vmem>>) dst(%dma_wait3A_319 : memref<48x1024xf32, #tpu.memory_space<hbm>>)
    %dma_wait3A_324 = arith.constant 1 : i32
    %dma_wait3A_325 = arith.constant 0 : i32
    %dma_wait3A_326 = arith.constant 0 : i32
    %dma_wait3A_327 = tpu.memref_slice %arg6[%dma_wait3A_324, %dma_wait3A_325, %dma_wait3A_326] : memref<2x48x1024xf32, #tpu.memory_space<vmem>> -> memref<1x48x1024xf32, #tpu.memory_space<vmem>>
    %dma_wait3A_328 = tpu.memref_squeeze %dma_wait3A_327 : memref<1x48x1024xf32, #tpu.memory_space<vmem>> -> memref<48x1024xf32, #tpu.memory_space<vmem>>
    %dma_wait3A_329 = arith.constant 0 : i32
    %dma_wait3A_330 = tpu.memref_slice %arg4[%add3A_272, %dma_wait3A_329] : memref<10752x1024xf32, #tpu.memory_space<hbm>> -> memref<48x1024xf32, #tpu.memory_space<hbm>>
    %dma_wait3A_331 = arith.constant 0 : i32
    %dma_wait3A_332 = tpu.memref_slice %arg4[%add3A_272, %dma_wait3A_331] : memref<10752x1024xf32, #tpu.memory_space<hbm>> -> memref<48x1024xf32, #tpu.memory_space<hbm>>
    %dma_wait3A_333 = arith.constant 0 : i32
    %dma_wait3A_334 = arith.constant 0 : i32
    %dma_wait3A_335 = tpu.memref_slice %arg6[%dma_wait3A_324, %dma_wait3A_333, %dma_wait3A_334] : memref<2x48x1024xf32, #tpu.memory_space<vmem>> -> memref<1x48x1024xf32, #tpu.memory_space<vmem>>
    %dma_wait3A_336 = tpu.memref_squeeze %dma_wait3A_335 : memref<1x48x1024xf32, #tpu.memory_space<vmem>> -> memref<48x1024xf32, #tpu.memory_space<vmem>>
    tpu.wait_dma2 semaphore(%arg10 : memref<!tpu.dma_semaphore, #tpu.memory_space<semaphore_mem>>) src(%dma_wait3A_336 : memref<48x1024xf32, #tpu.memory_space<vmem>>) dst(%dma_wait3A_332 : memref<48x1024xf32, #tpu.memory_space<hbm>>)
    return
  }
}

module attributes {stable_mosaic.version = 14 : i64} {
  func.func @_fused_body(%arg0: i32, %arg1: memref<1x256x1024xf32, #tpu.memory_space<vmem>>, %arg2: memref<1x1024xf32, #tpu.memory_space<vmem>>, %arg3: memref<1x1024xf32, #tpu.memory_space<vmem>>, %arg4: memref<1024x3072xbf16, #tpu.memory_space<vmem>>, %arg5: memref<1024x128xf32, #tpu.memory_space<vmem>>, %arg6: memref<1024x1024xbf16, #tpu.memory_space<vmem>>, %arg7: memref<1x256x1024xf32, #tpu.memory_space<vmem>>, %arg8: memref<1x256x128xf32, #tpu.memory_space<vmem>>, %arg9: memref<2x256x3072xf32, #tpu.memory_space<vmem>>, %arg10: memref<256x1024xbf16, #tpu.memory_space<vmem>>) attributes {dimension_semantics = [#tpu.dimension_semantics<arbitrary>], iteration_bounds = array<i64: 16>, scalar_prefetch = 0 : i64, scratch_operands = 2 : i64, tpu.core_type = #tpu.core_type<tc>, window_params = [{transform_indices = @transform_0, window_bounds = array<i64: 1, 256, 1024>}, {pipeline_mode = #tpu.pipeline_mode<synchronous>, transform_indices = @transform_1, window_bounds = array<i64: 1, 1024>}, {pipeline_mode = #tpu.pipeline_mode<synchronous>, transform_indices = @transform_2, window_bounds = array<i64: 1, 1024>}, {pipeline_mode = #tpu.pipeline_mode<synchronous>, transform_indices = @transform_3, window_bounds = array<i64: 1024, 3072>}, {pipeline_mode = #tpu.pipeline_mode<synchronous>, transform_indices = @transform_4, window_bounds = array<i64: 1024, 128>}, {pipeline_mode = #tpu.pipeline_mode<synchronous>, transform_indices = @transform_5, window_bounds = array<i64: 1024, 1024>}, {transform_indices = @transform_6, window_bounds = array<i64: 1, 256, 1024>}, {transform_indices = @transform_7, window_bounds = array<i64: 1, 256, 128>}]} {
    %get3A = arith.constant 0 : index
    %get3A_0 = arith.constant 0 : index
    %get3A_1 = arith.constant 0 : index
    %get3A_2 = vector.load %arg1[%get3A, %get3A_0, %get3A_1] : memref<1x256x1024xf32, #tpu.memory_space<vmem>>, vector<1x256x1024xf32>
    %get3A_3 = vector.shape_cast %get3A_2 : vector<1x256x1024xf32> to vector<256x1024xf32>
    %reduce_sum3A = arith.constant dense<0.000000e+00> : vector<256xf32>
    %reduce_sum3A_4 = vector.multi_reduction <add>, %get3A_3, %reduce_sum3A [1] : vector<256x1024xf32> to vector<256xf32>
    %broadcast_in_dim3A = vector.shape_cast %reduce_sum3A_4 : vector<256xf32> to vector<256x1xf32>
    %div3A = arith.constant 1.024000e+03 : f32
    %div3A_5 = vector.broadcast %div3A : f32 to vector<256x1xf32>
    %div3A_6 = arith.divf %broadcast_in_dim3A, %div3A_5 : vector<256x1xf32>
    %sub3A = vector.broadcast %div3A_6 : vector<256x1xf32> to vector<256x1024xf32>
    %sub3A_7 = arith.subf %get3A_3, %sub3A : vector<256x1024xf32>
    %integer_pow3A = arith.mulf %sub3A_7, %sub3A_7 : vector<256x1024xf32>
    %reduce_sum3A_8 = arith.constant dense<0.000000e+00> : vector<256xf32>
    %reduce_sum3A_9 = vector.multi_reduction <add>, %integer_pow3A, %reduce_sum3A_8 [1] : vector<256x1024xf32> to vector<256xf32>
    %broadcast_in_dim3A_10 = vector.shape_cast %reduce_sum3A_9 : vector<256xf32> to vector<256x1xf32>
    %div3A_11 = arith.constant 1.024000e+03 : f32
    %div3A_12 = vector.broadcast %div3A_11 : f32 to vector<256x1xf32>
    %div3A_13 = arith.divf %broadcast_in_dim3A_10, %div3A_12 : vector<256x1xf32>
    %sub3A_14 = vector.broadcast %div3A_6 : vector<256x1xf32> to vector<256x1024xf32>
    %sub3A_15 = arith.subf %get3A_3, %sub3A_14 : vector<256x1024xf32>
    %add3A = arith.constant 9.99999974E-6 : f32
    %add3A_16 = vector.broadcast %add3A : f32 to vector<256x1xf32>
    %add3A_17 = arith.addf %div3A_13, %add3A_16 : vector<256x1xf32>
    %sqrt3A = math.sqrt %add3A_17 : vector<256x1xf32>
    %div3A_18 = vector.broadcast %sqrt3A : vector<256x1xf32> to vector<256x1024xf32>
    %div3A_19 = arith.divf %sub3A_15, %div3A_18 : vector<256x1024xf32>
    %get3A_20 = arith.constant 0 : index
    %get3A_21 = arith.constant 0 : index
    %get3A_22 = vector.load %arg2[%get3A_20, %get3A_21] : memref<1x1024xf32, #tpu.memory_space<vmem>>, vector<1x1024xf32>
    %get3A_23 = vector.shape_cast %get3A_22 : vector<1x1024xf32> to vector<1024xf32>
    %broadcast_in_dim3A_24 = vector.shape_cast %get3A_23 : vector<1024xf32> to vector<1x1024xf32>
    %mul3A = vector.broadcast %broadcast_in_dim3A_24 : vector<1x1024xf32> to vector<256x1024xf32>
    %mul3A_25 = arith.mulf %div3A_19, %mul3A : vector<256x1024xf32>
    %get3A_26 = arith.constant 0 : index
    %get3A_27 = arith.constant 0 : index
    %get3A_28 = vector.load %arg3[%get3A_26, %get3A_27] : memref<1x1024xf32, #tpu.memory_space<vmem>>, vector<1x1024xf32>
    %get3A_29 = vector.shape_cast %get3A_28 : vector<1x1024xf32> to vector<1024xf32>
    %broadcast_in_dim3A_30 = vector.shape_cast %get3A_29 : vector<1024xf32> to vector<1x1024xf32>
    %add3A_31 = vector.broadcast %broadcast_in_dim3A_30 : vector<1x1024xf32> to vector<256x1024xf32>
    %add3A_32 = arith.addf %mul3A_25, %add3A_31 : vector<256x1024xf32>
    %jit3A = arith.constant 2 : i32
    %eq3A = arith.constant 0 : i32
    %eq3A_33 = arith.cmpi eq, %jit3A, %eq3A : i32
    %jit3A_34 = arith.constant 1 : i32
    %select_n3A = arith.select %eq3A_33, %jit3A_34, %jit3A : i32
    %rem3A = arith.remsi %arg0, %select_n3A : i32
    %ne3A = arith.constant 0 : i32
    %ne3A_35 = arith.cmpi ne, %rem3A, %ne3A : i32
    %lt3A = arith.constant 0 : i32
    %lt3A_36 = arith.cmpi slt, %rem3A, %lt3A : i32
    %lt3A_37 = arith.constant 0 : i32
    %lt3A_38 = arith.cmpi slt, %select_n3A, %lt3A_37 : i32
    %ne3A_39 = arith.xori %lt3A_36, %lt3A_38 : i1
    %and3A = arith.andi %ne3A_39, %ne3A_35 : i1
    %add3A_40 = arith.addi %rem3A, %select_n3A : i32
    %select_n3A_41 = arith.select %and3A, %add3A_40, %rem3A : i32
    %convert_element_type3A = arith.truncf %add3A_32 : vector<256x1024xf32> to vector<256x1024xbf16>
    %get3A_42 = arith.constant 0 : index
    %get3A_43 = arith.constant 0 : index
    %get3A_44 = vector.load %arg4[%get3A_42, %get3A_43] : memref<1024x3072xbf16, #tpu.memory_space<vmem>>, vector<1024x3072xbf16>
    %dot_general3A = arith.constant dense<0.000000e+00> : vector<256x3072xf32>
    %dot_general3A_45 = tpu.matmul %convert_element_type3A, %get3A_44, %dot_general3A {dimension_numbers = #tpu.dot_dimension_numbers<[1], [0], [0], [1], [0, 0, 1, 1], [], []>, transpose_lhs_hint = false} : vector<256x1024xbf16>, vector<1024x3072xbf16>, vector<256x3072xf32> -> vector<256x3072xf32>
    %swap3A = arith.index_cast %select_n3A_41 : i32 to index
    %swap3A_46 = arith.constant 0 : index
    %swap3A_47 = arith.constant 0 : index
    %swap3A_48 = vector.load %arg9[%swap3A, %swap3A_46, %swap3A_47] : memref<2x256x3072xf32, #tpu.memory_space<vmem>>, vector<1x256x3072xf32>
    %swap3A_49 = vector.shape_cast %swap3A_48 : vector<1x256x3072xf32> to vector<256x3072xf32>
    %swap3A_50 = vector.shape_cast %dot_general3A_45 : vector<256x3072xf32> to vector<1x256x3072xf32>
    tpu.vector_store %arg9[%swap3A, %swap3A_46, %swap3A_47], %swap3A_50 {strides = array<i32>} : memref<2x256x3072xf32, #tpu.memory_space<vmem>>, vector<1x256x3072xf32>,
    %get3A_51 = arith.constant 0 : index
    %get3A_52 = arith.constant 0 : index
    %get3A_53 = vector.load %arg5[%get3A_51, %get3A_52] : memref<1024x128xf32, #tpu.memory_space<vmem>>, vector<1024x128xf32>
    %dot_general3A_54 = arith.constant dense<0.000000e+00> : vector<256x128xf32>
    %dot_general3A_55 = tpu.matmul %get3A_3, %get3A_53, %dot_general3A_54 {dimension_numbers = #tpu.dot_dimension_numbers<[1], [0], [0], [1], [0, 0, 1, 1], [], []>, transpose_lhs_hint = false} : vector<256x1024xf32>, vector<1024x128xf32>, vector<256x128xf32> -> vector<256x128xf32>
    %swap3A_56 = arith.constant 0 : index
    %swap3A_57 = arith.constant 0 : index
    %swap3A_58 = arith.constant 0 : index
    %swap3A_59 = vector.load %arg8[%swap3A_56, %swap3A_57, %swap3A_58] : memref<1x256x128xf32, #tpu.memory_space<vmem>>, vector<1x256x128xf32>
    %swap3A_60 = vector.shape_cast %swap3A_59 : vector<1x256x128xf32> to vector<256x128xf32>
    %swap3A_61 = vector.shape_cast %dot_general3A_55 : vector<256x128xf32> to vector<1x256x128xf32>
    tpu.vector_store %arg8[%swap3A_56, %swap3A_57, %swap3A_58], %swap3A_61 {strides = array<i32>} : memref<1x256x128xf32, #tpu.memory_space<vmem>>, vector<1x256x128xf32>,
    %sub3A_62 = arith.constant 1 : i32
    %sub3A_63 = arith.subi %sub3A_62, %select_n3A_41 : i32
    %jit3A_64 = arith.constant 8 : i32
    %eq3A_65 = arith.constant 0 : i32
    %eq3A_66 = arith.cmpi eq, %jit3A_64, %eq3A_65 : i32
    %jit3A_67 = arith.constant 1 : i32
    %select_n3A_68 = arith.select %eq3A_66, %jit3A_67, %jit3A_64 : i32
    %rem3A_69 = arith.remsi %arg0, %select_n3A_68 : i32
    %ne3A_70 = arith.constant 0 : i32
    %ne3A_71 = arith.cmpi ne, %rem3A_69, %ne3A_70 : i32
    %lt3A_72 = arith.constant 0 : i32
    %lt3A_73 = arith.cmpi slt, %rem3A_69, %lt3A_72 : i32
    %lt3A_74 = arith.constant 0 : i32
    %lt3A_75 = arith.cmpi slt, %select_n3A_68, %lt3A_74 : i32
    %ne3A_76 = arith.xori %lt3A_73, %lt3A_75 : i1
    %and3A_77 = arith.andi %ne3A_76, %ne3A_71 : i1
    %add3A_78 = arith.addi %rem3A_69, %select_n3A_68 : i32
    %select_n3A_79 = arith.select %and3A_77, %add3A_78, %rem3A_69 : i32
    %eq3A_80 = arith.constant 0 : i32
    %eq3A_81 = arith.cmpi eq, %select_n3A_79, %eq3A_80 : i32
    %iota3A = tpu.iota {dimensions = array<i32: 0>} : vector<256x256xi32>
    %iota3A_82 = tpu.iota {dimensions = array<i32: 1>} : vector<256x256xi32>
    %ge3A = arith.cmpi sge, %iota3A, %iota3A_82 : vector<256x256xi32>
    %broadcast_in_dim3A_83 = arith.constant -1.000000e+09 : f32
    %broadcast_in_dim3A_84 = vector.broadcast %broadcast_in_dim3A_83 : f32 to vector<256x256xf32>
    %get3A_85 = arith.index_cast %select_n3A_41 : i32 to index
    %get3A_86 = arith.constant 0 : index
    %get3A_87 = arith.constant 0 : index
    %get3A_88 = vector.load %arg9[%get3A_85, %get3A_86, %get3A_87] : memref<2x256x3072xf32, #tpu.memory_space<vmem>>, vector<1x256x64xf32>
    %get3A_89 = vector.shape_cast %get3A_88 : vector<1x256x64xf32> to vector<256x64xf32>
    %mul3A_90 = arith.constant 1.250000e-01 : f32
    %mul3A_91 = vector.broadcast %mul3A_90 : f32 to vector<256x64xf32>
    %mul3A_92 = arith.mulf %get3A_89, %mul3A_91 : vector<256x64xf32>
    %get3A_93 = arith.index_cast %select_n3A_41 : i32 to index
    %get3A_94 = arith.constant 0 : index
    %get3A_95 = arith.constant 1024 : index
    %get3A_96 = vector.load %arg9[%get3A_93, %get3A_94, %get3A_95] : memref<2x256x3072xf32, #tpu.memory_space<vmem>>, vector<1x256x64xf32>
    %get3A_97 = vector.shape_cast %get3A_96 : vector<1x256x64xf32> to vector<256x64xf32>
    %get3A_98 = arith.index_cast %select_n3A_41 : i32 to index
    %get3A_99 = arith.constant 0 : index
    %get3A_100 = arith.constant 2048 : index
    %get3A_101 = vector.load %arg9[%get3A_98, %get3A_99, %get3A_100] : memref<2x256x3072xf32, #tpu.memory_space<vmem>>, vector<1x256x64xf32>
    %get3A_102 = vector.shape_cast %get3A_101 : vector<1x256x64xf32> to vector<256x64xf32>
    %get3A_103 = arith.index_cast %sub3A_63 : i32 to index
    %get3A_104 = arith.constant 0 : index
    %get3A_105 = arith.constant 1024 : index
    %get3A_106 = vector.load %arg9[%get3A_103, %get3A_104, %get3A_105] : memref<2x256x3072xf32, #tpu.memory_space<vmem>>, vector<1x256x64xf32>
    %get3A_107 = vector.shape_cast %get3A_106 : vector<1x256x64xf32> to vector<256x64xf32>
    %broadcast_in_dim3A_108 = arith.constant 0.000000e+00 : f32
    %broadcast_in_dim3A_109 = vector.broadcast %broadcast_in_dim3A_108 : f32 to vector<256x64xf32>
    %get3A_110 = arith.index_cast %sub3A_63 : i32 to index
    %get3A_111 = arith.constant 0 : index
    %get3A_112 = arith.constant 2048 : index
    %get3A_113 = vector.load %arg9[%get3A_110, %get3A_111, %get3A_112] : memref<2x256x3072xf32, #tpu.memory_space<vmem>>, vector<1x256x64xf32>
    %get3A_114 = vector.shape_cast %get3A_113 : vector<1x256x64xf32> to vector<256x64xf32>
    %select_n3A_115 = arith.select %eq3A_81, %broadcast_in_dim3A_109, %get3A_114 : vector<256x64xf32>
    %dot_general3A_116 = arith.constant dense<0.000000e+00> : vector<256x256xf32>
    %dot_general3A_117 = tpu.matmul %mul3A_92, %get3A_97, %dot_general3A_116 {dimension_numbers = #tpu.dot_dimension_numbers<[1], [1], [0], [0], [0, 0, 1, 0], [], []>, transpose_lhs_hint = false} : vector<256x64xf32>, vector<256x64xf32>, vector<256x256xf32> -> vector<256x256xf32>
    %dot_general3A_118 = arith.constant dense<0.000000e+00> : vector<256x256xf32>
    %dot_general3A_119 = tpu.matmul %mul3A_92, %get3A_107, %dot_general3A_118 {dimension_numbers = #tpu.dot_dimension_numbers<[1], [1], [0], [0], [0, 0, 1, 0], [], []>, transpose_lhs_hint = false} : vector<256x64xf32>, vector<256x64xf32>, vector<256x256xf32> -> vector<256x256xf32>
    %jit3A_120 = arith.constant -1.000000e+09 : f32
    %broadcast_in_dim3A_121 = vector.broadcast %jit3A_120 : f32 to vector<256x256xf32>
    %select_n3A_122 = arith.select %ge3A, %dot_general3A_117, %broadcast_in_dim3A_121 : vector<256x256xi1>, vector<256x256xf32>
    %select_n3A_123 = arith.select %eq3A_81, %broadcast_in_dim3A_84, %dot_general3A_119 : vector<256x256xf32>
    %reduce_max3A = arith.constant dense<0xFF800000> : vector<256xf32>
    %reduce_max3A_124 = vector.multi_reduction <maximumf>, %select_n3A_122, %reduce_max3A [1] : vector<256x256xf32> to vector<256xf32>
    %broadcast_in_dim3A_125 = vector.shape_cast %reduce_max3A_124 : vector<256xf32> to vector<256x1xf32>
    %reduce_max3A_126 = arith.constant dense<0xFF800000> : vector<256xf32>
    %reduce_max3A_127 = vector.multi_reduction <maximumf>, %select_n3A_123, %reduce_max3A_126 [1] : vector<256x256xf32> to vector<256xf32>
    %broadcast_in_dim3A_128 = vector.shape_cast %reduce_max3A_127 : vector<256xf32> to vector<256x1xf32>
    %max3A = arith.maximumf %broadcast_in_dim3A_125, %broadcast_in_dim3A_128 : vector<256x1xf32>
    %sub3A_129 = vector.broadcast %max3A : vector<256x1xf32> to vector<256x256xf32>
    %sub3A_130 = arith.subf %select_n3A_122, %sub3A_129 : vector<256x256xf32>
    %exp3A = math.exp %sub3A_130 : vector<256x256xf32>
    %sub3A_131 = vector.broadcast %max3A : vector<256x1xf32> to vector<256x256xf32>
    %sub3A_132 = arith.subf %select_n3A_123, %sub3A_131 : vector<256x256xf32>
    %exp3A_133 = math.exp %sub3A_132 : vector<256x256xf32>
    %reduce_sum3A_134 = arith.constant dense<0.000000e+00> : vector<256xf32>
    %reduce_sum3A_135 = vector.multi_reduction <add>, %exp3A, %reduce_sum3A_134 [1] : vector<256x256xf32> to vector<256xf32>
    %broadcast_in_dim3A_136 = vector.shape_cast %reduce_sum3A_135 : vector<256xf32> to vector<256x1xf32>
    %reduce_sum3A_137 = arith.constant dense<0.000000e+00> : vector<256xf32>
    %reduce_sum3A_138 = vector.multi_reduction <add>, %exp3A_133, %reduce_sum3A_137 [1] : vector<256x256xf32> to vector<256xf32>
    %broadcast_in_dim3A_139 = vector.shape_cast %reduce_sum3A_138 : vector<256xf32> to vector<256x1xf32>
    %add3A_140 = arith.addf %broadcast_in_dim3A_136, %broadcast_in_dim3A_139 : vector<256x1xf32>
    %dot_general3A_141 = arith.constant dense<0.000000e+00> : vector<256x64xf32>
    %dot_general3A_142 = tpu.matmul %exp3A, %get3A_102, %dot_general3A_141 {dimension_numbers = #tpu.dot_dimension_numbers<[1], [0], [0], [1], [0, 0, 1, 1], [], []>, transpose_lhs_hint = false} : vector<256x256xf32>, vector<256x64xf32>, vector<256x64xf32> -> vector<256x64xf32>
    %dot_general3A_143 = arith.constant dense<0.000000e+00> : vector<256x64xf32>
    %dot_general3A_144 = tpu.matmul %exp3A_133, %select_n3A_115, %dot_general3A_143 {dimension_numbers = #tpu.dot_dimension_numbers<[1], [0], [0], [1], [0, 0, 1, 1], [], []>, transpose_lhs_hint = false} : vector<256x256xf32>, vector<256x64xf32>, vector<256x64xf32> -> vector<256x64xf32>
    %add3A_145 = arith.addf %dot_general3A_142, %dot_general3A_144 : vector<256x64xf32>
    %div3A_146 = vector.broadcast %add3A_140 : vector<256x1xf32> to vector<256x64xf32>
    %div3A_147 = arith.divf %add3A_145, %div3A_146 : vector<256x64xf32>
    %convert_element_type3A_148 = arith.truncf %div3A_147 : vector<256x64xf32> to vector<256x64xbf16>
    %swap3A_149 = arith.constant 0 : index
    %swap3A_150 = arith.constant 0 : index
    %swap3A_151 = vector.load %arg10[%swap3A_149, %swap3A_150] : memref<256x1024xbf16, #tpu.memory_space<vmem>>, vector<256x64xbf16>
    tpu.vector_store %arg10[%swap3A_149, %swap3A_150], %convert_element_type3A_148 {strides = array<i32>} : memref<256x1024xbf16, #tpu.memory_space<vmem>>, vector<256x64xbf16>,
    %get3A_152 = arith.index_cast %select_n3A_41 : i32 to index
    %get3A_153 = arith.constant 0 : index
    %get3A_154 = arith.constant 64 : index
    %get3A_155 = vector.load %arg9[%get3A_152, %get3A_153, %get3A_154] : memref<2x256x3072xf32, #tpu.memory_space<vmem>>, vector<1x256x64xf32>
    %get3A_156 = vector.shape_cast %get3A_155 : vector<1x256x64xf32> to vector<256x64xf32>
    %mul3A_157 = arith.constant 1.250000e-01 : f32
    %mul3A_158 = vector.broadcast %mul3A_157 : f32 to vector<256x64xf32>
    %mul3A_159 = arith.mulf %get3A_156, %mul3A_158 : vector<256x64xf32>
    %get3A_160 = arith.index_cast %select_n3A_41 : i32 to index
    %get3A_161 = arith.constant 0 : index
    %get3A_162 = arith.constant 1088 : index
    %get3A_163 = vector.load %arg9[%get3A_160, %get3A_161, %get3A_162] : memref<2x256x3072xf32, #tpu.memory_space<vmem>>, vector<1x256x64xf32>
    %get3A_164 = vector.shape_cast %get3A_163 : vector<1x256x64xf32> to vector<256x64xf32>
    %get3A_165 = arith.index_cast %select_n3A_41 : i32 to index
    %get3A_166 = arith.constant 0 : index
    %get3A_167 = arith.constant 2112 : index
    %get3A_168 = vector.load %arg9[%get3A_165, %get3A_166, %get3A_167] : memref<2x256x3072xf32, #tpu.memory_space<vmem>>, vector<1x256x64xf32>
    %get3A_169 = vector.shape_cast %get3A_168 : vector<1x256x64xf32> to vector<256x64xf32>
    %get3A_170 = arith.index_cast %sub3A_63 : i32 to index
    %get3A_171 = arith.constant 0 : index
    %get3A_172 = arith.constant 1088 : index
    %get3A_173 = vector.load %arg9[%get3A_170, %get3A_171, %get3A_172] : memref<2x256x3072xf32, #tpu.memory_space<vmem>>, vector<1x256x64xf32>
    %get3A_174 = vector.shape_cast %get3A_173 : vector<1x256x64xf32> to vector<256x64xf32>
    %broadcast_in_dim3A_175 = arith.constant 0.000000e+00 : f32
    %broadcast_in_dim3A_176 = vector.broadcast %broadcast_in_dim3A_175 : f32 to vector<256x64xf32>
    %get3A_177 = arith.index_cast %sub3A_63 : i32 to index
    %get3A_178 = arith.constant 0 : index
    %get3A_179 = arith.constant 2112 : index
    %get3A_180 = vector.load %arg9[%get3A_177, %get3A_178, %get3A_179] : memref<2x256x3072xf32, #tpu.memory_space<vmem>>, vector<1x256x64xf32>
    %get3A_181 = vector.shape_cast %get3A_180 : vector<1x256x64xf32> to vector<256x64xf32>
    %select_n3A_182 = arith.select %eq3A_81, %broadcast_in_dim3A_176, %get3A_181 : vector<256x64xf32>
    %dot_general3A_183 = arith.constant dense<0.000000e+00> : vector<256x256xf32>
    %dot_general3A_184 = tpu.matmul %mul3A_159, %get3A_164, %dot_general3A_183 {dimension_numbers = #tpu.dot_dimension_numbers<[1], [1], [0], [0], [0, 0, 1, 0], [], []>, transpose_lhs_hint = false} : vector<256x64xf32>, vector<256x64xf32>, vector<256x256xf32> -> vector<256x256xf32>
    %dot_general3A_185 = arith.constant dense<0.000000e+00> : vector<256x256xf32>
    %dot_general3A_186 = tpu.matmul %mul3A_159, %get3A_174, %dot_general3A_185 {dimension_numbers = #tpu.dot_dimension_numbers<[1], [1], [0], [0], [0, 0, 1, 0], [], []>, transpose_lhs_hint = false} : vector<256x64xf32>, vector<256x64xf32>, vector<256x256xf32> -> vector<256x256xf32>
    %jit3A_187 = arith.constant -1.000000e+09 : f32
    %broadcast_in_dim3A_188 = vector.broadcast %jit3A_187 : f32 to vector<256x256xf32>
    %select_n3A_189 = arith.select %ge3A, %dot_general3A_184, %broadcast_in_dim3A_188 : vector<256x256xi1>, vector<256x256xf32>
    %select_n3A_190 = arith.select %eq3A_81, %broadcast_in_dim3A_84, %dot_general3A_186 : vector<256x256xf32>
    %reduce_max3A_191 = arith.constant dense<0xFF800000> : vector<256xf32>
    %reduce_max3A_192 = vector.multi_reduction <maximumf>, %select_n3A_189, %reduce_max3A_191 [1] : vector<256x256xf32> to vector<256xf32>
    %broadcast_in_dim3A_193 = vector.shape_cast %reduce_max3A_192 : vector<256xf32> to vector<256x1xf32>
    %reduce_max3A_194 = arith.constant dense<0xFF800000> : vector<256xf32>
    %reduce_max3A_195 = vector.multi_reduction <maximumf>, %select_n3A_190, %reduce_max3A_194 [1] : vector<256x256xf32> to vector<256xf32>
    %broadcast_in_dim3A_196 = vector.shape_cast %reduce_max3A_195 : vector<256xf32> to vector<256x1xf32>
    %max3A_197 = arith.maximumf %broadcast_in_dim3A_193, %broadcast_in_dim3A_196 : vector<256x1xf32>
    %sub3A_198 = vector.broadcast %max3A_197 : vector<256x1xf32> to vector<256x256xf32>
    %sub3A_199 = arith.subf %select_n3A_189, %sub3A_198 : vector<256x256xf32>
    %exp3A_200 = math.exp %sub3A_199 : vector<256x256xf32>
    %sub3A_201 = vector.broadcast %max3A_197 : vector<256x1xf32> to vector<256x256xf32>
    %sub3A_202 = arith.subf %select_n3A_190, %sub3A_201 : vector<256x256xf32>
    %exp3A_203 = math.exp %sub3A_202 : vector<256x256xf32>
    %reduce_sum3A_204 = arith.constant dense<0.000000e+00> : vector<256xf32>
    %reduce_sum3A_205 = vector.multi_reduction <add>, %exp3A_200, %reduce_sum3A_204 [1] : vector<256x256xf32> to vector<256xf32>
    %broadcast_in_dim3A_206 = vector.shape_cast %reduce_sum3A_205 : vector<256xf32> to vector<256x1xf32>
    %reduce_sum3A_207 = arith.constant dense<0.000000e+00> : vector<256xf32>
    %reduce_sum3A_208 = vector.multi_reduction <add>, %exp3A_203, %reduce_sum3A_207 [1] : vector<256x256xf32> to vector<256xf32>
    %broadcast_in_dim3A_209 = vector.shape_cast %reduce_sum3A_208 : vector<256xf32> to vector<256x1xf32>
    %add3A_210 = arith.addf %broadcast_in_dim3A_206, %broadcast_in_dim3A_209 : vector<256x1xf32>
    %dot_general3A_211 = arith.constant dense<0.000000e+00> : vector<256x64xf32>
    %dot_general3A_212 = tpu.matmul %exp3A_200, %get3A_169, %dot_general3A_211 {dimension_numbers = #tpu.dot_dimension_numbers<[1], [0], [0], [1], [0, 0, 1, 1], [], []>, transpose_lhs_hint = false} : vector<256x256xf32>, vector<256x64xf32>, vector<256x64xf32> -> vector<256x64xf32>
    %dot_general3A_213 = arith.constant dense<0.000000e+00> : vector<256x64xf32>
    %dot_general3A_214 = tpu.matmul %exp3A_203, %select_n3A_182, %dot_general3A_213 {dimension_numbers = #tpu.dot_dimension_numbers<[1], [0], [0], [1], [0, 0, 1, 1], [], []>, transpose_lhs_hint = false} : vector<256x256xf32>, vector<256x64xf32>, vector<256x64xf32> -> vector<256x64xf32>
    %add3A_215 = arith.addf %dot_general3A_212, %dot_general3A_214 : vector<256x64xf32>
    %div3A_216 = vector.broadcast %add3A_210 : vector<256x1xf32> to vector<256x64xf32>
    %div3A_217 = arith.divf %add3A_215, %div3A_216 : vector<256x64xf32>
    %convert_element_type3A_218 = arith.truncf %div3A_217 : vector<256x64xf32> to vector<256x64xbf16>
    %swap3A_219 = arith.constant 0 : index
    %swap3A_220 = arith.constant 64 : index
    %swap3A_221 = vector.load %arg10[%swap3A_219, %swap3A_220] : memref<256x1024xbf16, #tpu.memory_space<vmem>>, vector<256x64xbf16>
    tpu.vector_store %arg10[%swap3A_219, %swap3A_220], %convert_element_type3A_218 {strides = array<i32>} : memref<256x1024xbf16, #tpu.memory_space<vmem>>, vector<256x64xbf16>,
    %get3A_222 = arith.index_cast %select_n3A_41 : i32 to index
    %get3A_223 = arith.constant 0 : index
    %get3A_224 = arith.constant 128 : index
    %get3A_225 = vector.load %arg9[%get3A_222, %get3A_223, %get3A_224] : memref<2x256x3072xf32, #tpu.memory_space<vmem>>, vector<1x256x64xf32>
    %get3A_226 = vector.shape_cast %get3A_225 : vector<1x256x64xf32> to vector<256x64xf32>
    %mul3A_227 = arith.constant 1.250000e-01 : f32
    %mul3A_228 = vector.broadcast %mul3A_227 : f32 to vector<256x64xf32>
    %mul3A_229 = arith.mulf %get3A_226, %mul3A_228 : vector<256x64xf32>
    %get3A_230 = arith.index_cast %select_n3A_41 : i32 to index
    %get3A_231 = arith.constant 0 : index
    %get3A_232 = arith.constant 1152 : index
    %get3A_233 = vector.load %arg9[%get3A_230, %get3A_231, %get3A_232] : memref<2x256x3072xf32, #tpu.memory_space<vmem>>, vector<1x256x64xf32>
    %get3A_234 = vector.shape_cast %get3A_233 : vector<1x256x64xf32> to vector<256x64xf32>
    %get3A_235 = arith.index_cast %select_n3A_41 : i32 to index
    %get3A_236 = arith.constant 0 : index
    %get3A_237 = arith.constant 2176 : index
    %get3A_238 = vector.load %arg9[%get3A_235, %get3A_236, %get3A_237] : memref<2x256x3072xf32, #tpu.memory_space<vmem>>, vector<1x256x64xf32>
    %get3A_239 = vector.shape_cast %get3A_238 : vector<1x256x64xf32> to vector<256x64xf32>
    %get3A_240 = arith.index_cast %sub3A_63 : i32 to index
    %get3A_241 = arith.constant 0 : index
    %get3A_242 = arith.constant 1152 : index
    %get3A_243 = vector.load %arg9[%get3A_240, %get3A_241, %get3A_242] : memref<2x256x3072xf32, #tpu.memory_space<vmem>>, vector<1x256x64xf32>
    %get3A_244 = vector.shape_cast %get3A_243 : vector<1x256x64xf32> to vector<256x64xf32>
    %broadcast_in_dim3A_245 = arith.constant 0.000000e+00 : f32
    %broadcast_in_dim3A_246 = vector.broadcast %broadcast_in_dim3A_245 : f32 to vector<256x64xf32>
    %get3A_247 = arith.index_cast %sub3A_63 : i32 to index
    %get3A_248 = arith.constant 0 : index
    %get3A_249 = arith.constant 2176 : index
    %get3A_250 = vector.load %arg9[%get3A_247, %get3A_248, %get3A_249] : memref<2x256x3072xf32, #tpu.memory_space<vmem>>, vector<1x256x64xf32>
    %get3A_251 = vector.shape_cast %get3A_250 : vector<1x256x64xf32> to vector<256x64xf32>
    %select_n3A_252 = arith.select %eq3A_81, %broadcast_in_dim3A_246, %get3A_251 : vector<256x64xf32>
    %dot_general3A_253 = arith.constant dense<0.000000e+00> : vector<256x256xf32>
    %dot_general3A_254 = tpu.matmul %mul3A_229, %get3A_234, %dot_general3A_253 {dimension_numbers = #tpu.dot_dimension_numbers<[1], [1], [0], [0], [0, 0, 1, 0], [], []>, transpose_lhs_hint = false} : vector<256x64xf32>, vector<256x64xf32>, vector<256x256xf32> -> vector<256x256xf32>
    %dot_general3A_255 = arith.constant dense<0.000000e+00> : vector<256x256xf32>
    %dot_general3A_256 = tpu.matmul %mul3A_229, %get3A_244, %dot_general3A_255 {dimension_numbers = #tpu.dot_dimension_numbers<[1], [1], [0], [0], [0, 0, 1, 0], [], []>, transpose_lhs_hint = false} : vector<256x64xf32>, vector<256x64xf32>, vector<256x256xf32> -> vector<256x256xf32>
    %jit3A_257 = arith.constant -1.000000e+09 : f32
    %broadcast_in_dim3A_258 = vector.broadcast %jit3A_257 : f32 to vector<256x256xf32>
    %select_n3A_259 = arith.select %ge3A, %dot_general3A_254, %broadcast_in_dim3A_258 : vector<256x256xi1>, vector<256x256xf32>
    %select_n3A_260 = arith.select %eq3A_81, %broadcast_in_dim3A_84, %dot_general3A_256 : vector<256x256xf32>
    %reduce_max3A_261 = arith.constant dense<0xFF800000> : vector<256xf32>
    %reduce_max3A_262 = vector.multi_reduction <maximumf>, %select_n3A_259, %reduce_max3A_261 [1] : vector<256x256xf32> to vector<256xf32>
    %broadcast_in_dim3A_263 = vector.shape_cast %reduce_max3A_262 : vector<256xf32> to vector<256x1xf32>
    %reduce_max3A_264 = arith.constant dense<0xFF800000> : vector<256xf32>
    %reduce_max3A_265 = vector.multi_reduction <maximumf>, %select_n3A_260, %reduce_max3A_264 [1] : vector<256x256xf32> to vector<256xf32>
    %broadcast_in_dim3A_266 = vector.shape_cast %reduce_max3A_265 : vector<256xf32> to vector<256x1xf32>
    %max3A_267 = arith.maximumf %broadcast_in_dim3A_263, %broadcast_in_dim3A_266 : vector<256x1xf32>
    %sub3A_268 = vector.broadcast %max3A_267 : vector<256x1xf32> to vector<256x256xf32>
    %sub3A_269 = arith.subf %select_n3A_259, %sub3A_268 : vector<256x256xf32>
    %exp3A_270 = math.exp %sub3A_269 : vector<256x256xf32>
    %sub3A_271 = vector.broadcast %max3A_267 : vector<256x1xf32> to vector<256x256xf32>
    %sub3A_272 = arith.subf %select_n3A_260, %sub3A_271 : vector<256x256xf32>
    %exp3A_273 = math.exp %sub3A_272 : vector<256x256xf32>
    %reduce_sum3A_274 = arith.constant dense<0.000000e+00> : vector<256xf32>
    %reduce_sum3A_275 = vector.multi_reduction <add>, %exp3A_270, %reduce_sum3A_274 [1] : vector<256x256xf32> to vector<256xf32>
    %broadcast_in_dim3A_276 = vector.shape_cast %reduce_sum3A_275 : vector<256xf32> to vector<256x1xf32>
    %reduce_sum3A_277 = arith.constant dense<0.000000e+00> : vector<256xf32>
    %reduce_sum3A_278 = vector.multi_reduction <add>, %exp3A_273, %reduce_sum3A_277 [1] : vector<256x256xf32> to vector<256xf32>
    %broadcast_in_dim3A_279 = vector.shape_cast %reduce_sum3A_278 : vector<256xf32> to vector<256x1xf32>
    %add3A_280 = arith.addf %broadcast_in_dim3A_276, %broadcast_in_dim3A_279 : vector<256x1xf32>
    %dot_general3A_281 = arith.constant dense<0.000000e+00> : vector<256x64xf32>
    %dot_general3A_282 = tpu.matmul %exp3A_270, %get3A_239, %dot_general3A_281 {dimension_numbers = #tpu.dot_dimension_numbers<[1], [0], [0], [1], [0, 0, 1, 1], [], []>, transpose_lhs_hint = false} : vector<256x256xf32>, vector<256x64xf32>, vector<256x64xf32> -> vector<256x64xf32>
    %dot_general3A_283 = arith.constant dense<0.000000e+00> : vector<256x64xf32>
    %dot_general3A_284 = tpu.matmul %exp3A_273, %select_n3A_252, %dot_general3A_283 {dimension_numbers = #tpu.dot_dimension_numbers<[1], [0], [0], [1], [0, 0, 1, 1], [], []>, transpose_lhs_hint = false} : vector<256x256xf32>, vector<256x64xf32>, vector<256x64xf32> -> vector<256x64xf32>
    %add3A_285 = arith.addf %dot_general3A_282, %dot_general3A_284 : vector<256x64xf32>
    %div3A_286 = vector.broadcast %add3A_280 : vector<256x1xf32> to vector<256x64xf32>
    %div3A_287 = arith.divf %add3A_285, %div3A_286 : vector<256x64xf32>
    %convert_element_type3A_288 = arith.truncf %div3A_287 : vector<256x64xf32> to vector<256x64xbf16>
    %swap3A_289 = arith.constant 0 : index
    %swap3A_290 = arith.constant 128 : index
    %swap3A_291 = vector.load %arg10[%swap3A_289, %swap3A_290] : memref<256x1024xbf16, #tpu.memory_space<vmem>>, vector<256x64xbf16>
    tpu.vector_store %arg10[%swap3A_289, %swap3A_290], %convert_element_type3A_288 {strides = array<i32>} : memref<256x1024xbf16, #tpu.memory_space<vmem>>, vector<256x64xbf16>,
    %get3A_292 = arith.index_cast %select_n3A_41 : i32 to index
    %get3A_293 = arith.constant 0 : index
    %get3A_294 = arith.constant 192 : index
    %get3A_295 = vector.load %arg9[%get3A_292, %get3A_293, %get3A_294] : memref<2x256x3072xf32, #tpu.memory_space<vmem>>, vector<1x256x64xf32>
    %get3A_296 = vector.shape_cast %get3A_295 : vector<1x256x64xf32> to vector<256x64xf32>
    %mul3A_297 = arith.constant 1.250000e-01 : f32
    %mul3A_298 = vector.broadcast %mul3A_297 : f32 to vector<256x64xf32>
    %mul3A_299 = arith.mulf %get3A_296, %mul3A_298 : vector<256x64xf32>
    %get3A_300 = arith.index_cast %select_n3A_41 : i32 to index
    %get3A_301 = arith.constant 0 : index
    %get3A_302 = arith.constant 1216 : index
    %get3A_303 = vector.load %arg9[%get3A_300, %get3A_301, %get3A_302] : memref<2x256x3072xf32, #tpu.memory_space<vmem>>, vector<1x256x64xf32>
    %get3A_304 = vector.shape_cast %get3A_303 : vector<1x256x64xf32> to vector<256x64xf32>
    %get3A_305 = arith.index_cast %select_n3A_41 : i32 to index
    %get3A_306 = arith.constant 0 : index
    %get3A_307 = arith.constant 2240 : index
    %get3A_308 = vector.load %arg9[%get3A_305, %get3A_306, %get3A_307] : memref<2x256x3072xf32, #tpu.memory_space<vmem>>, vector<1x256x64xf32>
    %get3A_309 = vector.shape_cast %get3A_308 : vector<1x256x64xf32> to vector<256x64xf32>
    %get3A_310 = arith.index_cast %sub3A_63 : i32 to index
    %get3A_311 = arith.constant 0 : index
    %get3A_312 = arith.constant 1216 : index
    %get3A_313 = vector.load %arg9[%get3A_310, %get3A_311, %get3A_312] : memref<2x256x3072xf32, #tpu.memory_space<vmem>>, vector<1x256x64xf32>
    %get3A_314 = vector.shape_cast %get3A_313 : vector<1x256x64xf32> to vector<256x64xf32>
    %broadcast_in_dim3A_315 = arith.constant 0.000000e+00 : f32
    %broadcast_in_dim3A_316 = vector.broadcast %broadcast_in_dim3A_315 : f32 to vector<256x64xf32>
    %get3A_317 = arith.index_cast %sub3A_63 : i32 to index
    %get3A_318 = arith.constant 0 : index
    %get3A_319 = arith.constant 2240 : index
    %get3A_320 = vector.load %arg9[%get3A_317, %get3A_318, %get3A_319] : memref<2x256x3072xf32, #tpu.memory_space<vmem>>, vector<1x256x64xf32>
    %get3A_321 = vector.shape_cast %get3A_320 : vector<1x256x64xf32> to vector<256x64xf32>
    %select_n3A_322 = arith.select %eq3A_81, %broadcast_in_dim3A_316, %get3A_321 : vector<256x64xf32>
    %dot_general3A_323 = arith.constant dense<0.000000e+00> : vector<256x256xf32>
    %dot_general3A_324 = tpu.matmul %mul3A_299, %get3A_304, %dot_general3A_323 {dimension_numbers = #tpu.dot_dimension_numbers<[1], [1], [0], [0], [0, 0, 1, 0], [], []>, transpose_lhs_hint = false} : vector<256x64xf32>, vector<256x64xf32>, vector<256x256xf32> -> vector<256x256xf32>
    %dot_general3A_325 = arith.constant dense<0.000000e+00> : vector<256x256xf32>
    %dot_general3A_326 = tpu.matmul %mul3A_299, %get3A_314, %dot_general3A_325 {dimension_numbers = #tpu.dot_dimension_numbers<[1], [1], [0], [0], [0, 0, 1, 0], [], []>, transpose_lhs_hint = false} : vector<256x64xf32>, vector<256x64xf32>, vector<256x256xf32> -> vector<256x256xf32>
    %jit3A_327 = arith.constant -1.000000e+09 : f32
    %broadcast_in_dim3A_328 = vector.broadcast %jit3A_327 : f32 to vector<256x256xf32>
    %select_n3A_329 = arith.select %ge3A, %dot_general3A_324, %broadcast_in_dim3A_328 : vector<256x256xi1>, vector<256x256xf32>
    %select_n3A_330 = arith.select %eq3A_81, %broadcast_in_dim3A_84, %dot_general3A_326 : vector<256x256xf32>
    %reduce_max3A_331 = arith.constant dense<0xFF800000> : vector<256xf32>
    %reduce_max3A_332 = vector.multi_reduction <maximumf>, %select_n3A_329, %reduce_max3A_331 [1] : vector<256x256xf32> to vector<256xf32>
    %broadcast_in_dim3A_333 = vector.shape_cast %reduce_max3A_332 : vector<256xf32> to vector<256x1xf32>
    %reduce_max3A_334 = arith.constant dense<0xFF800000> : vector<256xf32>
    %reduce_max3A_335 = vector.multi_reduction <maximumf>, %select_n3A_330, %reduce_max3A_334 [1] : vector<256x256xf32> to vector<256xf32>
    %broadcast_in_dim3A_336 = vector.shape_cast %reduce_max3A_335 : vector<256xf32> to vector<256x1xf32>
    %max3A_337 = arith.maximumf %broadcast_in_dim3A_333, %broadcast_in_dim3A_336 : vector<256x1xf32>
    %sub3A_338 = vector.broadcast %max3A_337 : vector<256x1xf32> to vector<256x256xf32>
    %sub3A_339 = arith.subf %select_n3A_329, %sub3A_338 : vector<256x256xf32>
    %exp3A_340 = math.exp %sub3A_339 : vector<256x256xf32>
    %sub3A_341 = vector.broadcast %max3A_337 : vector<256x1xf32> to vector<256x256xf32>
    %sub3A_342 = arith.subf %select_n3A_330, %sub3A_341 : vector<256x256xf32>
    %exp3A_343 = math.exp %sub3A_342 : vector<256x256xf32>
    %reduce_sum3A_344 = arith.constant dense<0.000000e+00> : vector<256xf32>
    %reduce_sum3A_345 = vector.multi_reduction <add>, %exp3A_340, %reduce_sum3A_344 [1] : vector<256x256xf32> to vector<256xf32>
    %broadcast_in_dim3A_346 = vector.shape_cast %reduce_sum3A_345 : vector<256xf32> to vector<256x1xf32>
    %reduce_sum3A_347 = arith.constant dense<0.000000e+00> : vector<256xf32>
    %reduce_sum3A_348 = vector.multi_reduction <add>, %exp3A_343, %reduce_sum3A_347 [1] : vector<256x256xf32> to vector<256xf32>
    %broadcast_in_dim3A_349 = vector.shape_cast %reduce_sum3A_348 : vector<256xf32> to vector<256x1xf32>
    %add3A_350 = arith.addf %broadcast_in_dim3A_346, %broadcast_in_dim3A_349 : vector<256x1xf32>
    %dot_general3A_351 = arith.constant dense<0.000000e+00> : vector<256x64xf32>
    %dot_general3A_352 = tpu.matmul %exp3A_340, %get3A_309, %dot_general3A_351 {dimension_numbers = #tpu.dot_dimension_numbers<[1], [0], [0], [1], [0, 0, 1, 1], [], []>, transpose_lhs_hint = false} : vector<256x256xf32>, vector<256x64xf32>, vector<256x64xf32> -> vector<256x64xf32>
    %dot_general3A_353 = arith.constant dense<0.000000e+00> : vector<256x64xf32>
    %dot_general3A_354 = tpu.matmul %exp3A_343, %select_n3A_322, %dot_general3A_353 {dimension_numbers = #tpu.dot_dimension_numbers<[1], [0], [0], [1], [0, 0, 1, 1], [], []>, transpose_lhs_hint = false} : vector<256x256xf32>, vector<256x64xf32>, vector<256x64xf32> -> vector<256x64xf32>
    %add3A_355 = arith.addf %dot_general3A_352, %dot_general3A_354 : vector<256x64xf32>
    %div3A_356 = vector.broadcast %add3A_350 : vector<256x1xf32> to vector<256x64xf32>
    %div3A_357 = arith.divf %add3A_355, %div3A_356 : vector<256x64xf32>
    %convert_element_type3A_358 = arith.truncf %div3A_357 : vector<256x64xf32> to vector<256x64xbf16>
    %swap3A_359 = arith.constant 0 : index
    %swap3A_360 = arith.constant 192 : index
    %swap3A_361 = vector.load %arg10[%swap3A_359, %swap3A_360] : memref<256x1024xbf16, #tpu.memory_space<vmem>>, vector<256x64xbf16>
    tpu.vector_store %arg10[%swap3A_359, %swap3A_360], %convert_element_type3A_358 {strides = array<i32>} : memref<256x1024xbf16, #tpu.memory_space<vmem>>, vector<256x64xbf16>,
    %get3A_362 = arith.index_cast %select_n3A_41 : i32 to index
    %get3A_363 = arith.constant 0 : index
    %get3A_364 = arith.constant 256 : index
    %get3A_365 = vector.load %arg9[%get3A_362, %get3A_363, %get3A_364] : memref<2x256x3072xf32, #tpu.memory_space<vmem>>, vector<1x256x64xf32>
    %get3A_366 = vector.shape_cast %get3A_365 : vector<1x256x64xf32> to vector<256x64xf32>
    %mul3A_367 = arith.constant 1.250000e-01 : f32
    %mul3A_368 = vector.broadcast %mul3A_367 : f32 to vector<256x64xf32>
    %mul3A_369 = arith.mulf %get3A_366, %mul3A_368 : vector<256x64xf32>
    %get3A_370 = arith.index_cast %select_n3A_41 : i32 to index
    %get3A_371 = arith.constant 0 : index
    %get3A_372 = arith.constant 1280 : index
    %get3A_373 = vector.load %arg9[%get3A_370, %get3A_371, %get3A_372] : memref<2x256x3072xf32, #tpu.memory_space<vmem>>, vector<1x256x64xf32>
    %get3A_374 = vector.shape_cast %get3A_373 : vector<1x256x64xf32> to vector<256x64xf32>
    %get3A_375 = arith.index_cast %select_n3A_41 : i32 to index
    %get3A_376 = arith.constant 0 : index
    %get3A_377 = arith.constant 2304 : index
    %get3A_378 = vector.load %arg9[%get3A_375, %get3A_376, %get3A_377] : memref<2x256x3072xf32, #tpu.memory_space<vmem>>, vector<1x256x64xf32>
    %get3A_379 = vector.shape_cast %get3A_378 : vector<1x256x64xf32> to vector<256x64xf32>
    %get3A_380 = arith.index_cast %sub3A_63 : i32 to index
    %get3A_381 = arith.constant 0 : index
    %get3A_382 = arith.constant 1280 : index
    %get3A_383 = vector.load %arg9[%get3A_380, %get3A_381, %get3A_382] : memref<2x256x3072xf32, #tpu.memory_space<vmem>>, vector<1x256x64xf32>
    %get3A_384 = vector.shape_cast %get3A_383 : vector<1x256x64xf32> to vector<256x64xf32>
    %broadcast_in_dim3A_385 = arith.constant 0.000000e+00 : f32
    %broadcast_in_dim3A_386 = vector.broadcast %broadcast_in_dim3A_385 : f32 to vector<256x64xf32>
    %get3A_387 = arith.index_cast %sub3A_63 : i32 to index
    %get3A_388 = arith.constant 0 : index
    %get3A_389 = arith.constant 2304 : index
    %get3A_390 = vector.load %arg9[%get3A_387, %get3A_388, %get3A_389] : memref<2x256x3072xf32, #tpu.memory_space<vmem>>, vector<1x256x64xf32>
    %get3A_391 = vector.shape_cast %get3A_390 : vector<1x256x64xf32> to vector<256x64xf32>
    %select_n3A_392 = arith.select %eq3A_81, %broadcast_in_dim3A_386, %get3A_391 : vector<256x64xf32>
    %dot_general3A_393 = arith.constant dense<0.000000e+00> : vector<256x256xf32>
    %dot_general3A_394 = tpu.matmul %mul3A_369, %get3A_374, %dot_general3A_393 {dimension_numbers = #tpu.dot_dimension_numbers<[1], [1], [0], [0], [0, 0, 1, 0], [], []>, transpose_lhs_hint = false} : vector<256x64xf32>, vector<256x64xf32>, vector<256x256xf32> -> vector<256x256xf32>
    %dot_general3A_395 = arith.constant dense<0.000000e+00> : vector<256x256xf32>
    %dot_general3A_396 = tpu.matmul %mul3A_369, %get3A_384, %dot_general3A_395 {dimension_numbers = #tpu.dot_dimension_numbers<[1], [1], [0], [0], [0, 0, 1, 0], [], []>, transpose_lhs_hint = false} : vector<256x64xf32>, vector<256x64xf32>, vector<256x256xf32> -> vector<256x256xf32>
    %jit3A_397 = arith.constant -1.000000e+09 : f32
    %broadcast_in_dim3A_398 = vector.broadcast %jit3A_397 : f32 to vector<256x256xf32>
    %select_n3A_399 = arith.select %ge3A, %dot_general3A_394, %broadcast_in_dim3A_398 : vector<256x256xi1>, vector<256x256xf32>
    %select_n3A_400 = arith.select %eq3A_81, %broadcast_in_dim3A_84, %dot_general3A_396 : vector<256x256xf32>
    %reduce_max3A_401 = arith.constant dense<0xFF800000> : vector<256xf32>
    %reduce_max3A_402 = vector.multi_reduction <maximumf>, %select_n3A_399, %reduce_max3A_401 [1] : vector<256x256xf32> to vector<256xf32>
    %broadcast_in_dim3A_403 = vector.shape_cast %reduce_max3A_402 : vector<256xf32> to vector<256x1xf32>
    %reduce_max3A_404 = arith.constant dense<0xFF800000> : vector<256xf32>
    %reduce_max3A_405 = vector.multi_reduction <maximumf>, %select_n3A_400, %reduce_max3A_404 [1] : vector<256x256xf32> to vector<256xf32>
    %broadcast_in_dim3A_406 = vector.shape_cast %reduce_max3A_405 : vector<256xf32> to vector<256x1xf32>
    %max3A_407 = arith.maximumf %broadcast_in_dim3A_403, %broadcast_in_dim3A_406 : vector<256x1xf32>
    %sub3A_408 = vector.broadcast %max3A_407 : vector<256x1xf32> to vector<256x256xf32>
    %sub3A_409 = arith.subf %select_n3A_399, %sub3A_408 : vector<256x256xf32>
    %exp3A_410 = math.exp %sub3A_409 : vector<256x256xf32>
    %sub3A_411 = vector.broadcast %max3A_407 : vector<256x1xf32> to vector<256x256xf32>
    %sub3A_412 = arith.subf %select_n3A_400, %sub3A_411 : vector<256x256xf32>
    %exp3A_413 = math.exp %sub3A_412 : vector<256x256xf32>
    %reduce_sum3A_414 = arith.constant dense<0.000000e+00> : vector<256xf32>
    %reduce_sum3A_415 = vector.multi_reduction <add>, %exp3A_410, %reduce_sum3A_414 [1] : vector<256x256xf32> to vector<256xf32>
    %broadcast_in_dim3A_416 = vector.shape_cast %reduce_sum3A_415 : vector<256xf32> to vector<256x1xf32>
    %reduce_sum3A_417 = arith.constant dense<0.000000e+00> : vector<256xf32>
    %reduce_sum3A_418 = vector.multi_reduction <add>, %exp3A_413, %reduce_sum3A_417 [1] : vector<256x256xf32> to vector<256xf32>
    %broadcast_in_dim3A_419 = vector.shape_cast %reduce_sum3A_418 : vector<256xf32> to vector<256x1xf32>
    %add3A_420 = arith.addf %broadcast_in_dim3A_416, %broadcast_in_dim3A_419 : vector<256x1xf32>
    %dot_general3A_421 = arith.constant dense<0.000000e+00> : vector<256x64xf32>
    %dot_general3A_422 = tpu.matmul %exp3A_410, %get3A_379, %dot_general3A_421 {dimension_numbers = #tpu.dot_dimension_numbers<[1], [0], [0], [1], [0, 0, 1, 1], [], []>, transpose_lhs_hint = false} : vector<256x256xf32>, vector<256x64xf32>, vector<256x64xf32> -> vector<256x64xf32>
    %dot_general3A_423 = arith.constant dense<0.000000e+00> : vector<256x64xf32>
    %dot_general3A_424 = tpu.matmul %exp3A_413, %select_n3A_392, %dot_general3A_423 {dimension_numbers = #tpu.dot_dimension_numbers<[1], [0], [0], [1], [0, 0, 1, 1], [], []>, transpose_lhs_hint = false} : vector<256x256xf32>, vector<256x64xf32>, vector<256x64xf32> -> vector<256x64xf32>
    %add3A_425 = arith.addf %dot_general3A_422, %dot_general3A_424 : vector<256x64xf32>
    %div3A_426 = vector.broadcast %add3A_420 : vector<256x1xf32> to vector<256x64xf32>
    %div3A_427 = arith.divf %add3A_425, %div3A_426 : vector<256x64xf32>
    %convert_element_type3A_428 = arith.truncf %div3A_427 : vector<256x64xf32> to vector<256x64xbf16>
    %swap3A_429 = arith.constant 0 : index
    %swap3A_430 = arith.constant 256 : index
    %swap3A_431 = vector.load %arg10[%swap3A_429, %swap3A_430] : memref<256x1024xbf16, #tpu.memory_space<vmem>>, vector<256x64xbf16>
    tpu.vector_store %arg10[%swap3A_429, %swap3A_430], %convert_element_type3A_428 {strides = array<i32>} : memref<256x1024xbf16, #tpu.memory_space<vmem>>, vector<256x64xbf16>,
    %get3A_432 = arith.index_cast %select_n3A_41 : i32 to index
    %get3A_433 = arith.constant 0 : index
    %get3A_434 = arith.constant 320 : index
    %get3A_435 = vector.load %arg9[%get3A_432, %get3A_433, %get3A_434] : memref<2x256x3072xf32, #tpu.memory_space<vmem>>, vector<1x256x64xf32>
    %get3A_436 = vector.shape_cast %get3A_435 : vector<1x256x64xf32> to vector<256x64xf32>
    %mul3A_437 = arith.constant 1.250000e-01 : f32
    %mul3A_438 = vector.broadcast %mul3A_437 : f32 to vector<256x64xf32>
    %mul3A_439 = arith.mulf %get3A_436, %mul3A_438 : vector<256x64xf32>
    %get3A_440 = arith.index_cast %select_n3A_41 : i32 to index
    %get3A_441 = arith.constant 0 : index
    %get3A_442 = arith.constant 1344 : index
    %get3A_443 = vector.load %arg9[%get3A_440, %get3A_441, %get3A_442] : memref<2x256x3072xf32, #tpu.memory_space<vmem>>, vector<1x256x64xf32>
    %get3A_444 = vector.shape_cast %get3A_443 : vector<1x256x64xf32> to vector<256x64xf32>
    %get3A_445 = arith.index_cast %select_n3A_41 : i32 to index
    %get3A_446 = arith.constant 0 : index
    %get3A_447 = arith.constant 2368 : index
    %get3A_448 = vector.load %arg9[%get3A_445, %get3A_446, %get3A_447] : memref<2x256x3072xf32, #tpu.memory_space<vmem>>, vector<1x256x64xf32>
    %get3A_449 = vector.shape_cast %get3A_448 : vector<1x256x64xf32> to vector<256x64xf32>
    %get3A_450 = arith.index_cast %sub3A_63 : i32 to index
    %get3A_451 = arith.constant 0 : index
    %get3A_452 = arith.constant 1344 : index
    %get3A_453 = vector.load %arg9[%get3A_450, %get3A_451, %get3A_452] : memref<2x256x3072xf32, #tpu.memory_space<vmem>>, vector<1x256x64xf32>
    %get3A_454 = vector.shape_cast %get3A_453 : vector<1x256x64xf32> to vector<256x64xf32>
    %broadcast_in_dim3A_455 = arith.constant 0.000000e+00 : f32
    %broadcast_in_dim3A_456 = vector.broadcast %broadcast_in_dim3A_455 : f32 to vector<256x64xf32>
    %get3A_457 = arith.index_cast %sub3A_63 : i32 to index
    %get3A_458 = arith.constant 0 : index
    %get3A_459 = arith.constant 2368 : index
    %get3A_460 = vector.load %arg9[%get3A_457, %get3A_458, %get3A_459] : memref<2x256x3072xf32, #tpu.memory_space<vmem>>, vector<1x256x64xf32>
    %get3A_461 = vector.shape_cast %get3A_460 : vector<1x256x64xf32> to vector<256x64xf32>
    %select_n3A_462 = arith.select %eq3A_81, %broadcast_in_dim3A_456, %get3A_461 : vector<256x64xf32>
    %dot_general3A_463 = arith.constant dense<0.000000e+00> : vector<256x256xf32>
    %dot_general3A_464 = tpu.matmul %mul3A_439, %get3A_444, %dot_general3A_463 {dimension_numbers = #tpu.dot_dimension_numbers<[1], [1], [0], [0], [0, 0, 1, 0], [], []>, transpose_lhs_hint = false} : vector<256x64xf32>, vector<256x64xf32>, vector<256x256xf32> -> vector<256x256xf32>
    %dot_general3A_465 = arith.constant dense<0.000000e+00> : vector<256x256xf32>
    %dot_general3A_466 = tpu.matmul %mul3A_439, %get3A_454, %dot_general3A_465 {dimension_numbers = #tpu.dot_dimension_numbers<[1], [1], [0], [0], [0, 0, 1, 0], [], []>, transpose_lhs_hint = false} : vector<256x64xf32>, vector<256x64xf32>, vector<256x256xf32> -> vector<256x256xf32>
    %jit3A_467 = arith.constant -1.000000e+09 : f32
    %broadcast_in_dim3A_468 = vector.broadcast %jit3A_467 : f32 to vector<256x256xf32>
    %select_n3A_469 = arith.select %ge3A, %dot_general3A_464, %broadcast_in_dim3A_468 : vector<256x256xi1>, vector<256x256xf32>
    %select_n3A_470 = arith.select %eq3A_81, %broadcast_in_dim3A_84, %dot_general3A_466 : vector<256x256xf32>
    %reduce_max3A_471 = arith.constant dense<0xFF800000> : vector<256xf32>
    %reduce_max3A_472 = vector.multi_reduction <maximumf>, %select_n3A_469, %reduce_max3A_471 [1] : vector<256x256xf32> to vector<256xf32>
    %broadcast_in_dim3A_473 = vector.shape_cast %reduce_max3A_472 : vector<256xf32> to vector<256x1xf32>
    %reduce_max3A_474 = arith.constant dense<0xFF800000> : vector<256xf32>
    %reduce_max3A_475 = vector.multi_reduction <maximumf>, %select_n3A_470, %reduce_max3A_474 [1] : vector<256x256xf32> to vector<256xf32>
    %broadcast_in_dim3A_476 = vector.shape_cast %reduce_max3A_475 : vector<256xf32> to vector<256x1xf32>
    %max3A_477 = arith.maximumf %broadcast_in_dim3A_473, %broadcast_in_dim3A_476 : vector<256x1xf32>
    %sub3A_478 = vector.broadcast %max3A_477 : vector<256x1xf32> to vector<256x256xf32>
    %sub3A_479 = arith.subf %select_n3A_469, %sub3A_478 : vector<256x256xf32>
    %exp3A_480 = math.exp %sub3A_479 : vector<256x256xf32>
    %sub3A_481 = vector.broadcast %max3A_477 : vector<256x1xf32> to vector<256x256xf32>
    %sub3A_482 = arith.subf %select_n3A_470, %sub3A_481 : vector<256x256xf32>
    %exp3A_483 = math.exp %sub3A_482 : vector<256x256xf32>
    %reduce_sum3A_484 = arith.constant dense<0.000000e+00> : vector<256xf32>
    %reduce_sum3A_485 = vector.multi_reduction <add>, %exp3A_480, %reduce_sum3A_484 [1] : vector<256x256xf32> to vector<256xf32>
    %broadcast_in_dim3A_486 = vector.shape_cast %reduce_sum3A_485 : vector<256xf32> to vector<256x1xf32>
    %reduce_sum3A_487 = arith.constant dense<0.000000e+00> : vector<256xf32>
    %reduce_sum3A_488 = vector.multi_reduction <add>, %exp3A_483, %reduce_sum3A_487 [1] : vector<256x256xf32> to vector<256xf32>
    %broadcast_in_dim3A_489 = vector.shape_cast %reduce_sum3A_488 : vector<256xf32> to vector<256x1xf32>
    %add3A_490 = arith.addf %broadcast_in_dim3A_486, %broadcast_in_dim3A_489 : vector<256x1xf32>
    %dot_general3A_491 = arith.constant dense<0.000000e+00> : vector<256x64xf32>
    %dot_general3A_492 = tpu.matmul %exp3A_480, %get3A_449, %dot_general3A_491 {dimension_numbers = #tpu.dot_dimension_numbers<[1], [0], [0], [1], [0, 0, 1, 1], [], []>, transpose_lhs_hint = false} : vector<256x256xf32>, vector<256x64xf32>, vector<256x64xf32> -> vector<256x64xf32>
    %dot_general3A_493 = arith.constant dense<0.000000e+00> : vector<256x64xf32>
    %dot_general3A_494 = tpu.matmul %exp3A_483, %select_n3A_462, %dot_general3A_493 {dimension_numbers = #tpu.dot_dimension_numbers<[1], [0], [0], [1], [0, 0, 1, 1], [], []>, transpose_lhs_hint = false} : vector<256x256xf32>, vector<256x64xf32>, vector<256x64xf32> -> vector<256x64xf32>
    %add3A_495 = arith.addf %dot_general3A_492, %dot_general3A_494 : vector<256x64xf32>
    %div3A_496 = vector.broadcast %add3A_490 : vector<256x1xf32> to vector<256x64xf32>
    %div3A_497 = arith.divf %add3A_495, %div3A_496 : vector<256x64xf32>
    %convert_element_type3A_498 = arith.truncf %div3A_497 : vector<256x64xf32> to vector<256x64xbf16>
    %swap3A_499 = arith.constant 0 : index
    %swap3A_500 = arith.constant 320 : index
    %swap3A_501 = vector.load %arg10[%swap3A_499, %swap3A_500] : memref<256x1024xbf16, #tpu.memory_space<vmem>>, vector<256x64xbf16>
    tpu.vector_store %arg10[%swap3A_499, %swap3A_500], %convert_element_type3A_498 {strides = array<i32>} : memref<256x1024xbf16, #tpu.memory_space<vmem>>, vector<256x64xbf16>,
    %get3A_502 = arith.index_cast %select_n3A_41 : i32 to index
    %get3A_503 = arith.constant 0 : index
    %get3A_504 = arith.constant 384 : index
    %get3A_505 = vector.load %arg9[%get3A_502, %get3A_503, %get3A_504] : memref<2x256x3072xf32, #tpu.memory_space<vmem>>, vector<1x256x64xf32>
    %get3A_506 = vector.shape_cast %get3A_505 : vector<1x256x64xf32> to vector<256x64xf32>
    %mul3A_507 = arith.constant 1.250000e-01 : f32
    %mul3A_508 = vector.broadcast %mul3A_507 : f32 to vector<256x64xf32>
    %mul3A_509 = arith.mulf %get3A_506, %mul3A_508 : vector<256x64xf32>
    %get3A_510 = arith.index_cast %select_n3A_41 : i32 to index
    %get3A_511 = arith.constant 0 : index
    %get3A_512 = arith.constant 1408 : index
    %get3A_513 = vector.load %arg9[%get3A_510, %get3A_511, %get3A_512] : memref<2x256x3072xf32, #tpu.memory_space<vmem>>, vector<1x256x64xf32>
    %get3A_514 = vector.shape_cast %get3A_513 : vector<1x256x64xf32> to vector<256x64xf32>
    %get3A_515 = arith.index_cast %select_n3A_41 : i32 to index
    %get3A_516 = arith.constant 0 : index
    %get3A_517 = arith.constant 2432 : index
    %get3A_518 = vector.load %arg9[%get3A_515, %get3A_516, %get3A_517] : memref<2x256x3072xf32, #tpu.memory_space<vmem>>, vector<1x256x64xf32>
    %get3A_519 = vector.shape_cast %get3A_518 : vector<1x256x64xf32> to vector<256x64xf32>
    %get3A_520 = arith.index_cast %sub3A_63 : i32 to index
    %get3A_521 = arith.constant 0 : index
    %get3A_522 = arith.constant 1408 : index
    %get3A_523 = vector.load %arg9[%get3A_520, %get3A_521, %get3A_522] : memref<2x256x3072xf32, #tpu.memory_space<vmem>>, vector<1x256x64xf32>
    %get3A_524 = vector.shape_cast %get3A_523 : vector<1x256x64xf32> to vector<256x64xf32>
    %broadcast_in_dim3A_525 = arith.constant 0.000000e+00 : f32
    %broadcast_in_dim3A_526 = vector.broadcast %broadcast_in_dim3A_525 : f32 to vector<256x64xf32>
    %get3A_527 = arith.index_cast %sub3A_63 : i32 to index
    %get3A_528 = arith.constant 0 : index
    %get3A_529 = arith.constant 2432 : index
    %get3A_530 = vector.load %arg9[%get3A_527, %get3A_528, %get3A_529] : memref<2x256x3072xf32, #tpu.memory_space<vmem>>, vector<1x256x64xf32>
    %get3A_531 = vector.shape_cast %get3A_530 : vector<1x256x64xf32> to vector<256x64xf32>
    %select_n3A_532 = arith.select %eq3A_81, %broadcast_in_dim3A_526, %get3A_531 : vector<256x64xf32>
    %dot_general3A_533 = arith.constant dense<0.000000e+00> : vector<256x256xf32>
    %dot_general3A_534 = tpu.matmul %mul3A_509, %get3A_514, %dot_general3A_533 {dimension_numbers = #tpu.dot_dimension_numbers<[1], [1], [0], [0], [0, 0, 1, 0], [], []>, transpose_lhs_hint = false} : vector<256x64xf32>, vector<256x64xf32>, vector<256x256xf32> -> vector<256x256xf32>
    %dot_general3A_535 = arith.constant dense<0.000000e+00> : vector<256x256xf32>
    %dot_general3A_536 = tpu.matmul %mul3A_509, %get3A_524, %dot_general3A_535 {dimension_numbers = #tpu.dot_dimension_numbers<[1], [1], [0], [0], [0, 0, 1, 0], [], []>, transpose_lhs_hint = false} : vector<256x64xf32>, vector<256x64xf32>, vector<256x256xf32> -> vector<256x256xf32>
    %jit3A_537 = arith.constant -1.000000e+09 : f32
    %broadcast_in_dim3A_538 = vector.broadcast %jit3A_537 : f32 to vector<256x256xf32>
    %select_n3A_539 = arith.select %ge3A, %dot_general3A_534, %broadcast_in_dim3A_538 : vector<256x256xi1>, vector<256x256xf32>
    %select_n3A_540 = arith.select %eq3A_81, %broadcast_in_dim3A_84, %dot_general3A_536 : vector<256x256xf32>
    %reduce_max3A_541 = arith.constant dense<0xFF800000> : vector<256xf32>
    %reduce_max3A_542 = vector.multi_reduction <maximumf>, %select_n3A_539, %reduce_max3A_541 [1] : vector<256x256xf32> to vector<256xf32>
    %broadcast_in_dim3A_543 = vector.shape_cast %reduce_max3A_542 : vector<256xf32> to vector<256x1xf32>
    %reduce_max3A_544 = arith.constant dense<0xFF800000> : vector<256xf32>
    %reduce_max3A_545 = vector.multi_reduction <maximumf>, %select_n3A_540, %reduce_max3A_544 [1] : vector<256x256xf32> to vector<256xf32>
    %broadcast_in_dim3A_546 = vector.shape_cast %reduce_max3A_545 : vector<256xf32> to vector<256x1xf32>
    %max3A_547 = arith.maximumf %broadcast_in_dim3A_543, %broadcast_in_dim3A_546 : vector<256x1xf32>
    %sub3A_548 = vector.broadcast %max3A_547 : vector<256x1xf32> to vector<256x256xf32>
    %sub3A_549 = arith.subf %select_n3A_539, %sub3A_548 : vector<256x256xf32>
    %exp3A_550 = math.exp %sub3A_549 : vector<256x256xf32>
    %sub3A_551 = vector.broadcast %max3A_547 : vector<256x1xf32> to vector<256x256xf32>
    %sub3A_552 = arith.subf %select_n3A_540, %sub3A_551 : vector<256x256xf32>
    %exp3A_553 = math.exp %sub3A_552 : vector<256x256xf32>
    %reduce_sum3A_554 = arith.constant dense<0.000000e+00> : vector<256xf32>
    %reduce_sum3A_555 = vector.multi_reduction <add>, %exp3A_550, %reduce_sum3A_554 [1] : vector<256x256xf32> to vector<256xf32>
    %broadcast_in_dim3A_556 = vector.shape_cast %reduce_sum3A_555 : vector<256xf32> to vector<256x1xf32>
    %reduce_sum3A_557 = arith.constant dense<0.000000e+00> : vector<256xf32>
    %reduce_sum3A_558 = vector.multi_reduction <add>, %exp3A_553, %reduce_sum3A_557 [1] : vector<256x256xf32> to vector<256xf32>
    %broadcast_in_dim3A_559 = vector.shape_cast %reduce_sum3A_558 : vector<256xf32> to vector<256x1xf32>
    %add3A_560 = arith.addf %broadcast_in_dim3A_556, %broadcast_in_dim3A_559 : vector<256x1xf32>
    %dot_general3A_561 = arith.constant dense<0.000000e+00> : vector<256x64xf32>
    %dot_general3A_562 = tpu.matmul %exp3A_550, %get3A_519, %dot_general3A_561 {dimension_numbers = #tpu.dot_dimension_numbers<[1], [0], [0], [1], [0, 0, 1, 1], [], []>, transpose_lhs_hint = false} : vector<256x256xf32>, vector<256x64xf32>, vector<256x64xf32> -> vector<256x64xf32>
    %dot_general3A_563 = arith.constant dense<0.000000e+00> : vector<256x64xf32>
    %dot_general3A_564 = tpu.matmul %exp3A_553, %select_n3A_532, %dot_general3A_563 {dimension_numbers = #tpu.dot_dimension_numbers<[1], [0], [0], [1], [0, 0, 1, 1], [], []>, transpose_lhs_hint = false} : vector<256x256xf32>, vector<256x64xf32>, vector<256x64xf32> -> vector<256x64xf32>
    %add3A_565 = arith.addf %dot_general3A_562, %dot_general3A_564 : vector<256x64xf32>
    %div3A_566 = vector.broadcast %add3A_560 : vector<256x1xf32> to vector<256x64xf32>
    %div3A_567 = arith.divf %add3A_565, %div3A_566 : vector<256x64xf32>
    %convert_element_type3A_568 = arith.truncf %div3A_567 : vector<256x64xf32> to vector<256x64xbf16>
    %swap3A_569 = arith.constant 0 : index
    %swap3A_570 = arith.constant 384 : index
    %swap3A_571 = vector.load %arg10[%swap3A_569, %swap3A_570] : memref<256x1024xbf16, #tpu.memory_space<vmem>>, vector<256x64xbf16>
    tpu.vector_store %arg10[%swap3A_569, %swap3A_570], %convert_element_type3A_568 {strides = array<i32>} : memref<256x1024xbf16, #tpu.memory_space<vmem>>, vector<256x64xbf16>,
    %get3A_572 = arith.index_cast %select_n3A_41 : i32 to index
    %get3A_573 = arith.constant 0 : index
    %get3A_574 = arith.constant 448 : index
    %get3A_575 = vector.load %arg9[%get3A_572, %get3A_573, %get3A_574] : memref<2x256x3072xf32, #tpu.memory_space<vmem>>, vector<1x256x64xf32>
    %get3A_576 = vector.shape_cast %get3A_575 : vector<1x256x64xf32> to vector<256x64xf32>
    %mul3A_577 = arith.constant 1.250000e-01 : f32
    %mul3A_578 = vector.broadcast %mul3A_577 : f32 to vector<256x64xf32>
    %mul3A_579 = arith.mulf %get3A_576, %mul3A_578 : vector<256x64xf32>
    %get3A_580 = arith.index_cast %select_n3A_41 : i32 to index
    %get3A_581 = arith.constant 0 : index
    %get3A_582 = arith.constant 1472 : index
    %get3A_583 = vector.load %arg9[%get3A_580, %get3A_581, %get3A_582] : memref<2x256x3072xf32, #tpu.memory_space<vmem>>, vector<1x256x64xf32>
    %get3A_584 = vector.shape_cast %get3A_583 : vector<1x256x64xf32> to vector<256x64xf32>
    %get3A_585 = arith.index_cast %select_n3A_41 : i32 to index
    %get3A_586 = arith.constant 0 : index
    %get3A_587 = arith.constant 2496 : index
    %get3A_588 = vector.load %arg9[%get3A_585, %get3A_586, %get3A_587] : memref<2x256x3072xf32, #tpu.memory_space<vmem>>, vector<1x256x64xf32>
    %get3A_589 = vector.shape_cast %get3A_588 : vector<1x256x64xf32> to vector<256x64xf32>
    %get3A_590 = arith.index_cast %sub3A_63 : i32 to index
    %get3A_591 = arith.constant 0 : index
    %get3A_592 = arith.constant 1472 : index
    %get3A_593 = vector.load %arg9[%get3A_590, %get3A_591, %get3A_592] : memref<2x256x3072xf32, #tpu.memory_space<vmem>>, vector<1x256x64xf32>
    %get3A_594 = vector.shape_cast %get3A_593 : vector<1x256x64xf32> to vector<256x64xf32>
    %broadcast_in_dim3A_595 = arith.constant 0.000000e+00 : f32
    %broadcast_in_dim3A_596 = vector.broadcast %broadcast_in_dim3A_595 : f32 to vector<256x64xf32>
    %get3A_597 = arith.index_cast %sub3A_63 : i32 to index
    %get3A_598 = arith.constant 0 : index
    %get3A_599 = arith.constant 2496 : index
    %get3A_600 = vector.load %arg9[%get3A_597, %get3A_598, %get3A_599] : memref<2x256x3072xf32, #tpu.memory_space<vmem>>, vector<1x256x64xf32>
    %get3A_601 = vector.shape_cast %get3A_600 : vector<1x256x64xf32> to vector<256x64xf32>
    %select_n3A_602 = arith.select %eq3A_81, %broadcast_in_dim3A_596, %get3A_601 : vector<256x64xf32>
    %dot_general3A_603 = arith.constant dense<0.000000e+00> : vector<256x256xf32>
    %dot_general3A_604 = tpu.matmul %mul3A_579, %get3A_584, %dot_general3A_603 {dimension_numbers = #tpu.dot_dimension_numbers<[1], [1], [0], [0], [0, 0, 1, 0], [], []>, transpose_lhs_hint = false} : vector<256x64xf32>, vector<256x64xf32>, vector<256x256xf32> -> vector<256x256xf32>
    %dot_general3A_605 = arith.constant dense<0.000000e+00> : vector<256x256xf32>
    %dot_general3A_606 = tpu.matmul %mul3A_579, %get3A_594, %dot_general3A_605 {dimension_numbers = #tpu.dot_dimension_numbers<[1], [1], [0], [0], [0, 0, 1, 0], [], []>, transpose_lhs_hint = false} : vector<256x64xf32>, vector<256x64xf32>, vector<256x256xf32> -> vector<256x256xf32>
    %jit3A_607 = arith.constant -1.000000e+09 : f32
    %broadcast_in_dim3A_608 = vector.broadcast %jit3A_607 : f32 to vector<256x256xf32>
    %select_n3A_609 = arith.select %ge3A, %dot_general3A_604, %broadcast_in_dim3A_608 : vector<256x256xi1>, vector<256x256xf32>
    %select_n3A_610 = arith.select %eq3A_81, %broadcast_in_dim3A_84, %dot_general3A_606 : vector<256x256xf32>
    %reduce_max3A_611 = arith.constant dense<0xFF800000> : vector<256xf32>
    %reduce_max3A_612 = vector.multi_reduction <maximumf>, %select_n3A_609, %reduce_max3A_611 [1] : vector<256x256xf32> to vector<256xf32>
    %broadcast_in_dim3A_613 = vector.shape_cast %reduce_max3A_612 : vector<256xf32> to vector<256x1xf32>
    %reduce_max3A_614 = arith.constant dense<0xFF800000> : vector<256xf32>
    %reduce_max3A_615 = vector.multi_reduction <maximumf>, %select_n3A_610, %reduce_max3A_614 [1] : vector<256x256xf32> to vector<256xf32>
    %broadcast_in_dim3A_616 = vector.shape_cast %reduce_max3A_615 : vector<256xf32> to vector<256x1xf32>
    %max3A_617 = arith.maximumf %broadcast_in_dim3A_613, %broadcast_in_dim3A_616 : vector<256x1xf32>
    %sub3A_618 = vector.broadcast %max3A_617 : vector<256x1xf32> to vector<256x256xf32>
    %sub3A_619 = arith.subf %select_n3A_609, %sub3A_618 : vector<256x256xf32>
    %exp3A_620 = math.exp %sub3A_619 : vector<256x256xf32>
    %sub3A_621 = vector.broadcast %max3A_617 : vector<256x1xf32> to vector<256x256xf32>
    %sub3A_622 = arith.subf %select_n3A_610, %sub3A_621 : vector<256x256xf32>
    %exp3A_623 = math.exp %sub3A_622 : vector<256x256xf32>
    %reduce_sum3A_624 = arith.constant dense<0.000000e+00> : vector<256xf32>
    %reduce_sum3A_625 = vector.multi_reduction <add>, %exp3A_620, %reduce_sum3A_624 [1] : vector<256x256xf32> to vector<256xf32>
    %broadcast_in_dim3A_626 = vector.shape_cast %reduce_sum3A_625 : vector<256xf32> to vector<256x1xf32>
    %reduce_sum3A_627 = arith.constant dense<0.000000e+00> : vector<256xf32>
    %reduce_sum3A_628 = vector.multi_reduction <add>, %exp3A_623, %reduce_sum3A_627 [1] : vector<256x256xf32> to vector<256xf32>
    %broadcast_in_dim3A_629 = vector.shape_cast %reduce_sum3A_628 : vector<256xf32> to vector<256x1xf32>
    %add3A_630 = arith.addf %broadcast_in_dim3A_626, %broadcast_in_dim3A_629 : vector<256x1xf32>
    %dot_general3A_631 = arith.constant dense<0.000000e+00> : vector<256x64xf32>
    %dot_general3A_632 = tpu.matmul %exp3A_620, %get3A_589, %dot_general3A_631 {dimension_numbers = #tpu.dot_dimension_numbers<[1], [0], [0], [1], [0, 0, 1, 1], [], []>, transpose_lhs_hint = false} : vector<256x256xf32>, vector<256x64xf32>, vector<256x64xf32> -> vector<256x64xf32>
    %dot_general3A_633 = arith.constant dense<0.000000e+00> : vector<256x64xf32>
    %dot_general3A_634 = tpu.matmul %exp3A_623, %select_n3A_602, %dot_general3A_633 {dimension_numbers = #tpu.dot_dimension_numbers<[1], [0], [0], [1], [0, 0, 1, 1], [], []>, transpose_lhs_hint = false} : vector<256x256xf32>, vector<256x64xf32>, vector<256x64xf32> -> vector<256x64xf32>
    %add3A_635 = arith.addf %dot_general3A_632, %dot_general3A_634 : vector<256x64xf32>
    %div3A_636 = vector.broadcast %add3A_630 : vector<256x1xf32> to vector<256x64xf32>
    %div3A_637 = arith.divf %add3A_635, %div3A_636 : vector<256x64xf32>
    %convert_element_type3A_638 = arith.truncf %div3A_637 : vector<256x64xf32> to vector<256x64xbf16>
    %swap3A_639 = arith.constant 0 : index
    %swap3A_640 = arith.constant 448 : index
    %swap3A_641 = vector.load %arg10[%swap3A_639, %swap3A_640] : memref<256x1024xbf16, #tpu.memory_space<vmem>>, vector<256x64xbf16>
    tpu.vector_store %arg10[%swap3A_639, %swap3A_640], %convert_element_type3A_638 {strides = array<i32>} : memref<256x1024xbf16, #tpu.memory_space<vmem>>, vector<256x64xbf16>,
    %get3A_642 = arith.index_cast %select_n3A_41 : i32 to index
    %get3A_643 = arith.constant 0 : index
    %get3A_644 = arith.constant 512 : index
    %get3A_645 = vector.load %arg9[%get3A_642, %get3A_643, %get3A_644] : memref<2x256x3072xf32, #tpu.memory_space<vmem>>, vector<1x256x64xf32>
    %get3A_646 = vector.shape_cast %get3A_645 : vector<1x256x64xf32> to vector<256x64xf32>
    %mul3A_647 = arith.constant 1.250000e-01 : f32
    %mul3A_648 = vector.broadcast %mul3A_647 : f32 to vector<256x64xf32>
    %mul3A_649 = arith.mulf %get3A_646, %mul3A_648 : vector<256x64xf32>
    %get3A_650 = arith.index_cast %select_n3A_41 : i32 to index
    %get3A_651 = arith.constant 0 : index
    %get3A_652 = arith.constant 1536 : index
    %get3A_653 = vector.load %arg9[%get3A_650, %get3A_651, %get3A_652] : memref<2x256x3072xf32, #tpu.memory_space<vmem>>, vector<1x256x64xf32>
    %get3A_654 = vector.shape_cast %get3A_653 : vector<1x256x64xf32> to vector<256x64xf32>
    %get3A_655 = arith.index_cast %select_n3A_41 : i32 to index
    %get3A_656 = arith.constant 0 : index
    %get3A_657 = arith.constant 2560 : index
    %get3A_658 = vector.load %arg9[%get3A_655, %get3A_656, %get3A_657] : memref<2x256x3072xf32, #tpu.memory_space<vmem>>, vector<1x256x64xf32>
    %get3A_659 = vector.shape_cast %get3A_658 : vector<1x256x64xf32> to vector<256x64xf32>
    %get3A_660 = arith.index_cast %sub3A_63 : i32 to index
    %get3A_661 = arith.constant 0 : index
    %get3A_662 = arith.constant 1536 : index
    %get3A_663 = vector.load %arg9[%get3A_660, %get3A_661, %get3A_662] : memref<2x256x3072xf32, #tpu.memory_space<vmem>>, vector<1x256x64xf32>
    %get3A_664 = vector.shape_cast %get3A_663 : vector<1x256x64xf32> to vector<256x64xf32>
    %broadcast_in_dim3A_665 = arith.constant 0.000000e+00 : f32
    %broadcast_in_dim3A_666 = vector.broadcast %broadcast_in_dim3A_665 : f32 to vector<256x64xf32>
    %get3A_667 = arith.index_cast %sub3A_63 : i32 to index
    %get3A_668 = arith.constant 0 : index
    %get3A_669 = arith.constant 2560 : index
    %get3A_670 = vector.load %arg9[%get3A_667, %get3A_668, %get3A_669] : memref<2x256x3072xf32, #tpu.memory_space<vmem>>, vector<1x256x64xf32>
    %get3A_671 = vector.shape_cast %get3A_670 : vector<1x256x64xf32> to vector<256x64xf32>
    %select_n3A_672 = arith.select %eq3A_81, %broadcast_in_dim3A_666, %get3A_671 : vector<256x64xf32>
    %dot_general3A_673 = arith.constant dense<0.000000e+00> : vector<256x256xf32>
    %dot_general3A_674 = tpu.matmul %mul3A_649, %get3A_654, %dot_general3A_673 {dimension_numbers = #tpu.dot_dimension_numbers<[1], [1], [0], [0], [0, 0, 1, 0], [], []>, transpose_lhs_hint = false} : vector<256x64xf32>, vector<256x64xf32>, vector<256x256xf32> -> vector<256x256xf32>
    %dot_general3A_675 = arith.constant dense<0.000000e+00> : vector<256x256xf32>
    %dot_general3A_676 = tpu.matmul %mul3A_649, %get3A_664, %dot_general3A_675 {dimension_numbers = #tpu.dot_dimension_numbers<[1], [1], [0], [0], [0, 0, 1, 0], [], []>, transpose_lhs_hint = false} : vector<256x64xf32>, vector<256x64xf32>, vector<256x256xf32> -> vector<256x256xf32>
    %jit3A_677 = arith.constant -1.000000e+09 : f32
    %broadcast_in_dim3A_678 = vector.broadcast %jit3A_677 : f32 to vector<256x256xf32>
    %select_n3A_679 = arith.select %ge3A, %dot_general3A_674, %broadcast_in_dim3A_678 : vector<256x256xi1>, vector<256x256xf32>
    %select_n3A_680 = arith.select %eq3A_81, %broadcast_in_dim3A_84, %dot_general3A_676 : vector<256x256xf32>
    %reduce_max3A_681 = arith.constant dense<0xFF800000> : vector<256xf32>
    %reduce_max3A_682 = vector.multi_reduction <maximumf>, %select_n3A_679, %reduce_max3A_681 [1] : vector<256x256xf32> to vector<256xf32>
    %broadcast_in_dim3A_683 = vector.shape_cast %reduce_max3A_682 : vector<256xf32> to vector<256x1xf32>
    %reduce_max3A_684 = arith.constant dense<0xFF800000> : vector<256xf32>
    %reduce_max3A_685 = vector.multi_reduction <maximumf>, %select_n3A_680, %reduce_max3A_684 [1] : vector<256x256xf32> to vector<256xf32>
    %broadcast_in_dim3A_686 = vector.shape_cast %reduce_max3A_685 : vector<256xf32> to vector<256x1xf32>
    %max3A_687 = arith.maximumf %broadcast_in_dim3A_683, %broadcast_in_dim3A_686 : vector<256x1xf32>
    %sub3A_688 = vector.broadcast %max3A_687 : vector<256x1xf32> to vector<256x256xf32>
    %sub3A_689 = arith.subf %select_n3A_679, %sub3A_688 : vector<256x256xf32>
    %exp3A_690 = math.exp %sub3A_689 : vector<256x256xf32>
    %sub3A_691 = vector.broadcast %max3A_687 : vector<256x1xf32> to vector<256x256xf32>
    %sub3A_692 = arith.subf %select_n3A_680, %sub3A_691 : vector<256x256xf32>
    %exp3A_693 = math.exp %sub3A_692 : vector<256x256xf32>
    %reduce_sum3A_694 = arith.constant dense<0.000000e+00> : vector<256xf32>
    %reduce_sum3A_695 = vector.multi_reduction <add>, %exp3A_690, %reduce_sum3A_694 [1] : vector<256x256xf32> to vector<256xf32>
    %broadcast_in_dim3A_696 = vector.shape_cast %reduce_sum3A_695 : vector<256xf32> to vector<256x1xf32>
    %reduce_sum3A_697 = arith.constant dense<0.000000e+00> : vector<256xf32>
    %reduce_sum3A_698 = vector.multi_reduction <add>, %exp3A_693, %reduce_sum3A_697 [1] : vector<256x256xf32> to vector<256xf32>
    %broadcast_in_dim3A_699 = vector.shape_cast %reduce_sum3A_698 : vector<256xf32> to vector<256x1xf32>
    %add3A_700 = arith.addf %broadcast_in_dim3A_696, %broadcast_in_dim3A_699 : vector<256x1xf32>
    %dot_general3A_701 = arith.constant dense<0.000000e+00> : vector<256x64xf32>
    %dot_general3A_702 = tpu.matmul %exp3A_690, %get3A_659, %dot_general3A_701 {dimension_numbers = #tpu.dot_dimension_numbers<[1], [0], [0], [1], [0, 0, 1, 1], [], []>, transpose_lhs_hint = false} : vector<256x256xf32>, vector<256x64xf32>, vector<256x64xf32> -> vector<256x64xf32>
    %dot_general3A_703 = arith.constant dense<0.000000e+00> : vector<256x64xf32>
    %dot_general3A_704 = tpu.matmul %exp3A_693, %select_n3A_672, %dot_general3A_703 {dimension_numbers = #tpu.dot_dimension_numbers<[1], [0], [0], [1], [0, 0, 1, 1], [], []>, transpose_lhs_hint = false} : vector<256x256xf32>, vector<256x64xf32>, vector<256x64xf32> -> vector<256x64xf32>
    %add3A_705 = arith.addf %dot_general3A_702, %dot_general3A_704 : vector<256x64xf32>
    %div3A_706 = vector.broadcast %add3A_700 : vector<256x1xf32> to vector<256x64xf32>
    %div3A_707 = arith.divf %add3A_705, %div3A_706 : vector<256x64xf32>
    %convert_element_type3A_708 = arith.truncf %div3A_707 : vector<256x64xf32> to vector<256x64xbf16>
    %swap3A_709 = arith.constant 0 : index
    %swap3A_710 = arith.constant 512 : index
    %swap3A_711 = vector.load %arg10[%swap3A_709, %swap3A_710] : memref<256x1024xbf16, #tpu.memory_space<vmem>>, vector<256x64xbf16>
    tpu.vector_store %arg10[%swap3A_709, %swap3A_710], %convert_element_type3A_708 {strides = array<i32>} : memref<256x1024xbf16, #tpu.memory_space<vmem>>, vector<256x64xbf16>,
    %get3A_712 = arith.index_cast %select_n3A_41 : i32 to index
    %get3A_713 = arith.constant 0 : index
    %get3A_714 = arith.constant 576 : index
    %get3A_715 = vector.load %arg9[%get3A_712, %get3A_713, %get3A_714] : memref<2x256x3072xf32, #tpu.memory_space<vmem>>, vector<1x256x64xf32>
    %get3A_716 = vector.shape_cast %get3A_715 : vector<1x256x64xf32> to vector<256x64xf32>
    %mul3A_717 = arith.constant 1.250000e-01 : f32
    %mul3A_718 = vector.broadcast %mul3A_717 : f32 to vector<256x64xf32>
    %mul3A_719 = arith.mulf %get3A_716, %mul3A_718 : vector<256x64xf32>
    %get3A_720 = arith.index_cast %select_n3A_41 : i32 to index
    %get3A_721 = arith.constant 0 : index
    %get3A_722 = arith.constant 1600 : index
    %get3A_723 = vector.load %arg9[%get3A_720, %get3A_721, %get3A_722] : memref<2x256x3072xf32, #tpu.memory_space<vmem>>, vector<1x256x64xf32>
    %get3A_724 = vector.shape_cast %get3A_723 : vector<1x256x64xf32> to vector<256x64xf32>
    %get3A_725 = arith.index_cast %select_n3A_41 : i32 to index
    %get3A_726 = arith.constant 0 : index
    %get3A_727 = arith.constant 2624 : index
    %get3A_728 = vector.load %arg9[%get3A_725, %get3A_726, %get3A_727] : memref<2x256x3072xf32, #tpu.memory_space<vmem>>, vector<1x256x64xf32>
    %get3A_729 = vector.shape_cast %get3A_728 : vector<1x256x64xf32> to vector<256x64xf32>
    %get3A_730 = arith.index_cast %sub3A_63 : i32 to index
    %get3A_731 = arith.constant 0 : index
    %get3A_732 = arith.constant 1600 : index
    %get3A_733 = vector.load %arg9[%get3A_730, %get3A_731, %get3A_732] : memref<2x256x3072xf32, #tpu.memory_space<vmem>>, vector<1x256x64xf32>
    %get3A_734 = vector.shape_cast %get3A_733 : vector<1x256x64xf32> to vector<256x64xf32>
    %broadcast_in_dim3A_735 = arith.constant 0.000000e+00 : f32
    %broadcast_in_dim3A_736 = vector.broadcast %broadcast_in_dim3A_735 : f32 to vector<256x64xf32>
    %get3A_737 = arith.index_cast %sub3A_63 : i32 to index
    %get3A_738 = arith.constant 0 : index
    %get3A_739 = arith.constant 2624 : index
    %get3A_740 = vector.load %arg9[%get3A_737, %get3A_738, %get3A_739] : memref<2x256x3072xf32, #tpu.memory_space<vmem>>, vector<1x256x64xf32>
    %get3A_741 = vector.shape_cast %get3A_740 : vector<1x256x64xf32> to vector<256x64xf32>
    %select_n3A_742 = arith.select %eq3A_81, %broadcast_in_dim3A_736, %get3A_741 : vector<256x64xf32>
    %dot_general3A_743 = arith.constant dense<0.000000e+00> : vector<256x256xf32>
    %dot_general3A_744 = tpu.matmul %mul3A_719, %get3A_724, %dot_general3A_743 {dimension_numbers = #tpu.dot_dimension_numbers<[1], [1], [0], [0], [0, 0, 1, 0], [], []>, transpose_lhs_hint = false} : vector<256x64xf32>, vector<256x64xf32>, vector<256x256xf32> -> vector<256x256xf32>
    %dot_general3A_745 = arith.constant dense<0.000000e+00> : vector<256x256xf32>
    %dot_general3A_746 = tpu.matmul %mul3A_719, %get3A_734, %dot_general3A_745 {dimension_numbers = #tpu.dot_dimension_numbers<[1], [1], [0], [0], [0, 0, 1, 0], [], []>, transpose_lhs_hint = false} : vector<256x64xf32>, vector<256x64xf32>, vector<256x256xf32> -> vector<256x256xf32>
    %jit3A_747 = arith.constant -1.000000e+09 : f32
    %broadcast_in_dim3A_748 = vector.broadcast %jit3A_747 : f32 to vector<256x256xf32>
    %select_n3A_749 = arith.select %ge3A, %dot_general3A_744, %broadcast_in_dim3A_748 : vector<256x256xi1>, vector<256x256xf32>
    %select_n3A_750 = arith.select %eq3A_81, %broadcast_in_dim3A_84, %dot_general3A_746 : vector<256x256xf32>
    %reduce_max3A_751 = arith.constant dense<0xFF800000> : vector<256xf32>
    %reduce_max3A_752 = vector.multi_reduction <maximumf>, %select_n3A_749, %reduce_max3A_751 [1] : vector<256x256xf32> to vector<256xf32>
    %broadcast_in_dim3A_753 = vector.shape_cast %reduce_max3A_752 : vector<256xf32> to vector<256x1xf32>
    %reduce_max3A_754 = arith.constant dense<0xFF800000> : vector<256xf32>
    %reduce_max3A_755 = vector.multi_reduction <maximumf>, %select_n3A_750, %reduce_max3A_754 [1] : vector<256x256xf32> to vector<256xf32>
    %broadcast_in_dim3A_756 = vector.shape_cast %reduce_max3A_755 : vector<256xf32> to vector<256x1xf32>
    %max3A_757 = arith.maximumf %broadcast_in_dim3A_753, %broadcast_in_dim3A_756 : vector<256x1xf32>
    %sub3A_758 = vector.broadcast %max3A_757 : vector<256x1xf32> to vector<256x256xf32>
    %sub3A_759 = arith.subf %select_n3A_749, %sub3A_758 : vector<256x256xf32>
    %exp3A_760 = math.exp %sub3A_759 : vector<256x256xf32>
    %sub3A_761 = vector.broadcast %max3A_757 : vector<256x1xf32> to vector<256x256xf32>
    %sub3A_762 = arith.subf %select_n3A_750, %sub3A_761 : vector<256x256xf32>
    %exp3A_763 = math.exp %sub3A_762 : vector<256x256xf32>
    %reduce_sum3A_764 = arith.constant dense<0.000000e+00> : vector<256xf32>
    %reduce_sum3A_765 = vector.multi_reduction <add>, %exp3A_760, %reduce_sum3A_764 [1] : vector<256x256xf32> to vector<256xf32>
    %broadcast_in_dim3A_766 = vector.shape_cast %reduce_sum3A_765 : vector<256xf32> to vector<256x1xf32>
    %reduce_sum3A_767 = arith.constant dense<0.000000e+00> : vector<256xf32>
    %reduce_sum3A_768 = vector.multi_reduction <add>, %exp3A_763, %reduce_sum3A_767 [1] : vector<256x256xf32> to vector<256xf32>
    %broadcast_in_dim3A_769 = vector.shape_cast %reduce_sum3A_768 : vector<256xf32> to vector<256x1xf32>
    %add3A_770 = arith.addf %broadcast_in_dim3A_766, %broadcast_in_dim3A_769 : vector<256x1xf32>
    %dot_general3A_771 = arith.constant dense<0.000000e+00> : vector<256x64xf32>
    %dot_general3A_772 = tpu.matmul %exp3A_760, %get3A_729, %dot_general3A_771 {dimension_numbers = #tpu.dot_dimension_numbers<[1], [0], [0], [1], [0, 0, 1, 1], [], []>, transpose_lhs_hint = false} : vector<256x256xf32>, vector<256x64xf32>, vector<256x64xf32> -> vector<256x64xf32>
    %dot_general3A_773 = arith.constant dense<0.000000e+00> : vector<256x64xf32>
    %dot_general3A_774 = tpu.matmul %exp3A_763, %select_n3A_742, %dot_general3A_773 {dimension_numbers = #tpu.dot_dimension_numbers<[1], [0], [0], [1], [0, 0, 1, 1], [], []>, transpose_lhs_hint = false} : vector<256x256xf32>, vector<256x64xf32>, vector<256x64xf32> -> vector<256x64xf32>
    %add3A_775 = arith.addf %dot_general3A_772, %dot_general3A_774 : vector<256x64xf32>
    %div3A_776 = vector.broadcast %add3A_770 : vector<256x1xf32> to vector<256x64xf32>
    %div3A_777 = arith.divf %add3A_775, %div3A_776 : vector<256x64xf32>
    %convert_element_type3A_778 = arith.truncf %div3A_777 : vector<256x64xf32> to vector<256x64xbf16>
    %swap3A_779 = arith.constant 0 : index
    %swap3A_780 = arith.constant 576 : index
    %swap3A_781 = vector.load %arg10[%swap3A_779, %swap3A_780] : memref<256x1024xbf16, #tpu.memory_space<vmem>>, vector<256x64xbf16>
    tpu.vector_store %arg10[%swap3A_779, %swap3A_780], %convert_element_type3A_778 {strides = array<i32>} : memref<256x1024xbf16, #tpu.memory_space<vmem>>, vector<256x64xbf16>,
    %get3A_782 = arith.index_cast %select_n3A_41 : i32 to index
    %get3A_783 = arith.constant 0 : index
    %get3A_784 = arith.constant 640 : index
    %get3A_785 = vector.load %arg9[%get3A_782, %get3A_783, %get3A_784] : memref<2x256x3072xf32, #tpu.memory_space<vmem>>, vector<1x256x64xf32>
    %get3A_786 = vector.shape_cast %get3A_785 : vector<1x256x64xf32> to vector<256x64xf32>
    %mul3A_787 = arith.constant 1.250000e-01 : f32
    %mul3A_788 = vector.broadcast %mul3A_787 : f32 to vector<256x64xf32>
    %mul3A_789 = arith.mulf %get3A_786, %mul3A_788 : vector<256x64xf32>
    %get3A_790 = arith.index_cast %select_n3A_41 : i32 to index
    %get3A_791 = arith.constant 0 : index
    %get3A_792 = arith.constant 1664 : index
    %get3A_793 = vector.load %arg9[%get3A_790, %get3A_791, %get3A_792] : memref<2x256x3072xf32, #tpu.memory_space<vmem>>, vector<1x256x64xf32>
    %get3A_794 = vector.shape_cast %get3A_793 : vector<1x256x64xf32> to vector<256x64xf32>
    %get3A_795 = arith.index_cast %select_n3A_41 : i32 to index
    %get3A_796 = arith.constant 0 : index
    %get3A_797 = arith.constant 2688 : index
    %get3A_798 = vector.load %arg9[%get3A_795, %get3A_796, %get3A_797] : memref<2x256x3072xf32, #tpu.memory_space<vmem>>, vector<1x256x64xf32>
    %get3A_799 = vector.shape_cast %get3A_798 : vector<1x256x64xf32> to vector<256x64xf32>
    %get3A_800 = arith.index_cast %sub3A_63 : i32 to index
    %get3A_801 = arith.constant 0 : index
    %get3A_802 = arith.constant 1664 : index
    %get3A_803 = vector.load %arg9[%get3A_800, %get3A_801, %get3A_802] : memref<2x256x3072xf32, #tpu.memory_space<vmem>>, vector<1x256x64xf32>
    %get3A_804 = vector.shape_cast %get3A_803 : vector<1x256x64xf32> to vector<256x64xf32>
    %broadcast_in_dim3A_805 = arith.constant 0.000000e+00 : f32
    %broadcast_in_dim3A_806 = vector.broadcast %broadcast_in_dim3A_805 : f32 to vector<256x64xf32>
    %get3A_807 = arith.index_cast %sub3A_63 : i32 to index
    %get3A_808 = arith.constant 0 : index
    %get3A_809 = arith.constant 2688 : index
    %get3A_810 = vector.load %arg9[%get3A_807, %get3A_808, %get3A_809] : memref<2x256x3072xf32, #tpu.memory_space<vmem>>, vector<1x256x64xf32>
    %get3A_811 = vector.shape_cast %get3A_810 : vector<1x256x64xf32> to vector<256x64xf32>
    %select_n3A_812 = arith.select %eq3A_81, %broadcast_in_dim3A_806, %get3A_811 : vector<256x64xf32>
    %dot_general3A_813 = arith.constant dense<0.000000e+00> : vector<256x256xf32>
    %dot_general3A_814 = tpu.matmul %mul3A_789, %get3A_794, %dot_general3A_813 {dimension_numbers = #tpu.dot_dimension_numbers<[1], [1], [0], [0], [0, 0, 1, 0], [], []>, transpose_lhs_hint = false} : vector<256x64xf32>, vector<256x64xf32>, vector<256x256xf32> -> vector<256x256xf32>
    %dot_general3A_815 = arith.constant dense<0.000000e+00> : vector<256x256xf32>
    %dot_general3A_816 = tpu.matmul %mul3A_789, %get3A_804, %dot_general3A_815 {dimension_numbers = #tpu.dot_dimension_numbers<[1], [1], [0], [0], [0, 0, 1, 0], [], []>, transpose_lhs_hint = false} : vector<256x64xf32>, vector<256x64xf32>, vector<256x256xf32> -> vector<256x256xf32>
    %jit3A_817 = arith.constant -1.000000e+09 : f32
    %broadcast_in_dim3A_818 = vector.broadcast %jit3A_817 : f32 to vector<256x256xf32>
    %select_n3A_819 = arith.select %ge3A, %dot_general3A_814, %broadcast_in_dim3A_818 : vector<256x256xi1>, vector<256x256xf32>
    %select_n3A_820 = arith.select %eq3A_81, %broadcast_in_dim3A_84, %dot_general3A_816 : vector<256x256xf32>
    %reduce_max3A_821 = arith.constant dense<0xFF800000> : vector<256xf32>
    %reduce_max3A_822 = vector.multi_reduction <maximumf>, %select_n3A_819, %reduce_max3A_821 [1] : vector<256x256xf32> to vector<256xf32>
    %broadcast_in_dim3A_823 = vector.shape_cast %reduce_max3A_822 : vector<256xf32> to vector<256x1xf32>
    %reduce_max3A_824 = arith.constant dense<0xFF800000> : vector<256xf32>
    %reduce_max3A_825 = vector.multi_reduction <maximumf>, %select_n3A_820, %reduce_max3A_824 [1] : vector<256x256xf32> to vector<256xf32>
    %broadcast_in_dim3A_826 = vector.shape_cast %reduce_max3A_825 : vector<256xf32> to vector<256x1xf32>
    %max3A_827 = arith.maximumf %broadcast_in_dim3A_823, %broadcast_in_dim3A_826 : vector<256x1xf32>
    %sub3A_828 = vector.broadcast %max3A_827 : vector<256x1xf32> to vector<256x256xf32>
    %sub3A_829 = arith.subf %select_n3A_819, %sub3A_828 : vector<256x256xf32>
    %exp3A_830 = math.exp %sub3A_829 : vector<256x256xf32>
    %sub3A_831 = vector.broadcast %max3A_827 : vector<256x1xf32> to vector<256x256xf32>
    %sub3A_832 = arith.subf %select_n3A_820, %sub3A_831 : vector<256x256xf32>
    %exp3A_833 = math.exp %sub3A_832 : vector<256x256xf32>
    %reduce_sum3A_834 = arith.constant dense<0.000000e+00> : vector<256xf32>
    %reduce_sum3A_835 = vector.multi_reduction <add>, %exp3A_830, %reduce_sum3A_834 [1] : vector<256x256xf32> to vector<256xf32>
    %broadcast_in_dim3A_836 = vector.shape_cast %reduce_sum3A_835 : vector<256xf32> to vector<256x1xf32>
    %reduce_sum3A_837 = arith.constant dense<0.000000e+00> : vector<256xf32>
    %reduce_sum3A_838 = vector.multi_reduction <add>, %exp3A_833, %reduce_sum3A_837 [1] : vector<256x256xf32> to vector<256xf32>
    %broadcast_in_dim3A_839 = vector.shape_cast %reduce_sum3A_838 : vector<256xf32> to vector<256x1xf32>
    %add3A_840 = arith.addf %broadcast_in_dim3A_836, %broadcast_in_dim3A_839 : vector<256x1xf32>
    %dot_general3A_841 = arith.constant dense<0.000000e+00> : vector<256x64xf32>
    %dot_general3A_842 = tpu.matmul %exp3A_830, %get3A_799, %dot_general3A_841 {dimension_numbers = #tpu.dot_dimension_numbers<[1], [0], [0], [1], [0, 0, 1, 1], [], []>, transpose_lhs_hint = false} : vector<256x256xf32>, vector<256x64xf32>, vector<256x64xf32> -> vector<256x64xf32>
    %dot_general3A_843 = arith.constant dense<0.000000e+00> : vector<256x64xf32>
    %dot_general3A_844 = tpu.matmul %exp3A_833, %select_n3A_812, %dot_general3A_843 {dimension_numbers = #tpu.dot_dimension_numbers<[1], [0], [0], [1], [0, 0, 1, 1], [], []>, transpose_lhs_hint = false} : vector<256x256xf32>, vector<256x64xf32>, vector<256x64xf32> -> vector<256x64xf32>
    %add3A_845 = arith.addf %dot_general3A_842, %dot_general3A_844 : vector<256x64xf32>
    %div3A_846 = vector.broadcast %add3A_840 : vector<256x1xf32> to vector<256x64xf32>
    %div3A_847 = arith.divf %add3A_845, %div3A_846 : vector<256x64xf32>
    %convert_element_type3A_848 = arith.truncf %div3A_847 : vector<256x64xf32> to vector<256x64xbf16>
    %swap3A_849 = arith.constant 0 : index
    %swap3A_850 = arith.constant 640 : index
    %swap3A_851 = vector.load %arg10[%swap3A_849, %swap3A_850] : memref<256x1024xbf16, #tpu.memory_space<vmem>>, vector<256x64xbf16>
    tpu.vector_store %arg10[%swap3A_849, %swap3A_850], %convert_element_type3A_848 {strides = array<i32>} : memref<256x1024xbf16, #tpu.memory_space<vmem>>, vector<256x64xbf16>,
    %get3A_852 = arith.index_cast %select_n3A_41 : i32 to index
    %get3A_853 = arith.constant 0 : index
    %get3A_854 = arith.constant 704 : index
    %get3A_855 = vector.load %arg9[%get3A_852, %get3A_853, %get3A_854] : memref<2x256x3072xf32, #tpu.memory_space<vmem>>, vector<1x256x64xf32>
    %get3A_856 = vector.shape_cast %get3A_855 : vector<1x256x64xf32> to vector<256x64xf32>
    %mul3A_857 = arith.constant 1.250000e-01 : f32
    %mul3A_858 = vector.broadcast %mul3A_857 : f32 to vector<256x64xf32>
    %mul3A_859 = arith.mulf %get3A_856, %mul3A_858 : vector<256x64xf32>
    %get3A_860 = arith.index_cast %select_n3A_41 : i32 to index
    %get3A_861 = arith.constant 0 : index
    %get3A_862 = arith.constant 1728 : index
    %get3A_863 = vector.load %arg9[%get3A_860, %get3A_861, %get3A_862] : memref<2x256x3072xf32, #tpu.memory_space<vmem>>, vector<1x256x64xf32>
    %get3A_864 = vector.shape_cast %get3A_863 : vector<1x256x64xf32> to vector<256x64xf32>
    %get3A_865 = arith.index_cast %select_n3A_41 : i32 to index
    %get3A_866 = arith.constant 0 : index
    %get3A_867 = arith.constant 2752 : index
    %get3A_868 = vector.load %arg9[%get3A_865, %get3A_866, %get3A_867] : memref<2x256x3072xf32, #tpu.memory_space<vmem>>, vector<1x256x64xf32>
    %get3A_869 = vector.shape_cast %get3A_868 : vector<1x256x64xf32> to vector<256x64xf32>
    %get3A_870 = arith.index_cast %sub3A_63 : i32 to index
    %get3A_871 = arith.constant 0 : index
    %get3A_872 = arith.constant 1728 : index
    %get3A_873 = vector.load %arg9[%get3A_870, %get3A_871, %get3A_872] : memref<2x256x3072xf32, #tpu.memory_space<vmem>>, vector<1x256x64xf32>
    %get3A_874 = vector.shape_cast %get3A_873 : vector<1x256x64xf32> to vector<256x64xf32>
    %broadcast_in_dim3A_875 = arith.constant 0.000000e+00 : f32
    %broadcast_in_dim3A_876 = vector.broadcast %broadcast_in_dim3A_875 : f32 to vector<256x64xf32>
    %get3A_877 = arith.index_cast %sub3A_63 : i32 to index
    %get3A_878 = arith.constant 0 : index
    %get3A_879 = arith.constant 2752 : index
    %get3A_880 = vector.load %arg9[%get3A_877, %get3A_878, %get3A_879] : memref<2x256x3072xf32, #tpu.memory_space<vmem>>, vector<1x256x64xf32>
    %get3A_881 = vector.shape_cast %get3A_880 : vector<1x256x64xf32> to vector<256x64xf32>
    %select_n3A_882 = arith.select %eq3A_81, %broadcast_in_dim3A_876, %get3A_881 : vector<256x64xf32>
    %dot_general3A_883 = arith.constant dense<0.000000e+00> : vector<256x256xf32>
    %dot_general3A_884 = tpu.matmul %mul3A_859, %get3A_864, %dot_general3A_883 {dimension_numbers = #tpu.dot_dimension_numbers<[1], [1], [0], [0], [0, 0, 1, 0], [], []>, transpose_lhs_hint = false} : vector<256x64xf32>, vector<256x64xf32>, vector<256x256xf32> -> vector<256x256xf32>
    %dot_general3A_885 = arith.constant dense<0.000000e+00> : vector<256x256xf32>
    %dot_general3A_886 = tpu.matmul %mul3A_859, %get3A_874, %dot_general3A_885 {dimension_numbers = #tpu.dot_dimension_numbers<[1], [1], [0], [0], [0, 0, 1, 0], [], []>, transpose_lhs_hint = false} : vector<256x64xf32>, vector<256x64xf32>, vector<256x256xf32> -> vector<256x256xf32>
    %jit3A_887 = arith.constant -1.000000e+09 : f32
    %broadcast_in_dim3A_888 = vector.broadcast %jit3A_887 : f32 to vector<256x256xf32>
    %select_n3A_889 = arith.select %ge3A, %dot_general3A_884, %broadcast_in_dim3A_888 : vector<256x256xi1>, vector<256x256xf32>
    %select_n3A_890 = arith.select %eq3A_81, %broadcast_in_dim3A_84, %dot_general3A_886 : vector<256x256xf32>
    %reduce_max3A_891 = arith.constant dense<0xFF800000> : vector<256xf32>
    %reduce_max3A_892 = vector.multi_reduction <maximumf>, %select_n3A_889, %reduce_max3A_891 [1] : vector<256x256xf32> to vector<256xf32>
    %broadcast_in_dim3A_893 = vector.shape_cast %reduce_max3A_892 : vector<256xf32> to vector<256x1xf32>
    %reduce_max3A_894 = arith.constant dense<0xFF800000> : vector<256xf32>
    %reduce_max3A_895 = vector.multi_reduction <maximumf>, %select_n3A_890, %reduce_max3A_894 [1] : vector<256x256xf32> to vector<256xf32>
    %broadcast_in_dim3A_896 = vector.shape_cast %reduce_max3A_895 : vector<256xf32> to vector<256x1xf32>
    %max3A_897 = arith.maximumf %broadcast_in_dim3A_893, %broadcast_in_dim3A_896 : vector<256x1xf32>
    %sub3A_898 = vector.broadcast %max3A_897 : vector<256x1xf32> to vector<256x256xf32>
    %sub3A_899 = arith.subf %select_n3A_889, %sub3A_898 : vector<256x256xf32>
    %exp3A_900 = math.exp %sub3A_899 : vector<256x256xf32>
    %sub3A_901 = vector.broadcast %max3A_897 : vector<256x1xf32> to vector<256x256xf32>
    %sub3A_902 = arith.subf %select_n3A_890, %sub3A_901 : vector<256x256xf32>
    %exp3A_903 = math.exp %sub3A_902 : vector<256x256xf32>
    %reduce_sum3A_904 = arith.constant dense<0.000000e+00> : vector<256xf32>
    %reduce_sum3A_905 = vector.multi_reduction <add>, %exp3A_900, %reduce_sum3A_904 [1] : vector<256x256xf32> to vector<256xf32>
    %broadcast_in_dim3A_906 = vector.shape_cast %reduce_sum3A_905 : vector<256xf32> to vector<256x1xf32>
    %reduce_sum3A_907 = arith.constant dense<0.000000e+00> : vector<256xf32>
    %reduce_sum3A_908 = vector.multi_reduction <add>, %exp3A_903, %reduce_sum3A_907 [1] : vector<256x256xf32> to vector<256xf32>
    %broadcast_in_dim3A_909 = vector.shape_cast %reduce_sum3A_908 : vector<256xf32> to vector<256x1xf32>
    %add3A_910 = arith.addf %broadcast_in_dim3A_906, %broadcast_in_dim3A_909 : vector<256x1xf32>
    %dot_general3A_911 = arith.constant dense<0.000000e+00> : vector<256x64xf32>
    %dot_general3A_912 = tpu.matmul %exp3A_900, %get3A_869, %dot_general3A_911 {dimension_numbers = #tpu.dot_dimension_numbers<[1], [0], [0], [1], [0, 0, 1, 1], [], []>, transpose_lhs_hint = false} : vector<256x256xf32>, vector<256x64xf32>, vector<256x64xf32> -> vector<256x64xf32>
    %dot_general3A_913 = arith.constant dense<0.000000e+00> : vector<256x64xf32>
    %dot_general3A_914 = tpu.matmul %exp3A_903, %select_n3A_882, %dot_general3A_913 {dimension_numbers = #tpu.dot_dimension_numbers<[1], [0], [0], [1], [0, 0, 1, 1], [], []>, transpose_lhs_hint = false} : vector<256x256xf32>, vector<256x64xf32>, vector<256x64xf32> -> vector<256x64xf32>
    %add3A_915 = arith.addf %dot_general3A_912, %dot_general3A_914 : vector<256x64xf32>
    %div3A_916 = vector.broadcast %add3A_910 : vector<256x1xf32> to vector<256x64xf32>
    %div3A_917 = arith.divf %add3A_915, %div3A_916 : vector<256x64xf32>
    %convert_element_type3A_918 = arith.truncf %div3A_917 : vector<256x64xf32> to vector<256x64xbf16>
    %swap3A_919 = arith.constant 0 : index
    %swap3A_920 = arith.constant 704 : index
    %swap3A_921 = vector.load %arg10[%swap3A_919, %swap3A_920] : memref<256x1024xbf16, #tpu.memory_space<vmem>>, vector<256x64xbf16>
    tpu.vector_store %arg10[%swap3A_919, %swap3A_920], %convert_element_type3A_918 {strides = array<i32>} : memref<256x1024xbf16, #tpu.memory_space<vmem>>, vector<256x64xbf16>,
    %get3A_922 = arith.index_cast %select_n3A_41 : i32 to index
    %get3A_923 = arith.constant 0 : index
    %get3A_924 = arith.constant 768 : index
    %get3A_925 = vector.load %arg9[%get3A_922, %get3A_923, %get3A_924] : memref<2x256x3072xf32, #tpu.memory_space<vmem>>, vector<1x256x64xf32>
    %get3A_926 = vector.shape_cast %get3A_925 : vector<1x256x64xf32> to vector<256x64xf32>
    %mul3A_927 = arith.constant 1.250000e-01 : f32
    %mul3A_928 = vector.broadcast %mul3A_927 : f32 to vector<256x64xf32>
    %mul3A_929 = arith.mulf %get3A_926, %mul3A_928 : vector<256x64xf32>
    %get3A_930 = arith.index_cast %select_n3A_41 : i32 to index
    %get3A_931 = arith.constant 0 : index
    %get3A_932 = arith.constant 1792 : index
    %get3A_933 = vector.load %arg9[%get3A_930, %get3A_931, %get3A_932] : memref<2x256x3072xf32, #tpu.memory_space<vmem>>, vector<1x256x64xf32>
    %get3A_934 = vector.shape_cast %get3A_933 : vector<1x256x64xf32> to vector<256x64xf32>
    %get3A_935 = arith.index_cast %select_n3A_41 : i32 to index
    %get3A_936 = arith.constant 0 : index
    %get3A_937 = arith.constant 2816 : index
    %get3A_938 = vector.load %arg9[%get3A_935, %get3A_936, %get3A_937] : memref<2x256x3072xf32, #tpu.memory_space<vmem>>, vector<1x256x64xf32>
    %get3A_939 = vector.shape_cast %get3A_938 : vector<1x256x64xf32> to vector<256x64xf32>
    %get3A_940 = arith.index_cast %sub3A_63 : i32 to index
    %get3A_941 = arith.constant 0 : index
    %get3A_942 = arith.constant 1792 : index
    %get3A_943 = vector.load %arg9[%get3A_940, %get3A_941, %get3A_942] : memref<2x256x3072xf32, #tpu.memory_space<vmem>>, vector<1x256x64xf32>
    %get3A_944 = vector.shape_cast %get3A_943 : vector<1x256x64xf32> to vector<256x64xf32>
    %broadcast_in_dim3A_945 = arith.constant 0.000000e+00 : f32
    %broadcast_in_dim3A_946 = vector.broadcast %broadcast_in_dim3A_945 : f32 to vector<256x64xf32>
    %get3A_947 = arith.index_cast %sub3A_63 : i32 to index
    %get3A_948 = arith.constant 0 : index
    %get3A_949 = arith.constant 2816 : index
    %get3A_950 = vector.load %arg9[%get3A_947, %get3A_948, %get3A_949] : memref<2x256x3072xf32, #tpu.memory_space<vmem>>, vector<1x256x64xf32>
    %get3A_951 = vector.shape_cast %get3A_950 : vector<1x256x64xf32> to vector<256x64xf32>
    %select_n3A_952 = arith.select %eq3A_81, %broadcast_in_dim3A_946, %get3A_951 : vector<256x64xf32>
    %dot_general3A_953 = arith.constant dense<0.000000e+00> : vector<256x256xf32>
    %dot_general3A_954 = tpu.matmul %mul3A_929, %get3A_934, %dot_general3A_953 {dimension_numbers = #tpu.dot_dimension_numbers<[1], [1], [0], [0], [0, 0, 1, 0], [], []>, transpose_lhs_hint = false} : vector<256x64xf32>, vector<256x64xf32>, vector<256x256xf32> -> vector<256x256xf32>
    %dot_general3A_955 = arith.constant dense<0.000000e+00> : vector<256x256xf32>
    %dot_general3A_956 = tpu.matmul %mul3A_929, %get3A_944, %dot_general3A_955 {dimension_numbers = #tpu.dot_dimension_numbers<[1], [1], [0], [0], [0, 0, 1, 0], [], []>, transpose_lhs_hint = false} : vector<256x64xf32>, vector<256x64xf32>, vector<256x256xf32> -> vector<256x256xf32>
    %jit3A_957 = arith.constant -1.000000e+09 : f32
    %broadcast_in_dim3A_958 = vector.broadcast %jit3A_957 : f32 to vector<256x256xf32>
    %select_n3A_959 = arith.select %ge3A, %dot_general3A_954, %broadcast_in_dim3A_958 : vector<256x256xi1>, vector<256x256xf32>
    %select_n3A_960 = arith.select %eq3A_81, %broadcast_in_dim3A_84, %dot_general3A_956 : vector<256x256xf32>
    %reduce_max3A_961 = arith.constant dense<0xFF800000> : vector<256xf32>
    %reduce_max3A_962 = vector.multi_reduction <maximumf>, %select_n3A_959, %reduce_max3A_961 [1] : vector<256x256xf32> to vector<256xf32>
    %broadcast_in_dim3A_963 = vector.shape_cast %reduce_max3A_962 : vector<256xf32> to vector<256x1xf32>
    %reduce_max3A_964 = arith.constant dense<0xFF800000> : vector<256xf32>
    %reduce_max3A_965 = vector.multi_reduction <maximumf>, %select_n3A_960, %reduce_max3A_964 [1] : vector<256x256xf32> to vector<256xf32>
    %broadcast_in_dim3A_966 = vector.shape_cast %reduce_max3A_965 : vector<256xf32> to vector<256x1xf32>
    %max3A_967 = arith.maximumf %broadcast_in_dim3A_963, %broadcast_in_dim3A_966 : vector<256x1xf32>
    %sub3A_968 = vector.broadcast %max3A_967 : vector<256x1xf32> to vector<256x256xf32>
    %sub3A_969 = arith.subf %select_n3A_959, %sub3A_968 : vector<256x256xf32>
    %exp3A_970 = math.exp %sub3A_969 : vector<256x256xf32>
    %sub3A_971 = vector.broadcast %max3A_967 : vector<256x1xf32> to vector<256x256xf32>
    %sub3A_972 = arith.subf %select_n3A_960, %sub3A_971 : vector<256x256xf32>
    %exp3A_973 = math.exp %sub3A_972 : vector<256x256xf32>
    %reduce_sum3A_974 = arith.constant dense<0.000000e+00> : vector<256xf32>
    %reduce_sum3A_975 = vector.multi_reduction <add>, %exp3A_970, %reduce_sum3A_974 [1] : vector<256x256xf32> to vector<256xf32>
    %broadcast_in_dim3A_976 = vector.shape_cast %reduce_sum3A_975 : vector<256xf32> to vector<256x1xf32>
    %reduce_sum3A_977 = arith.constant dense<0.000000e+00> : vector<256xf32>
    %reduce_sum3A_978 = vector.multi_reduction <add>, %exp3A_973, %reduce_sum3A_977 [1] : vector<256x256xf32> to vector<256xf32>
    %broadcast_in_dim3A_979 = vector.shape_cast %reduce_sum3A_978 : vector<256xf32> to vector<256x1xf32>
    %add3A_980 = arith.addf %broadcast_in_dim3A_976, %broadcast_in_dim3A_979 : vector<256x1xf32>
    %dot_general3A_981 = arith.constant dense<0.000000e+00> : vector<256x64xf32>
    %dot_general3A_982 = tpu.matmul %exp3A_970, %get3A_939, %dot_general3A_981 {dimension_numbers = #tpu.dot_dimension_numbers<[1], [0], [0], [1], [0, 0, 1, 1], [], []>, transpose_lhs_hint = false} : vector<256x256xf32>, vector<256x64xf32>, vector<256x64xf32> -> vector<256x64xf32>
    %dot_general3A_983 = arith.constant dense<0.000000e+00> : vector<256x64xf32>
    %dot_general3A_984 = tpu.matmul %exp3A_973, %select_n3A_952, %dot_general3A_983 {dimension_numbers = #tpu.dot_dimension_numbers<[1], [0], [0], [1], [0, 0, 1, 1], [], []>, transpose_lhs_hint = false} : vector<256x256xf32>, vector<256x64xf32>, vector<256x64xf32> -> vector<256x64xf32>
    %add3A_985 = arith.addf %dot_general3A_982, %dot_general3A_984 : vector<256x64xf32>
    %div3A_986 = vector.broadcast %add3A_980 : vector<256x1xf32> to vector<256x64xf32>
    %div3A_987 = arith.divf %add3A_985, %div3A_986 : vector<256x64xf32>
    %convert_element_type3A_988 = arith.truncf %div3A_987 : vector<256x64xf32> to vector<256x64xbf16>
    %swap3A_989 = arith.constant 0 : index
    %swap3A_990 = arith.constant 768 : index
    %swap3A_991 = vector.load %arg10[%swap3A_989, %swap3A_990] : memref<256x1024xbf16, #tpu.memory_space<vmem>>, vector<256x64xbf16>
    tpu.vector_store %arg10[%swap3A_989, %swap3A_990], %convert_element_type3A_988 {strides = array<i32>} : memref<256x1024xbf16, #tpu.memory_space<vmem>>, vector<256x64xbf16>,
    %get3A_992 = arith.index_cast %select_n3A_41 : i32 to index
    %get3A_993 = arith.constant 0 : index
    %get3A_994 = arith.constant 832 : index
    %get3A_995 = vector.load %arg9[%get3A_992, %get3A_993, %get3A_994] : memref<2x256x3072xf32, #tpu.memory_space<vmem>>, vector<1x256x64xf32>
    %get3A_996 = vector.shape_cast %get3A_995 : vector<1x256x64xf32> to vector<256x64xf32>
    %mul3A_997 = arith.constant 1.250000e-01 : f32
    %mul3A_998 = vector.broadcast %mul3A_997 : f32 to vector<256x64xf32>
    %mul3A_999 = arith.mulf %get3A_996, %mul3A_998 : vector<256x64xf32>
    %get3A_1000 = arith.index_cast %select_n3A_41 : i32 to index
    %get3A_1001 = arith.constant 0 : index
    %get3A_1002 = arith.constant 1856 : index
    %get3A_1003 = vector.load %arg9[%get3A_1000, %get3A_1001, %get3A_1002] : memref<2x256x3072xf32, #tpu.memory_space<vmem>>, vector<1x256x64xf32>
    %get3A_1004 = vector.shape_cast %get3A_1003 : vector<1x256x64xf32> to vector<256x64xf32>
    %get3A_1005 = arith.index_cast %select_n3A_41 : i32 to index
    %get3A_1006 = arith.constant 0 : index
    %get3A_1007 = arith.constant 2880 : index
    %get3A_1008 = vector.load %arg9[%get3A_1005, %get3A_1006, %get3A_1007] : memref<2x256x3072xf32, #tpu.memory_space<vmem>>, vector<1x256x64xf32>
    %get3A_1009 = vector.shape_cast %get3A_1008 : vector<1x256x64xf32> to vector<256x64xf32>
    %get3A_1010 = arith.index_cast %sub3A_63 : i32 to index
    %get3A_1011 = arith.constant 0 : index
    %get3A_1012 = arith.constant 1856 : index
    %get3A_1013 = vector.load %arg9[%get3A_1010, %get3A_1011, %get3A_1012] : memref<2x256x3072xf32, #tpu.memory_space<vmem>>, vector<1x256x64xf32>
    %get3A_1014 = vector.shape_cast %get3A_1013 : vector<1x256x64xf32> to vector<256x64xf32>
    %broadcast_in_dim3A_1015 = arith.constant 0.000000e+00 : f32
    %broadcast_in_dim3A_1016 = vector.broadcast %broadcast_in_dim3A_1015 : f32 to vector<256x64xf32>
    %get3A_1017 = arith.index_cast %sub3A_63 : i32 to index
    %get3A_1018 = arith.constant 0 : index
    %get3A_1019 = arith.constant 2880 : index
    %get3A_1020 = vector.load %arg9[%get3A_1017, %get3A_1018, %get3A_1019] : memref<2x256x3072xf32, #tpu.memory_space<vmem>>, vector<1x256x64xf32>
    %get3A_1021 = vector.shape_cast %get3A_1020 : vector<1x256x64xf32> to vector<256x64xf32>
    %select_n3A_1022 = arith.select %eq3A_81, %broadcast_in_dim3A_1016, %get3A_1021 : vector<256x64xf32>
    %dot_general3A_1023 = arith.constant dense<0.000000e+00> : vector<256x256xf32>
    %dot_general3A_1024 = tpu.matmul %mul3A_999, %get3A_1004, %dot_general3A_1023 {dimension_numbers = #tpu.dot_dimension_numbers<[1], [1], [0], [0], [0, 0, 1, 0], [], []>, transpose_lhs_hint = false} : vector<256x64xf32>, vector<256x64xf32>, vector<256x256xf32> -> vector<256x256xf32>
    %dot_general3A_1025 = arith.constant dense<0.000000e+00> : vector<256x256xf32>
    %dot_general3A_1026 = tpu.matmul %mul3A_999, %get3A_1014, %dot_general3A_1025 {dimension_numbers = #tpu.dot_dimension_numbers<[1], [1], [0], [0], [0, 0, 1, 0], [], []>, transpose_lhs_hint = false} : vector<256x64xf32>, vector<256x64xf32>, vector<256x256xf32> -> vector<256x256xf32>
    %jit3A_1027 = arith.constant -1.000000e+09 : f32
    %broadcast_in_dim3A_1028 = vector.broadcast %jit3A_1027 : f32 to vector<256x256xf32>
    %select_n3A_1029 = arith.select %ge3A, %dot_general3A_1024, %broadcast_in_dim3A_1028 : vector<256x256xi1>, vector<256x256xf32>
    %select_n3A_1030 = arith.select %eq3A_81, %broadcast_in_dim3A_84, %dot_general3A_1026 : vector<256x256xf32>
    %reduce_max3A_1031 = arith.constant dense<0xFF800000> : vector<256xf32>
    %reduce_max3A_1032 = vector.multi_reduction <maximumf>, %select_n3A_1029, %reduce_max3A_1031 [1] : vector<256x256xf32> to vector<256xf32>
    %broadcast_in_dim3A_1033 = vector.shape_cast %reduce_max3A_1032 : vector<256xf32> to vector<256x1xf32>
    %reduce_max3A_1034 = arith.constant dense<0xFF800000> : vector<256xf32>
    %reduce_max3A_1035 = vector.multi_reduction <maximumf>, %select_n3A_1030, %reduce_max3A_1034 [1] : vector<256x256xf32> to vector<256xf32>
    %broadcast_in_dim3A_1036 = vector.shape_cast %reduce_max3A_1035 : vector<256xf32> to vector<256x1xf32>
    %max3A_1037 = arith.maximumf %broadcast_in_dim3A_1033, %broadcast_in_dim3A_1036 : vector<256x1xf32>
    %sub3A_1038 = vector.broadcast %max3A_1037 : vector<256x1xf32> to vector<256x256xf32>
    %sub3A_1039 = arith.subf %select_n3A_1029, %sub3A_1038 : vector<256x256xf32>
    %exp3A_1040 = math.exp %sub3A_1039 : vector<256x256xf32>
    %sub3A_1041 = vector.broadcast %max3A_1037 : vector<256x1xf32> to vector<256x256xf32>
    %sub3A_1042 = arith.subf %select_n3A_1030, %sub3A_1041 : vector<256x256xf32>
    %exp3A_1043 = math.exp %sub3A_1042 : vector<256x256xf32>
    %reduce_sum3A_1044 = arith.constant dense<0.000000e+00> : vector<256xf32>
    %reduce_sum3A_1045 = vector.multi_reduction <add>, %exp3A_1040, %reduce_sum3A_1044 [1] : vector<256x256xf32> to vector<256xf32>
    %broadcast_in_dim3A_1046 = vector.shape_cast %reduce_sum3A_1045 : vector<256xf32> to vector<256x1xf32>
    %reduce_sum3A_1047 = arith.constant dense<0.000000e+00> : vector<256xf32>
    %reduce_sum3A_1048 = vector.multi_reduction <add>, %exp3A_1043, %reduce_sum3A_1047 [1] : vector<256x256xf32> to vector<256xf32>
    %broadcast_in_dim3A_1049 = vector.shape_cast %reduce_sum3A_1048 : vector<256xf32> to vector<256x1xf32>
    %add3A_1050 = arith.addf %broadcast_in_dim3A_1046, %broadcast_in_dim3A_1049 : vector<256x1xf32>
    %dot_general3A_1051 = arith.constant dense<0.000000e+00> : vector<256x64xf32>
    %dot_general3A_1052 = tpu.matmul %exp3A_1040, %get3A_1009, %dot_general3A_1051 {dimension_numbers = #tpu.dot_dimension_numbers<[1], [0], [0], [1], [0, 0, 1, 1], [], []>, transpose_lhs_hint = false} : vector<256x256xf32>, vector<256x64xf32>, vector<256x64xf32> -> vector<256x64xf32>
    %dot_general3A_1053 = arith.constant dense<0.000000e+00> : vector<256x64xf32>
    %dot_general3A_1054 = tpu.matmul %exp3A_1043, %select_n3A_1022, %dot_general3A_1053 {dimension_numbers = #tpu.dot_dimension_numbers<[1], [0], [0], [1], [0, 0, 1, 1], [], []>, transpose_lhs_hint = false} : vector<256x256xf32>, vector<256x64xf32>, vector<256x64xf32> -> vector<256x64xf32>
    %add3A_1055 = arith.addf %dot_general3A_1052, %dot_general3A_1054 : vector<256x64xf32>
    %div3A_1056 = vector.broadcast %add3A_1050 : vector<256x1xf32> to vector<256x64xf32>
    %div3A_1057 = arith.divf %add3A_1055, %div3A_1056 : vector<256x64xf32>
    %convert_element_type3A_1058 = arith.truncf %div3A_1057 : vector<256x64xf32> to vector<256x64xbf16>
    %swap3A_1059 = arith.constant 0 : index
    %swap3A_1060 = arith.constant 832 : index
    %swap3A_1061 = vector.load %arg10[%swap3A_1059, %swap3A_1060] : memref<256x1024xbf16, #tpu.memory_space<vmem>>, vector<256x64xbf16>
    tpu.vector_store %arg10[%swap3A_1059, %swap3A_1060], %convert_element_type3A_1058 {strides = array<i32>} : memref<256x1024xbf16, #tpu.memory_space<vmem>>, vector<256x64xbf16>,
    %get3A_1062 = arith.index_cast %select_n3A_41 : i32 to index
    %get3A_1063 = arith.constant 0 : index
    %get3A_1064 = arith.constant 896 : index
    %get3A_1065 = vector.load %arg9[%get3A_1062, %get3A_1063, %get3A_1064] : memref<2x256x3072xf32, #tpu.memory_space<vmem>>, vector<1x256x64xf32>
    %get3A_1066 = vector.shape_cast %get3A_1065 : vector<1x256x64xf32> to vector<256x64xf32>
    %mul3A_1067 = arith.constant 1.250000e-01 : f32
    %mul3A_1068 = vector.broadcast %mul3A_1067 : f32 to vector<256x64xf32>
    %mul3A_1069 = arith.mulf %get3A_1066, %mul3A_1068 : vector<256x64xf32>
    %get3A_1070 = arith.index_cast %select_n3A_41 : i32 to index
    %get3A_1071 = arith.constant 0 : index
    %get3A_1072 = arith.constant 1920 : index
    %get3A_1073 = vector.load %arg9[%get3A_1070, %get3A_1071, %get3A_1072] : memref<2x256x3072xf32, #tpu.memory_space<vmem>>, vector<1x256x64xf32>
    %get3A_1074 = vector.shape_cast %get3A_1073 : vector<1x256x64xf32> to vector<256x64xf32>
    %get3A_1075 = arith.index_cast %select_n3A_41 : i32 to index
    %get3A_1076 = arith.constant 0 : index
    %get3A_1077 = arith.constant 2944 : index
    %get3A_1078 = vector.load %arg9[%get3A_1075, %get3A_1076, %get3A_1077] : memref<2x256x3072xf32, #tpu.memory_space<vmem>>, vector<1x256x64xf32>
    %get3A_1079 = vector.shape_cast %get3A_1078 : vector<1x256x64xf32> to vector<256x64xf32>
    %get3A_1080 = arith.index_cast %sub3A_63 : i32 to index
    %get3A_1081 = arith.constant 0 : index
    %get3A_1082 = arith.constant 1920 : index
    %get3A_1083 = vector.load %arg9[%get3A_1080, %get3A_1081, %get3A_1082] : memref<2x256x3072xf32, #tpu.memory_space<vmem>>, vector<1x256x64xf32>
    %get3A_1084 = vector.shape_cast %get3A_1083 : vector<1x256x64xf32> to vector<256x64xf32>
    %broadcast_in_dim3A_1085 = arith.constant 0.000000e+00 : f32
    %broadcast_in_dim3A_1086 = vector.broadcast %broadcast_in_dim3A_1085 : f32 to vector<256x64xf32>
    %get3A_1087 = arith.index_cast %sub3A_63 : i32 to index
    %get3A_1088 = arith.constant 0 : index
    %get3A_1089 = arith.constant 2944 : index
    %get3A_1090 = vector.load %arg9[%get3A_1087, %get3A_1088, %get3A_1089] : memref<2x256x3072xf32, #tpu.memory_space<vmem>>, vector<1x256x64xf32>
    %get3A_1091 = vector.shape_cast %get3A_1090 : vector<1x256x64xf32> to vector<256x64xf32>
    %select_n3A_1092 = arith.select %eq3A_81, %broadcast_in_dim3A_1086, %get3A_1091 : vector<256x64xf32>
    %dot_general3A_1093 = arith.constant dense<0.000000e+00> : vector<256x256xf32>
    %dot_general3A_1094 = tpu.matmul %mul3A_1069, %get3A_1074, %dot_general3A_1093 {dimension_numbers = #tpu.dot_dimension_numbers<[1], [1], [0], [0], [0, 0, 1, 0], [], []>, transpose_lhs_hint = false} : vector<256x64xf32>, vector<256x64xf32>, vector<256x256xf32> -> vector<256x256xf32>
    %dot_general3A_1095 = arith.constant dense<0.000000e+00> : vector<256x256xf32>
    %dot_general3A_1096 = tpu.matmul %mul3A_1069, %get3A_1084, %dot_general3A_1095 {dimension_numbers = #tpu.dot_dimension_numbers<[1], [1], [0], [0], [0, 0, 1, 0], [], []>, transpose_lhs_hint = false} : vector<256x64xf32>, vector<256x64xf32>, vector<256x256xf32> -> vector<256x256xf32>
    %jit3A_1097 = arith.constant -1.000000e+09 : f32
    %broadcast_in_dim3A_1098 = vector.broadcast %jit3A_1097 : f32 to vector<256x256xf32>
    %select_n3A_1099 = arith.select %ge3A, %dot_general3A_1094, %broadcast_in_dim3A_1098 : vector<256x256xi1>, vector<256x256xf32>
    %select_n3A_1100 = arith.select %eq3A_81, %broadcast_in_dim3A_84, %dot_general3A_1096 : vector<256x256xf32>
    %reduce_max3A_1101 = arith.constant dense<0xFF800000> : vector<256xf32>
    %reduce_max3A_1102 = vector.multi_reduction <maximumf>, %select_n3A_1099, %reduce_max3A_1101 [1] : vector<256x256xf32> to vector<256xf32>
    %broadcast_in_dim3A_1103 = vector.shape_cast %reduce_max3A_1102 : vector<256xf32> to vector<256x1xf32>
    %reduce_max3A_1104 = arith.constant dense<0xFF800000> : vector<256xf32>
    %reduce_max3A_1105 = vector.multi_reduction <maximumf>, %select_n3A_1100, %reduce_max3A_1104 [1] : vector<256x256xf32> to vector<256xf32>
    %broadcast_in_dim3A_1106 = vector.shape_cast %reduce_max3A_1105 : vector<256xf32> to vector<256x1xf32>
    %max3A_1107 = arith.maximumf %broadcast_in_dim3A_1103, %broadcast_in_dim3A_1106 : vector<256x1xf32>
    %sub3A_1108 = vector.broadcast %max3A_1107 : vector<256x1xf32> to vector<256x256xf32>
    %sub3A_1109 = arith.subf %select_n3A_1099, %sub3A_1108 : vector<256x256xf32>
    %exp3A_1110 = math.exp %sub3A_1109 : vector<256x256xf32>
    %sub3A_1111 = vector.broadcast %max3A_1107 : vector<256x1xf32> to vector<256x256xf32>
    %sub3A_1112 = arith.subf %select_n3A_1100, %sub3A_1111 : vector<256x256xf32>
    %exp3A_1113 = math.exp %sub3A_1112 : vector<256x256xf32>
    %reduce_sum3A_1114 = arith.constant dense<0.000000e+00> : vector<256xf32>
    %reduce_sum3A_1115 = vector.multi_reduction <add>, %exp3A_1110, %reduce_sum3A_1114 [1] : vector<256x256xf32> to vector<256xf32>
    %broadcast_in_dim3A_1116 = vector.shape_cast %reduce_sum3A_1115 : vector<256xf32> to vector<256x1xf32>
    %reduce_sum3A_1117 = arith.constant dense<0.000000e+00> : vector<256xf32>
    %reduce_sum3A_1118 = vector.multi_reduction <add>, %exp3A_1113, %reduce_sum3A_1117 [1] : vector<256x256xf32> to vector<256xf32>
    %broadcast_in_dim3A_1119 = vector.shape_cast %reduce_sum3A_1118 : vector<256xf32> to vector<256x1xf32>
    %add3A_1120 = arith.addf %broadcast_in_dim3A_1116, %broadcast_in_dim3A_1119 : vector<256x1xf32>
    %dot_general3A_1121 = arith.constant dense<0.000000e+00> : vector<256x64xf32>
    %dot_general3A_1122 = tpu.matmul %exp3A_1110, %get3A_1079, %dot_general3A_1121 {dimension_numbers = #tpu.dot_dimension_numbers<[1], [0], [0], [1], [0, 0, 1, 1], [], []>, transpose_lhs_hint = false} : vector<256x256xf32>, vector<256x64xf32>, vector<256x64xf32> -> vector<256x64xf32>
    %dot_general3A_1123 = arith.constant dense<0.000000e+00> : vector<256x64xf32>
    %dot_general3A_1124 = tpu.matmul %exp3A_1113, %select_n3A_1092, %dot_general3A_1123 {dimension_numbers = #tpu.dot_dimension_numbers<[1], [0], [0], [1], [0, 0, 1, 1], [], []>, transpose_lhs_hint = false} : vector<256x256xf32>, vector<256x64xf32>, vector<256x64xf32> -> vector<256x64xf32>
    %add3A_1125 = arith.addf %dot_general3A_1122, %dot_general3A_1124 : vector<256x64xf32>
    %div3A_1126 = vector.broadcast %add3A_1120 : vector<256x1xf32> to vector<256x64xf32>
    %div3A_1127 = arith.divf %add3A_1125, %div3A_1126 : vector<256x64xf32>
    %convert_element_type3A_1128 = arith.truncf %div3A_1127 : vector<256x64xf32> to vector<256x64xbf16>
    %swap3A_1129 = arith.constant 0 : index
    %swap3A_1130 = arith.constant 896 : index
    %swap3A_1131 = vector.load %arg10[%swap3A_1129, %swap3A_1130] : memref<256x1024xbf16, #tpu.memory_space<vmem>>, vector<256x64xbf16>
    tpu.vector_store %arg10[%swap3A_1129, %swap3A_1130], %convert_element_type3A_1128 {strides = array<i32>} : memref<256x1024xbf16, #tpu.memory_space<vmem>>, vector<256x64xbf16>,
    %get3A_1132 = arith.index_cast %select_n3A_41 : i32 to index
    %get3A_1133 = arith.constant 0 : index
    %get3A_1134 = arith.constant 960 : index
    %get3A_1135 = vector.load %arg9[%get3A_1132, %get3A_1133, %get3A_1134] : memref<2x256x3072xf32, #tpu.memory_space<vmem>>, vector<1x256x64xf32>
    %get3A_1136 = vector.shape_cast %get3A_1135 : vector<1x256x64xf32> to vector<256x64xf32>
    %mul3A_1137 = arith.constant 1.250000e-01 : f32
    %mul3A_1138 = vector.broadcast %mul3A_1137 : f32 to vector<256x64xf32>
    %mul3A_1139 = arith.mulf %get3A_1136, %mul3A_1138 : vector<256x64xf32>
    %get3A_1140 = arith.index_cast %select_n3A_41 : i32 to index
    %get3A_1141 = arith.constant 0 : index
    %get3A_1142 = arith.constant 1984 : index
    %get3A_1143 = vector.load %arg9[%get3A_1140, %get3A_1141, %get3A_1142] : memref<2x256x3072xf32, #tpu.memory_space<vmem>>, vector<1x256x64xf32>
    %get3A_1144 = vector.shape_cast %get3A_1143 : vector<1x256x64xf32> to vector<256x64xf32>
    %get3A_1145 = arith.index_cast %select_n3A_41 : i32 to index
    %get3A_1146 = arith.constant 0 : index
    %get3A_1147 = arith.constant 3008 : index
    %get3A_1148 = vector.load %arg9[%get3A_1145, %get3A_1146, %get3A_1147] : memref<2x256x3072xf32, #tpu.memory_space<vmem>>, vector<1x256x64xf32>
    %get3A_1149 = vector.shape_cast %get3A_1148 : vector<1x256x64xf32> to vector<256x64xf32>
    %get3A_1150 = arith.index_cast %sub3A_63 : i32 to index
    %get3A_1151 = arith.constant 0 : index
    %get3A_1152 = arith.constant 1984 : index
    %get3A_1153 = vector.load %arg9[%get3A_1150, %get3A_1151, %get3A_1152] : memref<2x256x3072xf32, #tpu.memory_space<vmem>>, vector<1x256x64xf32>
    %get3A_1154 = vector.shape_cast %get3A_1153 : vector<1x256x64xf32> to vector<256x64xf32>
    %broadcast_in_dim3A_1155 = arith.constant 0.000000e+00 : f32
    %broadcast_in_dim3A_1156 = vector.broadcast %broadcast_in_dim3A_1155 : f32 to vector<256x64xf32>
    %get3A_1157 = arith.index_cast %sub3A_63 : i32 to index
    %get3A_1158 = arith.constant 0 : index
    %get3A_1159 = arith.constant 3008 : index
    %get3A_1160 = vector.load %arg9[%get3A_1157, %get3A_1158, %get3A_1159] : memref<2x256x3072xf32, #tpu.memory_space<vmem>>, vector<1x256x64xf32>
    %get3A_1161 = vector.shape_cast %get3A_1160 : vector<1x256x64xf32> to vector<256x64xf32>
    %select_n3A_1162 = arith.select %eq3A_81, %broadcast_in_dim3A_1156, %get3A_1161 : vector<256x64xf32>
    %dot_general3A_1163 = arith.constant dense<0.000000e+00> : vector<256x256xf32>
    %dot_general3A_1164 = tpu.matmul %mul3A_1139, %get3A_1144, %dot_general3A_1163 {dimension_numbers = #tpu.dot_dimension_numbers<[1], [1], [0], [0], [0, 0, 1, 0], [], []>, transpose_lhs_hint = false} : vector<256x64xf32>, vector<256x64xf32>, vector<256x256xf32> -> vector<256x256xf32>
    %dot_general3A_1165 = arith.constant dense<0.000000e+00> : vector<256x256xf32>
    %dot_general3A_1166 = tpu.matmul %mul3A_1139, %get3A_1154, %dot_general3A_1165 {dimension_numbers = #tpu.dot_dimension_numbers<[1], [1], [0], [0], [0, 0, 1, 0], [], []>, transpose_lhs_hint = false} : vector<256x64xf32>, vector<256x64xf32>, vector<256x256xf32> -> vector<256x256xf32>
    %jit3A_1167 = arith.constant -1.000000e+09 : f32
    %broadcast_in_dim3A_1168 = vector.broadcast %jit3A_1167 : f32 to vector<256x256xf32>
    %select_n3A_1169 = arith.select %ge3A, %dot_general3A_1164, %broadcast_in_dim3A_1168 : vector<256x256xi1>, vector<256x256xf32>
    %select_n3A_1170 = arith.select %eq3A_81, %broadcast_in_dim3A_84, %dot_general3A_1166 : vector<256x256xf32>
    %reduce_max3A_1171 = arith.constant dense<0xFF800000> : vector<256xf32>
    %reduce_max3A_1172 = vector.multi_reduction <maximumf>, %select_n3A_1169, %reduce_max3A_1171 [1] : vector<256x256xf32> to vector<256xf32>
    %broadcast_in_dim3A_1173 = vector.shape_cast %reduce_max3A_1172 : vector<256xf32> to vector<256x1xf32>
    %reduce_max3A_1174 = arith.constant dense<0xFF800000> : vector<256xf32>
    %reduce_max3A_1175 = vector.multi_reduction <maximumf>, %select_n3A_1170, %reduce_max3A_1174 [1] : vector<256x256xf32> to vector<256xf32>
    %broadcast_in_dim3A_1176 = vector.shape_cast %reduce_max3A_1175 : vector<256xf32> to vector<256x1xf32>
    %max3A_1177 = arith.maximumf %broadcast_in_dim3A_1173, %broadcast_in_dim3A_1176 : vector<256x1xf32>
    %sub3A_1178 = vector.broadcast %max3A_1177 : vector<256x1xf32> to vector<256x256xf32>
    %sub3A_1179 = arith.subf %select_n3A_1169, %sub3A_1178 : vector<256x256xf32>
    %exp3A_1180 = math.exp %sub3A_1179 : vector<256x256xf32>
    %sub3A_1181 = vector.broadcast %max3A_1177 : vector<256x1xf32> to vector<256x256xf32>
    %sub3A_1182 = arith.subf %select_n3A_1170, %sub3A_1181 : vector<256x256xf32>
    %exp3A_1183 = math.exp %sub3A_1182 : vector<256x256xf32>
    %reduce_sum3A_1184 = arith.constant dense<0.000000e+00> : vector<256xf32>
    %reduce_sum3A_1185 = vector.multi_reduction <add>, %exp3A_1180, %reduce_sum3A_1184 [1] : vector<256x256xf32> to vector<256xf32>
    %broadcast_in_dim3A_1186 = vector.shape_cast %reduce_sum3A_1185 : vector<256xf32> to vector<256x1xf32>
    %reduce_sum3A_1187 = arith.constant dense<0.000000e+00> : vector<256xf32>
    %reduce_sum3A_1188 = vector.multi_reduction <add>, %exp3A_1183, %reduce_sum3A_1187 [1] : vector<256x256xf32> to vector<256xf32>
    %broadcast_in_dim3A_1189 = vector.shape_cast %reduce_sum3A_1188 : vector<256xf32> to vector<256x1xf32>
    %add3A_1190 = arith.addf %broadcast_in_dim3A_1186, %broadcast_in_dim3A_1189 : vector<256x1xf32>
    %dot_general3A_1191 = arith.constant dense<0.000000e+00> : vector<256x64xf32>
    %dot_general3A_1192 = tpu.matmul %exp3A_1180, %get3A_1149, %dot_general3A_1191 {dimension_numbers = #tpu.dot_dimension_numbers<[1], [0], [0], [1], [0, 0, 1, 1], [], []>, transpose_lhs_hint = false} : vector<256x256xf32>, vector<256x64xf32>, vector<256x64xf32> -> vector<256x64xf32>
    %dot_general3A_1193 = arith.constant dense<0.000000e+00> : vector<256x64xf32>
    %dot_general3A_1194 = tpu.matmul %exp3A_1183, %select_n3A_1162, %dot_general3A_1193 {dimension_numbers = #tpu.dot_dimension_numbers<[1], [0], [0], [1], [0, 0, 1, 1], [], []>, transpose_lhs_hint = false} : vector<256x256xf32>, vector<256x64xf32>, vector<256x64xf32> -> vector<256x64xf32>
    %add3A_1195 = arith.addf %dot_general3A_1192, %dot_general3A_1194 : vector<256x64xf32>
    %div3A_1196 = vector.broadcast %add3A_1190 : vector<256x1xf32> to vector<256x64xf32>
    %div3A_1197 = arith.divf %add3A_1195, %div3A_1196 : vector<256x64xf32>
    %convert_element_type3A_1198 = arith.truncf %div3A_1197 : vector<256x64xf32> to vector<256x64xbf16>
    %swap3A_1199 = arith.constant 0 : index
    %swap3A_1200 = arith.constant 960 : index
    %swap3A_1201 = vector.load %arg10[%swap3A_1199, %swap3A_1200] : memref<256x1024xbf16, #tpu.memory_space<vmem>>, vector<256x64xbf16>
    tpu.vector_store %arg10[%swap3A_1199, %swap3A_1200], %convert_element_type3A_1198 {strides = array<i32>} : memref<256x1024xbf16, #tpu.memory_space<vmem>>, vector<256x64xbf16>,
    %get3A_1202 = arith.constant 0 : index
    %get3A_1203 = arith.constant 0 : index
    %get3A_1204 = vector.load %arg10[%get3A_1202, %get3A_1203] : memref<256x1024xbf16, #tpu.memory_space<vmem>>, vector<256x1024xbf16>
    %get3A_1205 = arith.constant 0 : index
    %get3A_1206 = arith.constant 0 : index
    %get3A_1207 = vector.load %arg6[%get3A_1205, %get3A_1206] : memref<1024x1024xbf16, #tpu.memory_space<vmem>>, vector<1024x1024xbf16>
    %dot_general3A_1208 = arith.constant dense<0.000000e+00> : vector<256x1024xf32>
    %dot_general3A_1209 = tpu.matmul %get3A_1204, %get3A_1207, %dot_general3A_1208 {dimension_numbers = #tpu.dot_dimension_numbers<[1], [0], [0], [1], [0, 0, 1, 1], [], []>, transpose_lhs_hint = false} : vector<256x1024xbf16>, vector<1024x1024xbf16>, vector<256x1024xf32> -> vector<256x1024xf32>
    %swap3A_1210 = arith.constant 0 : index
    %swap3A_1211 = arith.constant 0 : index
    %swap3A_1212 = arith.constant 0 : index
    %swap3A_1213 = vector.load %arg7[%swap3A_1210, %swap3A_1211, %swap3A_1212] : memref<1x256x1024xf32, #tpu.memory_space<vmem>>, vector<1x256x1024xf32>
    %swap3A_1214 = vector.shape_cast %swap3A_1213 : vector<1x256x1024xf32> to vector<256x1024xf32>
    %swap3A_1215 = vector.shape_cast %dot_general3A_1209 : vector<256x1024xf32> to vector<1x256x1024xf32>
    tpu.vector_store %arg7[%swap3A_1210, %swap3A_1211, %swap3A_1212], %swap3A_1215 {strides = array<i32>} : memref<1x256x1024xf32, #tpu.memory_space<vmem>>, vector<1x256x1024xf32>,
    return
  }
  func.func @transform_0(%arg0: i32) -> (i32, i32, i32) {
    %c0_i32 = arith.constant 0 : i32
    %c0_i32_0 = arith.constant 0 : i32
    %c0_i32_1 = arith.constant 0 : i32
    return %arg0, %c0_i32, %c0_i32_0 : i32, i32, i32
  }
  func.func @transform_1(%arg0: i32) -> (i32, i32) {
    %c0_i32 = arith.constant 0 : i32
    %c0_i32_0 = arith.constant 0 : i32
    %c0_i32_1 = arith.constant 0 : i32
    return %c0_i32, %c0_i32_0 : i32, i32
  }
  func.func @transform_2(%arg0: i32) -> (i32, i32) {
    %c0_i32 = arith.constant 0 : i32
    %c0_i32_0 = arith.constant 0 : i32
    %c0_i32_1 = arith.constant 0 : i32
    return %c0_i32, %c0_i32_0 : i32, i32
  }
  func.func @transform_3(%arg0: i32) -> (i32, i32) {
    %c0_i32 = arith.constant 0 : i32
    %c0_i32_0 = arith.constant 0 : i32
    %c0_i32_1 = arith.constant 0 : i32
    return %c0_i32, %c0_i32_0 : i32, i32
  }
  func.func @transform_4(%arg0: i32) -> (i32, i32) {
    %c0_i32 = arith.constant 0 : i32
    %c0_i32_0 = arith.constant 0 : i32
    %c0_i32_1 = arith.constant 0 : i32
    return %c0_i32, %c0_i32_0 : i32, i32
  }
  func.func @transform_5(%arg0: i32) -> (i32, i32) {
    %c0_i32 = arith.constant 0 : i32
    %c0_i32_0 = arith.constant 0 : i32
    %c0_i32_1 = arith.constant 0 : i32
    return %c0_i32, %c0_i32_0 : i32, i32
  }
  func.func @transform_6(%arg0: i32) -> (i32, i32, i32) {
    %c0_i32 = arith.constant 0 : i32
    %c0_i32_0 = arith.constant 0 : i32
    %c0_i32_1 = arith.constant 0 : i32
    return %arg0, %c0_i32, %c0_i32_0 : i32, i32, i32
  }
  func.func @transform_7(%arg0: i32) -> (i32, i32, i32) {
    %c0_i32 = arith.constant 0 : i32
    %c0_i32_0 = arith.constant 0 : i32
    %c0_i32_1 = arith.constant 0 : i32
    return %arg0, %c0_i32, %c0_i32_0 : i32, i32, i32
  }
}

module attributes {stable_mosaic.version = 14 : i64} {
  func.func @_topk_body(%arg0: i32, %arg1: memref<28x256xf32, #tpu.memory_space<vmem>>, %arg2: memref<28x128xi32, #tpu.memory_space<vmem>>, %arg3: memref<28x128xf32, #tpu.memory_space<vmem>>, %arg4: memref<256x256xf32, #tpu.memory_space<vmem>>) attributes {dimension_semantics = [#tpu.dimension_semantics<arbitrary>], iteration_bounds = array<i64: 1>, scalar_prefetch = 0 : i64, scratch_operands = 1 : i64, tpu.core_type = #tpu.core_type<tc>, window_params = [{pipeline_mode = #tpu.pipeline_mode<synchronous>, transform_indices = @transform_0, window_bounds = array<i64: 28, 256>}, {pipeline_mode = #tpu.pipeline_mode<synchronous>, transform_indices = @transform_1, window_bounds = array<i64: 28, 128>}, {pipeline_mode = #tpu.pipeline_mode<synchronous>, transform_indices = @transform_2, window_bounds = array<i64: 28, 128>}]} {
    %iota3A = tpu.iota {dimensions = array<i32: 0>} : vector<256x256xi32>
    %iota3A_0 = tpu.iota {dimensions = array<i32: 1>} : vector<256x256xi32>
    %lt3A = arith.cmpi slt, %iota3A, %iota3A_0 : vector<256x256xi32>
    %convert_element_type3A = arith.extui %lt3A : vector<256x256xi1> to vector<256x256xi32>
    %convert_element_type3A_1 = arith.sitofp %convert_element_type3A : vector<256x256xi32> to vector<256x256xf32>
    %swap3A = arith.constant 0 : index
    %swap3A_2 = arith.constant 0 : index
    %swap3A_3 = vector.load %arg4[%swap3A, %swap3A_2] : memref<256x256xf32, #tpu.memory_space<vmem>>, vector<256x256xf32>
    tpu.vector_store %arg4[%swap3A, %swap3A_2], %convert_element_type3A_1 {strides = array<i32>} : memref<256x256xf32, #tpu.memory_space<vmem>>, vector<256x256xf32>,
    %get3A = arith.constant 0 : index
    %get3A_4 = arith.constant 0 : index
    %get3A_5 = vector.load %arg1[%get3A, %get3A_4] : memref<28x256xf32, #tpu.memory_space<vmem>>, vector<28x256xf32>
    %bitcast_convert_type3A = tpu.bitcast %get3A_5 : vector<28x256xf32> -> vector<28x256xi32>
    %ge3A = arith.constant 0 : i32
    %ge3A_6 = vector.broadcast %ge3A : i32 to vector<28x256xi32>
    %ge3A_7 = arith.cmpi sge, %bitcast_convert_type3A, %ge3A_6 : vector<28x256xi32>
    %not3A = arith.constant dense<-1> : vector<28x256xi32>
    %not3A_8 = arith.xori %bitcast_convert_type3A, %not3A : vector<28x256xi32>
    %xor3A = arith.constant -2147483648 : i32
    %xor3A_9 = vector.broadcast %xor3A : i32 to vector<28x256xi32>
    %xor3A_10 = arith.xori %not3A_8, %xor3A_9 : vector<28x256xi32>
    %select_n3A = arith.select %ge3A_7, %bitcast_convert_type3A, %xor3A_10 : vector<28x256xi1>, vector<28x256xi32>
    %broadcast_in_dim3A = arith.constant 0 : i32
    %broadcast_in_dim3A_11 = vector.broadcast %broadcast_in_dim3A : i32 to vector<28x1xi32>
    %scan3A = arith.constant -2147483648 : i32
    %scan3A_12 = arith.constant 0 : i32
    %scan3A_13 = arith.constant 32 : i32
    %scan3A_14 = arith.addi %scan3A_12, %scan3A_13 : i32
    %scan3A_15 = arith.constant 1 : i32
    %scan3A_16 = scf.for %scan3A_885 = %scan3A_12 to %scan3A_14 step %scan3A_15 iter_args(%scan3A_886 = %broadcast_in_dim3A_11) -> (vector<28x1xi32>)  : i32 {
      %sub3A_887 = arith.constant 31 : i32
      %sub3A_888 = arith.subi %sub3A_887, %scan3A_885 : i32
      %shift_left3A = arith.constant 1 : i32
      %shift_left3A_889 = arith.shli %shift_left3A, %sub3A_888 : i32
      %or3A_890 = vector.broadcast %shift_left3A_889 : i32 to vector<28x1xi32>
      %or3A_891 = arith.ori %scan3A_886, %or3A_890 : vector<28x1xi32>
      %xor3A_892 = vector.broadcast %scan3A : i32 to vector<28x1xi32>
      %xor3A_893 = arith.xori %or3A_891, %xor3A_892 : vector<28x1xi32>
      %ge3A_894 = vector.broadcast %xor3A_893 : vector<28x1xi32> to vector<28x256xi32>
      %ge3A_895 = arith.cmpi sge, %select_n3A, %ge3A_894 : vector<28x256xi32>
      %convert_element_type3A_896 = arith.extui %ge3A_895 : vector<28x256xi1> to vector<28x256xi32>
      %reduce_sum3A_897 = arith.constant dense<0> : vector<28xi32>
      %reduce_sum3A_898 = vector.multi_reduction <add>, %convert_element_type3A_896, %reduce_sum3A_897 [1] : vector<28x256xi32> to vector<28xi32>
      %broadcast_in_dim3A_899 = vector.shape_cast %reduce_sum3A_898 : vector<28xi32> to vector<28x1xi32>
      %ge3A_900 = arith.constant 128 : i32
      %ge3A_901 = vector.broadcast %ge3A_900 : i32 to vector<28x1xi32>
      %ge3A_902 = arith.cmpi sge, %broadcast_in_dim3A_899, %ge3A_901 : vector<28x1xi32>
      %select_n3A_903 = arith.select %ge3A_902, %or3A_891, %scan3A_886 : vector<28x1xi1>, vector<28x1xi32>
      scf.yield %select_n3A_903 : vector<28x1xi32>
    }
    %scan3A_17 = arith.constant 32 : i32
    %xor3A_18 = arith.constant -2147483648 : i32
    %xor3A_19 = vector.broadcast %xor3A_18 : i32 to vector<28x1xi32>
    %xor3A_20 = arith.xori %scan3A_16, %xor3A_19 : vector<28x1xi32>
    %gt3A = vector.broadcast %xor3A_20 : vector<28x1xi32> to vector<28x256xi32>
    %gt3A_21 = arith.cmpi sgt, %select_n3A, %gt3A : vector<28x256xi32>
    %eq3A = vector.broadcast %xor3A_20 : vector<28x1xi32> to vector<28x256xi32>
    %eq3A_22 = arith.cmpi eq, %select_n3A, %eq3A : vector<28x256xi32>
    %convert_element_type3A_23 = arith.extui %gt3A_21 : vector<28x256xi1> to vector<28x256xi32>
    %reduce_sum3A = arith.constant dense<0> : vector<28xi32>
    %reduce_sum3A_24 = vector.multi_reduction <add>, %convert_element_type3A_23, %reduce_sum3A [1] : vector<28x256xi32> to vector<28xi32>
    %broadcast_in_dim3A_25 = vector.shape_cast %reduce_sum3A_24 : vector<28xi32> to vector<28x1xi32>
    %sub3A = arith.constant 128 : i32
    %sub3A_26 = vector.broadcast %sub3A : i32 to vector<28x1xi32>
    %sub3A_27 = arith.subi %sub3A_26, %broadcast_in_dim3A_25 : vector<28x1xi32>
    %convert_element_type3A_28 = arith.sitofp %sub3A_27 : vector<28x1xi32> to vector<28x1xf32>
    %convert_element_type3A_29 = arith.extui %eq3A_22 : vector<28x256xi1> to vector<28x256xi32>
    %convert_element_type3A_30 = arith.sitofp %convert_element_type3A_29 : vector<28x256xi32> to vector<28x256xf32>
    %get3A_31 = arith.constant 0 : index
    %get3A_32 = arith.constant 0 : index
    %get3A_33 = vector.load %arg4[%get3A_31, %get3A_32] : memref<256x256xf32, #tpu.memory_space<vmem>>, vector<256x256xf32>
    %dot_general3A = arith.constant dense<0.000000e+00> : vector<28x256xf32>
    %dot_general3A_34 = tpu.matmul %convert_element_type3A_30, %get3A_33, %dot_general3A {dimension_numbers = #tpu.dot_dimension_numbers<[1], [0], [0], [1], [0, 0, 1, 1], [], []>, transpose_lhs_hint = false} : vector<28x256xf32>, vector<256x256xf32>, vector<28x256xf32> -> vector<28x256xf32>
    %lt3A_35 = vector.broadcast %convert_element_type3A_28 : vector<28x1xf32> to vector<28x256xf32>
    %lt3A_36 = arith.cmpf olt, %dot_general3A_34, %lt3A_35 : vector<28x256xf32>
    %and3A = arith.andi %eq3A_22, %lt3A_36 : vector<28x256xi1>
    %or3A = arith.ori %gt3A_21, %and3A : vector<28x256xi1>
    %convert_element_type3A_37 = arith.extui %or3A : vector<28x256xi1> to vector<28x256xi32>
    %convert_element_type3A_38 = arith.sitofp %convert_element_type3A_37 : vector<28x256xi32> to vector<28x256xf32>
    %get3A_39 = arith.constant 0 : index
    %get3A_40 = arith.constant 0 : index
    %get3A_41 = vector.load %arg4[%get3A_39, %get3A_40] : memref<256x256xf32, #tpu.memory_space<vmem>>, vector<256x256xf32>
    %dot_general3A_42 = arith.constant dense<0.000000e+00> : vector<28x256xf32>
    %dot_general3A_43 = tpu.matmul %convert_element_type3A_38, %get3A_41, %dot_general3A_42 {dimension_numbers = #tpu.dot_dimension_numbers<[1], [0], [0], [1], [0, 0, 1, 1], [], []>, transpose_lhs_hint = false} : vector<28x256xf32>, vector<256x256xf32>, vector<28x256xf32> -> vector<28x256xf32>
    %iota3A_44 = tpu.iota {dimensions = array<i32: 0>} : vector<128x256xi32>
    %convert_element_type3A_45 = arith.sitofp %iota3A_44 : vector<128x256xi32> to vector<128x256xf32>
    %iota3A_46 = tpu.iota {dimensions = array<i32: 1>} : vector<128x256xi32>
    %convert_element_type3A_47 = arith.sitofp %iota3A_46 : vector<128x256xi32> to vector<128x256xf32>
    %slice3A = vector.extract_strided_slice %dot_general3A_43 {offsets = [0, 0], sizes = [1, 256], strides = [1, 1]} : vector<28x256xf32> to vector<1x256xf32>
    %eq3A_48 = vector.broadcast %slice3A : vector<1x256xf32> to vector<128x256xf32>
    %eq3A_49 = arith.cmpf oeq, %convert_element_type3A_45, %eq3A_48 : vector<128x256xf32>
    %slice3A_50 = vector.extract_strided_slice %or3A {offsets = [0, 0], sizes = [1, 256], strides = [1, 1]} : vector<28x256xi1> to vector<1x256xi1>
    %and3A_51 = vector.broadcast %slice3A_50 : vector<1x256xi1> to vector<128x256xi1>
    %and3A_52 = arith.andi %eq3A_49, %and3A_51 : vector<128x256xi1>
    %jit3A = arith.constant 1.000000e+00 : f32
    %jit3A_53 = arith.constant 0.000000e+00 : f32
    %broadcast_in_dim3A_54 = vector.broadcast %jit3A : f32 to vector<128x256xf32>
    %broadcast_in_dim3A_55 = vector.broadcast %jit3A_53 : f32 to vector<128x256xf32>
    %select_n3A_56 = arith.select %and3A_52, %broadcast_in_dim3A_54, %broadcast_in_dim3A_55 : vector<128x256xi1>, vector<128x256xf32>
    %mul3A = arith.mulf %select_n3A_56, %convert_element_type3A_47 : vector<128x256xf32>
    %reduce_sum3A_57 = arith.constant dense<0.000000e+00> : vector<128xf32>
    %reduce_sum3A_58 = vector.multi_reduction <add>, %mul3A, %reduce_sum3A_57 [1] : vector<128x256xf32> to vector<128xf32>
    %convert_element_type3A_59 = arith.fptosi %reduce_sum3A_58 : vector<128xf32> to vector<128xi32>
    %swap3A_60 = arith.constant 0 : index
    %swap3A_61 = arith.constant 0 : index
    %swap3A_62 = vector.load %arg2[%swap3A_60, %swap3A_61] : memref<28x128xi32, #tpu.memory_space<vmem>>, vector<1x128xi32>
    %swap3A_63 = vector.shape_cast %swap3A_62 : vector<1x128xi32> to vector<128xi32>
    %swap3A_64 = vector.shape_cast %convert_element_type3A_59 : vector<128xi32> to vector<1x128xi32>
    tpu.vector_store %arg2[%swap3A_60, %swap3A_61], %swap3A_64 {strides = array<i32>} : memref<28x128xi32, #tpu.memory_space<vmem>>, vector<1x128xi32>,
    %slice3A_65 = vector.extract_strided_slice %get3A_5 {offsets = [0, 0], sizes = [1, 256], strides = [1, 1]} : vector<28x256xf32> to vector<1x256xf32>
    %mul3A_66 = vector.broadcast %slice3A_65 : vector<1x256xf32> to vector<128x256xf32>
    %mul3A_67 = arith.mulf %select_n3A_56, %mul3A_66 : vector<128x256xf32>
    %reduce_sum3A_68 = arith.constant dense<0.000000e+00> : vector<128xf32>
    %reduce_sum3A_69 = vector.multi_reduction <add>, %mul3A_67, %reduce_sum3A_68 [1] : vector<128x256xf32> to vector<128xf32>
    %swap3A_70 = arith.constant 0 : index
    %swap3A_71 = arith.constant 0 : index
    %swap3A_72 = vector.load %arg3[%swap3A_70, %swap3A_71] : memref<28x128xf32, #tpu.memory_space<vmem>>, vector<1x128xf32>
    %swap3A_73 = vector.shape_cast %swap3A_72 : vector<1x128xf32> to vector<128xf32>
    %swap3A_74 = vector.shape_cast %reduce_sum3A_69 : vector<128xf32> to vector<1x128xf32>
    tpu.vector_store %arg3[%swap3A_70, %swap3A_71], %swap3A_74 {strides = array<i32>} : memref<28x128xf32, #tpu.memory_space<vmem>>, vector<1x128xf32>,
    %slice3A_75 = vector.extract_strided_slice %dot_general3A_43 {offsets = [1, 0], sizes = [1, 256], strides = [1, 1]} : vector<28x256xf32> to vector<1x256xf32>
    %eq3A_76 = vector.broadcast %slice3A_75 : vector<1x256xf32> to vector<128x256xf32>
    %eq3A_77 = arith.cmpf oeq, %convert_element_type3A_45, %eq3A_76 : vector<128x256xf32>
    %slice3A_78 = vector.extract_strided_slice %or3A {offsets = [1, 0], sizes = [1, 256], strides = [1, 1]} : vector<28x256xi1> to vector<1x256xi1>
    %and3A_79 = vector.broadcast %slice3A_78 : vector<1x256xi1> to vector<128x256xi1>
    %and3A_80 = arith.andi %eq3A_77, %and3A_79 : vector<128x256xi1>
    %jit3A_81 = arith.constant 1.000000e+00 : f32
    %jit3A_82 = arith.constant 0.000000e+00 : f32
    %broadcast_in_dim3A_83 = vector.broadcast %jit3A_81 : f32 to vector<128x256xf32>
    %broadcast_in_dim3A_84 = vector.broadcast %jit3A_82 : f32 to vector<128x256xf32>
    %select_n3A_85 = arith.select %and3A_80, %broadcast_in_dim3A_83, %broadcast_in_dim3A_84 : vector<128x256xi1>, vector<128x256xf32>
    %mul3A_86 = arith.mulf %select_n3A_85, %convert_element_type3A_47 : vector<128x256xf32>
    %reduce_sum3A_87 = arith.constant dense<0.000000e+00> : vector<128xf32>
    %reduce_sum3A_88 = vector.multi_reduction <add>, %mul3A_86, %reduce_sum3A_87 [1] : vector<128x256xf32> to vector<128xf32>
    %convert_element_type3A_89 = arith.fptosi %reduce_sum3A_88 : vector<128xf32> to vector<128xi32>
    %swap3A_90 = arith.constant 1 : index
    %swap3A_91 = arith.constant 0 : index
    %swap3A_92 = vector.load %arg2[%swap3A_90, %swap3A_91] : memref<28x128xi32, #tpu.memory_space<vmem>>, vector<1x128xi32>
    %swap3A_93 = vector.shape_cast %swap3A_92 : vector<1x128xi32> to vector<128xi32>
    %swap3A_94 = vector.shape_cast %convert_element_type3A_89 : vector<128xi32> to vector<1x128xi32>
    tpu.vector_store %arg2[%swap3A_90, %swap3A_91], %swap3A_94 {strides = array<i32>} : memref<28x128xi32, #tpu.memory_space<vmem>>, vector<1x128xi32>,
    %slice3A_95 = vector.extract_strided_slice %get3A_5 {offsets = [1, 0], sizes = [1, 256], strides = [1, 1]} : vector<28x256xf32> to vector<1x256xf32>
    %mul3A_96 = vector.broadcast %slice3A_95 : vector<1x256xf32> to vector<128x256xf32>
    %mul3A_97 = arith.mulf %select_n3A_85, %mul3A_96 : vector<128x256xf32>
    %reduce_sum3A_98 = arith.constant dense<0.000000e+00> : vector<128xf32>
    %reduce_sum3A_99 = vector.multi_reduction <add>, %mul3A_97, %reduce_sum3A_98 [1] : vector<128x256xf32> to vector<128xf32>
    %swap3A_100 = arith.constant 1 : index
    %swap3A_101 = arith.constant 0 : index
    %swap3A_102 = vector.load %arg3[%swap3A_100, %swap3A_101] : memref<28x128xf32, #tpu.memory_space<vmem>>, vector<1x128xf32>
    %swap3A_103 = vector.shape_cast %swap3A_102 : vector<1x128xf32> to vector<128xf32>
    %swap3A_104 = vector.shape_cast %reduce_sum3A_99 : vector<128xf32> to vector<1x128xf32>
    tpu.vector_store %arg3[%swap3A_100, %swap3A_101], %swap3A_104 {strides = array<i32>} : memref<28x128xf32, #tpu.memory_space<vmem>>, vector<1x128xf32>,
    %slice3A_105 = vector.extract_strided_slice %dot_general3A_43 {offsets = [2, 0], sizes = [1, 256], strides = [1, 1]} : vector<28x256xf32> to vector<1x256xf32>
    %eq3A_106 = vector.broadcast %slice3A_105 : vector<1x256xf32> to vector<128x256xf32>
    %eq3A_107 = arith.cmpf oeq, %convert_element_type3A_45, %eq3A_106 : vector<128x256xf32>
    %slice3A_108 = vector.extract_strided_slice %or3A {offsets = [2, 0], sizes = [1, 256], strides = [1, 1]} : vector<28x256xi1> to vector<1x256xi1>
    %and3A_109 = vector.broadcast %slice3A_108 : vector<1x256xi1> to vector<128x256xi1>
    %and3A_110 = arith.andi %eq3A_107, %and3A_109 : vector<128x256xi1>
    %jit3A_111 = arith.constant 1.000000e+00 : f32
    %jit3A_112 = arith.constant 0.000000e+00 : f32
    %broadcast_in_dim3A_113 = vector.broadcast %jit3A_111 : f32 to vector<128x256xf32>
    %broadcast_in_dim3A_114 = vector.broadcast %jit3A_112 : f32 to vector<128x256xf32>
    %select_n3A_115 = arith.select %and3A_110, %broadcast_in_dim3A_113, %broadcast_in_dim3A_114 : vector<128x256xi1>, vector<128x256xf32>
    %mul3A_116 = arith.mulf %select_n3A_115, %convert_element_type3A_47 : vector<128x256xf32>
    %reduce_sum3A_117 = arith.constant dense<0.000000e+00> : vector<128xf32>
    %reduce_sum3A_118 = vector.multi_reduction <add>, %mul3A_116, %reduce_sum3A_117 [1] : vector<128x256xf32> to vector<128xf32>
    %convert_element_type3A_119 = arith.fptosi %reduce_sum3A_118 : vector<128xf32> to vector<128xi32>
    %swap3A_120 = arith.constant 2 : index
    %swap3A_121 = arith.constant 0 : index
    %swap3A_122 = vector.load %arg2[%swap3A_120, %swap3A_121] : memref<28x128xi32, #tpu.memory_space<vmem>>, vector<1x128xi32>
    %swap3A_123 = vector.shape_cast %swap3A_122 : vector<1x128xi32> to vector<128xi32>
    %swap3A_124 = vector.shape_cast %convert_element_type3A_119 : vector<128xi32> to vector<1x128xi32>
    tpu.vector_store %arg2[%swap3A_120, %swap3A_121], %swap3A_124 {strides = array<i32>} : memref<28x128xi32, #tpu.memory_space<vmem>>, vector<1x128xi32>,
    %slice3A_125 = vector.extract_strided_slice %get3A_5 {offsets = [2, 0], sizes = [1, 256], strides = [1, 1]} : vector<28x256xf32> to vector<1x256xf32>
    %mul3A_126 = vector.broadcast %slice3A_125 : vector<1x256xf32> to vector<128x256xf32>
    %mul3A_127 = arith.mulf %select_n3A_115, %mul3A_126 : vector<128x256xf32>
    %reduce_sum3A_128 = arith.constant dense<0.000000e+00> : vector<128xf32>
    %reduce_sum3A_129 = vector.multi_reduction <add>, %mul3A_127, %reduce_sum3A_128 [1] : vector<128x256xf32> to vector<128xf32>
    %swap3A_130 = arith.constant 2 : index
    %swap3A_131 = arith.constant 0 : index
    %swap3A_132 = vector.load %arg3[%swap3A_130, %swap3A_131] : memref<28x128xf32, #tpu.memory_space<vmem>>, vector<1x128xf32>
    %swap3A_133 = vector.shape_cast %swap3A_132 : vector<1x128xf32> to vector<128xf32>
    %swap3A_134 = vector.shape_cast %reduce_sum3A_129 : vector<128xf32> to vector<1x128xf32>
    tpu.vector_store %arg3[%swap3A_130, %swap3A_131], %swap3A_134 {strides = array<i32>} : memref<28x128xf32, #tpu.memory_space<vmem>>, vector<1x128xf32>,
    %slice3A_135 = vector.extract_strided_slice %dot_general3A_43 {offsets = [3, 0], sizes = [1, 256], strides = [1, 1]} : vector<28x256xf32> to vector<1x256xf32>
    %eq3A_136 = vector.broadcast %slice3A_135 : vector<1x256xf32> to vector<128x256xf32>
    %eq3A_137 = arith.cmpf oeq, %convert_element_type3A_45, %eq3A_136 : vector<128x256xf32>
    %slice3A_138 = vector.extract_strided_slice %or3A {offsets = [3, 0], sizes = [1, 256], strides = [1, 1]} : vector<28x256xi1> to vector<1x256xi1>
    %and3A_139 = vector.broadcast %slice3A_138 : vector<1x256xi1> to vector<128x256xi1>
    %and3A_140 = arith.andi %eq3A_137, %and3A_139 : vector<128x256xi1>
    %jit3A_141 = arith.constant 1.000000e+00 : f32
    %jit3A_142 = arith.constant 0.000000e+00 : f32
    %broadcast_in_dim3A_143 = vector.broadcast %jit3A_141 : f32 to vector<128x256xf32>
    %broadcast_in_dim3A_144 = vector.broadcast %jit3A_142 : f32 to vector<128x256xf32>
    %select_n3A_145 = arith.select %and3A_140, %broadcast_in_dim3A_143, %broadcast_in_dim3A_144 : vector<128x256xi1>, vector<128x256xf32>
    %mul3A_146 = arith.mulf %select_n3A_145, %convert_element_type3A_47 : vector<128x256xf32>
    %reduce_sum3A_147 = arith.constant dense<0.000000e+00> : vector<128xf32>
    %reduce_sum3A_148 = vector.multi_reduction <add>, %mul3A_146, %reduce_sum3A_147 [1] : vector<128x256xf32> to vector<128xf32>
    %convert_element_type3A_149 = arith.fptosi %reduce_sum3A_148 : vector<128xf32> to vector<128xi32>
    %swap3A_150 = arith.constant 3 : index
    %swap3A_151 = arith.constant 0 : index
    %swap3A_152 = vector.load %arg2[%swap3A_150, %swap3A_151] : memref<28x128xi32, #tpu.memory_space<vmem>>, vector<1x128xi32>
    %swap3A_153 = vector.shape_cast %swap3A_152 : vector<1x128xi32> to vector<128xi32>
    %swap3A_154 = vector.shape_cast %convert_element_type3A_149 : vector<128xi32> to vector<1x128xi32>
    tpu.vector_store %arg2[%swap3A_150, %swap3A_151], %swap3A_154 {strides = array<i32>} : memref<28x128xi32, #tpu.memory_space<vmem>>, vector<1x128xi32>,
    %slice3A_155 = vector.extract_strided_slice %get3A_5 {offsets = [3, 0], sizes = [1, 256], strides = [1, 1]} : vector<28x256xf32> to vector<1x256xf32>
    %mul3A_156 = vector.broadcast %slice3A_155 : vector<1x256xf32> to vector<128x256xf32>
    %mul3A_157 = arith.mulf %select_n3A_145, %mul3A_156 : vector<128x256xf32>
    %reduce_sum3A_158 = arith.constant dense<0.000000e+00> : vector<128xf32>
    %reduce_sum3A_159 = vector.multi_reduction <add>, %mul3A_157, %reduce_sum3A_158 [1] : vector<128x256xf32> to vector<128xf32>
    %swap3A_160 = arith.constant 3 : index
    %swap3A_161 = arith.constant 0 : index
    %swap3A_162 = vector.load %arg3[%swap3A_160, %swap3A_161] : memref<28x128xf32, #tpu.memory_space<vmem>>, vector<1x128xf32>
    %swap3A_163 = vector.shape_cast %swap3A_162 : vector<1x128xf32> to vector<128xf32>
    %swap3A_164 = vector.shape_cast %reduce_sum3A_159 : vector<128xf32> to vector<1x128xf32>
    tpu.vector_store %arg3[%swap3A_160, %swap3A_161], %swap3A_164 {strides = array<i32>} : memref<28x128xf32, #tpu.memory_space<vmem>>, vector<1x128xf32>,
    %slice3A_165 = vector.extract_strided_slice %dot_general3A_43 {offsets = [4, 0], sizes = [1, 256], strides = [1, 1]} : vector<28x256xf32> to vector<1x256xf32>
    %eq3A_166 = vector.broadcast %slice3A_165 : vector<1x256xf32> to vector<128x256xf32>
    %eq3A_167 = arith.cmpf oeq, %convert_element_type3A_45, %eq3A_166 : vector<128x256xf32>
    %slice3A_168 = vector.extract_strided_slice %or3A {offsets = [4, 0], sizes = [1, 256], strides = [1, 1]} : vector<28x256xi1> to vector<1x256xi1>
    %and3A_169 = vector.broadcast %slice3A_168 : vector<1x256xi1> to vector<128x256xi1>
    %and3A_170 = arith.andi %eq3A_167, %and3A_169 : vector<128x256xi1>
    %jit3A_171 = arith.constant 1.000000e+00 : f32
    %jit3A_172 = arith.constant 0.000000e+00 : f32
    %broadcast_in_dim3A_173 = vector.broadcast %jit3A_171 : f32 to vector<128x256xf32>
    %broadcast_in_dim3A_174 = vector.broadcast %jit3A_172 : f32 to vector<128x256xf32>
    %select_n3A_175 = arith.select %and3A_170, %broadcast_in_dim3A_173, %broadcast_in_dim3A_174 : vector<128x256xi1>, vector<128x256xf32>
    %mul3A_176 = arith.mulf %select_n3A_175, %convert_element_type3A_47 : vector<128x256xf32>
    %reduce_sum3A_177 = arith.constant dense<0.000000e+00> : vector<128xf32>
    %reduce_sum3A_178 = vector.multi_reduction <add>, %mul3A_176, %reduce_sum3A_177 [1] : vector<128x256xf32> to vector<128xf32>
    %convert_element_type3A_179 = arith.fptosi %reduce_sum3A_178 : vector<128xf32> to vector<128xi32>
    %swap3A_180 = arith.constant 4 : index
    %swap3A_181 = arith.constant 0 : index
    %swap3A_182 = vector.load %arg2[%swap3A_180, %swap3A_181] : memref<28x128xi32, #tpu.memory_space<vmem>>, vector<1x128xi32>
    %swap3A_183 = vector.shape_cast %swap3A_182 : vector<1x128xi32> to vector<128xi32>
    %swap3A_184 = vector.shape_cast %convert_element_type3A_179 : vector<128xi32> to vector<1x128xi32>
    tpu.vector_store %arg2[%swap3A_180, %swap3A_181], %swap3A_184 {strides = array<i32>} : memref<28x128xi32, #tpu.memory_space<vmem>>, vector<1x128xi32>,
    %slice3A_185 = vector.extract_strided_slice %get3A_5 {offsets = [4, 0], sizes = [1, 256], strides = [1, 1]} : vector<28x256xf32> to vector<1x256xf32>
    %mul3A_186 = vector.broadcast %slice3A_185 : vector<1x256xf32> to vector<128x256xf32>
    %mul3A_187 = arith.mulf %select_n3A_175, %mul3A_186 : vector<128x256xf32>
    %reduce_sum3A_188 = arith.constant dense<0.000000e+00> : vector<128xf32>
    %reduce_sum3A_189 = vector.multi_reduction <add>, %mul3A_187, %reduce_sum3A_188 [1] : vector<128x256xf32> to vector<128xf32>
    %swap3A_190 = arith.constant 4 : index
    %swap3A_191 = arith.constant 0 : index
    %swap3A_192 = vector.load %arg3[%swap3A_190, %swap3A_191] : memref<28x128xf32, #tpu.memory_space<vmem>>, vector<1x128xf32>
    %swap3A_193 = vector.shape_cast %swap3A_192 : vector<1x128xf32> to vector<128xf32>
    %swap3A_194 = vector.shape_cast %reduce_sum3A_189 : vector<128xf32> to vector<1x128xf32>
    tpu.vector_store %arg3[%swap3A_190, %swap3A_191], %swap3A_194 {strides = array<i32>} : memref<28x128xf32, #tpu.memory_space<vmem>>, vector<1x128xf32>,
    %slice3A_195 = vector.extract_strided_slice %dot_general3A_43 {offsets = [5, 0], sizes = [1, 256], strides = [1, 1]} : vector<28x256xf32> to vector<1x256xf32>
    %eq3A_196 = vector.broadcast %slice3A_195 : vector<1x256xf32> to vector<128x256xf32>
    %eq3A_197 = arith.cmpf oeq, %convert_element_type3A_45, %eq3A_196 : vector<128x256xf32>
    %slice3A_198 = vector.extract_strided_slice %or3A {offsets = [5, 0], sizes = [1, 256], strides = [1, 1]} : vector<28x256xi1> to vector<1x256xi1>
    %and3A_199 = vector.broadcast %slice3A_198 : vector<1x256xi1> to vector<128x256xi1>
    %and3A_200 = arith.andi %eq3A_197, %and3A_199 : vector<128x256xi1>
    %jit3A_201 = arith.constant 1.000000e+00 : f32
    %jit3A_202 = arith.constant 0.000000e+00 : f32
    %broadcast_in_dim3A_203 = vector.broadcast %jit3A_201 : f32 to vector<128x256xf32>
    %broadcast_in_dim3A_204 = vector.broadcast %jit3A_202 : f32 to vector<128x256xf32>
    %select_n3A_205 = arith.select %and3A_200, %broadcast_in_dim3A_203, %broadcast_in_dim3A_204 : vector<128x256xi1>, vector<128x256xf32>
    %mul3A_206 = arith.mulf %select_n3A_205, %convert_element_type3A_47 : vector<128x256xf32>
    %reduce_sum3A_207 = arith.constant dense<0.000000e+00> : vector<128xf32>
    %reduce_sum3A_208 = vector.multi_reduction <add>, %mul3A_206, %reduce_sum3A_207 [1] : vector<128x256xf32> to vector<128xf32>
    %convert_element_type3A_209 = arith.fptosi %reduce_sum3A_208 : vector<128xf32> to vector<128xi32>
    %swap3A_210 = arith.constant 5 : index
    %swap3A_211 = arith.constant 0 : index
    %swap3A_212 = vector.load %arg2[%swap3A_210, %swap3A_211] : memref<28x128xi32, #tpu.memory_space<vmem>>, vector<1x128xi32>
    %swap3A_213 = vector.shape_cast %swap3A_212 : vector<1x128xi32> to vector<128xi32>
    %swap3A_214 = vector.shape_cast %convert_element_type3A_209 : vector<128xi32> to vector<1x128xi32>
    tpu.vector_store %arg2[%swap3A_210, %swap3A_211], %swap3A_214 {strides = array<i32>} : memref<28x128xi32, #tpu.memory_space<vmem>>, vector<1x128xi32>,
    %slice3A_215 = vector.extract_strided_slice %get3A_5 {offsets = [5, 0], sizes = [1, 256], strides = [1, 1]} : vector<28x256xf32> to vector<1x256xf32>
    %mul3A_216 = vector.broadcast %slice3A_215 : vector<1x256xf32> to vector<128x256xf32>
    %mul3A_217 = arith.mulf %select_n3A_205, %mul3A_216 : vector<128x256xf32>
    %reduce_sum3A_218 = arith.constant dense<0.000000e+00> : vector<128xf32>
    %reduce_sum3A_219 = vector.multi_reduction <add>, %mul3A_217, %reduce_sum3A_218 [1] : vector<128x256xf32> to vector<128xf32>
    %swap3A_220 = arith.constant 5 : index
    %swap3A_221 = arith.constant 0 : index
    %swap3A_222 = vector.load %arg3[%swap3A_220, %swap3A_221] : memref<28x128xf32, #tpu.memory_space<vmem>>, vector<1x128xf32>
    %swap3A_223 = vector.shape_cast %swap3A_222 : vector<1x128xf32> to vector<128xf32>
    %swap3A_224 = vector.shape_cast %reduce_sum3A_219 : vector<128xf32> to vector<1x128xf32>
    tpu.vector_store %arg3[%swap3A_220, %swap3A_221], %swap3A_224 {strides = array<i32>} : memref<28x128xf32, #tpu.memory_space<vmem>>, vector<1x128xf32>,
    %slice3A_225 = vector.extract_strided_slice %dot_general3A_43 {offsets = [6, 0], sizes = [1, 256], strides = [1, 1]} : vector<28x256xf32> to vector<1x256xf32>
    %eq3A_226 = vector.broadcast %slice3A_225 : vector<1x256xf32> to vector<128x256xf32>
    %eq3A_227 = arith.cmpf oeq, %convert_element_type3A_45, %eq3A_226 : vector<128x256xf32>
    %slice3A_228 = vector.extract_strided_slice %or3A {offsets = [6, 0], sizes = [1, 256], strides = [1, 1]} : vector<28x256xi1> to vector<1x256xi1>
    %and3A_229 = vector.broadcast %slice3A_228 : vector<1x256xi1> to vector<128x256xi1>
    %and3A_230 = arith.andi %eq3A_227, %and3A_229 : vector<128x256xi1>
    %jit3A_231 = arith.constant 1.000000e+00 : f32
    %jit3A_232 = arith.constant 0.000000e+00 : f32
    %broadcast_in_dim3A_233 = vector.broadcast %jit3A_231 : f32 to vector<128x256xf32>
    %broadcast_in_dim3A_234 = vector.broadcast %jit3A_232 : f32 to vector<128x256xf32>
    %select_n3A_235 = arith.select %and3A_230, %broadcast_in_dim3A_233, %broadcast_in_dim3A_234 : vector<128x256xi1>, vector<128x256xf32>
    %mul3A_236 = arith.mulf %select_n3A_235, %convert_element_type3A_47 : vector<128x256xf32>
    %reduce_sum3A_237 = arith.constant dense<0.000000e+00> : vector<128xf32>
    %reduce_sum3A_238 = vector.multi_reduction <add>, %mul3A_236, %reduce_sum3A_237 [1] : vector<128x256xf32> to vector<128xf32>
    %convert_element_type3A_239 = arith.fptosi %reduce_sum3A_238 : vector<128xf32> to vector<128xi32>
    %swap3A_240 = arith.constant 6 : index
    %swap3A_241 = arith.constant 0 : index
    %swap3A_242 = vector.load %arg2[%swap3A_240, %swap3A_241] : memref<28x128xi32, #tpu.memory_space<vmem>>, vector<1x128xi32>
    %swap3A_243 = vector.shape_cast %swap3A_242 : vector<1x128xi32> to vector<128xi32>
    %swap3A_244 = vector.shape_cast %convert_element_type3A_239 : vector<128xi32> to vector<1x128xi32>
    tpu.vector_store %arg2[%swap3A_240, %swap3A_241], %swap3A_244 {strides = array<i32>} : memref<28x128xi32, #tpu.memory_space<vmem>>, vector<1x128xi32>,
    %slice3A_245 = vector.extract_strided_slice %get3A_5 {offsets = [6, 0], sizes = [1, 256], strides = [1, 1]} : vector<28x256xf32> to vector<1x256xf32>
    %mul3A_246 = vector.broadcast %slice3A_245 : vector<1x256xf32> to vector<128x256xf32>
    %mul3A_247 = arith.mulf %select_n3A_235, %mul3A_246 : vector<128x256xf32>
    %reduce_sum3A_248 = arith.constant dense<0.000000e+00> : vector<128xf32>
    %reduce_sum3A_249 = vector.multi_reduction <add>, %mul3A_247, %reduce_sum3A_248 [1] : vector<128x256xf32> to vector<128xf32>
    %swap3A_250 = arith.constant 6 : index
    %swap3A_251 = arith.constant 0 : index
    %swap3A_252 = vector.load %arg3[%swap3A_250, %swap3A_251] : memref<28x128xf32, #tpu.memory_space<vmem>>, vector<1x128xf32>
    %swap3A_253 = vector.shape_cast %swap3A_252 : vector<1x128xf32> to vector<128xf32>
    %swap3A_254 = vector.shape_cast %reduce_sum3A_249 : vector<128xf32> to vector<1x128xf32>
    tpu.vector_store %arg3[%swap3A_250, %swap3A_251], %swap3A_254 {strides = array<i32>} : memref<28x128xf32, #tpu.memory_space<vmem>>, vector<1x128xf32>,
    %slice3A_255 = vector.extract_strided_slice %dot_general3A_43 {offsets = [7, 0], sizes = [1, 256], strides = [1, 1]} : vector<28x256xf32> to vector<1x256xf32>
    %eq3A_256 = vector.broadcast %slice3A_255 : vector<1x256xf32> to vector<128x256xf32>
    %eq3A_257 = arith.cmpf oeq, %convert_element_type3A_45, %eq3A_256 : vector<128x256xf32>
    %slice3A_258 = vector.extract_strided_slice %or3A {offsets = [7, 0], sizes = [1, 256], strides = [1, 1]} : vector<28x256xi1> to vector<1x256xi1>
    %and3A_259 = vector.broadcast %slice3A_258 : vector<1x256xi1> to vector<128x256xi1>
    %and3A_260 = arith.andi %eq3A_257, %and3A_259 : vector<128x256xi1>
    %jit3A_261 = arith.constant 1.000000e+00 : f32
    %jit3A_262 = arith.constant 0.000000e+00 : f32
    %broadcast_in_dim3A_263 = vector.broadcast %jit3A_261 : f32 to vector<128x256xf32>
    %broadcast_in_dim3A_264 = vector.broadcast %jit3A_262 : f32 to vector<128x256xf32>
    %select_n3A_265 = arith.select %and3A_260, %broadcast_in_dim3A_263, %broadcast_in_dim3A_264 : vector<128x256xi1>, vector<128x256xf32>
    %mul3A_266 = arith.mulf %select_n3A_265, %convert_element_type3A_47 : vector<128x256xf32>
    %reduce_sum3A_267 = arith.constant dense<0.000000e+00> : vector<128xf32>
    %reduce_sum3A_268 = vector.multi_reduction <add>, %mul3A_266, %reduce_sum3A_267 [1] : vector<128x256xf32> to vector<128xf32>
    %convert_element_type3A_269 = arith.fptosi %reduce_sum3A_268 : vector<128xf32> to vector<128xi32>
    %swap3A_270 = arith.constant 7 : index
    %swap3A_271 = arith.constant 0 : index
    %swap3A_272 = vector.load %arg2[%swap3A_270, %swap3A_271] : memref<28x128xi32, #tpu.memory_space<vmem>>, vector<1x128xi32>
    %swap3A_273 = vector.shape_cast %swap3A_272 : vector<1x128xi32> to vector<128xi32>
    %swap3A_274 = vector.shape_cast %convert_element_type3A_269 : vector<128xi32> to vector<1x128xi32>
    tpu.vector_store %arg2[%swap3A_270, %swap3A_271], %swap3A_274 {strides = array<i32>} : memref<28x128xi32, #tpu.memory_space<vmem>>, vector<1x128xi32>,
    %slice3A_275 = vector.extract_strided_slice %get3A_5 {offsets = [7, 0], sizes = [1, 256], strides = [1, 1]} : vector<28x256xf32> to vector<1x256xf32>
    %mul3A_276 = vector.broadcast %slice3A_275 : vector<1x256xf32> to vector<128x256xf32>
    %mul3A_277 = arith.mulf %select_n3A_265, %mul3A_276 : vector<128x256xf32>
    %reduce_sum3A_278 = arith.constant dense<0.000000e+00> : vector<128xf32>
    %reduce_sum3A_279 = vector.multi_reduction <add>, %mul3A_277, %reduce_sum3A_278 [1] : vector<128x256xf32> to vector<128xf32>
    %swap3A_280 = arith.constant 7 : index
    %swap3A_281 = arith.constant 0 : index
    %swap3A_282 = vector.load %arg3[%swap3A_280, %swap3A_281] : memref<28x128xf32, #tpu.memory_space<vmem>>, vector<1x128xf32>
    %swap3A_283 = vector.shape_cast %swap3A_282 : vector<1x128xf32> to vector<128xf32>
    %swap3A_284 = vector.shape_cast %reduce_sum3A_279 : vector<128xf32> to vector<1x128xf32>
    tpu.vector_store %arg3[%swap3A_280, %swap3A_281], %swap3A_284 {strides = array<i32>} : memref<28x128xf32, #tpu.memory_space<vmem>>, vector<1x128xf32>,
    %slice3A_285 = vector.extract_strided_slice %dot_general3A_43 {offsets = [8, 0], sizes = [1, 256], strides = [1, 1]} : vector<28x256xf32> to vector<1x256xf32>
    %eq3A_286 = vector.broadcast %slice3A_285 : vector<1x256xf32> to vector<128x256xf32>
    %eq3A_287 = arith.cmpf oeq, %convert_element_type3A_45, %eq3A_286 : vector<128x256xf32>
    %slice3A_288 = vector.extract_strided_slice %or3A {offsets = [8, 0], sizes = [1, 256], strides = [1, 1]} : vector<28x256xi1> to vector<1x256xi1>
    %and3A_289 = vector.broadcast %slice3A_288 : vector<1x256xi1> to vector<128x256xi1>
    %and3A_290 = arith.andi %eq3A_287, %and3A_289 : vector<128x256xi1>
    %jit3A_291 = arith.constant 1.000000e+00 : f32
    %jit3A_292 = arith.constant 0.000000e+00 : f32
    %broadcast_in_dim3A_293 = vector.broadcast %jit3A_291 : f32 to vector<128x256xf32>
    %broadcast_in_dim3A_294 = vector.broadcast %jit3A_292 : f32 to vector<128x256xf32>
    %select_n3A_295 = arith.select %and3A_290, %broadcast_in_dim3A_293, %broadcast_in_dim3A_294 : vector<128x256xi1>, vector<128x256xf32>
    %mul3A_296 = arith.mulf %select_n3A_295, %convert_element_type3A_47 : vector<128x256xf32>
    %reduce_sum3A_297 = arith.constant dense<0.000000e+00> : vector<128xf32>
    %reduce_sum3A_298 = vector.multi_reduction <add>, %mul3A_296, %reduce_sum3A_297 [1] : vector<128x256xf32> to vector<128xf32>
    %convert_element_type3A_299 = arith.fptosi %reduce_sum3A_298 : vector<128xf32> to vector<128xi32>
    %swap3A_300 = arith.constant 8 : index
    %swap3A_301 = arith.constant 0 : index
    %swap3A_302 = vector.load %arg2[%swap3A_300, %swap3A_301] : memref<28x128xi32, #tpu.memory_space<vmem>>, vector<1x128xi32>
    %swap3A_303 = vector.shape_cast %swap3A_302 : vector<1x128xi32> to vector<128xi32>
    %swap3A_304 = vector.shape_cast %convert_element_type3A_299 : vector<128xi32> to vector<1x128xi32>
    tpu.vector_store %arg2[%swap3A_300, %swap3A_301], %swap3A_304 {strides = array<i32>} : memref<28x128xi32, #tpu.memory_space<vmem>>, vector<1x128xi32>,
    %slice3A_305 = vector.extract_strided_slice %get3A_5 {offsets = [8, 0], sizes = [1, 256], strides = [1, 1]} : vector<28x256xf32> to vector<1x256xf32>
    %mul3A_306 = vector.broadcast %slice3A_305 : vector<1x256xf32> to vector<128x256xf32>
    %mul3A_307 = arith.mulf %select_n3A_295, %mul3A_306 : vector<128x256xf32>
    %reduce_sum3A_308 = arith.constant dense<0.000000e+00> : vector<128xf32>
    %reduce_sum3A_309 = vector.multi_reduction <add>, %mul3A_307, %reduce_sum3A_308 [1] : vector<128x256xf32> to vector<128xf32>
    %swap3A_310 = arith.constant 8 : index
    %swap3A_311 = arith.constant 0 : index
    %swap3A_312 = vector.load %arg3[%swap3A_310, %swap3A_311] : memref<28x128xf32, #tpu.memory_space<vmem>>, vector<1x128xf32>
    %swap3A_313 = vector.shape_cast %swap3A_312 : vector<1x128xf32> to vector<128xf32>
    %swap3A_314 = vector.shape_cast %reduce_sum3A_309 : vector<128xf32> to vector<1x128xf32>
    tpu.vector_store %arg3[%swap3A_310, %swap3A_311], %swap3A_314 {strides = array<i32>} : memref<28x128xf32, #tpu.memory_space<vmem>>, vector<1x128xf32>,
    %slice3A_315 = vector.extract_strided_slice %dot_general3A_43 {offsets = [9, 0], sizes = [1, 256], strides = [1, 1]} : vector<28x256xf32> to vector<1x256xf32>
    %eq3A_316 = vector.broadcast %slice3A_315 : vector<1x256xf32> to vector<128x256xf32>
    %eq3A_317 = arith.cmpf oeq, %convert_element_type3A_45, %eq3A_316 : vector<128x256xf32>
    %slice3A_318 = vector.extract_strided_slice %or3A {offsets = [9, 0], sizes = [1, 256], strides = [1, 1]} : vector<28x256xi1> to vector<1x256xi1>
    %and3A_319 = vector.broadcast %slice3A_318 : vector<1x256xi1> to vector<128x256xi1>
    %and3A_320 = arith.andi %eq3A_317, %and3A_319 : vector<128x256xi1>
    %jit3A_321 = arith.constant 1.000000e+00 : f32
    %jit3A_322 = arith.constant 0.000000e+00 : f32
    %broadcast_in_dim3A_323 = vector.broadcast %jit3A_321 : f32 to vector<128x256xf32>
    %broadcast_in_dim3A_324 = vector.broadcast %jit3A_322 : f32 to vector<128x256xf32>
    %select_n3A_325 = arith.select %and3A_320, %broadcast_in_dim3A_323, %broadcast_in_dim3A_324 : vector<128x256xi1>, vector<128x256xf32>
    %mul3A_326 = arith.mulf %select_n3A_325, %convert_element_type3A_47 : vector<128x256xf32>
    %reduce_sum3A_327 = arith.constant dense<0.000000e+00> : vector<128xf32>
    %reduce_sum3A_328 = vector.multi_reduction <add>, %mul3A_326, %reduce_sum3A_327 [1] : vector<128x256xf32> to vector<128xf32>
    %convert_element_type3A_329 = arith.fptosi %reduce_sum3A_328 : vector<128xf32> to vector<128xi32>
    %swap3A_330 = arith.constant 9 : index
    %swap3A_331 = arith.constant 0 : index
    %swap3A_332 = vector.load %arg2[%swap3A_330, %swap3A_331] : memref<28x128xi32, #tpu.memory_space<vmem>>, vector<1x128xi32>
    %swap3A_333 = vector.shape_cast %swap3A_332 : vector<1x128xi32> to vector<128xi32>
    %swap3A_334 = vector.shape_cast %convert_element_type3A_329 : vector<128xi32> to vector<1x128xi32>
    tpu.vector_store %arg2[%swap3A_330, %swap3A_331], %swap3A_334 {strides = array<i32>} : memref<28x128xi32, #tpu.memory_space<vmem>>, vector<1x128xi32>,
    %slice3A_335 = vector.extract_strided_slice %get3A_5 {offsets = [9, 0], sizes = [1, 256], strides = [1, 1]} : vector<28x256xf32> to vector<1x256xf32>
    %mul3A_336 = vector.broadcast %slice3A_335 : vector<1x256xf32> to vector<128x256xf32>
    %mul3A_337 = arith.mulf %select_n3A_325, %mul3A_336 : vector<128x256xf32>
    %reduce_sum3A_338 = arith.constant dense<0.000000e+00> : vector<128xf32>
    %reduce_sum3A_339 = vector.multi_reduction <add>, %mul3A_337, %reduce_sum3A_338 [1] : vector<128x256xf32> to vector<128xf32>
    %swap3A_340 = arith.constant 9 : index
    %swap3A_341 = arith.constant 0 : index
    %swap3A_342 = vector.load %arg3[%swap3A_340, %swap3A_341] : memref<28x128xf32, #tpu.memory_space<vmem>>, vector<1x128xf32>
    %swap3A_343 = vector.shape_cast %swap3A_342 : vector<1x128xf32> to vector<128xf32>
    %swap3A_344 = vector.shape_cast %reduce_sum3A_339 : vector<128xf32> to vector<1x128xf32>
    tpu.vector_store %arg3[%swap3A_340, %swap3A_341], %swap3A_344 {strides = array<i32>} : memref<28x128xf32, #tpu.memory_space<vmem>>, vector<1x128xf32>,
    %slice3A_345 = vector.extract_strided_slice %dot_general3A_43 {offsets = [10, 0], sizes = [1, 256], strides = [1, 1]} : vector<28x256xf32> to vector<1x256xf32>
    %eq3A_346 = vector.broadcast %slice3A_345 : vector<1x256xf32> to vector<128x256xf32>
    %eq3A_347 = arith.cmpf oeq, %convert_element_type3A_45, %eq3A_346 : vector<128x256xf32>
    %slice3A_348 = vector.extract_strided_slice %or3A {offsets = [10, 0], sizes = [1, 256], strides = [1, 1]} : vector<28x256xi1> to vector<1x256xi1>
    %and3A_349 = vector.broadcast %slice3A_348 : vector<1x256xi1> to vector<128x256xi1>
    %and3A_350 = arith.andi %eq3A_347, %and3A_349 : vector<128x256xi1>
    %jit3A_351 = arith.constant 1.000000e+00 : f32
    %jit3A_352 = arith.constant 0.000000e+00 : f32
    %broadcast_in_dim3A_353 = vector.broadcast %jit3A_351 : f32 to vector<128x256xf32>
    %broadcast_in_dim3A_354 = vector.broadcast %jit3A_352 : f32 to vector<128x256xf32>
    %select_n3A_355 = arith.select %and3A_350, %broadcast_in_dim3A_353, %broadcast_in_dim3A_354 : vector<128x256xi1>, vector<128x256xf32>
    %mul3A_356 = arith.mulf %select_n3A_355, %convert_element_type3A_47 : vector<128x256xf32>
    %reduce_sum3A_357 = arith.constant dense<0.000000e+00> : vector<128xf32>
    %reduce_sum3A_358 = vector.multi_reduction <add>, %mul3A_356, %reduce_sum3A_357 [1] : vector<128x256xf32> to vector<128xf32>
    %convert_element_type3A_359 = arith.fptosi %reduce_sum3A_358 : vector<128xf32> to vector<128xi32>
    %swap3A_360 = arith.constant 10 : index
    %swap3A_361 = arith.constant 0 : index
    %swap3A_362 = vector.load %arg2[%swap3A_360, %swap3A_361] : memref<28x128xi32, #tpu.memory_space<vmem>>, vector<1x128xi32>
    %swap3A_363 = vector.shape_cast %swap3A_362 : vector<1x128xi32> to vector<128xi32>
    %swap3A_364 = vector.shape_cast %convert_element_type3A_359 : vector<128xi32> to vector<1x128xi32>
    tpu.vector_store %arg2[%swap3A_360, %swap3A_361], %swap3A_364 {strides = array<i32>} : memref<28x128xi32, #tpu.memory_space<vmem>>, vector<1x128xi32>,
    %slice3A_365 = vector.extract_strided_slice %get3A_5 {offsets = [10, 0], sizes = [1, 256], strides = [1, 1]} : vector<28x256xf32> to vector<1x256xf32>
    %mul3A_366 = vector.broadcast %slice3A_365 : vector<1x256xf32> to vector<128x256xf32>
    %mul3A_367 = arith.mulf %select_n3A_355, %mul3A_366 : vector<128x256xf32>
    %reduce_sum3A_368 = arith.constant dense<0.000000e+00> : vector<128xf32>
    %reduce_sum3A_369 = vector.multi_reduction <add>, %mul3A_367, %reduce_sum3A_368 [1] : vector<128x256xf32> to vector<128xf32>
    %swap3A_370 = arith.constant 10 : index
    %swap3A_371 = arith.constant 0 : index
    %swap3A_372 = vector.load %arg3[%swap3A_370, %swap3A_371] : memref<28x128xf32, #tpu.memory_space<vmem>>, vector<1x128xf32>
    %swap3A_373 = vector.shape_cast %swap3A_372 : vector<1x128xf32> to vector<128xf32>
    %swap3A_374 = vector.shape_cast %reduce_sum3A_369 : vector<128xf32> to vector<1x128xf32>
    tpu.vector_store %arg3[%swap3A_370, %swap3A_371], %swap3A_374 {strides = array<i32>} : memref<28x128xf32, #tpu.memory_space<vmem>>, vector<1x128xf32>,
    %slice3A_375 = vector.extract_strided_slice %dot_general3A_43 {offsets = [11, 0], sizes = [1, 256], strides = [1, 1]} : vector<28x256xf32> to vector<1x256xf32>
    %eq3A_376 = vector.broadcast %slice3A_375 : vector<1x256xf32> to vector<128x256xf32>
    %eq3A_377 = arith.cmpf oeq, %convert_element_type3A_45, %eq3A_376 : vector<128x256xf32>
    %slice3A_378 = vector.extract_strided_slice %or3A {offsets = [11, 0], sizes = [1, 256], strides = [1, 1]} : vector<28x256xi1> to vector<1x256xi1>
    %and3A_379 = vector.broadcast %slice3A_378 : vector<1x256xi1> to vector<128x256xi1>
    %and3A_380 = arith.andi %eq3A_377, %and3A_379 : vector<128x256xi1>
    %jit3A_381 = arith.constant 1.000000e+00 : f32
    %jit3A_382 = arith.constant 0.000000e+00 : f32
    %broadcast_in_dim3A_383 = vector.broadcast %jit3A_381 : f32 to vector<128x256xf32>
    %broadcast_in_dim3A_384 = vector.broadcast %jit3A_382 : f32 to vector<128x256xf32>
    %select_n3A_385 = arith.select %and3A_380, %broadcast_in_dim3A_383, %broadcast_in_dim3A_384 : vector<128x256xi1>, vector<128x256xf32>
    %mul3A_386 = arith.mulf %select_n3A_385, %convert_element_type3A_47 : vector<128x256xf32>
    %reduce_sum3A_387 = arith.constant dense<0.000000e+00> : vector<128xf32>
    %reduce_sum3A_388 = vector.multi_reduction <add>, %mul3A_386, %reduce_sum3A_387 [1] : vector<128x256xf32> to vector<128xf32>
    %convert_element_type3A_389 = arith.fptosi %reduce_sum3A_388 : vector<128xf32> to vector<128xi32>
    %swap3A_390 = arith.constant 11 : index
    %swap3A_391 = arith.constant 0 : index
    %swap3A_392 = vector.load %arg2[%swap3A_390, %swap3A_391] : memref<28x128xi32, #tpu.memory_space<vmem>>, vector<1x128xi32>
    %swap3A_393 = vector.shape_cast %swap3A_392 : vector<1x128xi32> to vector<128xi32>
    %swap3A_394 = vector.shape_cast %convert_element_type3A_389 : vector<128xi32> to vector<1x128xi32>
    tpu.vector_store %arg2[%swap3A_390, %swap3A_391], %swap3A_394 {strides = array<i32>} : memref<28x128xi32, #tpu.memory_space<vmem>>, vector<1x128xi32>,
    %slice3A_395 = vector.extract_strided_slice %get3A_5 {offsets = [11, 0], sizes = [1, 256], strides = [1, 1]} : vector<28x256xf32> to vector<1x256xf32>
    %mul3A_396 = vector.broadcast %slice3A_395 : vector<1x256xf32> to vector<128x256xf32>
    %mul3A_397 = arith.mulf %select_n3A_385, %mul3A_396 : vector<128x256xf32>
    %reduce_sum3A_398 = arith.constant dense<0.000000e+00> : vector<128xf32>
    %reduce_sum3A_399 = vector.multi_reduction <add>, %mul3A_397, %reduce_sum3A_398 [1] : vector<128x256xf32> to vector<128xf32>
    %swap3A_400 = arith.constant 11 : index
    %swap3A_401 = arith.constant 0 : index
    %swap3A_402 = vector.load %arg3[%swap3A_400, %swap3A_401] : memref<28x128xf32, #tpu.memory_space<vmem>>, vector<1x128xf32>
    %swap3A_403 = vector.shape_cast %swap3A_402 : vector<1x128xf32> to vector<128xf32>
    %swap3A_404 = vector.shape_cast %reduce_sum3A_399 : vector<128xf32> to vector<1x128xf32>
    tpu.vector_store %arg3[%swap3A_400, %swap3A_401], %swap3A_404 {strides = array<i32>} : memref<28x128xf32, #tpu.memory_space<vmem>>, vector<1x128xf32>,
    %slice3A_405 = vector.extract_strided_slice %dot_general3A_43 {offsets = [12, 0], sizes = [1, 256], strides = [1, 1]} : vector<28x256xf32> to vector<1x256xf32>
    %eq3A_406 = vector.broadcast %slice3A_405 : vector<1x256xf32> to vector<128x256xf32>
    %eq3A_407 = arith.cmpf oeq, %convert_element_type3A_45, %eq3A_406 : vector<128x256xf32>
    %slice3A_408 = vector.extract_strided_slice %or3A {offsets = [12, 0], sizes = [1, 256], strides = [1, 1]} : vector<28x256xi1> to vector<1x256xi1>
    %and3A_409 = vector.broadcast %slice3A_408 : vector<1x256xi1> to vector<128x256xi1>
    %and3A_410 = arith.andi %eq3A_407, %and3A_409 : vector<128x256xi1>
    %jit3A_411 = arith.constant 1.000000e+00 : f32
    %jit3A_412 = arith.constant 0.000000e+00 : f32
    %broadcast_in_dim3A_413 = vector.broadcast %jit3A_411 : f32 to vector<128x256xf32>
    %broadcast_in_dim3A_414 = vector.broadcast %jit3A_412 : f32 to vector<128x256xf32>
    %select_n3A_415 = arith.select %and3A_410, %broadcast_in_dim3A_413, %broadcast_in_dim3A_414 : vector<128x256xi1>, vector<128x256xf32>
    %mul3A_416 = arith.mulf %select_n3A_415, %convert_element_type3A_47 : vector<128x256xf32>
    %reduce_sum3A_417 = arith.constant dense<0.000000e+00> : vector<128xf32>
    %reduce_sum3A_418 = vector.multi_reduction <add>, %mul3A_416, %reduce_sum3A_417 [1] : vector<128x256xf32> to vector<128xf32>
    %convert_element_type3A_419 = arith.fptosi %reduce_sum3A_418 : vector<128xf32> to vector<128xi32>
    %swap3A_420 = arith.constant 12 : index
    %swap3A_421 = arith.constant 0 : index
    %swap3A_422 = vector.load %arg2[%swap3A_420, %swap3A_421] : memref<28x128xi32, #tpu.memory_space<vmem>>, vector<1x128xi32>
    %swap3A_423 = vector.shape_cast %swap3A_422 : vector<1x128xi32> to vector<128xi32>
    %swap3A_424 = vector.shape_cast %convert_element_type3A_419 : vector<128xi32> to vector<1x128xi32>
    tpu.vector_store %arg2[%swap3A_420, %swap3A_421], %swap3A_424 {strides = array<i32>} : memref<28x128xi32, #tpu.memory_space<vmem>>, vector<1x128xi32>,
    %slice3A_425 = vector.extract_strided_slice %get3A_5 {offsets = [12, 0], sizes = [1, 256], strides = [1, 1]} : vector<28x256xf32> to vector<1x256xf32>
    %mul3A_426 = vector.broadcast %slice3A_425 : vector<1x256xf32> to vector<128x256xf32>
    %mul3A_427 = arith.mulf %select_n3A_415, %mul3A_426 : vector<128x256xf32>
    %reduce_sum3A_428 = arith.constant dense<0.000000e+00> : vector<128xf32>
    %reduce_sum3A_429 = vector.multi_reduction <add>, %mul3A_427, %reduce_sum3A_428 [1] : vector<128x256xf32> to vector<128xf32>
    %swap3A_430 = arith.constant 12 : index
    %swap3A_431 = arith.constant 0 : index
    %swap3A_432 = vector.load %arg3[%swap3A_430, %swap3A_431] : memref<28x128xf32, #tpu.memory_space<vmem>>, vector<1x128xf32>
    %swap3A_433 = vector.shape_cast %swap3A_432 : vector<1x128xf32> to vector<128xf32>
    %swap3A_434 = vector.shape_cast %reduce_sum3A_429 : vector<128xf32> to vector<1x128xf32>
    tpu.vector_store %arg3[%swap3A_430, %swap3A_431], %swap3A_434 {strides = array<i32>} : memref<28x128xf32, #tpu.memory_space<vmem>>, vector<1x128xf32>,
    %slice3A_435 = vector.extract_strided_slice %dot_general3A_43 {offsets = [13, 0], sizes = [1, 256], strides = [1, 1]} : vector<28x256xf32> to vector<1x256xf32>
    %eq3A_436 = vector.broadcast %slice3A_435 : vector<1x256xf32> to vector<128x256xf32>
    %eq3A_437 = arith.cmpf oeq, %convert_element_type3A_45, %eq3A_436 : vector<128x256xf32>
    %slice3A_438 = vector.extract_strided_slice %or3A {offsets = [13, 0], sizes = [1, 256], strides = [1, 1]} : vector<28x256xi1> to vector<1x256xi1>
    %and3A_439 = vector.broadcast %slice3A_438 : vector<1x256xi1> to vector<128x256xi1>
    %and3A_440 = arith.andi %eq3A_437, %and3A_439 : vector<128x256xi1>
    %jit3A_441 = arith.constant 1.000000e+00 : f32
    %jit3A_442 = arith.constant 0.000000e+00 : f32
    %broadcast_in_dim3A_443 = vector.broadcast %jit3A_441 : f32 to vector<128x256xf32>
    %broadcast_in_dim3A_444 = vector.broadcast %jit3A_442 : f32 to vector<128x256xf32>
    %select_n3A_445 = arith.select %and3A_440, %broadcast_in_dim3A_443, %broadcast_in_dim3A_444 : vector<128x256xi1>, vector<128x256xf32>
    %mul3A_446 = arith.mulf %select_n3A_445, %convert_element_type3A_47 : vector<128x256xf32>
    %reduce_sum3A_447 = arith.constant dense<0.000000e+00> : vector<128xf32>
    %reduce_sum3A_448 = vector.multi_reduction <add>, %mul3A_446, %reduce_sum3A_447 [1] : vector<128x256xf32> to vector<128xf32>
    %convert_element_type3A_449 = arith.fptosi %reduce_sum3A_448 : vector<128xf32> to vector<128xi32>
    %swap3A_450 = arith.constant 13 : index
    %swap3A_451 = arith.constant 0 : index
    %swap3A_452 = vector.load %arg2[%swap3A_450, %swap3A_451] : memref<28x128xi32, #tpu.memory_space<vmem>>, vector<1x128xi32>
    %swap3A_453 = vector.shape_cast %swap3A_452 : vector<1x128xi32> to vector<128xi32>
    %swap3A_454 = vector.shape_cast %convert_element_type3A_449 : vector<128xi32> to vector<1x128xi32>
    tpu.vector_store %arg2[%swap3A_450, %swap3A_451], %swap3A_454 {strides = array<i32>} : memref<28x128xi32, #tpu.memory_space<vmem>>, vector<1x128xi32>,
    %slice3A_455 = vector.extract_strided_slice %get3A_5 {offsets = [13, 0], sizes = [1, 256], strides = [1, 1]} : vector<28x256xf32> to vector<1x256xf32>
    %mul3A_456 = vector.broadcast %slice3A_455 : vector<1x256xf32> to vector<128x256xf32>
    %mul3A_457 = arith.mulf %select_n3A_445, %mul3A_456 : vector<128x256xf32>
    %reduce_sum3A_458 = arith.constant dense<0.000000e+00> : vector<128xf32>
    %reduce_sum3A_459 = vector.multi_reduction <add>, %mul3A_457, %reduce_sum3A_458 [1] : vector<128x256xf32> to vector<128xf32>
    %swap3A_460 = arith.constant 13 : index
    %swap3A_461 = arith.constant 0 : index
    %swap3A_462 = vector.load %arg3[%swap3A_460, %swap3A_461] : memref<28x128xf32, #tpu.memory_space<vmem>>, vector<1x128xf32>
    %swap3A_463 = vector.shape_cast %swap3A_462 : vector<1x128xf32> to vector<128xf32>
    %swap3A_464 = vector.shape_cast %reduce_sum3A_459 : vector<128xf32> to vector<1x128xf32>
    tpu.vector_store %arg3[%swap3A_460, %swap3A_461], %swap3A_464 {strides = array<i32>} : memref<28x128xf32, #tpu.memory_space<vmem>>, vector<1x128xf32>,
    %slice3A_465 = vector.extract_strided_slice %dot_general3A_43 {offsets = [14, 0], sizes = [1, 256], strides = [1, 1]} : vector<28x256xf32> to vector<1x256xf32>
    %eq3A_466 = vector.broadcast %slice3A_465 : vector<1x256xf32> to vector<128x256xf32>
    %eq3A_467 = arith.cmpf oeq, %convert_element_type3A_45, %eq3A_466 : vector<128x256xf32>
    %slice3A_468 = vector.extract_strided_slice %or3A {offsets = [14, 0], sizes = [1, 256], strides = [1, 1]} : vector<28x256xi1> to vector<1x256xi1>
    %and3A_469 = vector.broadcast %slice3A_468 : vector<1x256xi1> to vector<128x256xi1>
    %and3A_470 = arith.andi %eq3A_467, %and3A_469 : vector<128x256xi1>
    %jit3A_471 = arith.constant 1.000000e+00 : f32
    %jit3A_472 = arith.constant 0.000000e+00 : f32
    %broadcast_in_dim3A_473 = vector.broadcast %jit3A_471 : f32 to vector<128x256xf32>
    %broadcast_in_dim3A_474 = vector.broadcast %jit3A_472 : f32 to vector<128x256xf32>
    %select_n3A_475 = arith.select %and3A_470, %broadcast_in_dim3A_473, %broadcast_in_dim3A_474 : vector<128x256xi1>, vector<128x256xf32>
    %mul3A_476 = arith.mulf %select_n3A_475, %convert_element_type3A_47 : vector<128x256xf32>
    %reduce_sum3A_477 = arith.constant dense<0.000000e+00> : vector<128xf32>
    %reduce_sum3A_478 = vector.multi_reduction <add>, %mul3A_476, %reduce_sum3A_477 [1] : vector<128x256xf32> to vector<128xf32>
    %convert_element_type3A_479 = arith.fptosi %reduce_sum3A_478 : vector<128xf32> to vector<128xi32>
    %swap3A_480 = arith.constant 14 : index
    %swap3A_481 = arith.constant 0 : index
    %swap3A_482 = vector.load %arg2[%swap3A_480, %swap3A_481] : memref<28x128xi32, #tpu.memory_space<vmem>>, vector<1x128xi32>
    %swap3A_483 = vector.shape_cast %swap3A_482 : vector<1x128xi32> to vector<128xi32>
    %swap3A_484 = vector.shape_cast %convert_element_type3A_479 : vector<128xi32> to vector<1x128xi32>
    tpu.vector_store %arg2[%swap3A_480, %swap3A_481], %swap3A_484 {strides = array<i32>} : memref<28x128xi32, #tpu.memory_space<vmem>>, vector<1x128xi32>,
    %slice3A_485 = vector.extract_strided_slice %get3A_5 {offsets = [14, 0], sizes = [1, 256], strides = [1, 1]} : vector<28x256xf32> to vector<1x256xf32>
    %mul3A_486 = vector.broadcast %slice3A_485 : vector<1x256xf32> to vector<128x256xf32>
    %mul3A_487 = arith.mulf %select_n3A_475, %mul3A_486 : vector<128x256xf32>
    %reduce_sum3A_488 = arith.constant dense<0.000000e+00> : vector<128xf32>
    %reduce_sum3A_489 = vector.multi_reduction <add>, %mul3A_487, %reduce_sum3A_488 [1] : vector<128x256xf32> to vector<128xf32>
    %swap3A_490 = arith.constant 14 : index
    %swap3A_491 = arith.constant 0 : index
    %swap3A_492 = vector.load %arg3[%swap3A_490, %swap3A_491] : memref<28x128xf32, #tpu.memory_space<vmem>>, vector<1x128xf32>
    %swap3A_493 = vector.shape_cast %swap3A_492 : vector<1x128xf32> to vector<128xf32>
    %swap3A_494 = vector.shape_cast %reduce_sum3A_489 : vector<128xf32> to vector<1x128xf32>
    tpu.vector_store %arg3[%swap3A_490, %swap3A_491], %swap3A_494 {strides = array<i32>} : memref<28x128xf32, #tpu.memory_space<vmem>>, vector<1x128xf32>,
    %slice3A_495 = vector.extract_strided_slice %dot_general3A_43 {offsets = [15, 0], sizes = [1, 256], strides = [1, 1]} : vector<28x256xf32> to vector<1x256xf32>
    %eq3A_496 = vector.broadcast %slice3A_495 : vector<1x256xf32> to vector<128x256xf32>
    %eq3A_497 = arith.cmpf oeq, %convert_element_type3A_45, %eq3A_496 : vector<128x256xf32>
    %slice3A_498 = vector.extract_strided_slice %or3A {offsets = [15, 0], sizes = [1, 256], strides = [1, 1]} : vector<28x256xi1> to vector<1x256xi1>
    %and3A_499 = vector.broadcast %slice3A_498 : vector<1x256xi1> to vector<128x256xi1>
    %and3A_500 = arith.andi %eq3A_497, %and3A_499 : vector<128x256xi1>
    %jit3A_501 = arith.constant 1.000000e+00 : f32
    %jit3A_502 = arith.constant 0.000000e+00 : f32
    %broadcast_in_dim3A_503 = vector.broadcast %jit3A_501 : f32 to vector<128x256xf32>
    %broadcast_in_dim3A_504 = vector.broadcast %jit3A_502 : f32 to vector<128x256xf32>
    %select_n3A_505 = arith.select %and3A_500, %broadcast_in_dim3A_503, %broadcast_in_dim3A_504 : vector<128x256xi1>, vector<128x256xf32>
    %mul3A_506 = arith.mulf %select_n3A_505, %convert_element_type3A_47 : vector<128x256xf32>
    %reduce_sum3A_507 = arith.constant dense<0.000000e+00> : vector<128xf32>
    %reduce_sum3A_508 = vector.multi_reduction <add>, %mul3A_506, %reduce_sum3A_507 [1] : vector<128x256xf32> to vector<128xf32>
    %convert_element_type3A_509 = arith.fptosi %reduce_sum3A_508 : vector<128xf32> to vector<128xi32>
    %swap3A_510 = arith.constant 15 : index
    %swap3A_511 = arith.constant 0 : index
    %swap3A_512 = vector.load %arg2[%swap3A_510, %swap3A_511] : memref<28x128xi32, #tpu.memory_space<vmem>>, vector<1x128xi32>
    %swap3A_513 = vector.shape_cast %swap3A_512 : vector<1x128xi32> to vector<128xi32>
    %swap3A_514 = vector.shape_cast %convert_element_type3A_509 : vector<128xi32> to vector<1x128xi32>
    tpu.vector_store %arg2[%swap3A_510, %swap3A_511], %swap3A_514 {strides = array<i32>} : memref<28x128xi32, #tpu.memory_space<vmem>>, vector<1x128xi32>,
    %slice3A_515 = vector.extract_strided_slice %get3A_5 {offsets = [15, 0], sizes = [1, 256], strides = [1, 1]} : vector<28x256xf32> to vector<1x256xf32>
    %mul3A_516 = vector.broadcast %slice3A_515 : vector<1x256xf32> to vector<128x256xf32>
    %mul3A_517 = arith.mulf %select_n3A_505, %mul3A_516 : vector<128x256xf32>
    %reduce_sum3A_518 = arith.constant dense<0.000000e+00> : vector<128xf32>
    %reduce_sum3A_519 = vector.multi_reduction <add>, %mul3A_517, %reduce_sum3A_518 [1] : vector<128x256xf32> to vector<128xf32>
    %swap3A_520 = arith.constant 15 : index
    %swap3A_521 = arith.constant 0 : index
    %swap3A_522 = vector.load %arg3[%swap3A_520, %swap3A_521] : memref<28x128xf32, #tpu.memory_space<vmem>>, vector<1x128xf32>
    %swap3A_523 = vector.shape_cast %swap3A_522 : vector<1x128xf32> to vector<128xf32>
    %swap3A_524 = vector.shape_cast %reduce_sum3A_519 : vector<128xf32> to vector<1x128xf32>
    tpu.vector_store %arg3[%swap3A_520, %swap3A_521], %swap3A_524 {strides = array<i32>} : memref<28x128xf32, #tpu.memory_space<vmem>>, vector<1x128xf32>,
    %slice3A_525 = vector.extract_strided_slice %dot_general3A_43 {offsets = [16, 0], sizes = [1, 256], strides = [1, 1]} : vector<28x256xf32> to vector<1x256xf32>
    %eq3A_526 = vector.broadcast %slice3A_525 : vector<1x256xf32> to vector<128x256xf32>
    %eq3A_527 = arith.cmpf oeq, %convert_element_type3A_45, %eq3A_526 : vector<128x256xf32>
    %slice3A_528 = vector.extract_strided_slice %or3A {offsets = [16, 0], sizes = [1, 256], strides = [1, 1]} : vector<28x256xi1> to vector<1x256xi1>
    %and3A_529 = vector.broadcast %slice3A_528 : vector<1x256xi1> to vector<128x256xi1>
    %and3A_530 = arith.andi %eq3A_527, %and3A_529 : vector<128x256xi1>
    %jit3A_531 = arith.constant 1.000000e+00 : f32
    %jit3A_532 = arith.constant 0.000000e+00 : f32
    %broadcast_in_dim3A_533 = vector.broadcast %jit3A_531 : f32 to vector<128x256xf32>
    %broadcast_in_dim3A_534 = vector.broadcast %jit3A_532 : f32 to vector<128x256xf32>
    %select_n3A_535 = arith.select %and3A_530, %broadcast_in_dim3A_533, %broadcast_in_dim3A_534 : vector<128x256xi1>, vector<128x256xf32>
    %mul3A_536 = arith.mulf %select_n3A_535, %convert_element_type3A_47 : vector<128x256xf32>
    %reduce_sum3A_537 = arith.constant dense<0.000000e+00> : vector<128xf32>
    %reduce_sum3A_538 = vector.multi_reduction <add>, %mul3A_536, %reduce_sum3A_537 [1] : vector<128x256xf32> to vector<128xf32>
    %convert_element_type3A_539 = arith.fptosi %reduce_sum3A_538 : vector<128xf32> to vector<128xi32>
    %swap3A_540 = arith.constant 16 : index
    %swap3A_541 = arith.constant 0 : index
    %swap3A_542 = vector.load %arg2[%swap3A_540, %swap3A_541] : memref<28x128xi32, #tpu.memory_space<vmem>>, vector<1x128xi32>
    %swap3A_543 = vector.shape_cast %swap3A_542 : vector<1x128xi32> to vector<128xi32>
    %swap3A_544 = vector.shape_cast %convert_element_type3A_539 : vector<128xi32> to vector<1x128xi32>
    tpu.vector_store %arg2[%swap3A_540, %swap3A_541], %swap3A_544 {strides = array<i32>} : memref<28x128xi32, #tpu.memory_space<vmem>>, vector<1x128xi32>,
    %slice3A_545 = vector.extract_strided_slice %get3A_5 {offsets = [16, 0], sizes = [1, 256], strides = [1, 1]} : vector<28x256xf32> to vector<1x256xf32>
    %mul3A_546 = vector.broadcast %slice3A_545 : vector<1x256xf32> to vector<128x256xf32>
    %mul3A_547 = arith.mulf %select_n3A_535, %mul3A_546 : vector<128x256xf32>
    %reduce_sum3A_548 = arith.constant dense<0.000000e+00> : vector<128xf32>
    %reduce_sum3A_549 = vector.multi_reduction <add>, %mul3A_547, %reduce_sum3A_548 [1] : vector<128x256xf32> to vector<128xf32>
    %swap3A_550 = arith.constant 16 : index
    %swap3A_551 = arith.constant 0 : index
    %swap3A_552 = vector.load %arg3[%swap3A_550, %swap3A_551] : memref<28x128xf32, #tpu.memory_space<vmem>>, vector<1x128xf32>
    %swap3A_553 = vector.shape_cast %swap3A_552 : vector<1x128xf32> to vector<128xf32>
    %swap3A_554 = vector.shape_cast %reduce_sum3A_549 : vector<128xf32> to vector<1x128xf32>
    tpu.vector_store %arg3[%swap3A_550, %swap3A_551], %swap3A_554 {strides = array<i32>} : memref<28x128xf32, #tpu.memory_space<vmem>>, vector<1x128xf32>,
    %slice3A_555 = vector.extract_strided_slice %dot_general3A_43 {offsets = [17, 0], sizes = [1, 256], strides = [1, 1]} : vector<28x256xf32> to vector<1x256xf32>
    %eq3A_556 = vector.broadcast %slice3A_555 : vector<1x256xf32> to vector<128x256xf32>
    %eq3A_557 = arith.cmpf oeq, %convert_element_type3A_45, %eq3A_556 : vector<128x256xf32>
    %slice3A_558 = vector.extract_strided_slice %or3A {offsets = [17, 0], sizes = [1, 256], strides = [1, 1]} : vector<28x256xi1> to vector<1x256xi1>
    %and3A_559 = vector.broadcast %slice3A_558 : vector<1x256xi1> to vector<128x256xi1>
    %and3A_560 = arith.andi %eq3A_557, %and3A_559 : vector<128x256xi1>
    %jit3A_561 = arith.constant 1.000000e+00 : f32
    %jit3A_562 = arith.constant 0.000000e+00 : f32
    %broadcast_in_dim3A_563 = vector.broadcast %jit3A_561 : f32 to vector<128x256xf32>
    %broadcast_in_dim3A_564 = vector.broadcast %jit3A_562 : f32 to vector<128x256xf32>
    %select_n3A_565 = arith.select %and3A_560, %broadcast_in_dim3A_563, %broadcast_in_dim3A_564 : vector<128x256xi1>, vector<128x256xf32>
    %mul3A_566 = arith.mulf %select_n3A_565, %convert_element_type3A_47 : vector<128x256xf32>
    %reduce_sum3A_567 = arith.constant dense<0.000000e+00> : vector<128xf32>
    %reduce_sum3A_568 = vector.multi_reduction <add>, %mul3A_566, %reduce_sum3A_567 [1] : vector<128x256xf32> to vector<128xf32>
    %convert_element_type3A_569 = arith.fptosi %reduce_sum3A_568 : vector<128xf32> to vector<128xi32>
    %swap3A_570 = arith.constant 17 : index
    %swap3A_571 = arith.constant 0 : index
    %swap3A_572 = vector.load %arg2[%swap3A_570, %swap3A_571] : memref<28x128xi32, #tpu.memory_space<vmem>>, vector<1x128xi32>
    %swap3A_573 = vector.shape_cast %swap3A_572 : vector<1x128xi32> to vector<128xi32>
    %swap3A_574 = vector.shape_cast %convert_element_type3A_569 : vector<128xi32> to vector<1x128xi32>
    tpu.vector_store %arg2[%swap3A_570, %swap3A_571], %swap3A_574 {strides = array<i32>} : memref<28x128xi32, #tpu.memory_space<vmem>>, vector<1x128xi32>,
    %slice3A_575 = vector.extract_strided_slice %get3A_5 {offsets = [17, 0], sizes = [1, 256], strides = [1, 1]} : vector<28x256xf32> to vector<1x256xf32>
    %mul3A_576 = vector.broadcast %slice3A_575 : vector<1x256xf32> to vector<128x256xf32>
    %mul3A_577 = arith.mulf %select_n3A_565, %mul3A_576 : vector<128x256xf32>
    %reduce_sum3A_578 = arith.constant dense<0.000000e+00> : vector<128xf32>
    %reduce_sum3A_579 = vector.multi_reduction <add>, %mul3A_577, %reduce_sum3A_578 [1] : vector<128x256xf32> to vector<128xf32>
    %swap3A_580 = arith.constant 17 : index
    %swap3A_581 = arith.constant 0 : index
    %swap3A_582 = vector.load %arg3[%swap3A_580, %swap3A_581] : memref<28x128xf32, #tpu.memory_space<vmem>>, vector<1x128xf32>
    %swap3A_583 = vector.shape_cast %swap3A_582 : vector<1x128xf32> to vector<128xf32>
    %swap3A_584 = vector.shape_cast %reduce_sum3A_579 : vector<128xf32> to vector<1x128xf32>
    tpu.vector_store %arg3[%swap3A_580, %swap3A_581], %swap3A_584 {strides = array<i32>} : memref<28x128xf32, #tpu.memory_space<vmem>>, vector<1x128xf32>,
    %slice3A_585 = vector.extract_strided_slice %dot_general3A_43 {offsets = [18, 0], sizes = [1, 256], strides = [1, 1]} : vector<28x256xf32> to vector<1x256xf32>
    %eq3A_586 = vector.broadcast %slice3A_585 : vector<1x256xf32> to vector<128x256xf32>
    %eq3A_587 = arith.cmpf oeq, %convert_element_type3A_45, %eq3A_586 : vector<128x256xf32>
    %slice3A_588 = vector.extract_strided_slice %or3A {offsets = [18, 0], sizes = [1, 256], strides = [1, 1]} : vector<28x256xi1> to vector<1x256xi1>
    %and3A_589 = vector.broadcast %slice3A_588 : vector<1x256xi1> to vector<128x256xi1>
    %and3A_590 = arith.andi %eq3A_587, %and3A_589 : vector<128x256xi1>
    %jit3A_591 = arith.constant 1.000000e+00 : f32
    %jit3A_592 = arith.constant 0.000000e+00 : f32
    %broadcast_in_dim3A_593 = vector.broadcast %jit3A_591 : f32 to vector<128x256xf32>
    %broadcast_in_dim3A_594 = vector.broadcast %jit3A_592 : f32 to vector<128x256xf32>
    %select_n3A_595 = arith.select %and3A_590, %broadcast_in_dim3A_593, %broadcast_in_dim3A_594 : vector<128x256xi1>, vector<128x256xf32>
    %mul3A_596 = arith.mulf %select_n3A_595, %convert_element_type3A_47 : vector<128x256xf32>
    %reduce_sum3A_597 = arith.constant dense<0.000000e+00> : vector<128xf32>
    %reduce_sum3A_598 = vector.multi_reduction <add>, %mul3A_596, %reduce_sum3A_597 [1] : vector<128x256xf32> to vector<128xf32>
    %convert_element_type3A_599 = arith.fptosi %reduce_sum3A_598 : vector<128xf32> to vector<128xi32>
    %swap3A_600 = arith.constant 18 : index
    %swap3A_601 = arith.constant 0 : index
    %swap3A_602 = vector.load %arg2[%swap3A_600, %swap3A_601] : memref<28x128xi32, #tpu.memory_space<vmem>>, vector<1x128xi32>
    %swap3A_603 = vector.shape_cast %swap3A_602 : vector<1x128xi32> to vector<128xi32>
    %swap3A_604 = vector.shape_cast %convert_element_type3A_599 : vector<128xi32> to vector<1x128xi32>
    tpu.vector_store %arg2[%swap3A_600, %swap3A_601], %swap3A_604 {strides = array<i32>} : memref<28x128xi32, #tpu.memory_space<vmem>>, vector<1x128xi32>,
    %slice3A_605 = vector.extract_strided_slice %get3A_5 {offsets = [18, 0], sizes = [1, 256], strides = [1, 1]} : vector<28x256xf32> to vector<1x256xf32>
    %mul3A_606 = vector.broadcast %slice3A_605 : vector<1x256xf32> to vector<128x256xf32>
    %mul3A_607 = arith.mulf %select_n3A_595, %mul3A_606 : vector<128x256xf32>
    %reduce_sum3A_608 = arith.constant dense<0.000000e+00> : vector<128xf32>
    %reduce_sum3A_609 = vector.multi_reduction <add>, %mul3A_607, %reduce_sum3A_608 [1] : vector<128x256xf32> to vector<128xf32>
    %swap3A_610 = arith.constant 18 : index
    %swap3A_611 = arith.constant 0 : index
    %swap3A_612 = vector.load %arg3[%swap3A_610, %swap3A_611] : memref<28x128xf32, #tpu.memory_space<vmem>>, vector<1x128xf32>
    %swap3A_613 = vector.shape_cast %swap3A_612 : vector<1x128xf32> to vector<128xf32>
    %swap3A_614 = vector.shape_cast %reduce_sum3A_609 : vector<128xf32> to vector<1x128xf32>
    tpu.vector_store %arg3[%swap3A_610, %swap3A_611], %swap3A_614 {strides = array<i32>} : memref<28x128xf32, #tpu.memory_space<vmem>>, vector<1x128xf32>,
    %slice3A_615 = vector.extract_strided_slice %dot_general3A_43 {offsets = [19, 0], sizes = [1, 256], strides = [1, 1]} : vector<28x256xf32> to vector<1x256xf32>
    %eq3A_616 = vector.broadcast %slice3A_615 : vector<1x256xf32> to vector<128x256xf32>
    %eq3A_617 = arith.cmpf oeq, %convert_element_type3A_45, %eq3A_616 : vector<128x256xf32>
    %slice3A_618 = vector.extract_strided_slice %or3A {offsets = [19, 0], sizes = [1, 256], strides = [1, 1]} : vector<28x256xi1> to vector<1x256xi1>
    %and3A_619 = vector.broadcast %slice3A_618 : vector<1x256xi1> to vector<128x256xi1>
    %and3A_620 = arith.andi %eq3A_617, %and3A_619 : vector<128x256xi1>
    %jit3A_621 = arith.constant 1.000000e+00 : f32
    %jit3A_622 = arith.constant 0.000000e+00 : f32
    %broadcast_in_dim3A_623 = vector.broadcast %jit3A_621 : f32 to vector<128x256xf32>
    %broadcast_in_dim3A_624 = vector.broadcast %jit3A_622 : f32 to vector<128x256xf32>
    %select_n3A_625 = arith.select %and3A_620, %broadcast_in_dim3A_623, %broadcast_in_dim3A_624 : vector<128x256xi1>, vector<128x256xf32>
    %mul3A_626 = arith.mulf %select_n3A_625, %convert_element_type3A_47 : vector<128x256xf32>
    %reduce_sum3A_627 = arith.constant dense<0.000000e+00> : vector<128xf32>
    %reduce_sum3A_628 = vector.multi_reduction <add>, %mul3A_626, %reduce_sum3A_627 [1] : vector<128x256xf32> to vector<128xf32>
    %convert_element_type3A_629 = arith.fptosi %reduce_sum3A_628 : vector<128xf32> to vector<128xi32>
    %swap3A_630 = arith.constant 19 : index
    %swap3A_631 = arith.constant 0 : index
    %swap3A_632 = vector.load %arg2[%swap3A_630, %swap3A_631] : memref<28x128xi32, #tpu.memory_space<vmem>>, vector<1x128xi32>
    %swap3A_633 = vector.shape_cast %swap3A_632 : vector<1x128xi32> to vector<128xi32>
    %swap3A_634 = vector.shape_cast %convert_element_type3A_629 : vector<128xi32> to vector<1x128xi32>
    tpu.vector_store %arg2[%swap3A_630, %swap3A_631], %swap3A_634 {strides = array<i32>} : memref<28x128xi32, #tpu.memory_space<vmem>>, vector<1x128xi32>,
    %slice3A_635 = vector.extract_strided_slice %get3A_5 {offsets = [19, 0], sizes = [1, 256], strides = [1, 1]} : vector<28x256xf32> to vector<1x256xf32>
    %mul3A_636 = vector.broadcast %slice3A_635 : vector<1x256xf32> to vector<128x256xf32>
    %mul3A_637 = arith.mulf %select_n3A_625, %mul3A_636 : vector<128x256xf32>
    %reduce_sum3A_638 = arith.constant dense<0.000000e+00> : vector<128xf32>
    %reduce_sum3A_639 = vector.multi_reduction <add>, %mul3A_637, %reduce_sum3A_638 [1] : vector<128x256xf32> to vector<128xf32>
    %swap3A_640 = arith.constant 19 : index
    %swap3A_641 = arith.constant 0 : index
    %swap3A_642 = vector.load %arg3[%swap3A_640, %swap3A_641] : memref<28x128xf32, #tpu.memory_space<vmem>>, vector<1x128xf32>
    %swap3A_643 = vector.shape_cast %swap3A_642 : vector<1x128xf32> to vector<128xf32>
    %swap3A_644 = vector.shape_cast %reduce_sum3A_639 : vector<128xf32> to vector<1x128xf32>
    tpu.vector_store %arg3[%swap3A_640, %swap3A_641], %swap3A_644 {strides = array<i32>} : memref<28x128xf32, #tpu.memory_space<vmem>>, vector<1x128xf32>,
    %slice3A_645 = vector.extract_strided_slice %dot_general3A_43 {offsets = [20, 0], sizes = [1, 256], strides = [1, 1]} : vector<28x256xf32> to vector<1x256xf32>
    %eq3A_646 = vector.broadcast %slice3A_645 : vector<1x256xf32> to vector<128x256xf32>
    %eq3A_647 = arith.cmpf oeq, %convert_element_type3A_45, %eq3A_646 : vector<128x256xf32>
    %slice3A_648 = vector.extract_strided_slice %or3A {offsets = [20, 0], sizes = [1, 256], strides = [1, 1]} : vector<28x256xi1> to vector<1x256xi1>
    %and3A_649 = vector.broadcast %slice3A_648 : vector<1x256xi1> to vector<128x256xi1>
    %and3A_650 = arith.andi %eq3A_647, %and3A_649 : vector<128x256xi1>
    %jit3A_651 = arith.constant 1.000000e+00 : f32
    %jit3A_652 = arith.constant 0.000000e+00 : f32
    %broadcast_in_dim3A_653 = vector.broadcast %jit3A_651 : f32 to vector<128x256xf32>
    %broadcast_in_dim3A_654 = vector.broadcast %jit3A_652 : f32 to vector<128x256xf32>
    %select_n3A_655 = arith.select %and3A_650, %broadcast_in_dim3A_653, %broadcast_in_dim3A_654 : vector<128x256xi1>, vector<128x256xf32>
    %mul3A_656 = arith.mulf %select_n3A_655, %convert_element_type3A_47 : vector<128x256xf32>
    %reduce_sum3A_657 = arith.constant dense<0.000000e+00> : vector<128xf32>
    %reduce_sum3A_658 = vector.multi_reduction <add>, %mul3A_656, %reduce_sum3A_657 [1] : vector<128x256xf32> to vector<128xf32>
    %convert_element_type3A_659 = arith.fptosi %reduce_sum3A_658 : vector<128xf32> to vector<128xi32>
    %swap3A_660 = arith.constant 20 : index
    %swap3A_661 = arith.constant 0 : index
    %swap3A_662 = vector.load %arg2[%swap3A_660, %swap3A_661] : memref<28x128xi32, #tpu.memory_space<vmem>>, vector<1x128xi32>
    %swap3A_663 = vector.shape_cast %swap3A_662 : vector<1x128xi32> to vector<128xi32>
    %swap3A_664 = vector.shape_cast %convert_element_type3A_659 : vector<128xi32> to vector<1x128xi32>
    tpu.vector_store %arg2[%swap3A_660, %swap3A_661], %swap3A_664 {strides = array<i32>} : memref<28x128xi32, #tpu.memory_space<vmem>>, vector<1x128xi32>,
    %slice3A_665 = vector.extract_strided_slice %get3A_5 {offsets = [20, 0], sizes = [1, 256], strides = [1, 1]} : vector<28x256xf32> to vector<1x256xf32>
    %mul3A_666 = vector.broadcast %slice3A_665 : vector<1x256xf32> to vector<128x256xf32>
    %mul3A_667 = arith.mulf %select_n3A_655, %mul3A_666 : vector<128x256xf32>
    %reduce_sum3A_668 = arith.constant dense<0.000000e+00> : vector<128xf32>
    %reduce_sum3A_669 = vector.multi_reduction <add>, %mul3A_667, %reduce_sum3A_668 [1] : vector<128x256xf32> to vector<128xf32>
    %swap3A_670 = arith.constant 20 : index
    %swap3A_671 = arith.constant 0 : index
    %swap3A_672 = vector.load %arg3[%swap3A_670, %swap3A_671] : memref<28x128xf32, #tpu.memory_space<vmem>>, vector<1x128xf32>
    %swap3A_673 = vector.shape_cast %swap3A_672 : vector<1x128xf32> to vector<128xf32>
    %swap3A_674 = vector.shape_cast %reduce_sum3A_669 : vector<128xf32> to vector<1x128xf32>
    tpu.vector_store %arg3[%swap3A_670, %swap3A_671], %swap3A_674 {strides = array<i32>} : memref<28x128xf32, #tpu.memory_space<vmem>>, vector<1x128xf32>,
    %slice3A_675 = vector.extract_strided_slice %dot_general3A_43 {offsets = [21, 0], sizes = [1, 256], strides = [1, 1]} : vector<28x256xf32> to vector<1x256xf32>
    %eq3A_676 = vector.broadcast %slice3A_675 : vector<1x256xf32> to vector<128x256xf32>
    %eq3A_677 = arith.cmpf oeq, %convert_element_type3A_45, %eq3A_676 : vector<128x256xf32>
    %slice3A_678 = vector.extract_strided_slice %or3A {offsets = [21, 0], sizes = [1, 256], strides = [1, 1]} : vector<28x256xi1> to vector<1x256xi1>
    %and3A_679 = vector.broadcast %slice3A_678 : vector<1x256xi1> to vector<128x256xi1>
    %and3A_680 = arith.andi %eq3A_677, %and3A_679 : vector<128x256xi1>
    %jit3A_681 = arith.constant 1.000000e+00 : f32
    %jit3A_682 = arith.constant 0.000000e+00 : f32
    %broadcast_in_dim3A_683 = vector.broadcast %jit3A_681 : f32 to vector<128x256xf32>
    %broadcast_in_dim3A_684 = vector.broadcast %jit3A_682 : f32 to vector<128x256xf32>
    %select_n3A_685 = arith.select %and3A_680, %broadcast_in_dim3A_683, %broadcast_in_dim3A_684 : vector<128x256xi1>, vector<128x256xf32>
    %mul3A_686 = arith.mulf %select_n3A_685, %convert_element_type3A_47 : vector<128x256xf32>
    %reduce_sum3A_687 = arith.constant dense<0.000000e+00> : vector<128xf32>
    %reduce_sum3A_688 = vector.multi_reduction <add>, %mul3A_686, %reduce_sum3A_687 [1] : vector<128x256xf32> to vector<128xf32>
    %convert_element_type3A_689 = arith.fptosi %reduce_sum3A_688 : vector<128xf32> to vector<128xi32>
    %swap3A_690 = arith.constant 21 : index
    %swap3A_691 = arith.constant 0 : index
    %swap3A_692 = vector.load %arg2[%swap3A_690, %swap3A_691] : memref<28x128xi32, #tpu.memory_space<vmem>>, vector<1x128xi32>
    %swap3A_693 = vector.shape_cast %swap3A_692 : vector<1x128xi32> to vector<128xi32>
    %swap3A_694 = vector.shape_cast %convert_element_type3A_689 : vector<128xi32> to vector<1x128xi32>
    tpu.vector_store %arg2[%swap3A_690, %swap3A_691], %swap3A_694 {strides = array<i32>} : memref<28x128xi32, #tpu.memory_space<vmem>>, vector<1x128xi32>,
    %slice3A_695 = vector.extract_strided_slice %get3A_5 {offsets = [21, 0], sizes = [1, 256], strides = [1, 1]} : vector<28x256xf32> to vector<1x256xf32>
    %mul3A_696 = vector.broadcast %slice3A_695 : vector<1x256xf32> to vector<128x256xf32>
    %mul3A_697 = arith.mulf %select_n3A_685, %mul3A_696 : vector<128x256xf32>
    %reduce_sum3A_698 = arith.constant dense<0.000000e+00> : vector<128xf32>
    %reduce_sum3A_699 = vector.multi_reduction <add>, %mul3A_697, %reduce_sum3A_698 [1] : vector<128x256xf32> to vector<128xf32>
    %swap3A_700 = arith.constant 21 : index
    %swap3A_701 = arith.constant 0 : index
    %swap3A_702 = vector.load %arg3[%swap3A_700, %swap3A_701] : memref<28x128xf32, #tpu.memory_space<vmem>>, vector<1x128xf32>
    %swap3A_703 = vector.shape_cast %swap3A_702 : vector<1x128xf32> to vector<128xf32>
    %swap3A_704 = vector.shape_cast %reduce_sum3A_699 : vector<128xf32> to vector<1x128xf32>
    tpu.vector_store %arg3[%swap3A_700, %swap3A_701], %swap3A_704 {strides = array<i32>} : memref<28x128xf32, #tpu.memory_space<vmem>>, vector<1x128xf32>,
    %slice3A_705 = vector.extract_strided_slice %dot_general3A_43 {offsets = [22, 0], sizes = [1, 256], strides = [1, 1]} : vector<28x256xf32> to vector<1x256xf32>
    %eq3A_706 = vector.broadcast %slice3A_705 : vector<1x256xf32> to vector<128x256xf32>
    %eq3A_707 = arith.cmpf oeq, %convert_element_type3A_45, %eq3A_706 : vector<128x256xf32>
    %slice3A_708 = vector.extract_strided_slice %or3A {offsets = [22, 0], sizes = [1, 256], strides = [1, 1]} : vector<28x256xi1> to vector<1x256xi1>
    %and3A_709 = vector.broadcast %slice3A_708 : vector<1x256xi1> to vector<128x256xi1>
    %and3A_710 = arith.andi %eq3A_707, %and3A_709 : vector<128x256xi1>
    %jit3A_711 = arith.constant 1.000000e+00 : f32
    %jit3A_712 = arith.constant 0.000000e+00 : f32
    %broadcast_in_dim3A_713 = vector.broadcast %jit3A_711 : f32 to vector<128x256xf32>
    %broadcast_in_dim3A_714 = vector.broadcast %jit3A_712 : f32 to vector<128x256xf32>
    %select_n3A_715 = arith.select %and3A_710, %broadcast_in_dim3A_713, %broadcast_in_dim3A_714 : vector<128x256xi1>, vector<128x256xf32>
    %mul3A_716 = arith.mulf %select_n3A_715, %convert_element_type3A_47 : vector<128x256xf32>
    %reduce_sum3A_717 = arith.constant dense<0.000000e+00> : vector<128xf32>
    %reduce_sum3A_718 = vector.multi_reduction <add>, %mul3A_716, %reduce_sum3A_717 [1] : vector<128x256xf32> to vector<128xf32>
    %convert_element_type3A_719 = arith.fptosi %reduce_sum3A_718 : vector<128xf32> to vector<128xi32>
    %swap3A_720 = arith.constant 22 : index
    %swap3A_721 = arith.constant 0 : index
    %swap3A_722 = vector.load %arg2[%swap3A_720, %swap3A_721] : memref<28x128xi32, #tpu.memory_space<vmem>>, vector<1x128xi32>
    %swap3A_723 = vector.shape_cast %swap3A_722 : vector<1x128xi32> to vector<128xi32>
    %swap3A_724 = vector.shape_cast %convert_element_type3A_719 : vector<128xi32> to vector<1x128xi32>
    tpu.vector_store %arg2[%swap3A_720, %swap3A_721], %swap3A_724 {strides = array<i32>} : memref<28x128xi32, #tpu.memory_space<vmem>>, vector<1x128xi32>,
    %slice3A_725 = vector.extract_strided_slice %get3A_5 {offsets = [22, 0], sizes = [1, 256], strides = [1, 1]} : vector<28x256xf32> to vector<1x256xf32>
    %mul3A_726 = vector.broadcast %slice3A_725 : vector<1x256xf32> to vector<128x256xf32>
    %mul3A_727 = arith.mulf %select_n3A_715, %mul3A_726 : vector<128x256xf32>
    %reduce_sum3A_728 = arith.constant dense<0.000000e+00> : vector<128xf32>
    %reduce_sum3A_729 = vector.multi_reduction <add>, %mul3A_727, %reduce_sum3A_728 [1] : vector<128x256xf32> to vector<128xf32>
    %swap3A_730 = arith.constant 22 : index
    %swap3A_731 = arith.constant 0 : index
    %swap3A_732 = vector.load %arg3[%swap3A_730, %swap3A_731] : memref<28x128xf32, #tpu.memory_space<vmem>>, vector<1x128xf32>
    %swap3A_733 = vector.shape_cast %swap3A_732 : vector<1x128xf32> to vector<128xf32>
    %swap3A_734 = vector.shape_cast %reduce_sum3A_729 : vector<128xf32> to vector<1x128xf32>
    tpu.vector_store %arg3[%swap3A_730, %swap3A_731], %swap3A_734 {strides = array<i32>} : memref<28x128xf32, #tpu.memory_space<vmem>>, vector<1x128xf32>,
    %slice3A_735 = vector.extract_strided_slice %dot_general3A_43 {offsets = [23, 0], sizes = [1, 256], strides = [1, 1]} : vector<28x256xf32> to vector<1x256xf32>
    %eq3A_736 = vector.broadcast %slice3A_735 : vector<1x256xf32> to vector<128x256xf32>
    %eq3A_737 = arith.cmpf oeq, %convert_element_type3A_45, %eq3A_736 : vector<128x256xf32>
    %slice3A_738 = vector.extract_strided_slice %or3A {offsets = [23, 0], sizes = [1, 256], strides = [1, 1]} : vector<28x256xi1> to vector<1x256xi1>
    %and3A_739 = vector.broadcast %slice3A_738 : vector<1x256xi1> to vector<128x256xi1>
    %and3A_740 = arith.andi %eq3A_737, %and3A_739 : vector<128x256xi1>
    %jit3A_741 = arith.constant 1.000000e+00 : f32
    %jit3A_742 = arith.constant 0.000000e+00 : f32
    %broadcast_in_dim3A_743 = vector.broadcast %jit3A_741 : f32 to vector<128x256xf32>
    %broadcast_in_dim3A_744 = vector.broadcast %jit3A_742 : f32 to vector<128x256xf32>
    %select_n3A_745 = arith.select %and3A_740, %broadcast_in_dim3A_743, %broadcast_in_dim3A_744 : vector<128x256xi1>, vector<128x256xf32>
    %mul3A_746 = arith.mulf %select_n3A_745, %convert_element_type3A_47 : vector<128x256xf32>
    %reduce_sum3A_747 = arith.constant dense<0.000000e+00> : vector<128xf32>
    %reduce_sum3A_748 = vector.multi_reduction <add>, %mul3A_746, %reduce_sum3A_747 [1] : vector<128x256xf32> to vector<128xf32>
    %convert_element_type3A_749 = arith.fptosi %reduce_sum3A_748 : vector<128xf32> to vector<128xi32>
    %swap3A_750 = arith.constant 23 : index
    %swap3A_751 = arith.constant 0 : index
    %swap3A_752 = vector.load %arg2[%swap3A_750, %swap3A_751] : memref<28x128xi32, #tpu.memory_space<vmem>>, vector<1x128xi32>
    %swap3A_753 = vector.shape_cast %swap3A_752 : vector<1x128xi32> to vector<128xi32>
    %swap3A_754 = vector.shape_cast %convert_element_type3A_749 : vector<128xi32> to vector<1x128xi32>
    tpu.vector_store %arg2[%swap3A_750, %swap3A_751], %swap3A_754 {strides = array<i32>} : memref<28x128xi32, #tpu.memory_space<vmem>>, vector<1x128xi32>,
    %slice3A_755 = vector.extract_strided_slice %get3A_5 {offsets = [23, 0], sizes = [1, 256], strides = [1, 1]} : vector<28x256xf32> to vector<1x256xf32>
    %mul3A_756 = vector.broadcast %slice3A_755 : vector<1x256xf32> to vector<128x256xf32>
    %mul3A_757 = arith.mulf %select_n3A_745, %mul3A_756 : vector<128x256xf32>
    %reduce_sum3A_758 = arith.constant dense<0.000000e+00> : vector<128xf32>
    %reduce_sum3A_759 = vector.multi_reduction <add>, %mul3A_757, %reduce_sum3A_758 [1] : vector<128x256xf32> to vector<128xf32>
    %swap3A_760 = arith.constant 23 : index
    %swap3A_761 = arith.constant 0 : index
    %swap3A_762 = vector.load %arg3[%swap3A_760, %swap3A_761] : memref<28x128xf32, #tpu.memory_space<vmem>>, vector<1x128xf32>
    %swap3A_763 = vector.shape_cast %swap3A_762 : vector<1x128xf32> to vector<128xf32>
    %swap3A_764 = vector.shape_cast %reduce_sum3A_759 : vector<128xf32> to vector<1x128xf32>
    tpu.vector_store %arg3[%swap3A_760, %swap3A_761], %swap3A_764 {strides = array<i32>} : memref<28x128xf32, #tpu.memory_space<vmem>>, vector<1x128xf32>,
    %slice3A_765 = vector.extract_strided_slice %dot_general3A_43 {offsets = [24, 0], sizes = [1, 256], strides = [1, 1]} : vector<28x256xf32> to vector<1x256xf32>
    %eq3A_766 = vector.broadcast %slice3A_765 : vector<1x256xf32> to vector<128x256xf32>
    %eq3A_767 = arith.cmpf oeq, %convert_element_type3A_45, %eq3A_766 : vector<128x256xf32>
    %slice3A_768 = vector.extract_strided_slice %or3A {offsets = [24, 0], sizes = [1, 256], strides = [1, 1]} : vector<28x256xi1> to vector<1x256xi1>
    %and3A_769 = vector.broadcast %slice3A_768 : vector<1x256xi1> to vector<128x256xi1>
    %and3A_770 = arith.andi %eq3A_767, %and3A_769 : vector<128x256xi1>
    %jit3A_771 = arith.constant 1.000000e+00 : f32
    %jit3A_772 = arith.constant 0.000000e+00 : f32
    %broadcast_in_dim3A_773 = vector.broadcast %jit3A_771 : f32 to vector<128x256xf32>
    %broadcast_in_dim3A_774 = vector.broadcast %jit3A_772 : f32 to vector<128x256xf32>
    %select_n3A_775 = arith.select %and3A_770, %broadcast_in_dim3A_773, %broadcast_in_dim3A_774 : vector<128x256xi1>, vector<128x256xf32>
    %mul3A_776 = arith.mulf %select_n3A_775, %convert_element_type3A_47 : vector<128x256xf32>
    %reduce_sum3A_777 = arith.constant dense<0.000000e+00> : vector<128xf32>
    %reduce_sum3A_778 = vector.multi_reduction <add>, %mul3A_776, %reduce_sum3A_777 [1] : vector<128x256xf32> to vector<128xf32>
    %convert_element_type3A_779 = arith.fptosi %reduce_sum3A_778 : vector<128xf32> to vector<128xi32>
    %swap3A_780 = arith.constant 24 : index
    %swap3A_781 = arith.constant 0 : index
    %swap3A_782 = vector.load %arg2[%swap3A_780, %swap3A_781] : memref<28x128xi32, #tpu.memory_space<vmem>>, vector<1x128xi32>
    %swap3A_783 = vector.shape_cast %swap3A_782 : vector<1x128xi32> to vector<128xi32>
    %swap3A_784 = vector.shape_cast %convert_element_type3A_779 : vector<128xi32> to vector<1x128xi32>
    tpu.vector_store %arg2[%swap3A_780, %swap3A_781], %swap3A_784 {strides = array<i32>} : memref<28x128xi32, #tpu.memory_space<vmem>>, vector<1x128xi32>,
    %slice3A_785 = vector.extract_strided_slice %get3A_5 {offsets = [24, 0], sizes = [1, 256], strides = [1, 1]} : vector<28x256xf32> to vector<1x256xf32>
    %mul3A_786 = vector.broadcast %slice3A_785 : vector<1x256xf32> to vector<128x256xf32>
    %mul3A_787 = arith.mulf %select_n3A_775, %mul3A_786 : vector<128x256xf32>
    %reduce_sum3A_788 = arith.constant dense<0.000000e+00> : vector<128xf32>
    %reduce_sum3A_789 = vector.multi_reduction <add>, %mul3A_787, %reduce_sum3A_788 [1] : vector<128x256xf32> to vector<128xf32>
    %swap3A_790 = arith.constant 24 : index
    %swap3A_791 = arith.constant 0 : index
    %swap3A_792 = vector.load %arg3[%swap3A_790, %swap3A_791] : memref<28x128xf32, #tpu.memory_space<vmem>>, vector<1x128xf32>
    %swap3A_793 = vector.shape_cast %swap3A_792 : vector<1x128xf32> to vector<128xf32>
    %swap3A_794 = vector.shape_cast %reduce_sum3A_789 : vector<128xf32> to vector<1x128xf32>
    tpu.vector_store %arg3[%swap3A_790, %swap3A_791], %swap3A_794 {strides = array<i32>} : memref<28x128xf32, #tpu.memory_space<vmem>>, vector<1x128xf32>,
    %slice3A_795 = vector.extract_strided_slice %dot_general3A_43 {offsets = [25, 0], sizes = [1, 256], strides = [1, 1]} : vector<28x256xf32> to vector<1x256xf32>
    %eq3A_796 = vector.broadcast %slice3A_795 : vector<1x256xf32> to vector<128x256xf32>
    %eq3A_797 = arith.cmpf oeq, %convert_element_type3A_45, %eq3A_796 : vector<128x256xf32>
    %slice3A_798 = vector.extract_strided_slice %or3A {offsets = [25, 0], sizes = [1, 256], strides = [1, 1]} : vector<28x256xi1> to vector<1x256xi1>
    %and3A_799 = vector.broadcast %slice3A_798 : vector<1x256xi1> to vector<128x256xi1>
    %and3A_800 = arith.andi %eq3A_797, %and3A_799 : vector<128x256xi1>
    %jit3A_801 = arith.constant 1.000000e+00 : f32
    %jit3A_802 = arith.constant 0.000000e+00 : f32
    %broadcast_in_dim3A_803 = vector.broadcast %jit3A_801 : f32 to vector<128x256xf32>
    %broadcast_in_dim3A_804 = vector.broadcast %jit3A_802 : f32 to vector<128x256xf32>
    %select_n3A_805 = arith.select %and3A_800, %broadcast_in_dim3A_803, %broadcast_in_dim3A_804 : vector<128x256xi1>, vector<128x256xf32>
    %mul3A_806 = arith.mulf %select_n3A_805, %convert_element_type3A_47 : vector<128x256xf32>
    %reduce_sum3A_807 = arith.constant dense<0.000000e+00> : vector<128xf32>
    %reduce_sum3A_808 = vector.multi_reduction <add>, %mul3A_806, %reduce_sum3A_807 [1] : vector<128x256xf32> to vector<128xf32>
    %convert_element_type3A_809 = arith.fptosi %reduce_sum3A_808 : vector<128xf32> to vector<128xi32>
    %swap3A_810 = arith.constant 25 : index
    %swap3A_811 = arith.constant 0 : index
    %swap3A_812 = vector.load %arg2[%swap3A_810, %swap3A_811] : memref<28x128xi32, #tpu.memory_space<vmem>>, vector<1x128xi32>
    %swap3A_813 = vector.shape_cast %swap3A_812 : vector<1x128xi32> to vector<128xi32>
    %swap3A_814 = vector.shape_cast %convert_element_type3A_809 : vector<128xi32> to vector<1x128xi32>
    tpu.vector_store %arg2[%swap3A_810, %swap3A_811], %swap3A_814 {strides = array<i32>} : memref<28x128xi32, #tpu.memory_space<vmem>>, vector<1x128xi32>,
    %slice3A_815 = vector.extract_strided_slice %get3A_5 {offsets = [25, 0], sizes = [1, 256], strides = [1, 1]} : vector<28x256xf32> to vector<1x256xf32>
    %mul3A_816 = vector.broadcast %slice3A_815 : vector<1x256xf32> to vector<128x256xf32>
    %mul3A_817 = arith.mulf %select_n3A_805, %mul3A_816 : vector<128x256xf32>
    %reduce_sum3A_818 = arith.constant dense<0.000000e+00> : vector<128xf32>
    %reduce_sum3A_819 = vector.multi_reduction <add>, %mul3A_817, %reduce_sum3A_818 [1] : vector<128x256xf32> to vector<128xf32>
    %swap3A_820 = arith.constant 25 : index
    %swap3A_821 = arith.constant 0 : index
    %swap3A_822 = vector.load %arg3[%swap3A_820, %swap3A_821] : memref<28x128xf32, #tpu.memory_space<vmem>>, vector<1x128xf32>
    %swap3A_823 = vector.shape_cast %swap3A_822 : vector<1x128xf32> to vector<128xf32>
    %swap3A_824 = vector.shape_cast %reduce_sum3A_819 : vector<128xf32> to vector<1x128xf32>
    tpu.vector_store %arg3[%swap3A_820, %swap3A_821], %swap3A_824 {strides = array<i32>} : memref<28x128xf32, #tpu.memory_space<vmem>>, vector<1x128xf32>,
    %slice3A_825 = vector.extract_strided_slice %dot_general3A_43 {offsets = [26, 0], sizes = [1, 256], strides = [1, 1]} : vector<28x256xf32> to vector<1x256xf32>
    %eq3A_826 = vector.broadcast %slice3A_825 : vector<1x256xf32> to vector<128x256xf32>
    %eq3A_827 = arith.cmpf oeq, %convert_element_type3A_45, %eq3A_826 : vector<128x256xf32>
    %slice3A_828 = vector.extract_strided_slice %or3A {offsets = [26, 0], sizes = [1, 256], strides = [1, 1]} : vector<28x256xi1> to vector<1x256xi1>
    %and3A_829 = vector.broadcast %slice3A_828 : vector<1x256xi1> to vector<128x256xi1>
    %and3A_830 = arith.andi %eq3A_827, %and3A_829 : vector<128x256xi1>
    %jit3A_831 = arith.constant 1.000000e+00 : f32
    %jit3A_832 = arith.constant 0.000000e+00 : f32
    %broadcast_in_dim3A_833 = vector.broadcast %jit3A_831 : f32 to vector<128x256xf32>
    %broadcast_in_dim3A_834 = vector.broadcast %jit3A_832 : f32 to vector<128x256xf32>
    %select_n3A_835 = arith.select %and3A_830, %broadcast_in_dim3A_833, %broadcast_in_dim3A_834 : vector<128x256xi1>, vector<128x256xf32>
    %mul3A_836 = arith.mulf %select_n3A_835, %convert_element_type3A_47 : vector<128x256xf32>
    %reduce_sum3A_837 = arith.constant dense<0.000000e+00> : vector<128xf32>
    %reduce_sum3A_838 = vector.multi_reduction <add>, %mul3A_836, %reduce_sum3A_837 [1] : vector<128x256xf32> to vector<128xf32>
    %convert_element_type3A_839 = arith.fptosi %reduce_sum3A_838 : vector<128xf32> to vector<128xi32>
    %swap3A_840 = arith.constant 26 : index
    %swap3A_841 = arith.constant 0 : index
    %swap3A_842 = vector.load %arg2[%swap3A_840, %swap3A_841] : memref<28x128xi32, #tpu.memory_space<vmem>>, vector<1x128xi32>
    %swap3A_843 = vector.shape_cast %swap3A_842 : vector<1x128xi32> to vector<128xi32>
    %swap3A_844 = vector.shape_cast %convert_element_type3A_839 : vector<128xi32> to vector<1x128xi32>
    tpu.vector_store %arg2[%swap3A_840, %swap3A_841], %swap3A_844 {strides = array<i32>} : memref<28x128xi32, #tpu.memory_space<vmem>>, vector<1x128xi32>,
    %slice3A_845 = vector.extract_strided_slice %get3A_5 {offsets = [26, 0], sizes = [1, 256], strides = [1, 1]} : vector<28x256xf32> to vector<1x256xf32>
    %mul3A_846 = vector.broadcast %slice3A_845 : vector<1x256xf32> to vector<128x256xf32>
    %mul3A_847 = arith.mulf %select_n3A_835, %mul3A_846 : vector<128x256xf32>
    %reduce_sum3A_848 = arith.constant dense<0.000000e+00> : vector<128xf32>
    %reduce_sum3A_849 = vector.multi_reduction <add>, %mul3A_847, %reduce_sum3A_848 [1] : vector<128x256xf32> to vector<128xf32>
    %swap3A_850 = arith.constant 26 : index
    %swap3A_851 = arith.constant 0 : index
    %swap3A_852 = vector.load %arg3[%swap3A_850, %swap3A_851] : memref<28x128xf32, #tpu.memory_space<vmem>>, vector<1x128xf32>
    %swap3A_853 = vector.shape_cast %swap3A_852 : vector<1x128xf32> to vector<128xf32>
    %swap3A_854 = vector.shape_cast %reduce_sum3A_849 : vector<128xf32> to vector<1x128xf32>
    tpu.vector_store %arg3[%swap3A_850, %swap3A_851], %swap3A_854 {strides = array<i32>} : memref<28x128xf32, #tpu.memory_space<vmem>>, vector<1x128xf32>,
    %slice3A_855 = vector.extract_strided_slice %dot_general3A_43 {offsets = [27, 0], sizes = [1, 256], strides = [1, 1]} : vector<28x256xf32> to vector<1x256xf32>
    %eq3A_856 = vector.broadcast %slice3A_855 : vector<1x256xf32> to vector<128x256xf32>
    %eq3A_857 = arith.cmpf oeq, %convert_element_type3A_45, %eq3A_856 : vector<128x256xf32>
    %slice3A_858 = vector.extract_strided_slice %or3A {offsets = [27, 0], sizes = [1, 256], strides = [1, 1]} : vector<28x256xi1> to vector<1x256xi1>
    %and3A_859 = vector.broadcast %slice3A_858 : vector<1x256xi1> to vector<128x256xi1>
    %and3A_860 = arith.andi %eq3A_857, %and3A_859 : vector<128x256xi1>
    %jit3A_861 = arith.constant 1.000000e+00 : f32
    %jit3A_862 = arith.constant 0.000000e+00 : f32
    %broadcast_in_dim3A_863 = vector.broadcast %jit3A_861 : f32 to vector<128x256xf32>
    %broadcast_in_dim3A_864 = vector.broadcast %jit3A_862 : f32 to vector<128x256xf32>
    %select_n3A_865 = arith.select %and3A_860, %broadcast_in_dim3A_863, %broadcast_in_dim3A_864 : vector<128x256xi1>, vector<128x256xf32>
    %mul3A_866 = arith.mulf %select_n3A_865, %convert_element_type3A_47 : vector<128x256xf32>
    %reduce_sum3A_867 = arith.constant dense<0.000000e+00> : vector<128xf32>
    %reduce_sum3A_868 = vector.multi_reduction <add>, %mul3A_866, %reduce_sum3A_867 [1] : vector<128x256xf32> to vector<128xf32>
    %convert_element_type3A_869 = arith.fptosi %reduce_sum3A_868 : vector<128xf32> to vector<128xi32>
    %swap3A_870 = arith.constant 27 : index
    %swap3A_871 = arith.constant 0 : index
    %swap3A_872 = vector.load %arg2[%swap3A_870, %swap3A_871] : memref<28x128xi32, #tpu.memory_space<vmem>>, vector<1x128xi32>
    %swap3A_873 = vector.shape_cast %swap3A_872 : vector<1x128xi32> to vector<128xi32>
    %swap3A_874 = vector.shape_cast %convert_element_type3A_869 : vector<128xi32> to vector<1x128xi32>
    tpu.vector_store %arg2[%swap3A_870, %swap3A_871], %swap3A_874 {strides = array<i32>} : memref<28x128xi32, #tpu.memory_space<vmem>>, vector<1x128xi32>,
    %slice3A_875 = vector.extract_strided_slice %get3A_5 {offsets = [27, 0], sizes = [1, 256], strides = [1, 1]} : vector<28x256xf32> to vector<1x256xf32>
    %mul3A_876 = vector.broadcast %slice3A_875 : vector<1x256xf32> to vector<128x256xf32>
    %mul3A_877 = arith.mulf %select_n3A_865, %mul3A_876 : vector<128x256xf32>
    %reduce_sum3A_878 = arith.constant dense<0.000000e+00> : vector<128xf32>
    %reduce_sum3A_879 = vector.multi_reduction <add>, %mul3A_877, %reduce_sum3A_878 [1] : vector<128x256xf32> to vector<128xf32>
    %swap3A_880 = arith.constant 27 : index
    %swap3A_881 = arith.constant 0 : index
    %swap3A_882 = vector.load %arg3[%swap3A_880, %swap3A_881] : memref<28x128xf32, #tpu.memory_space<vmem>>, vector<1x128xf32>
    %swap3A_883 = vector.shape_cast %swap3A_882 : vector<1x128xf32> to vector<128xf32>
    %swap3A_884 = vector.shape_cast %reduce_sum3A_879 : vector<128xf32> to vector<1x128xf32>
    tpu.vector_store %arg3[%swap3A_880, %swap3A_881], %swap3A_884 {strides = array<i32>} : memref<28x128xf32, #tpu.memory_space<vmem>>, vector<1x128xf32>,
    return
  }
  func.func @transform_0(%arg0: i32) -> (i32, i32) {
    %c0_i32 = arith.constant 0 : i32
    %c0_i32_0 = arith.constant 0 : i32
    %c0_i32_1 = arith.constant 0 : i32
    return %c0_i32, %c0_i32_0 : i32, i32
  }
  func.func @transform_1(%arg0: i32) -> (i32, i32) {
    %c0_i32 = arith.constant 0 : i32
    %c0_i32_0 = arith.constant 0 : i32
    %c0_i32_1 = arith.constant 0 : i32
    return %c0_i32, %c0_i32_0 : i32, i32
  }
  func.func @transform_2(%arg0: i32) -> (i32, i32) {
    %c0_i32 = arith.constant 0 : i32
    %c0_i32_0 = arith.constant 0 : i32
    %c0_i32_1 = arith.constant 0 : i32
    return %c0_i32, %c0_i32_0 : i32, i32
  }
}

module attributes {stable_mosaic.version = 14 : i64} {
  func.func @_topk_body(%arg0: i32, %arg1: memref<28x1792xf32, #tpu.memory_space<vmem>>, %arg2: memref<28x256xi32, #tpu.memory_space<vmem>>, %arg3: memref<28x256xf32, #tpu.memory_space<vmem>>, %arg4: memref<1792x1792xf32, #tpu.memory_space<vmem>>) attributes {dimension_semantics = [#tpu.dimension_semantics<arbitrary>], iteration_bounds = array<i64: 1>, scalar_prefetch = 0 : i64, scratch_operands = 1 : i64, tpu.core_type = #tpu.core_type<tc>, window_params = [{pipeline_mode = #tpu.pipeline_mode<synchronous>, transform_indices = @transform_0, window_bounds = array<i64: 28, 1792>}, {pipeline_mode = #tpu.pipeline_mode<synchronous>, transform_indices = @transform_1, window_bounds = array<i64: 28, 256>}, {pipeline_mode = #tpu.pipeline_mode<synchronous>, transform_indices = @transform_2, window_bounds = array<i64: 28, 256>}]} {
    %iota3A = tpu.iota {dimensions = array<i32: 0>} : vector<1792x1792xi32>
    %iota3A_0 = tpu.iota {dimensions = array<i32: 1>} : vector<1792x1792xi32>
    %lt3A = arith.cmpi slt, %iota3A, %iota3A_0 : vector<1792x1792xi32>
    %convert_element_type3A = arith.extui %lt3A : vector<1792x1792xi1> to vector<1792x1792xi32>
    %convert_element_type3A_1 = arith.sitofp %convert_element_type3A : vector<1792x1792xi32> to vector<1792x1792xf32>
    %swap3A = arith.constant 0 : index
    %swap3A_2 = arith.constant 0 : index
    %swap3A_3 = vector.load %arg4[%swap3A, %swap3A_2] : memref<1792x1792xf32, #tpu.memory_space<vmem>>, vector<1792x1792xf32>
    tpu.vector_store %arg4[%swap3A, %swap3A_2], %convert_element_type3A_1 {strides = array<i32>} : memref<1792x1792xf32, #tpu.memory_space<vmem>>, vector<1792x1792xf32>,
    %get3A = arith.constant 0 : index
    %get3A_4 = arith.constant 0 : index
    %get3A_5 = vector.load %arg1[%get3A, %get3A_4] : memref<28x1792xf32, #tpu.memory_space<vmem>>, vector<28x1792xf32>
    %bitcast_convert_type3A = tpu.bitcast %get3A_5 : vector<28x1792xf32> -> vector<28x1792xi32>
    %ge3A = arith.constant 0 : i32
    %ge3A_6 = vector.broadcast %ge3A : i32 to vector<28x1792xi32>
    %ge3A_7 = arith.cmpi sge, %bitcast_convert_type3A, %ge3A_6 : vector<28x1792xi32>
    %not3A = arith.constant dense<-1> : vector<28x1792xi32>
    %not3A_8 = arith.xori %bitcast_convert_type3A, %not3A : vector<28x1792xi32>
    %xor3A = arith.constant -2147483648 : i32
    %xor3A_9 = vector.broadcast %xor3A : i32 to vector<28x1792xi32>
    %xor3A_10 = arith.xori %not3A_8, %xor3A_9 : vector<28x1792xi32>
    %select_n3A = arith.select %ge3A_7, %bitcast_convert_type3A, %xor3A_10 : vector<28x1792xi1>, vector<28x1792xi32>
    %broadcast_in_dim3A = arith.constant 0 : i32
    %broadcast_in_dim3A_11 = vector.broadcast %broadcast_in_dim3A : i32 to vector<28x1xi32>
    %scan3A = arith.constant -2147483648 : i32
    %scan3A_12 = arith.constant 0 : i32
    %scan3A_13 = arith.constant 32 : i32
    %scan3A_14 = arith.addi %scan3A_12, %scan3A_13 : i32
    %scan3A_15 = arith.constant 1 : i32
    %scan3A_16 = scf.for %scan3A_885 = %scan3A_12 to %scan3A_14 step %scan3A_15 iter_args(%scan3A_886 = %broadcast_in_dim3A_11) -> (vector<28x1xi32>)  : i32 {
      %sub3A_887 = arith.constant 31 : i32
      %sub3A_888 = arith.subi %sub3A_887, %scan3A_885 : i32
      %shift_left3A = arith.constant 1 : i32
      %shift_left3A_889 = arith.shli %shift_left3A, %sub3A_888 : i32
      %or3A_890 = vector.broadcast %shift_left3A_889 : i32 to vector<28x1xi32>
      %or3A_891 = arith.ori %scan3A_886, %or3A_890 : vector<28x1xi32>
      %xor3A_892 = vector.broadcast %scan3A : i32 to vector<28x1xi32>
      %xor3A_893 = arith.xori %or3A_891, %xor3A_892 : vector<28x1xi32>
      %ge3A_894 = vector.broadcast %xor3A_893 : vector<28x1xi32> to vector<28x1792xi32>
      %ge3A_895 = arith.cmpi sge, %select_n3A, %ge3A_894 : vector<28x1792xi32>
      %convert_element_type3A_896 = arith.extui %ge3A_895 : vector<28x1792xi1> to vector<28x1792xi32>
      %reduce_sum3A_897 = arith.constant dense<0> : vector<28xi32>
      %reduce_sum3A_898 = vector.multi_reduction <add>, %convert_element_type3A_896, %reduce_sum3A_897 [1] : vector<28x1792xi32> to vector<28xi32>
      %broadcast_in_dim3A_899 = vector.shape_cast %reduce_sum3A_898 : vector<28xi32> to vector<28x1xi32>
      %ge3A_900 = arith.constant 256 : i32
      %ge3A_901 = vector.broadcast %ge3A_900 : i32 to vector<28x1xi32>
      %ge3A_902 = arith.cmpi sge, %broadcast_in_dim3A_899, %ge3A_901 : vector<28x1xi32>
      %select_n3A_903 = arith.select %ge3A_902, %or3A_891, %scan3A_886 : vector<28x1xi1>, vector<28x1xi32>
      scf.yield %select_n3A_903 : vector<28x1xi32>
    }
    %scan3A_17 = arith.constant 32 : i32
    %xor3A_18 = arith.constant -2147483648 : i32
    %xor3A_19 = vector.broadcast %xor3A_18 : i32 to vector<28x1xi32>
    %xor3A_20 = arith.xori %scan3A_16, %xor3A_19 : vector<28x1xi32>
    %gt3A = vector.broadcast %xor3A_20 : vector<28x1xi32> to vector<28x1792xi32>
    %gt3A_21 = arith.cmpi sgt, %select_n3A, %gt3A : vector<28x1792xi32>
    %eq3A = vector.broadcast %xor3A_20 : vector<28x1xi32> to vector<28x1792xi32>
    %eq3A_22 = arith.cmpi eq, %select_n3A, %eq3A : vector<28x1792xi32>
    %convert_element_type3A_23 = arith.extui %gt3A_21 : vector<28x1792xi1> to vector<28x1792xi32>
    %reduce_sum3A = arith.constant dense<0> : vector<28xi32>
    %reduce_sum3A_24 = vector.multi_reduction <add>, %convert_element_type3A_23, %reduce_sum3A [1] : vector<28x1792xi32> to vector<28xi32>
    %broadcast_in_dim3A_25 = vector.shape_cast %reduce_sum3A_24 : vector<28xi32> to vector<28x1xi32>
    %sub3A = arith.constant 256 : i32
    %sub3A_26 = vector.broadcast %sub3A : i32 to vector<28x1xi32>
    %sub3A_27 = arith.subi %sub3A_26, %broadcast_in_dim3A_25 : vector<28x1xi32>
    %convert_element_type3A_28 = arith.sitofp %sub3A_27 : vector<28x1xi32> to vector<28x1xf32>
    %convert_element_type3A_29 = arith.extui %eq3A_22 : vector<28x1792xi1> to vector<28x1792xi32>
    %convert_element_type3A_30 = arith.sitofp %convert_element_type3A_29 : vector<28x1792xi32> to vector<28x1792xf32>
    %get3A_31 = arith.constant 0 : index
    %get3A_32 = arith.constant 0 : index
    %get3A_33 = vector.load %arg4[%get3A_31, %get3A_32] : memref<1792x1792xf32, #tpu.memory_space<vmem>>, vector<1792x1792xf32>
    %dot_general3A = arith.constant dense<0.000000e+00> : vector<28x1792xf32>
    %dot_general3A_34 = tpu.matmul %convert_element_type3A_30, %get3A_33, %dot_general3A {dimension_numbers = #tpu.dot_dimension_numbers<[1], [0], [0], [1], [0, 0, 1, 1], [], []>, transpose_lhs_hint = false} : vector<28x1792xf32>, vector<1792x1792xf32>, vector<28x1792xf32> -> vector<28x1792xf32>
    %lt3A_35 = vector.broadcast %convert_element_type3A_28 : vector<28x1xf32> to vector<28x1792xf32>
    %lt3A_36 = arith.cmpf olt, %dot_general3A_34, %lt3A_35 : vector<28x1792xf32>
    %and3A = arith.andi %eq3A_22, %lt3A_36 : vector<28x1792xi1>
    %or3A = arith.ori %gt3A_21, %and3A : vector<28x1792xi1>
    %convert_element_type3A_37 = arith.extui %or3A : vector<28x1792xi1> to vector<28x1792xi32>
    %convert_element_type3A_38 = arith.sitofp %convert_element_type3A_37 : vector<28x1792xi32> to vector<28x1792xf32>
    %get3A_39 = arith.constant 0 : index
    %get3A_40 = arith.constant 0 : index
    %get3A_41 = vector.load %arg4[%get3A_39, %get3A_40] : memref<1792x1792xf32, #tpu.memory_space<vmem>>, vector<1792x1792xf32>
    %dot_general3A_42 = arith.constant dense<0.000000e+00> : vector<28x1792xf32>
    %dot_general3A_43 = tpu.matmul %convert_element_type3A_38, %get3A_41, %dot_general3A_42 {dimension_numbers = #tpu.dot_dimension_numbers<[1], [0], [0], [1], [0, 0, 1, 1], [], []>, transpose_lhs_hint = false} : vector<28x1792xf32>, vector<1792x1792xf32>, vector<28x1792xf32> -> vector<28x1792xf32>
    %iota3A_44 = tpu.iota {dimensions = array<i32: 0>} : vector<256x1792xi32>
    %convert_element_type3A_45 = arith.sitofp %iota3A_44 : vector<256x1792xi32> to vector<256x1792xf32>
    %iota3A_46 = tpu.iota {dimensions = array<i32: 1>} : vector<256x1792xi32>
    %convert_element_type3A_47 = arith.sitofp %iota3A_46 : vector<256x1792xi32> to vector<256x1792xf32>
    %slice3A = vector.extract_strided_slice %dot_general3A_43 {offsets = [0, 0], sizes = [1, 1792], strides = [1, 1]} : vector<28x1792xf32> to vector<1x1792xf32>
    %eq3A_48 = vector.broadcast %slice3A : vector<1x1792xf32> to vector<256x1792xf32>
    %eq3A_49 = arith.cmpf oeq, %convert_element_type3A_45, %eq3A_48 : vector<256x1792xf32>
    %slice3A_50 = vector.extract_strided_slice %or3A {offsets = [0, 0], sizes = [1, 1792], strides = [1, 1]} : vector<28x1792xi1> to vector<1x1792xi1>
    %and3A_51 = vector.broadcast %slice3A_50 : vector<1x1792xi1> to vector<256x1792xi1>
    %and3A_52 = arith.andi %eq3A_49, %and3A_51 : vector<256x1792xi1>
    %jit3A = arith.constant 1.000000e+00 : f32
    %jit3A_53 = arith.constant 0.000000e+00 : f32
    %broadcast_in_dim3A_54 = vector.broadcast %jit3A : f32 to vector<256x1792xf32>
    %broadcast_in_dim3A_55 = vector.broadcast %jit3A_53 : f32 to vector<256x1792xf32>
    %select_n3A_56 = arith.select %and3A_52, %broadcast_in_dim3A_54, %broadcast_in_dim3A_55 : vector<256x1792xi1>, vector<256x1792xf32>
    %mul3A = arith.mulf %select_n3A_56, %convert_element_type3A_47 : vector<256x1792xf32>
    %reduce_sum3A_57 = arith.constant dense<0.000000e+00> : vector<256xf32>
    %reduce_sum3A_58 = vector.multi_reduction <add>, %mul3A, %reduce_sum3A_57 [1] : vector<256x1792xf32> to vector<256xf32>
    %convert_element_type3A_59 = arith.fptosi %reduce_sum3A_58 : vector<256xf32> to vector<256xi32>
    %swap3A_60 = arith.constant 0 : index
    %swap3A_61 = arith.constant 0 : index
    %swap3A_62 = vector.load %arg2[%swap3A_60, %swap3A_61] : memref<28x256xi32, #tpu.memory_space<vmem>>, vector<1x256xi32>
    %swap3A_63 = vector.shape_cast %swap3A_62 : vector<1x256xi32> to vector<256xi32>
    %swap3A_64 = vector.shape_cast %convert_element_type3A_59 : vector<256xi32> to vector<1x256xi32>
    tpu.vector_store %arg2[%swap3A_60, %swap3A_61], %swap3A_64 {strides = array<i32>} : memref<28x256xi32, #tpu.memory_space<vmem>>, vector<1x256xi32>,
    %slice3A_65 = vector.extract_strided_slice %get3A_5 {offsets = [0, 0], sizes = [1, 1792], strides = [1, 1]} : vector<28x1792xf32> to vector<1x1792xf32>
    %mul3A_66 = vector.broadcast %slice3A_65 : vector<1x1792xf32> to vector<256x1792xf32>
    %mul3A_67 = arith.mulf %select_n3A_56, %mul3A_66 : vector<256x1792xf32>
    %reduce_sum3A_68 = arith.constant dense<0.000000e+00> : vector<256xf32>
    %reduce_sum3A_69 = vector.multi_reduction <add>, %mul3A_67, %reduce_sum3A_68 [1] : vector<256x1792xf32> to vector<256xf32>
    %swap3A_70 = arith.constant 0 : index
    %swap3A_71 = arith.constant 0 : index
    %swap3A_72 = vector.load %arg3[%swap3A_70, %swap3A_71] : memref<28x256xf32, #tpu.memory_space<vmem>>, vector<1x256xf32>
    %swap3A_73 = vector.shape_cast %swap3A_72 : vector<1x256xf32> to vector<256xf32>
    %swap3A_74 = vector.shape_cast %reduce_sum3A_69 : vector<256xf32> to vector<1x256xf32>
    tpu.vector_store %arg3[%swap3A_70, %swap3A_71], %swap3A_74 {strides = array<i32>} : memref<28x256xf32, #tpu.memory_space<vmem>>, vector<1x256xf32>,
    %slice3A_75 = vector.extract_strided_slice %dot_general3A_43 {offsets = [1, 0], sizes = [1, 1792], strides = [1, 1]} : vector<28x1792xf32> to vector<1x1792xf32>
    %eq3A_76 = vector.broadcast %slice3A_75 : vector<1x1792xf32> to vector<256x1792xf32>
    %eq3A_77 = arith.cmpf oeq, %convert_element_type3A_45, %eq3A_76 : vector<256x1792xf32>
    %slice3A_78 = vector.extract_strided_slice %or3A {offsets = [1, 0], sizes = [1, 1792], strides = [1, 1]} : vector<28x1792xi1> to vector<1x1792xi1>
    %and3A_79 = vector.broadcast %slice3A_78 : vector<1x1792xi1> to vector<256x1792xi1>
    %and3A_80 = arith.andi %eq3A_77, %and3A_79 : vector<256x1792xi1>
    %jit3A_81 = arith.constant 1.000000e+00 : f32
    %jit3A_82 = arith.constant 0.000000e+00 : f32
    %broadcast_in_dim3A_83 = vector.broadcast %jit3A_81 : f32 to vector<256x1792xf32>
    %broadcast_in_dim3A_84 = vector.broadcast %jit3A_82 : f32 to vector<256x1792xf32>
    %select_n3A_85 = arith.select %and3A_80, %broadcast_in_dim3A_83, %broadcast_in_dim3A_84 : vector<256x1792xi1>, vector<256x1792xf32>
    %mul3A_86 = arith.mulf %select_n3A_85, %convert_element_type3A_47 : vector<256x1792xf32>
    %reduce_sum3A_87 = arith.constant dense<0.000000e+00> : vector<256xf32>
    %reduce_sum3A_88 = vector.multi_reduction <add>, %mul3A_86, %reduce_sum3A_87 [1] : vector<256x1792xf32> to vector<256xf32>
    %convert_element_type3A_89 = arith.fptosi %reduce_sum3A_88 : vector<256xf32> to vector<256xi32>
    %swap3A_90 = arith.constant 1 : index
    %swap3A_91 = arith.constant 0 : index
    %swap3A_92 = vector.load %arg2[%swap3A_90, %swap3A_91] : memref<28x256xi32, #tpu.memory_space<vmem>>, vector<1x256xi32>
    %swap3A_93 = vector.shape_cast %swap3A_92 : vector<1x256xi32> to vector<256xi32>
    %swap3A_94 = vector.shape_cast %convert_element_type3A_89 : vector<256xi32> to vector<1x256xi32>
    tpu.vector_store %arg2[%swap3A_90, %swap3A_91], %swap3A_94 {strides = array<i32>} : memref<28x256xi32, #tpu.memory_space<vmem>>, vector<1x256xi32>,
    %slice3A_95 = vector.extract_strided_slice %get3A_5 {offsets = [1, 0], sizes = [1, 1792], strides = [1, 1]} : vector<28x1792xf32> to vector<1x1792xf32>
    %mul3A_96 = vector.broadcast %slice3A_95 : vector<1x1792xf32> to vector<256x1792xf32>
    %mul3A_97 = arith.mulf %select_n3A_85, %mul3A_96 : vector<256x1792xf32>
    %reduce_sum3A_98 = arith.constant dense<0.000000e+00> : vector<256xf32>
    %reduce_sum3A_99 = vector.multi_reduction <add>, %mul3A_97, %reduce_sum3A_98 [1] : vector<256x1792xf32> to vector<256xf32>
    %swap3A_100 = arith.constant 1 : index
    %swap3A_101 = arith.constant 0 : index
    %swap3A_102 = vector.load %arg3[%swap3A_100, %swap3A_101] : memref<28x256xf32, #tpu.memory_space<vmem>>, vector<1x256xf32>
    %swap3A_103 = vector.shape_cast %swap3A_102 : vector<1x256xf32> to vector<256xf32>
    %swap3A_104 = vector.shape_cast %reduce_sum3A_99 : vector<256xf32> to vector<1x256xf32>
    tpu.vector_store %arg3[%swap3A_100, %swap3A_101], %swap3A_104 {strides = array<i32>} : memref<28x256xf32, #tpu.memory_space<vmem>>, vector<1x256xf32>,
    %slice3A_105 = vector.extract_strided_slice %dot_general3A_43 {offsets = [2, 0], sizes = [1, 1792], strides = [1, 1]} : vector<28x1792xf32> to vector<1x1792xf32>
    %eq3A_106 = vector.broadcast %slice3A_105 : vector<1x1792xf32> to vector<256x1792xf32>
    %eq3A_107 = arith.cmpf oeq, %convert_element_type3A_45, %eq3A_106 : vector<256x1792xf32>
    %slice3A_108 = vector.extract_strided_slice %or3A {offsets = [2, 0], sizes = [1, 1792], strides = [1, 1]} : vector<28x1792xi1> to vector<1x1792xi1>
    %and3A_109 = vector.broadcast %slice3A_108 : vector<1x1792xi1> to vector<256x1792xi1>
    %and3A_110 = arith.andi %eq3A_107, %and3A_109 : vector<256x1792xi1>
    %jit3A_111 = arith.constant 1.000000e+00 : f32
    %jit3A_112 = arith.constant 0.000000e+00 : f32
    %broadcast_in_dim3A_113 = vector.broadcast %jit3A_111 : f32 to vector<256x1792xf32>
    %broadcast_in_dim3A_114 = vector.broadcast %jit3A_112 : f32 to vector<256x1792xf32>
    %select_n3A_115 = arith.select %and3A_110, %broadcast_in_dim3A_113, %broadcast_in_dim3A_114 : vector<256x1792xi1>, vector<256x1792xf32>
    %mul3A_116 = arith.mulf %select_n3A_115, %convert_element_type3A_47 : vector<256x1792xf32>
    %reduce_sum3A_117 = arith.constant dense<0.000000e+00> : vector<256xf32>
    %reduce_sum3A_118 = vector.multi_reduction <add>, %mul3A_116, %reduce_sum3A_117 [1] : vector<256x1792xf32> to vector<256xf32>
    %convert_element_type3A_119 = arith.fptosi %reduce_sum3A_118 : vector<256xf32> to vector<256xi32>
    %swap3A_120 = arith.constant 2 : index
    %swap3A_121 = arith.constant 0 : index
    %swap3A_122 = vector.load %arg2[%swap3A_120, %swap3A_121] : memref<28x256xi32, #tpu.memory_space<vmem>>, vector<1x256xi32>
    %swap3A_123 = vector.shape_cast %swap3A_122 : vector<1x256xi32> to vector<256xi32>
    %swap3A_124 = vector.shape_cast %convert_element_type3A_119 : vector<256xi32> to vector<1x256xi32>
    tpu.vector_store %arg2[%swap3A_120, %swap3A_121], %swap3A_124 {strides = array<i32>} : memref<28x256xi32, #tpu.memory_space<vmem>>, vector<1x256xi32>,
    %slice3A_125 = vector.extract_strided_slice %get3A_5 {offsets = [2, 0], sizes = [1, 1792], strides = [1, 1]} : vector<28x1792xf32> to vector<1x1792xf32>
    %mul3A_126 = vector.broadcast %slice3A_125 : vector<1x1792xf32> to vector<256x1792xf32>
    %mul3A_127 = arith.mulf %select_n3A_115, %mul3A_126 : vector<256x1792xf32>
    %reduce_sum3A_128 = arith.constant dense<0.000000e+00> : vector<256xf32>
    %reduce_sum3A_129 = vector.multi_reduction <add>, %mul3A_127, %reduce_sum3A_128 [1] : vector<256x1792xf32> to vector<256xf32>
    %swap3A_130 = arith.constant 2 : index
    %swap3A_131 = arith.constant 0 : index
    %swap3A_132 = vector.load %arg3[%swap3A_130, %swap3A_131] : memref<28x256xf32, #tpu.memory_space<vmem>>, vector<1x256xf32>
    %swap3A_133 = vector.shape_cast %swap3A_132 : vector<1x256xf32> to vector<256xf32>
    %swap3A_134 = vector.shape_cast %reduce_sum3A_129 : vector<256xf32> to vector<1x256xf32>
    tpu.vector_store %arg3[%swap3A_130, %swap3A_131], %swap3A_134 {strides = array<i32>} : memref<28x256xf32, #tpu.memory_space<vmem>>, vector<1x256xf32>,
    %slice3A_135 = vector.extract_strided_slice %dot_general3A_43 {offsets = [3, 0], sizes = [1, 1792], strides = [1, 1]} : vector<28x1792xf32> to vector<1x1792xf32>
    %eq3A_136 = vector.broadcast %slice3A_135 : vector<1x1792xf32> to vector<256x1792xf32>
    %eq3A_137 = arith.cmpf oeq, %convert_element_type3A_45, %eq3A_136 : vector<256x1792xf32>
    %slice3A_138 = vector.extract_strided_slice %or3A {offsets = [3, 0], sizes = [1, 1792], strides = [1, 1]} : vector<28x1792xi1> to vector<1x1792xi1>
    %and3A_139 = vector.broadcast %slice3A_138 : vector<1x1792xi1> to vector<256x1792xi1>
    %and3A_140 = arith.andi %eq3A_137, %and3A_139 : vector<256x1792xi1>
    %jit3A_141 = arith.constant 1.000000e+00 : f32
    %jit3A_142 = arith.constant 0.000000e+00 : f32
    %broadcast_in_dim3A_143 = vector.broadcast %jit3A_141 : f32 to vector<256x1792xf32>
    %broadcast_in_dim3A_144 = vector.broadcast %jit3A_142 : f32 to vector<256x1792xf32>
    %select_n3A_145 = arith.select %and3A_140, %broadcast_in_dim3A_143, %broadcast_in_dim3A_144 : vector<256x1792xi1>, vector<256x1792xf32>
    %mul3A_146 = arith.mulf %select_n3A_145, %convert_element_type3A_47 : vector<256x1792xf32>
    %reduce_sum3A_147 = arith.constant dense<0.000000e+00> : vector<256xf32>
    %reduce_sum3A_148 = vector.multi_reduction <add>, %mul3A_146, %reduce_sum3A_147 [1] : vector<256x1792xf32> to vector<256xf32>
    %convert_element_type3A_149 = arith.fptosi %reduce_sum3A_148 : vector<256xf32> to vector<256xi32>
    %swap3A_150 = arith.constant 3 : index
    %swap3A_151 = arith.constant 0 : index
    %swap3A_152 = vector.load %arg2[%swap3A_150, %swap3A_151] : memref<28x256xi32, #tpu.memory_space<vmem>>, vector<1x256xi32>
    %swap3A_153 = vector.shape_cast %swap3A_152 : vector<1x256xi32> to vector<256xi32>
    %swap3A_154 = vector.shape_cast %convert_element_type3A_149 : vector<256xi32> to vector<1x256xi32>
    tpu.vector_store %arg2[%swap3A_150, %swap3A_151], %swap3A_154 {strides = array<i32>} : memref<28x256xi32, #tpu.memory_space<vmem>>, vector<1x256xi32>,
    %slice3A_155 = vector.extract_strided_slice %get3A_5 {offsets = [3, 0], sizes = [1, 1792], strides = [1, 1]} : vector<28x1792xf32> to vector<1x1792xf32>
    %mul3A_156 = vector.broadcast %slice3A_155 : vector<1x1792xf32> to vector<256x1792xf32>
    %mul3A_157 = arith.mulf %select_n3A_145, %mul3A_156 : vector<256x1792xf32>
    %reduce_sum3A_158 = arith.constant dense<0.000000e+00> : vector<256xf32>
    %reduce_sum3A_159 = vector.multi_reduction <add>, %mul3A_157, %reduce_sum3A_158 [1] : vector<256x1792xf32> to vector<256xf32>
    %swap3A_160 = arith.constant 3 : index
    %swap3A_161 = arith.constant 0 : index
    %swap3A_162 = vector.load %arg3[%swap3A_160, %swap3A_161] : memref<28x256xf32, #tpu.memory_space<vmem>>, vector<1x256xf32>
    %swap3A_163 = vector.shape_cast %swap3A_162 : vector<1x256xf32> to vector<256xf32>
    %swap3A_164 = vector.shape_cast %reduce_sum3A_159 : vector<256xf32> to vector<1x256xf32>
    tpu.vector_store %arg3[%swap3A_160, %swap3A_161], %swap3A_164 {strides = array<i32>} : memref<28x256xf32, #tpu.memory_space<vmem>>, vector<1x256xf32>,
    %slice3A_165 = vector.extract_strided_slice %dot_general3A_43 {offsets = [4, 0], sizes = [1, 1792], strides = [1, 1]} : vector<28x1792xf32> to vector<1x1792xf32>
    %eq3A_166 = vector.broadcast %slice3A_165 : vector<1x1792xf32> to vector<256x1792xf32>
    %eq3A_167 = arith.cmpf oeq, %convert_element_type3A_45, %eq3A_166 : vector<256x1792xf32>
    %slice3A_168 = vector.extract_strided_slice %or3A {offsets = [4, 0], sizes = [1, 1792], strides = [1, 1]} : vector<28x1792xi1> to vector<1x1792xi1>
    %and3A_169 = vector.broadcast %slice3A_168 : vector<1x1792xi1> to vector<256x1792xi1>
    %and3A_170 = arith.andi %eq3A_167, %and3A_169 : vector<256x1792xi1>
    %jit3A_171 = arith.constant 1.000000e+00 : f32
    %jit3A_172 = arith.constant 0.000000e+00 : f32
    %broadcast_in_dim3A_173 = vector.broadcast %jit3A_171 : f32 to vector<256x1792xf32>
    %broadcast_in_dim3A_174 = vector.broadcast %jit3A_172 : f32 to vector<256x1792xf32>
    %select_n3A_175 = arith.select %and3A_170, %broadcast_in_dim3A_173, %broadcast_in_dim3A_174 : vector<256x1792xi1>, vector<256x1792xf32>
    %mul3A_176 = arith.mulf %select_n3A_175, %convert_element_type3A_47 : vector<256x1792xf32>
    %reduce_sum3A_177 = arith.constant dense<0.000000e+00> : vector<256xf32>
    %reduce_sum3A_178 = vector.multi_reduction <add>, %mul3A_176, %reduce_sum3A_177 [1] : vector<256x1792xf32> to vector<256xf32>
    %convert_element_type3A_179 = arith.fptosi %reduce_sum3A_178 : vector<256xf32> to vector<256xi32>
    %swap3A_180 = arith.constant 4 : index
    %swap3A_181 = arith.constant 0 : index
    %swap3A_182 = vector.load %arg2[%swap3A_180, %swap3A_181] : memref<28x256xi32, #tpu.memory_space<vmem>>, vector<1x256xi32>
    %swap3A_183 = vector.shape_cast %swap3A_182 : vector<1x256xi32> to vector<256xi32>
    %swap3A_184 = vector.shape_cast %convert_element_type3A_179 : vector<256xi32> to vector<1x256xi32>
    tpu.vector_store %arg2[%swap3A_180, %swap3A_181], %swap3A_184 {strides = array<i32>} : memref<28x256xi32, #tpu.memory_space<vmem>>, vector<1x256xi32>,
    %slice3A_185 = vector.extract_strided_slice %get3A_5 {offsets = [4, 0], sizes = [1, 1792], strides = [1, 1]} : vector<28x1792xf32> to vector<1x1792xf32>
    %mul3A_186 = vector.broadcast %slice3A_185 : vector<1x1792xf32> to vector<256x1792xf32>
    %mul3A_187 = arith.mulf %select_n3A_175, %mul3A_186 : vector<256x1792xf32>
    %reduce_sum3A_188 = arith.constant dense<0.000000e+00> : vector<256xf32>
    %reduce_sum3A_189 = vector.multi_reduction <add>, %mul3A_187, %reduce_sum3A_188 [1] : vector<256x1792xf32> to vector<256xf32>
    %swap3A_190 = arith.constant 4 : index
    %swap3A_191 = arith.constant 0 : index
    %swap3A_192 = vector.load %arg3[%swap3A_190, %swap3A_191] : memref<28x256xf32, #tpu.memory_space<vmem>>, vector<1x256xf32>
    %swap3A_193 = vector.shape_cast %swap3A_192 : vector<1x256xf32> to vector<256xf32>
    %swap3A_194 = vector.shape_cast %reduce_sum3A_189 : vector<256xf32> to vector<1x256xf32>
    tpu.vector_store %arg3[%swap3A_190, %swap3A_191], %swap3A_194 {strides = array<i32>} : memref<28x256xf32, #tpu.memory_space<vmem>>, vector<1x256xf32>,
    %slice3A_195 = vector.extract_strided_slice %dot_general3A_43 {offsets = [5, 0], sizes = [1, 1792], strides = [1, 1]} : vector<28x1792xf32> to vector<1x1792xf32>
    %eq3A_196 = vector.broadcast %slice3A_195 : vector<1x1792xf32> to vector<256x1792xf32>
    %eq3A_197 = arith.cmpf oeq, %convert_element_type3A_45, %eq3A_196 : vector<256x1792xf32>
    %slice3A_198 = vector.extract_strided_slice %or3A {offsets = [5, 0], sizes = [1, 1792], strides = [1, 1]} : vector<28x1792xi1> to vector<1x1792xi1>
    %and3A_199 = vector.broadcast %slice3A_198 : vector<1x1792xi1> to vector<256x1792xi1>
    %and3A_200 = arith.andi %eq3A_197, %and3A_199 : vector<256x1792xi1>
    %jit3A_201 = arith.constant 1.000000e+00 : f32
    %jit3A_202 = arith.constant 0.000000e+00 : f32
    %broadcast_in_dim3A_203 = vector.broadcast %jit3A_201 : f32 to vector<256x1792xf32>
    %broadcast_in_dim3A_204 = vector.broadcast %jit3A_202 : f32 to vector<256x1792xf32>
    %select_n3A_205 = arith.select %and3A_200, %broadcast_in_dim3A_203, %broadcast_in_dim3A_204 : vector<256x1792xi1>, vector<256x1792xf32>
    %mul3A_206 = arith.mulf %select_n3A_205, %convert_element_type3A_47 : vector<256x1792xf32>
    %reduce_sum3A_207 = arith.constant dense<0.000000e+00> : vector<256xf32>
    %reduce_sum3A_208 = vector.multi_reduction <add>, %mul3A_206, %reduce_sum3A_207 [1] : vector<256x1792xf32> to vector<256xf32>
    %convert_element_type3A_209 = arith.fptosi %reduce_sum3A_208 : vector<256xf32> to vector<256xi32>
    %swap3A_210 = arith.constant 5 : index
    %swap3A_211 = arith.constant 0 : index
    %swap3A_212 = vector.load %arg2[%swap3A_210, %swap3A_211] : memref<28x256xi32, #tpu.memory_space<vmem>>, vector<1x256xi32>
    %swap3A_213 = vector.shape_cast %swap3A_212 : vector<1x256xi32> to vector<256xi32>
    %swap3A_214 = vector.shape_cast %convert_element_type3A_209 : vector<256xi32> to vector<1x256xi32>
    tpu.vector_store %arg2[%swap3A_210, %swap3A_211], %swap3A_214 {strides = array<i32>} : memref<28x256xi32, #tpu.memory_space<vmem>>, vector<1x256xi32>,
    %slice3A_215 = vector.extract_strided_slice %get3A_5 {offsets = [5, 0], sizes = [1, 1792], strides = [1, 1]} : vector<28x1792xf32> to vector<1x1792xf32>
    %mul3A_216 = vector.broadcast %slice3A_215 : vector<1x1792xf32> to vector<256x1792xf32>
    %mul3A_217 = arith.mulf %select_n3A_205, %mul3A_216 : vector<256x1792xf32>
    %reduce_sum3A_218 = arith.constant dense<0.000000e+00> : vector<256xf32>
    %reduce_sum3A_219 = vector.multi_reduction <add>, %mul3A_217, %reduce_sum3A_218 [1] : vector<256x1792xf32> to vector<256xf32>
    %swap3A_220 = arith.constant 5 : index
    %swap3A_221 = arith.constant 0 : index
    %swap3A_222 = vector.load %arg3[%swap3A_220, %swap3A_221] : memref<28x256xf32, #tpu.memory_space<vmem>>, vector<1x256xf32>
    %swap3A_223 = vector.shape_cast %swap3A_222 : vector<1x256xf32> to vector<256xf32>
    %swap3A_224 = vector.shape_cast %reduce_sum3A_219 : vector<256xf32> to vector<1x256xf32>
    tpu.vector_store %arg3[%swap3A_220, %swap3A_221], %swap3A_224 {strides = array<i32>} : memref<28x256xf32, #tpu.memory_space<vmem>>, vector<1x256xf32>,
    %slice3A_225 = vector.extract_strided_slice %dot_general3A_43 {offsets = [6, 0], sizes = [1, 1792], strides = [1, 1]} : vector<28x1792xf32> to vector<1x1792xf32>
    %eq3A_226 = vector.broadcast %slice3A_225 : vector<1x1792xf32> to vector<256x1792xf32>
    %eq3A_227 = arith.cmpf oeq, %convert_element_type3A_45, %eq3A_226 : vector<256x1792xf32>
    %slice3A_228 = vector.extract_strided_slice %or3A {offsets = [6, 0], sizes = [1, 1792], strides = [1, 1]} : vector<28x1792xi1> to vector<1x1792xi1>
    %and3A_229 = vector.broadcast %slice3A_228 : vector<1x1792xi1> to vector<256x1792xi1>
    %and3A_230 = arith.andi %eq3A_227, %and3A_229 : vector<256x1792xi1>
    %jit3A_231 = arith.constant 1.000000e+00 : f32
    %jit3A_232 = arith.constant 0.000000e+00 : f32
    %broadcast_in_dim3A_233 = vector.broadcast %jit3A_231 : f32 to vector<256x1792xf32>
    %broadcast_in_dim3A_234 = vector.broadcast %jit3A_232 : f32 to vector<256x1792xf32>
    %select_n3A_235 = arith.select %and3A_230, %broadcast_in_dim3A_233, %broadcast_in_dim3A_234 : vector<256x1792xi1>, vector<256x1792xf32>
    %mul3A_236 = arith.mulf %select_n3A_235, %convert_element_type3A_47 : vector<256x1792xf32>
    %reduce_sum3A_237 = arith.constant dense<0.000000e+00> : vector<256xf32>
    %reduce_sum3A_238 = vector.multi_reduction <add>, %mul3A_236, %reduce_sum3A_237 [1] : vector<256x1792xf32> to vector<256xf32>
    %convert_element_type3A_239 = arith.fptosi %reduce_sum3A_238 : vector<256xf32> to vector<256xi32>
    %swap3A_240 = arith.constant 6 : index
    %swap3A_241 = arith.constant 0 : index
    %swap3A_242 = vector.load %arg2[%swap3A_240, %swap3A_241] : memref<28x256xi32, #tpu.memory_space<vmem>>, vector<1x256xi32>
    %swap3A_243 = vector.shape_cast %swap3A_242 : vector<1x256xi32> to vector<256xi32>
    %swap3A_244 = vector.shape_cast %convert_element_type3A_239 : vector<256xi32> to vector<1x256xi32>
    tpu.vector_store %arg2[%swap3A_240, %swap3A_241], %swap3A_244 {strides = array<i32>} : memref<28x256xi32, #tpu.memory_space<vmem>>, vector<1x256xi32>,
    %slice3A_245 = vector.extract_strided_slice %get3A_5 {offsets = [6, 0], sizes = [1, 1792], strides = [1, 1]} : vector<28x1792xf32> to vector<1x1792xf32>
    %mul3A_246 = vector.broadcast %slice3A_245 : vector<1x1792xf32> to vector<256x1792xf32>
    %mul3A_247 = arith.mulf %select_n3A_235, %mul3A_246 : vector<256x1792xf32>
    %reduce_sum3A_248 = arith.constant dense<0.000000e+00> : vector<256xf32>
    %reduce_sum3A_249 = vector.multi_reduction <add>, %mul3A_247, %reduce_sum3A_248 [1] : vector<256x1792xf32> to vector<256xf32>
    %swap3A_250 = arith.constant 6 : index
    %swap3A_251 = arith.constant 0 : index
    %swap3A_252 = vector.load %arg3[%swap3A_250, %swap3A_251] : memref<28x256xf32, #tpu.memory_space<vmem>>, vector<1x256xf32>
    %swap3A_253 = vector.shape_cast %swap3A_252 : vector<1x256xf32> to vector<256xf32>
    %swap3A_254 = vector.shape_cast %reduce_sum3A_249 : vector<256xf32> to vector<1x256xf32>
    tpu.vector_store %arg3[%swap3A_250, %swap3A_251], %swap3A_254 {strides = array<i32>} : memref<28x256xf32, #tpu.memory_space<vmem>>, vector<1x256xf32>,
    %slice3A_255 = vector.extract_strided_slice %dot_general3A_43 {offsets = [7, 0], sizes = [1, 1792], strides = [1, 1]} : vector<28x1792xf32> to vector<1x1792xf32>
    %eq3A_256 = vector.broadcast %slice3A_255 : vector<1x1792xf32> to vector<256x1792xf32>
    %eq3A_257 = arith.cmpf oeq, %convert_element_type3A_45, %eq3A_256 : vector<256x1792xf32>
    %slice3A_258 = vector.extract_strided_slice %or3A {offsets = [7, 0], sizes = [1, 1792], strides = [1, 1]} : vector<28x1792xi1> to vector<1x1792xi1>
    %and3A_259 = vector.broadcast %slice3A_258 : vector<1x1792xi1> to vector<256x1792xi1>
    %and3A_260 = arith.andi %eq3A_257, %and3A_259 : vector<256x1792xi1>
    %jit3A_261 = arith.constant 1.000000e+00 : f32
    %jit3A_262 = arith.constant 0.000000e+00 : f32
    %broadcast_in_dim3A_263 = vector.broadcast %jit3A_261 : f32 to vector<256x1792xf32>
    %broadcast_in_dim3A_264 = vector.broadcast %jit3A_262 : f32 to vector<256x1792xf32>
    %select_n3A_265 = arith.select %and3A_260, %broadcast_in_dim3A_263, %broadcast_in_dim3A_264 : vector<256x1792xi1>, vector<256x1792xf32>
    %mul3A_266 = arith.mulf %select_n3A_265, %convert_element_type3A_47 : vector<256x1792xf32>
    %reduce_sum3A_267 = arith.constant dense<0.000000e+00> : vector<256xf32>
    %reduce_sum3A_268 = vector.multi_reduction <add>, %mul3A_266, %reduce_sum3A_267 [1] : vector<256x1792xf32> to vector<256xf32>
    %convert_element_type3A_269 = arith.fptosi %reduce_sum3A_268 : vector<256xf32> to vector<256xi32>
    %swap3A_270 = arith.constant 7 : index
    %swap3A_271 = arith.constant 0 : index
    %swap3A_272 = vector.load %arg2[%swap3A_270, %swap3A_271] : memref<28x256xi32, #tpu.memory_space<vmem>>, vector<1x256xi32>
    %swap3A_273 = vector.shape_cast %swap3A_272 : vector<1x256xi32> to vector<256xi32>
    %swap3A_274 = vector.shape_cast %convert_element_type3A_269 : vector<256xi32> to vector<1x256xi32>
    tpu.vector_store %arg2[%swap3A_270, %swap3A_271], %swap3A_274 {strides = array<i32>} : memref<28x256xi32, #tpu.memory_space<vmem>>, vector<1x256xi32>,
    %slice3A_275 = vector.extract_strided_slice %get3A_5 {offsets = [7, 0], sizes = [1, 1792], strides = [1, 1]} : vector<28x1792xf32> to vector<1x1792xf32>
    %mul3A_276 = vector.broadcast %slice3A_275 : vector<1x1792xf32> to vector<256x1792xf32>
    %mul3A_277 = arith.mulf %select_n3A_265, %mul3A_276 : vector<256x1792xf32>
    %reduce_sum3A_278 = arith.constant dense<0.000000e+00> : vector<256xf32>
    %reduce_sum3A_279 = vector.multi_reduction <add>, %mul3A_277, %reduce_sum3A_278 [1] : vector<256x1792xf32> to vector<256xf32>
    %swap3A_280 = arith.constant 7 : index
    %swap3A_281 = arith.constant 0 : index
    %swap3A_282 = vector.load %arg3[%swap3A_280, %swap3A_281] : memref<28x256xf32, #tpu.memory_space<vmem>>, vector<1x256xf32>
    %swap3A_283 = vector.shape_cast %swap3A_282 : vector<1x256xf32> to vector<256xf32>
    %swap3A_284 = vector.shape_cast %reduce_sum3A_279 : vector<256xf32> to vector<1x256xf32>
    tpu.vector_store %arg3[%swap3A_280, %swap3A_281], %swap3A_284 {strides = array<i32>} : memref<28x256xf32, #tpu.memory_space<vmem>>, vector<1x256xf32>,
    %slice3A_285 = vector.extract_strided_slice %dot_general3A_43 {offsets = [8, 0], sizes = [1, 1792], strides = [1, 1]} : vector<28x1792xf32> to vector<1x1792xf32>
    %eq3A_286 = vector.broadcast %slice3A_285 : vector<1x1792xf32> to vector<256x1792xf32>
    %eq3A_287 = arith.cmpf oeq, %convert_element_type3A_45, %eq3A_286 : vector<256x1792xf32>
    %slice3A_288 = vector.extract_strided_slice %or3A {offsets = [8, 0], sizes = [1, 1792], strides = [1, 1]} : vector<28x1792xi1> to vector<1x1792xi1>
    %and3A_289 = vector.broadcast %slice3A_288 : vector<1x1792xi1> to vector<256x1792xi1>
    %and3A_290 = arith.andi %eq3A_287, %and3A_289 : vector<256x1792xi1>
    %jit3A_291 = arith.constant 1.000000e+00 : f32
    %jit3A_292 = arith.constant 0.000000e+00 : f32
    %broadcast_in_dim3A_293 = vector.broadcast %jit3A_291 : f32 to vector<256x1792xf32>
    %broadcast_in_dim3A_294 = vector.broadcast %jit3A_292 : f32 to vector<256x1792xf32>
    %select_n3A_295 = arith.select %and3A_290, %broadcast_in_dim3A_293, %broadcast_in_dim3A_294 : vector<256x1792xi1>, vector<256x1792xf32>
    %mul3A_296 = arith.mulf %select_n3A_295, %convert_element_type3A_47 : vector<256x1792xf32>
    %reduce_sum3A_297 = arith.constant dense<0.000000e+00> : vector<256xf32>
    %reduce_sum3A_298 = vector.multi_reduction <add>, %mul3A_296, %reduce_sum3A_297 [1] : vector<256x1792xf32> to vector<256xf32>
    %convert_element_type3A_299 = arith.fptosi %reduce_sum3A_298 : vector<256xf32> to vector<256xi32>
    %swap3A_300 = arith.constant 8 : index
    %swap3A_301 = arith.constant 0 : index
    %swap3A_302 = vector.load %arg2[%swap3A_300, %swap3A_301] : memref<28x256xi32, #tpu.memory_space<vmem>>, vector<1x256xi32>
    %swap3A_303 = vector.shape_cast %swap3A_302 : vector<1x256xi32> to vector<256xi32>
    %swap3A_304 = vector.shape_cast %convert_element_type3A_299 : vector<256xi32> to vector<1x256xi32>
    tpu.vector_store %arg2[%swap3A_300, %swap3A_301], %swap3A_304 {strides = array<i32>} : memref<28x256xi32, #tpu.memory_space<vmem>>, vector<1x256xi32>,
    %slice3A_305 = vector.extract_strided_slice %get3A_5 {offsets = [8, 0], sizes = [1, 1792], strides = [1, 1]} : vector<28x1792xf32> to vector<1x1792xf32>
    %mul3A_306 = vector.broadcast %slice3A_305 : vector<1x1792xf32> to vector<256x1792xf32>
    %mul3A_307 = arith.mulf %select_n3A_295, %mul3A_306 : vector<256x1792xf32>
    %reduce_sum3A_308 = arith.constant dense<0.000000e+00> : vector<256xf32>
    %reduce_sum3A_309 = vector.multi_reduction <add>, %mul3A_307, %reduce_sum3A_308 [1] : vector<256x1792xf32> to vector<256xf32>
    %swap3A_310 = arith.constant 8 : index
    %swap3A_311 = arith.constant 0 : index
    %swap3A_312 = vector.load %arg3[%swap3A_310, %swap3A_311] : memref<28x256xf32, #tpu.memory_space<vmem>>, vector<1x256xf32>
    %swap3A_313 = vector.shape_cast %swap3A_312 : vector<1x256xf32> to vector<256xf32>
    %swap3A_314 = vector.shape_cast %reduce_sum3A_309 : vector<256xf32> to vector<1x256xf32>
    tpu.vector_store %arg3[%swap3A_310, %swap3A_311], %swap3A_314 {strides = array<i32>} : memref<28x256xf32, #tpu.memory_space<vmem>>, vector<1x256xf32>,
    %slice3A_315 = vector.extract_strided_slice %dot_general3A_43 {offsets = [9, 0], sizes = [1, 1792], strides = [1, 1]} : vector<28x1792xf32> to vector<1x1792xf32>
    %eq3A_316 = vector.broadcast %slice3A_315 : vector<1x1792xf32> to vector<256x1792xf32>
    %eq3A_317 = arith.cmpf oeq, %convert_element_type3A_45, %eq3A_316 : vector<256x1792xf32>
    %slice3A_318 = vector.extract_strided_slice %or3A {offsets = [9, 0], sizes = [1, 1792], strides = [1, 1]} : vector<28x1792xi1> to vector<1x1792xi1>
    %and3A_319 = vector.broadcast %slice3A_318 : vector<1x1792xi1> to vector<256x1792xi1>
    %and3A_320 = arith.andi %eq3A_317, %and3A_319 : vector<256x1792xi1>
    %jit3A_321 = arith.constant 1.000000e+00 : f32
    %jit3A_322 = arith.constant 0.000000e+00 : f32
    %broadcast_in_dim3A_323 = vector.broadcast %jit3A_321 : f32 to vector<256x1792xf32>
    %broadcast_in_dim3A_324 = vector.broadcast %jit3A_322 : f32 to vector<256x1792xf32>
    %select_n3A_325 = arith.select %and3A_320, %broadcast_in_dim3A_323, %broadcast_in_dim3A_324 : vector<256x1792xi1>, vector<256x1792xf32>
    %mul3A_326 = arith.mulf %select_n3A_325, %convert_element_type3A_47 : vector<256x1792xf32>
    %reduce_sum3A_327 = arith.constant dense<0.000000e+00> : vector<256xf32>
    %reduce_sum3A_328 = vector.multi_reduction <add>, %mul3A_326, %reduce_sum3A_327 [1] : vector<256x1792xf32> to vector<256xf32>
    %convert_element_type3A_329 = arith.fptosi %reduce_sum3A_328 : vector<256xf32> to vector<256xi32>
    %swap3A_330 = arith.constant 9 : index
    %swap3A_331 = arith.constant 0 : index
    %swap3A_332 = vector.load %arg2[%swap3A_330, %swap3A_331] : memref<28x256xi32, #tpu.memory_space<vmem>>, vector<1x256xi32>
    %swap3A_333 = vector.shape_cast %swap3A_332 : vector<1x256xi32> to vector<256xi32>
    %swap3A_334 = vector.shape_cast %convert_element_type3A_329 : vector<256xi32> to vector<1x256xi32>
    tpu.vector_store %arg2[%swap3A_330, %swap3A_331], %swap3A_334 {strides = array<i32>} : memref<28x256xi32, #tpu.memory_space<vmem>>, vector<1x256xi32>,
    %slice3A_335 = vector.extract_strided_slice %get3A_5 {offsets = [9, 0], sizes = [1, 1792], strides = [1, 1]} : vector<28x1792xf32> to vector<1x1792xf32>
    %mul3A_336 = vector.broadcast %slice3A_335 : vector<1x1792xf32> to vector<256x1792xf32>
    %mul3A_337 = arith.mulf %select_n3A_325, %mul3A_336 : vector<256x1792xf32>
    %reduce_sum3A_338 = arith.constant dense<0.000000e+00> : vector<256xf32>
    %reduce_sum3A_339 = vector.multi_reduction <add>, %mul3A_337, %reduce_sum3A_338 [1] : vector<256x1792xf32> to vector<256xf32>
    %swap3A_340 = arith.constant 9 : index
    %swap3A_341 = arith.constant 0 : index
    %swap3A_342 = vector.load %arg3[%swap3A_340, %swap3A_341] : memref<28x256xf32, #tpu.memory_space<vmem>>, vector<1x256xf32>
    %swap3A_343 = vector.shape_cast %swap3A_342 : vector<1x256xf32> to vector<256xf32>
    %swap3A_344 = vector.shape_cast %reduce_sum3A_339 : vector<256xf32> to vector<1x256xf32>
    tpu.vector_store %arg3[%swap3A_340, %swap3A_341], %swap3A_344 {strides = array<i32>} : memref<28x256xf32, #tpu.memory_space<vmem>>, vector<1x256xf32>,
    %slice3A_345 = vector.extract_strided_slice %dot_general3A_43 {offsets = [10, 0], sizes = [1, 1792], strides = [1, 1]} : vector<28x1792xf32> to vector<1x1792xf32>
    %eq3A_346 = vector.broadcast %slice3A_345 : vector<1x1792xf32> to vector<256x1792xf32>
    %eq3A_347 = arith.cmpf oeq, %convert_element_type3A_45, %eq3A_346 : vector<256x1792xf32>
    %slice3A_348 = vector.extract_strided_slice %or3A {offsets = [10, 0], sizes = [1, 1792], strides = [1, 1]} : vector<28x1792xi1> to vector<1x1792xi1>
    %and3A_349 = vector.broadcast %slice3A_348 : vector<1x1792xi1> to vector<256x1792xi1>
    %and3A_350 = arith.andi %eq3A_347, %and3A_349 : vector<256x1792xi1>
    %jit3A_351 = arith.constant 1.000000e+00 : f32
    %jit3A_352 = arith.constant 0.000000e+00 : f32
    %broadcast_in_dim3A_353 = vector.broadcast %jit3A_351 : f32 to vector<256x1792xf32>
    %broadcast_in_dim3A_354 = vector.broadcast %jit3A_352 : f32 to vector<256x1792xf32>
    %select_n3A_355 = arith.select %and3A_350, %broadcast_in_dim3A_353, %broadcast_in_dim3A_354 : vector<256x1792xi1>, vector<256x1792xf32>
    %mul3A_356 = arith.mulf %select_n3A_355, %convert_element_type3A_47 : vector<256x1792xf32>
    %reduce_sum3A_357 = arith.constant dense<0.000000e+00> : vector<256xf32>
    %reduce_sum3A_358 = vector.multi_reduction <add>, %mul3A_356, %reduce_sum3A_357 [1] : vector<256x1792xf32> to vector<256xf32>
    %convert_element_type3A_359 = arith.fptosi %reduce_sum3A_358 : vector<256xf32> to vector<256xi32>
    %swap3A_360 = arith.constant 10 : index
    %swap3A_361 = arith.constant 0 : index
    %swap3A_362 = vector.load %arg2[%swap3A_360, %swap3A_361] : memref<28x256xi32, #tpu.memory_space<vmem>>, vector<1x256xi32>
    %swap3A_363 = vector.shape_cast %swap3A_362 : vector<1x256xi32> to vector<256xi32>
    %swap3A_364 = vector.shape_cast %convert_element_type3A_359 : vector<256xi32> to vector<1x256xi32>
    tpu.vector_store %arg2[%swap3A_360, %swap3A_361], %swap3A_364 {strides = array<i32>} : memref<28x256xi32, #tpu.memory_space<vmem>>, vector<1x256xi32>,
    %slice3A_365 = vector.extract_strided_slice %get3A_5 {offsets = [10, 0], sizes = [1, 1792], strides = [1, 1]} : vector<28x1792xf32> to vector<1x1792xf32>
    %mul3A_366 = vector.broadcast %slice3A_365 : vector<1x1792xf32> to vector<256x1792xf32>
    %mul3A_367 = arith.mulf %select_n3A_355, %mul3A_366 : vector<256x1792xf32>
    %reduce_sum3A_368 = arith.constant dense<0.000000e+00> : vector<256xf32>
    %reduce_sum3A_369 = vector.multi_reduction <add>, %mul3A_367, %reduce_sum3A_368 [1] : vector<256x1792xf32> to vector<256xf32>
    %swap3A_370 = arith.constant 10 : index
    %swap3A_371 = arith.constant 0 : index
    %swap3A_372 = vector.load %arg3[%swap3A_370, %swap3A_371] : memref<28x256xf32, #tpu.memory_space<vmem>>, vector<1x256xf32>
    %swap3A_373 = vector.shape_cast %swap3A_372 : vector<1x256xf32> to vector<256xf32>
    %swap3A_374 = vector.shape_cast %reduce_sum3A_369 : vector<256xf32> to vector<1x256xf32>
    tpu.vector_store %arg3[%swap3A_370, %swap3A_371], %swap3A_374 {strides = array<i32>} : memref<28x256xf32, #tpu.memory_space<vmem>>, vector<1x256xf32>,
    %slice3A_375 = vector.extract_strided_slice %dot_general3A_43 {offsets = [11, 0], sizes = [1, 1792], strides = [1, 1]} : vector<28x1792xf32> to vector<1x1792xf32>
    %eq3A_376 = vector.broadcast %slice3A_375 : vector<1x1792xf32> to vector<256x1792xf32>
    %eq3A_377 = arith.cmpf oeq, %convert_element_type3A_45, %eq3A_376 : vector<256x1792xf32>
    %slice3A_378 = vector.extract_strided_slice %or3A {offsets = [11, 0], sizes = [1, 1792], strides = [1, 1]} : vector<28x1792xi1> to vector<1x1792xi1>
    %and3A_379 = vector.broadcast %slice3A_378 : vector<1x1792xi1> to vector<256x1792xi1>
    %and3A_380 = arith.andi %eq3A_377, %and3A_379 : vector<256x1792xi1>
    %jit3A_381 = arith.constant 1.000000e+00 : f32
    %jit3A_382 = arith.constant 0.000000e+00 : f32
    %broadcast_in_dim3A_383 = vector.broadcast %jit3A_381 : f32 to vector<256x1792xf32>
    %broadcast_in_dim3A_384 = vector.broadcast %jit3A_382 : f32 to vector<256x1792xf32>
    %select_n3A_385 = arith.select %and3A_380, %broadcast_in_dim3A_383, %broadcast_in_dim3A_384 : vector<256x1792xi1>, vector<256x1792xf32>
    %mul3A_386 = arith.mulf %select_n3A_385, %convert_element_type3A_47 : vector<256x1792xf32>
    %reduce_sum3A_387 = arith.constant dense<0.000000e+00> : vector<256xf32>
    %reduce_sum3A_388 = vector.multi_reduction <add>, %mul3A_386, %reduce_sum3A_387 [1] : vector<256x1792xf32> to vector<256xf32>
    %convert_element_type3A_389 = arith.fptosi %reduce_sum3A_388 : vector<256xf32> to vector<256xi32>
    %swap3A_390 = arith.constant 11 : index
    %swap3A_391 = arith.constant 0 : index
    %swap3A_392 = vector.load %arg2[%swap3A_390, %swap3A_391] : memref<28x256xi32, #tpu.memory_space<vmem>>, vector<1x256xi32>
    %swap3A_393 = vector.shape_cast %swap3A_392 : vector<1x256xi32> to vector<256xi32>
    %swap3A_394 = vector.shape_cast %convert_element_type3A_389 : vector<256xi32> to vector<1x256xi32>
    tpu.vector_store %arg2[%swap3A_390, %swap3A_391], %swap3A_394 {strides = array<i32>} : memref<28x256xi32, #tpu.memory_space<vmem>>, vector<1x256xi32>,
    %slice3A_395 = vector.extract_strided_slice %get3A_5 {offsets = [11, 0], sizes = [1, 1792], strides = [1, 1]} : vector<28x1792xf32> to vector<1x1792xf32>
    %mul3A_396 = vector.broadcast %slice3A_395 : vector<1x1792xf32> to vector<256x1792xf32>
    %mul3A_397 = arith.mulf %select_n3A_385, %mul3A_396 : vector<256x1792xf32>
    %reduce_sum3A_398 = arith.constant dense<0.000000e+00> : vector<256xf32>
    %reduce_sum3A_399 = vector.multi_reduction <add>, %mul3A_397, %reduce_sum3A_398 [1] : vector<256x1792xf32> to vector<256xf32>
    %swap3A_400 = arith.constant 11 : index
    %swap3A_401 = arith.constant 0 : index
    %swap3A_402 = vector.load %arg3[%swap3A_400, %swap3A_401] : memref<28x256xf32, #tpu.memory_space<vmem>>, vector<1x256xf32>
    %swap3A_403 = vector.shape_cast %swap3A_402 : vector<1x256xf32> to vector<256xf32>
    %swap3A_404 = vector.shape_cast %reduce_sum3A_399 : vector<256xf32> to vector<1x256xf32>
    tpu.vector_store %arg3[%swap3A_400, %swap3A_401], %swap3A_404 {strides = array<i32>} : memref<28x256xf32, #tpu.memory_space<vmem>>, vector<1x256xf32>,
    %slice3A_405 = vector.extract_strided_slice %dot_general3A_43 {offsets = [12, 0], sizes = [1, 1792], strides = [1, 1]} : vector<28x1792xf32> to vector<1x1792xf32>
    %eq3A_406 = vector.broadcast %slice3A_405 : vector<1x1792xf32> to vector<256x1792xf32>
    %eq3A_407 = arith.cmpf oeq, %convert_element_type3A_45, %eq3A_406 : vector<256x1792xf32>
    %slice3A_408 = vector.extract_strided_slice %or3A {offsets = [12, 0], sizes = [1, 1792], strides = [1, 1]} : vector<28x1792xi1> to vector<1x1792xi1>
    %and3A_409 = vector.broadcast %slice3A_408 : vector<1x1792xi1> to vector<256x1792xi1>
    %and3A_410 = arith.andi %eq3A_407, %and3A_409 : vector<256x1792xi1>
    %jit3A_411 = arith.constant 1.000000e+00 : f32
    %jit3A_412 = arith.constant 0.000000e+00 : f32
    %broadcast_in_dim3A_413 = vector.broadcast %jit3A_411 : f32 to vector<256x1792xf32>
    %broadcast_in_dim3A_414 = vector.broadcast %jit3A_412 : f32 to vector<256x1792xf32>
    %select_n3A_415 = arith.select %and3A_410, %broadcast_in_dim3A_413, %broadcast_in_dim3A_414 : vector<256x1792xi1>, vector<256x1792xf32>
    %mul3A_416 = arith.mulf %select_n3A_415, %convert_element_type3A_47 : vector<256x1792xf32>
    %reduce_sum3A_417 = arith.constant dense<0.000000e+00> : vector<256xf32>
    %reduce_sum3A_418 = vector.multi_reduction <add>, %mul3A_416, %reduce_sum3A_417 [1] : vector<256x1792xf32> to vector<256xf32>
    %convert_element_type3A_419 = arith.fptosi %reduce_sum3A_418 : vector<256xf32> to vector<256xi32>
    %swap3A_420 = arith.constant 12 : index
    %swap3A_421 = arith.constant 0 : index
    %swap3A_422 = vector.load %arg2[%swap3A_420, %swap3A_421] : memref<28x256xi32, #tpu.memory_space<vmem>>, vector<1x256xi32>
    %swap3A_423 = vector.shape_cast %swap3A_422 : vector<1x256xi32> to vector<256xi32>
    %swap3A_424 = vector.shape_cast %convert_element_type3A_419 : vector<256xi32> to vector<1x256xi32>
    tpu.vector_store %arg2[%swap3A_420, %swap3A_421], %swap3A_424 {strides = array<i32>} : memref<28x256xi32, #tpu.memory_space<vmem>>, vector<1x256xi32>,
    %slice3A_425 = vector.extract_strided_slice %get3A_5 {offsets = [12, 0], sizes = [1, 1792], strides = [1, 1]} : vector<28x1792xf32> to vector<1x1792xf32>
    %mul3A_426 = vector.broadcast %slice3A_425 : vector<1x1792xf32> to vector<256x1792xf32>
    %mul3A_427 = arith.mulf %select_n3A_415, %mul3A_426 : vector<256x1792xf32>
    %reduce_sum3A_428 = arith.constant dense<0.000000e+00> : vector<256xf32>
    %reduce_sum3A_429 = vector.multi_reduction <add>, %mul3A_427, %reduce_sum3A_428 [1] : vector<256x1792xf32> to vector<256xf32>
    %swap3A_430 = arith.constant 12 : index
    %swap3A_431 = arith.constant 0 : index
    %swap3A_432 = vector.load %arg3[%swap3A_430, %swap3A_431] : memref<28x256xf32, #tpu.memory_space<vmem>>, vector<1x256xf32>
    %swap3A_433 = vector.shape_cast %swap3A_432 : vector<1x256xf32> to vector<256xf32>
    %swap3A_434 = vector.shape_cast %reduce_sum3A_429 : vector<256xf32> to vector<1x256xf32>
    tpu.vector_store %arg3[%swap3A_430, %swap3A_431], %swap3A_434 {strides = array<i32>} : memref<28x256xf32, #tpu.memory_space<vmem>>, vector<1x256xf32>,
    %slice3A_435 = vector.extract_strided_slice %dot_general3A_43 {offsets = [13, 0], sizes = [1, 1792], strides = [1, 1]} : vector<28x1792xf32> to vector<1x1792xf32>
    %eq3A_436 = vector.broadcast %slice3A_435 : vector<1x1792xf32> to vector<256x1792xf32>
    %eq3A_437 = arith.cmpf oeq, %convert_element_type3A_45, %eq3A_436 : vector<256x1792xf32>
    %slice3A_438 = vector.extract_strided_slice %or3A {offsets = [13, 0], sizes = [1, 1792], strides = [1, 1]} : vector<28x1792xi1> to vector<1x1792xi1>
    %and3A_439 = vector.broadcast %slice3A_438 : vector<1x1792xi1> to vector<256x1792xi1>
    %and3A_440 = arith.andi %eq3A_437, %and3A_439 : vector<256x1792xi1>
    %jit3A_441 = arith.constant 1.000000e+00 : f32
    %jit3A_442 = arith.constant 0.000000e+00 : f32
    %broadcast_in_dim3A_443 = vector.broadcast %jit3A_441 : f32 to vector<256x1792xf32>
    %broadcast_in_dim3A_444 = vector.broadcast %jit3A_442 : f32 to vector<256x1792xf32>
    %select_n3A_445 = arith.select %and3A_440, %broadcast_in_dim3A_443, %broadcast_in_dim3A_444 : vector<256x1792xi1>, vector<256x1792xf32>
    %mul3A_446 = arith.mulf %select_n3A_445, %convert_element_type3A_47 : vector<256x1792xf32>
    %reduce_sum3A_447 = arith.constant dense<0.000000e+00> : vector<256xf32>
    %reduce_sum3A_448 = vector.multi_reduction <add>, %mul3A_446, %reduce_sum3A_447 [1] : vector<256x1792xf32> to vector<256xf32>
    %convert_element_type3A_449 = arith.fptosi %reduce_sum3A_448 : vector<256xf32> to vector<256xi32>
    %swap3A_450 = arith.constant 13 : index
    %swap3A_451 = arith.constant 0 : index
    %swap3A_452 = vector.load %arg2[%swap3A_450, %swap3A_451] : memref<28x256xi32, #tpu.memory_space<vmem>>, vector<1x256xi32>
    %swap3A_453 = vector.shape_cast %swap3A_452 : vector<1x256xi32> to vector<256xi32>
    %swap3A_454 = vector.shape_cast %convert_element_type3A_449 : vector<256xi32> to vector<1x256xi32>
    tpu.vector_store %arg2[%swap3A_450, %swap3A_451], %swap3A_454 {strides = array<i32>} : memref<28x256xi32, #tpu.memory_space<vmem>>, vector<1x256xi32>,
    %slice3A_455 = vector.extract_strided_slice %get3A_5 {offsets = [13, 0], sizes = [1, 1792], strides = [1, 1]} : vector<28x1792xf32> to vector<1x1792xf32>
    %mul3A_456 = vector.broadcast %slice3A_455 : vector<1x1792xf32> to vector<256x1792xf32>
    %mul3A_457 = arith.mulf %select_n3A_445, %mul3A_456 : vector<256x1792xf32>
    %reduce_sum3A_458 = arith.constant dense<0.000000e+00> : vector<256xf32>
    %reduce_sum3A_459 = vector.multi_reduction <add>, %mul3A_457, %reduce_sum3A_458 [1] : vector<256x1792xf32> to vector<256xf32>
    %swap3A_460 = arith.constant 13 : index
    %swap3A_461 = arith.constant 0 : index
    %swap3A_462 = vector.load %arg3[%swap3A_460, %swap3A_461] : memref<28x256xf32, #tpu.memory_space<vmem>>, vector<1x256xf32>
    %swap3A_463 = vector.shape_cast %swap3A_462 : vector<1x256xf32> to vector<256xf32>
    %swap3A_464 = vector.shape_cast %reduce_sum3A_459 : vector<256xf32> to vector<1x256xf32>
    tpu.vector_store %arg3[%swap3A_460, %swap3A_461], %swap3A_464 {strides = array<i32>} : memref<28x256xf32, #tpu.memory_space<vmem>>, vector<1x256xf32>,
    %slice3A_465 = vector.extract_strided_slice %dot_general3A_43 {offsets = [14, 0], sizes = [1, 1792], strides = [1, 1]} : vector<28x1792xf32> to vector<1x1792xf32>
    %eq3A_466 = vector.broadcast %slice3A_465 : vector<1x1792xf32> to vector<256x1792xf32>
    %eq3A_467 = arith.cmpf oeq, %convert_element_type3A_45, %eq3A_466 : vector<256x1792xf32>
    %slice3A_468 = vector.extract_strided_slice %or3A {offsets = [14, 0], sizes = [1, 1792], strides = [1, 1]} : vector<28x1792xi1> to vector<1x1792xi1>
    %and3A_469 = vector.broadcast %slice3A_468 : vector<1x1792xi1> to vector<256x1792xi1>
    %and3A_470 = arith.andi %eq3A_467, %and3A_469 : vector<256x1792xi1>
    %jit3A_471 = arith.constant 1.000000e+00 : f32
    %jit3A_472 = arith.constant 0.000000e+00 : f32
    %broadcast_in_dim3A_473 = vector.broadcast %jit3A_471 : f32 to vector<256x1792xf32>
    %broadcast_in_dim3A_474 = vector.broadcast %jit3A_472 : f32 to vector<256x1792xf32>
    %select_n3A_475 = arith.select %and3A_470, %broadcast_in_dim3A_473, %broadcast_in_dim3A_474 : vector<256x1792xi1>, vector<256x1792xf32>
    %mul3A_476 = arith.mulf %select_n3A_475, %convert_element_type3A_47 : vector<256x1792xf32>
    %reduce_sum3A_477 = arith.constant dense<0.000000e+00> : vector<256xf32>
    %reduce_sum3A_478 = vector.multi_reduction <add>, %mul3A_476, %reduce_sum3A_477 [1] : vector<256x1792xf32> to vector<256xf32>
    %convert_element_type3A_479 = arith.fptosi %reduce_sum3A_478 : vector<256xf32> to vector<256xi32>
    %swap3A_480 = arith.constant 14 : index
    %swap3A_481 = arith.constant 0 : index
    %swap3A_482 = vector.load %arg2[%swap3A_480, %swap3A_481] : memref<28x256xi32, #tpu.memory_space<vmem>>, vector<1x256xi32>
    %swap3A_483 = vector.shape_cast %swap3A_482 : vector<1x256xi32> to vector<256xi32>
    %swap3A_484 = vector.shape_cast %convert_element_type3A_479 : vector<256xi32> to vector<1x256xi32>
    tpu.vector_store %arg2[%swap3A_480, %swap3A_481], %swap3A_484 {strides = array<i32>} : memref<28x256xi32, #tpu.memory_space<vmem>>, vector<1x256xi32>,
    %slice3A_485 = vector.extract_strided_slice %get3A_5 {offsets = [14, 0], sizes = [1, 1792], strides = [1, 1]} : vector<28x1792xf32> to vector<1x1792xf32>
    %mul3A_486 = vector.broadcast %slice3A_485 : vector<1x1792xf32> to vector<256x1792xf32>
    %mul3A_487 = arith.mulf %select_n3A_475, %mul3A_486 : vector<256x1792xf32>
    %reduce_sum3A_488 = arith.constant dense<0.000000e+00> : vector<256xf32>
    %reduce_sum3A_489 = vector.multi_reduction <add>, %mul3A_487, %reduce_sum3A_488 [1] : vector<256x1792xf32> to vector<256xf32>
    %swap3A_490 = arith.constant 14 : index
    %swap3A_491 = arith.constant 0 : index
    %swap3A_492 = vector.load %arg3[%swap3A_490, %swap3A_491] : memref<28x256xf32, #tpu.memory_space<vmem>>, vector<1x256xf32>
    %swap3A_493 = vector.shape_cast %swap3A_492 : vector<1x256xf32> to vector<256xf32>
    %swap3A_494 = vector.shape_cast %reduce_sum3A_489 : vector<256xf32> to vector<1x256xf32>
    tpu.vector_store %arg3[%swap3A_490, %swap3A_491], %swap3A_494 {strides = array<i32>} : memref<28x256xf32, #tpu.memory_space<vmem>>, vector<1x256xf32>,
    %slice3A_495 = vector.extract_strided_slice %dot_general3A_43 {offsets = [15, 0], sizes = [1, 1792], strides = [1, 1]} : vector<28x1792xf32> to vector<1x1792xf32>
    %eq3A_496 = vector.broadcast %slice3A_495 : vector<1x1792xf32> to vector<256x1792xf32>
    %eq3A_497 = arith.cmpf oeq, %convert_element_type3A_45, %eq3A_496 : vector<256x1792xf32>
    %slice3A_498 = vector.extract_strided_slice %or3A {offsets = [15, 0], sizes = [1, 1792], strides = [1, 1]} : vector<28x1792xi1> to vector<1x1792xi1>
    %and3A_499 = vector.broadcast %slice3A_498 : vector<1x1792xi1> to vector<256x1792xi1>
    %and3A_500 = arith.andi %eq3A_497, %and3A_499 : vector<256x1792xi1>
    %jit3A_501 = arith.constant 1.000000e+00 : f32
    %jit3A_502 = arith.constant 0.000000e+00 : f32
    %broadcast_in_dim3A_503 = vector.broadcast %jit3A_501 : f32 to vector<256x1792xf32>
    %broadcast_in_dim3A_504 = vector.broadcast %jit3A_502 : f32 to vector<256x1792xf32>
    %select_n3A_505 = arith.select %and3A_500, %broadcast_in_dim3A_503, %broadcast_in_dim3A_504 : vector<256x1792xi1>, vector<256x1792xf32>
    %mul3A_506 = arith.mulf %select_n3A_505, %convert_element_type3A_47 : vector<256x1792xf32>
    %reduce_sum3A_507 = arith.constant dense<0.000000e+00> : vector<256xf32>
    %reduce_sum3A_508 = vector.multi_reduction <add>, %mul3A_506, %reduce_sum3A_507 [1] : vector<256x1792xf32> to vector<256xf32>
    %convert_element_type3A_509 = arith.fptosi %reduce_sum3A_508 : vector<256xf32> to vector<256xi32>
    %swap3A_510 = arith.constant 15 : index
    %swap3A_511 = arith.constant 0 : index
    %swap3A_512 = vector.load %arg2[%swap3A_510, %swap3A_511] : memref<28x256xi32, #tpu.memory_space<vmem>>, vector<1x256xi32>
    %swap3A_513 = vector.shape_cast %swap3A_512 : vector<1x256xi32> to vector<256xi32>
    %swap3A_514 = vector.shape_cast %convert_element_type3A_509 : vector<256xi32> to vector<1x256xi32>
    tpu.vector_store %arg2[%swap3A_510, %swap3A_511], %swap3A_514 {strides = array<i32>} : memref<28x256xi32, #tpu.memory_space<vmem>>, vector<1x256xi32>,
    %slice3A_515 = vector.extract_strided_slice %get3A_5 {offsets = [15, 0], sizes = [1, 1792], strides = [1, 1]} : vector<28x1792xf32> to vector<1x1792xf32>
    %mul3A_516 = vector.broadcast %slice3A_515 : vector<1x1792xf32> to vector<256x1792xf32>
    %mul3A_517 = arith.mulf %select_n3A_505, %mul3A_516 : vector<256x1792xf32>
    %reduce_sum3A_518 = arith.constant dense<0.000000e+00> : vector<256xf32>
    %reduce_sum3A_519 = vector.multi_reduction <add>, %mul3A_517, %reduce_sum3A_518 [1] : vector<256x1792xf32> to vector<256xf32>
    %swap3A_520 = arith.constant 15 : index
    %swap3A_521 = arith.constant 0 : index
    %swap3A_522 = vector.load %arg3[%swap3A_520, %swap3A_521] : memref<28x256xf32, #tpu.memory_space<vmem>>, vector<1x256xf32>
    %swap3A_523 = vector.shape_cast %swap3A_522 : vector<1x256xf32> to vector<256xf32>
    %swap3A_524 = vector.shape_cast %reduce_sum3A_519 : vector<256xf32> to vector<1x256xf32>
    tpu.vector_store %arg3[%swap3A_520, %swap3A_521], %swap3A_524 {strides = array<i32>} : memref<28x256xf32, #tpu.memory_space<vmem>>, vector<1x256xf32>,
    %slice3A_525 = vector.extract_strided_slice %dot_general3A_43 {offsets = [16, 0], sizes = [1, 1792], strides = [1, 1]} : vector<28x1792xf32> to vector<1x1792xf32>
    %eq3A_526 = vector.broadcast %slice3A_525 : vector<1x1792xf32> to vector<256x1792xf32>
    %eq3A_527 = arith.cmpf oeq, %convert_element_type3A_45, %eq3A_526 : vector<256x1792xf32>
    %slice3A_528 = vector.extract_strided_slice %or3A {offsets = [16, 0], sizes = [1, 1792], strides = [1, 1]} : vector<28x1792xi1> to vector<1x1792xi1>
    %and3A_529 = vector.broadcast %slice3A_528 : vector<1x1792xi1> to vector<256x1792xi1>
    %and3A_530 = arith.andi %eq3A_527, %and3A_529 : vector<256x1792xi1>
    %jit3A_531 = arith.constant 1.000000e+00 : f32
    %jit3A_532 = arith.constant 0.000000e+00 : f32
    %broadcast_in_dim3A_533 = vector.broadcast %jit3A_531 : f32 to vector<256x1792xf32>
    %broadcast_in_dim3A_534 = vector.broadcast %jit3A_532 : f32 to vector<256x1792xf32>
    %select_n3A_535 = arith.select %and3A_530, %broadcast_in_dim3A_533, %broadcast_in_dim3A_534 : vector<256x1792xi1>, vector<256x1792xf32>
    %mul3A_536 = arith.mulf %select_n3A_535, %convert_element_type3A_47 : vector<256x1792xf32>
    %reduce_sum3A_537 = arith.constant dense<0.000000e+00> : vector<256xf32>
    %reduce_sum3A_538 = vector.multi_reduction <add>, %mul3A_536, %reduce_sum3A_537 [1] : vector<256x1792xf32> to vector<256xf32>
    %convert_element_type3A_539 = arith.fptosi %reduce_sum3A_538 : vector<256xf32> to vector<256xi32>
    %swap3A_540 = arith.constant 16 : index
    %swap3A_541 = arith.constant 0 : index
    %swap3A_542 = vector.load %arg2[%swap3A_540, %swap3A_541] : memref<28x256xi32, #tpu.memory_space<vmem>>, vector<1x256xi32>
    %swap3A_543 = vector.shape_cast %swap3A_542 : vector<1x256xi32> to vector<256xi32>
    %swap3A_544 = vector.shape_cast %convert_element_type3A_539 : vector<256xi32> to vector<1x256xi32>
    tpu.vector_store %arg2[%swap3A_540, %swap3A_541], %swap3A_544 {strides = array<i32>} : memref<28x256xi32, #tpu.memory_space<vmem>>, vector<1x256xi32>,
    %slice3A_545 = vector.extract_strided_slice %get3A_5 {offsets = [16, 0], sizes = [1, 1792], strides = [1, 1]} : vector<28x1792xf32> to vector<1x1792xf32>
    %mul3A_546 = vector.broadcast %slice3A_545 : vector<1x1792xf32> to vector<256x1792xf32>
    %mul3A_547 = arith.mulf %select_n3A_535, %mul3A_546 : vector<256x1792xf32>
    %reduce_sum3A_548 = arith.constant dense<0.000000e+00> : vector<256xf32>
    %reduce_sum3A_549 = vector.multi_reduction <add>, %mul3A_547, %reduce_sum3A_548 [1] : vector<256x1792xf32> to vector<256xf32>
    %swap3A_550 = arith.constant 16 : index
    %swap3A_551 = arith.constant 0 : index
    %swap3A_552 = vector.load %arg3[%swap3A_550, %swap3A_551] : memref<28x256xf32, #tpu.memory_space<vmem>>, vector<1x256xf32>
    %swap3A_553 = vector.shape_cast %swap3A_552 : vector<1x256xf32> to vector<256xf32>
    %swap3A_554 = vector.shape_cast %reduce_sum3A_549 : vector<256xf32> to vector<1x256xf32>
    tpu.vector_store %arg3[%swap3A_550, %swap3A_551], %swap3A_554 {strides = array<i32>} : memref<28x256xf32, #tpu.memory_space<vmem>>, vector<1x256xf32>,
    %slice3A_555 = vector.extract_strided_slice %dot_general3A_43 {offsets = [17, 0], sizes = [1, 1792], strides = [1, 1]} : vector<28x1792xf32> to vector<1x1792xf32>
    %eq3A_556 = vector.broadcast %slice3A_555 : vector<1x1792xf32> to vector<256x1792xf32>
    %eq3A_557 = arith.cmpf oeq, %convert_element_type3A_45, %eq3A_556 : vector<256x1792xf32>
    %slice3A_558 = vector.extract_strided_slice %or3A {offsets = [17, 0], sizes = [1, 1792], strides = [1, 1]} : vector<28x1792xi1> to vector<1x1792xi1>
    %and3A_559 = vector.broadcast %slice3A_558 : vector<1x1792xi1> to vector<256x1792xi1>
    %and3A_560 = arith.andi %eq3A_557, %and3A_559 : vector<256x1792xi1>
    %jit3A_561 = arith.constant 1.000000e+00 : f32
    %jit3A_562 = arith.constant 0.000000e+00 : f32
    %broadcast_in_dim3A_563 = vector.broadcast %jit3A_561 : f32 to vector<256x1792xf32>
    %broadcast_in_dim3A_564 = vector.broadcast %jit3A_562 : f32 to vector<256x1792xf32>
    %select_n3A_565 = arith.select %and3A_560, %broadcast_in_dim3A_563, %broadcast_in_dim3A_564 : vector<256x1792xi1>, vector<256x1792xf32>
    %mul3A_566 = arith.mulf %select_n3A_565, %convert_element_type3A_47 : vector<256x1792xf32>
    %reduce_sum3A_567 = arith.constant dense<0.000000e+00> : vector<256xf32>
    %reduce_sum3A_568 = vector.multi_reduction <add>, %mul3A_566, %reduce_sum3A_567 [1] : vector<256x1792xf32> to vector<256xf32>
    %convert_element_type3A_569 = arith.fptosi %reduce_sum3A_568 : vector<256xf32> to vector<256xi32>
    %swap3A_570 = arith.constant 17 : index
    %swap3A_571 = arith.constant 0 : index
    %swap3A_572 = vector.load %arg2[%swap3A_570, %swap3A_571] : memref<28x256xi32, #tpu.memory_space<vmem>>, vector<1x256xi32>
    %swap3A_573 = vector.shape_cast %swap3A_572 : vector<1x256xi32> to vector<256xi32>
    %swap3A_574 = vector.shape_cast %convert_element_type3A_569 : vector<256xi32> to vector<1x256xi32>
    tpu.vector_store %arg2[%swap3A_570, %swap3A_571], %swap3A_574 {strides = array<i32>} : memref<28x256xi32, #tpu.memory_space<vmem>>, vector<1x256xi32>,
    %slice3A_575 = vector.extract_strided_slice %get3A_5 {offsets = [17, 0], sizes = [1, 1792], strides = [1, 1]} : vector<28x1792xf32> to vector<1x1792xf32>
    %mul3A_576 = vector.broadcast %slice3A_575 : vector<1x1792xf32> to vector<256x1792xf32>
    %mul3A_577 = arith.mulf %select_n3A_565, %mul3A_576 : vector<256x1792xf32>
    %reduce_sum3A_578 = arith.constant dense<0.000000e+00> : vector<256xf32>
    %reduce_sum3A_579 = vector.multi_reduction <add>, %mul3A_577, %reduce_sum3A_578 [1] : vector<256x1792xf32> to vector<256xf32>
    %swap3A_580 = arith.constant 17 : index
    %swap3A_581 = arith.constant 0 : index
    %swap3A_582 = vector.load %arg3[%swap3A_580, %swap3A_581] : memref<28x256xf32, #tpu.memory_space<vmem>>, vector<1x256xf32>
    %swap3A_583 = vector.shape_cast %swap3A_582 : vector<1x256xf32> to vector<256xf32>
    %swap3A_584 = vector.shape_cast %reduce_sum3A_579 : vector<256xf32> to vector<1x256xf32>
    tpu.vector_store %arg3[%swap3A_580, %swap3A_581], %swap3A_584 {strides = array<i32>} : memref<28x256xf32, #tpu.memory_space<vmem>>, vector<1x256xf32>,
    %slice3A_585 = vector.extract_strided_slice %dot_general3A_43 {offsets = [18, 0], sizes = [1, 1792], strides = [1, 1]} : vector<28x1792xf32> to vector<1x1792xf32>
    %eq3A_586 = vector.broadcast %slice3A_585 : vector<1x1792xf32> to vector<256x1792xf32>
    %eq3A_587 = arith.cmpf oeq, %convert_element_type3A_45, %eq3A_586 : vector<256x1792xf32>
    %slice3A_588 = vector.extract_strided_slice %or3A {offsets = [18, 0], sizes = [1, 1792], strides = [1, 1]} : vector<28x1792xi1> to vector<1x1792xi1>
    %and3A_589 = vector.broadcast %slice3A_588 : vector<1x1792xi1> to vector<256x1792xi1>
    %and3A_590 = arith.andi %eq3A_587, %and3A_589 : vector<256x1792xi1>
    %jit3A_591 = arith.constant 1.000000e+00 : f32
    %jit3A_592 = arith.constant 0.000000e+00 : f32
    %broadcast_in_dim3A_593 = vector.broadcast %jit3A_591 : f32 to vector<256x1792xf32>
    %broadcast_in_dim3A_594 = vector.broadcast %jit3A_592 : f32 to vector<256x1792xf32>
    %select_n3A_595 = arith.select %and3A_590, %broadcast_in_dim3A_593, %broadcast_in_dim3A_594 : vector<256x1792xi1>, vector<256x1792xf32>
    %mul3A_596 = arith.mulf %select_n3A_595, %convert_element_type3A_47 : vector<256x1792xf32>
    %reduce_sum3A_597 = arith.constant dense<0.000000e+00> : vector<256xf32>
    %reduce_sum3A_598 = vector.multi_reduction <add>, %mul3A_596, %reduce_sum3A_597 [1] : vector<256x1792xf32> to vector<256xf32>
    %convert_element_type3A_599 = arith.fptosi %reduce_sum3A_598 : vector<256xf32> to vector<256xi32>
    %swap3A_600 = arith.constant 18 : index
    %swap3A_601 = arith.constant 0 : index
    %swap3A_602 = vector.load %arg2[%swap3A_600, %swap3A_601] : memref<28x256xi32, #tpu.memory_space<vmem>>, vector<1x256xi32>
    %swap3A_603 = vector.shape_cast %swap3A_602 : vector<1x256xi32> to vector<256xi32>
    %swap3A_604 = vector.shape_cast %convert_element_type3A_599 : vector<256xi32> to vector<1x256xi32>
    tpu.vector_store %arg2[%swap3A_600, %swap3A_601], %swap3A_604 {strides = array<i32>} : memref<28x256xi32, #tpu.memory_space<vmem>>, vector<1x256xi32>,
    %slice3A_605 = vector.extract_strided_slice %get3A_5 {offsets = [18, 0], sizes = [1, 1792], strides = [1, 1]} : vector<28x1792xf32> to vector<1x1792xf32>
    %mul3A_606 = vector.broadcast %slice3A_605 : vector<1x1792xf32> to vector<256x1792xf32>
    %mul3A_607 = arith.mulf %select_n3A_595, %mul3A_606 : vector<256x1792xf32>
    %reduce_sum3A_608 = arith.constant dense<0.000000e+00> : vector<256xf32>
    %reduce_sum3A_609 = vector.multi_reduction <add>, %mul3A_607, %reduce_sum3A_608 [1] : vector<256x1792xf32> to vector<256xf32>
    %swap3A_610 = arith.constant 18 : index
    %swap3A_611 = arith.constant 0 : index
    %swap3A_612 = vector.load %arg3[%swap3A_610, %swap3A_611] : memref<28x256xf32, #tpu.memory_space<vmem>>, vector<1x256xf32>
    %swap3A_613 = vector.shape_cast %swap3A_612 : vector<1x256xf32> to vector<256xf32>
    %swap3A_614 = vector.shape_cast %reduce_sum3A_609 : vector<256xf32> to vector<1x256xf32>
    tpu.vector_store %arg3[%swap3A_610, %swap3A_611], %swap3A_614 {strides = array<i32>} : memref<28x256xf32, #tpu.memory_space<vmem>>, vector<1x256xf32>,
    %slice3A_615 = vector.extract_strided_slice %dot_general3A_43 {offsets = [19, 0], sizes = [1, 1792], strides = [1, 1]} : vector<28x1792xf32> to vector<1x1792xf32>
    %eq3A_616 = vector.broadcast %slice3A_615 : vector<1x1792xf32> to vector<256x1792xf32>
    %eq3A_617 = arith.cmpf oeq, %convert_element_type3A_45, %eq3A_616 : vector<256x1792xf32>
    %slice3A_618 = vector.extract_strided_slice %or3A {offsets = [19, 0], sizes = [1, 1792], strides = [1, 1]} : vector<28x1792xi1> to vector<1x1792xi1>
    %and3A_619 = vector.broadcast %slice3A_618 : vector<1x1792xi1> to vector<256x1792xi1>
    %and3A_620 = arith.andi %eq3A_617, %and3A_619 : vector<256x1792xi1>
    %jit3A_621 = arith.constant 1.000000e+00 : f32
    %jit3A_622 = arith.constant 0.000000e+00 : f32
    %broadcast_in_dim3A_623 = vector.broadcast %jit3A_621 : f32 to vector<256x1792xf32>
    %broadcast_in_dim3A_624 = vector.broadcast %jit3A_622 : f32 to vector<256x1792xf32>
    %select_n3A_625 = arith.select %and3A_620, %broadcast_in_dim3A_623, %broadcast_in_dim3A_624 : vector<256x1792xi1>, vector<256x1792xf32>
    %mul3A_626 = arith.mulf %select_n3A_625, %convert_element_type3A_47 : vector<256x1792xf32>
    %reduce_sum3A_627 = arith.constant dense<0.000000e+00> : vector<256xf32>
    %reduce_sum3A_628 = vector.multi_reduction <add>, %mul3A_626, %reduce_sum3A_627 [1] : vector<256x1792xf32> to vector<256xf32>
    %convert_element_type3A_629 = arith.fptosi %reduce_sum3A_628 : vector<256xf32> to vector<256xi32>
    %swap3A_630 = arith.constant 19 : index
    %swap3A_631 = arith.constant 0 : index
    %swap3A_632 = vector.load %arg2[%swap3A_630, %swap3A_631] : memref<28x256xi32, #tpu.memory_space<vmem>>, vector<1x256xi32>
    %swap3A_633 = vector.shape_cast %swap3A_632 : vector<1x256xi32> to vector<256xi32>
    %swap3A_634 = vector.shape_cast %convert_element_type3A_629 : vector<256xi32> to vector<1x256xi32>
    tpu.vector_store %arg2[%swap3A_630, %swap3A_631], %swap3A_634 {strides = array<i32>} : memref<28x256xi32, #tpu.memory_space<vmem>>, vector<1x256xi32>,
    %slice3A_635 = vector.extract_strided_slice %get3A_5 {offsets = [19, 0], sizes = [1, 1792], strides = [1, 1]} : vector<28x1792xf32> to vector<1x1792xf32>
    %mul3A_636 = vector.broadcast %slice3A_635 : vector<1x1792xf32> to vector<256x1792xf32>
    %mul3A_637 = arith.mulf %select_n3A_625, %mul3A_636 : vector<256x1792xf32>
    %reduce_sum3A_638 = arith.constant dense<0.000000e+00> : vector<256xf32>
    %reduce_sum3A_639 = vector.multi_reduction <add>, %mul3A_637, %reduce_sum3A_638 [1] : vector<256x1792xf32> to vector<256xf32>
    %swap3A_640 = arith.constant 19 : index
    %swap3A_641 = arith.constant 0 : index
    %swap3A_642 = vector.load %arg3[%swap3A_640, %swap3A_641] : memref<28x256xf32, #tpu.memory_space<vmem>>, vector<1x256xf32>
    %swap3A_643 = vector.shape_cast %swap3A_642 : vector<1x256xf32> to vector<256xf32>
    %swap3A_644 = vector.shape_cast %reduce_sum3A_639 : vector<256xf32> to vector<1x256xf32>
    tpu.vector_store %arg3[%swap3A_640, %swap3A_641], %swap3A_644 {strides = array<i32>} : memref<28x256xf32, #tpu.memory_space<vmem>>, vector<1x256xf32>,
    %slice3A_645 = vector.extract_strided_slice %dot_general3A_43 {offsets = [20, 0], sizes = [1, 1792], strides = [1, 1]} : vector<28x1792xf32> to vector<1x1792xf32>
    %eq3A_646 = vector.broadcast %slice3A_645 : vector<1x1792xf32> to vector<256x1792xf32>
    %eq3A_647 = arith.cmpf oeq, %convert_element_type3A_45, %eq3A_646 : vector<256x1792xf32>
    %slice3A_648 = vector.extract_strided_slice %or3A {offsets = [20, 0], sizes = [1, 1792], strides = [1, 1]} : vector<28x1792xi1> to vector<1x1792xi1>
    %and3A_649 = vector.broadcast %slice3A_648 : vector<1x1792xi1> to vector<256x1792xi1>
    %and3A_650 = arith.andi %eq3A_647, %and3A_649 : vector<256x1792xi1>
    %jit3A_651 = arith.constant 1.000000e+00 : f32
    %jit3A_652 = arith.constant 0.000000e+00 : f32
    %broadcast_in_dim3A_653 = vector.broadcast %jit3A_651 : f32 to vector<256x1792xf32>
    %broadcast_in_dim3A_654 = vector.broadcast %jit3A_652 : f32 to vector<256x1792xf32>
    %select_n3A_655 = arith.select %and3A_650, %broadcast_in_dim3A_653, %broadcast_in_dim3A_654 : vector<256x1792xi1>, vector<256x1792xf32>
    %mul3A_656 = arith.mulf %select_n3A_655, %convert_element_type3A_47 : vector<256x1792xf32>
    %reduce_sum3A_657 = arith.constant dense<0.000000e+00> : vector<256xf32>
    %reduce_sum3A_658 = vector.multi_reduction <add>, %mul3A_656, %reduce_sum3A_657 [1] : vector<256x1792xf32> to vector<256xf32>
    %convert_element_type3A_659 = arith.fptosi %reduce_sum3A_658 : vector<256xf32> to vector<256xi32>
    %swap3A_660 = arith.constant 20 : index
    %swap3A_661 = arith.constant 0 : index
    %swap3A_662 = vector.load %arg2[%swap3A_660, %swap3A_661] : memref<28x256xi32, #tpu.memory_space<vmem>>, vector<1x256xi32>
    %swap3A_663 = vector.shape_cast %swap3A_662 : vector<1x256xi32> to vector<256xi32>
    %swap3A_664 = vector.shape_cast %convert_element_type3A_659 : vector<256xi32> to vector<1x256xi32>
    tpu.vector_store %arg2[%swap3A_660, %swap3A_661], %swap3A_664 {strides = array<i32>} : memref<28x256xi32, #tpu.memory_space<vmem>>, vector<1x256xi32>,
    %slice3A_665 = vector.extract_strided_slice %get3A_5 {offsets = [20, 0], sizes = [1, 1792], strides = [1, 1]} : vector<28x1792xf32> to vector<1x1792xf32>
    %mul3A_666 = vector.broadcast %slice3A_665 : vector<1x1792xf32> to vector<256x1792xf32>
    %mul3A_667 = arith.mulf %select_n3A_655, %mul3A_666 : vector<256x1792xf32>
    %reduce_sum3A_668 = arith.constant dense<0.000000e+00> : vector<256xf32>
    %reduce_sum3A_669 = vector.multi_reduction <add>, %mul3A_667, %reduce_sum3A_668 [1] : vector<256x1792xf32> to vector<256xf32>
    %swap3A_670 = arith.constant 20 : index
    %swap3A_671 = arith.constant 0 : index
    %swap3A_672 = vector.load %arg3[%swap3A_670, %swap3A_671] : memref<28x256xf32, #tpu.memory_space<vmem>>, vector<1x256xf32>
    %swap3A_673 = vector.shape_cast %swap3A_672 : vector<1x256xf32> to vector<256xf32>
    %swap3A_674 = vector.shape_cast %reduce_sum3A_669 : vector<256xf32> to vector<1x256xf32>
    tpu.vector_store %arg3[%swap3A_670, %swap3A_671], %swap3A_674 {strides = array<i32>} : memref<28x256xf32, #tpu.memory_space<vmem>>, vector<1x256xf32>,
    %slice3A_675 = vector.extract_strided_slice %dot_general3A_43 {offsets = [21, 0], sizes = [1, 1792], strides = [1, 1]} : vector<28x1792xf32> to vector<1x1792xf32>
    %eq3A_676 = vector.broadcast %slice3A_675 : vector<1x1792xf32> to vector<256x1792xf32>
    %eq3A_677 = arith.cmpf oeq, %convert_element_type3A_45, %eq3A_676 : vector<256x1792xf32>
    %slice3A_678 = vector.extract_strided_slice %or3A {offsets = [21, 0], sizes = [1, 1792], strides = [1, 1]} : vector<28x1792xi1> to vector<1x1792xi1>
    %and3A_679 = vector.broadcast %slice3A_678 : vector<1x1792xi1> to vector<256x1792xi1>
    %and3A_680 = arith.andi %eq3A_677, %and3A_679 : vector<256x1792xi1>
    %jit3A_681 = arith.constant 1.000000e+00 : f32
    %jit3A_682 = arith.constant 0.000000e+00 : f32
    %broadcast_in_dim3A_683 = vector.broadcast %jit3A_681 : f32 to vector<256x1792xf32>
    %broadcast_in_dim3A_684 = vector.broadcast %jit3A_682 : f32 to vector<256x1792xf32>
    %select_n3A_685 = arith.select %and3A_680, %broadcast_in_dim3A_683, %broadcast_in_dim3A_684 : vector<256x1792xi1>, vector<256x1792xf32>
    %mul3A_686 = arith.mulf %select_n3A_685, %convert_element_type3A_47 : vector<256x1792xf32>
    %reduce_sum3A_687 = arith.constant dense<0.000000e+00> : vector<256xf32>
    %reduce_sum3A_688 = vector.multi_reduction <add>, %mul3A_686, %reduce_sum3A_687 [1] : vector<256x1792xf32> to vector<256xf32>
    %convert_element_type3A_689 = arith.fptosi %reduce_sum3A_688 : vector<256xf32> to vector<256xi32>
    %swap3A_690 = arith.constant 21 : index
    %swap3A_691 = arith.constant 0 : index
    %swap3A_692 = vector.load %arg2[%swap3A_690, %swap3A_691] : memref<28x256xi32, #tpu.memory_space<vmem>>, vector<1x256xi32>
    %swap3A_693 = vector.shape_cast %swap3A_692 : vector<1x256xi32> to vector<256xi32>
    %swap3A_694 = vector.shape_cast %convert_element_type3A_689 : vector<256xi32> to vector<1x256xi32>
    tpu.vector_store %arg2[%swap3A_690, %swap3A_691], %swap3A_694 {strides = array<i32>} : memref<28x256xi32, #tpu.memory_space<vmem>>, vector<1x256xi32>,
    %slice3A_695 = vector.extract_strided_slice %get3A_5 {offsets = [21, 0], sizes = [1, 1792], strides = [1, 1]} : vector<28x1792xf32> to vector<1x1792xf32>
    %mul3A_696 = vector.broadcast %slice3A_695 : vector<1x1792xf32> to vector<256x1792xf32>
    %mul3A_697 = arith.mulf %select_n3A_685, %mul3A_696 : vector<256x1792xf32>
    %reduce_sum3A_698 = arith.constant dense<0.000000e+00> : vector<256xf32>
    %reduce_sum3A_699 = vector.multi_reduction <add>, %mul3A_697, %reduce_sum3A_698 [1] : vector<256x1792xf32> to vector<256xf32>
    %swap3A_700 = arith.constant 21 : index
    %swap3A_701 = arith.constant 0 : index
    %swap3A_702 = vector.load %arg3[%swap3A_700, %swap3A_701] : memref<28x256xf32, #tpu.memory_space<vmem>>, vector<1x256xf32>
    %swap3A_703 = vector.shape_cast %swap3A_702 : vector<1x256xf32> to vector<256xf32>
    %swap3A_704 = vector.shape_cast %reduce_sum3A_699 : vector<256xf32> to vector<1x256xf32>
    tpu.vector_store %arg3[%swap3A_700, %swap3A_701], %swap3A_704 {strides = array<i32>} : memref<28x256xf32, #tpu.memory_space<vmem>>, vector<1x256xf32>,
    %slice3A_705 = vector.extract_strided_slice %dot_general3A_43 {offsets = [22, 0], sizes = [1, 1792], strides = [1, 1]} : vector<28x1792xf32> to vector<1x1792xf32>
    %eq3A_706 = vector.broadcast %slice3A_705 : vector<1x1792xf32> to vector<256x1792xf32>
    %eq3A_707 = arith.cmpf oeq, %convert_element_type3A_45, %eq3A_706 : vector<256x1792xf32>
    %slice3A_708 = vector.extract_strided_slice %or3A {offsets = [22, 0], sizes = [1, 1792], strides = [1, 1]} : vector<28x1792xi1> to vector<1x1792xi1>
    %and3A_709 = vector.broadcast %slice3A_708 : vector<1x1792xi1> to vector<256x1792xi1>
    %and3A_710 = arith.andi %eq3A_707, %and3A_709 : vector<256x1792xi1>
    %jit3A_711 = arith.constant 1.000000e+00 : f32
    %jit3A_712 = arith.constant 0.000000e+00 : f32
    %broadcast_in_dim3A_713 = vector.broadcast %jit3A_711 : f32 to vector<256x1792xf32>
    %broadcast_in_dim3A_714 = vector.broadcast %jit3A_712 : f32 to vector<256x1792xf32>
    %select_n3A_715 = arith.select %and3A_710, %broadcast_in_dim3A_713, %broadcast_in_dim3A_714 : vector<256x1792xi1>, vector<256x1792xf32>
    %mul3A_716 = arith.mulf %select_n3A_715, %convert_element_type3A_47 : vector<256x1792xf32>
    %reduce_sum3A_717 = arith.constant dense<0.000000e+00> : vector<256xf32>
    %reduce_sum3A_718 = vector.multi_reduction <add>, %mul3A_716, %reduce_sum3A_717 [1] : vector<256x1792xf32> to vector<256xf32>
    %convert_element_type3A_719 = arith.fptosi %reduce_sum3A_718 : vector<256xf32> to vector<256xi32>
    %swap3A_720 = arith.constant 22 : index
    %swap3A_721 = arith.constant 0 : index
    %swap3A_722 = vector.load %arg2[%swap3A_720, %swap3A_721] : memref<28x256xi32, #tpu.memory_space<vmem>>, vector<1x256xi32>
    %swap3A_723 = vector.shape_cast %swap3A_722 : vector<1x256xi32> to vector<256xi32>
    %swap3A_724 = vector.shape_cast %convert_element_type3A_719 : vector<256xi32> to vector<1x256xi32>
    tpu.vector_store %arg2[%swap3A_720, %swap3A_721], %swap3A_724 {strides = array<i32>} : memref<28x256xi32, #tpu.memory_space<vmem>>, vector<1x256xi32>,
    %slice3A_725 = vector.extract_strided_slice %get3A_5 {offsets = [22, 0], sizes = [1, 1792], strides = [1, 1]} : vector<28x1792xf32> to vector<1x1792xf32>
    %mul3A_726 = vector.broadcast %slice3A_725 : vector<1x1792xf32> to vector<256x1792xf32>
    %mul3A_727 = arith.mulf %select_n3A_715, %mul3A_726 : vector<256x1792xf32>
    %reduce_sum3A_728 = arith.constant dense<0.000000e+00> : vector<256xf32>
    %reduce_sum3A_729 = vector.multi_reduction <add>, %mul3A_727, %reduce_sum3A_728 [1] : vector<256x1792xf32> to vector<256xf32>
    %swap3A_730 = arith.constant 22 : index
    %swap3A_731 = arith.constant 0 : index
    %swap3A_732 = vector.load %arg3[%swap3A_730, %swap3A_731] : memref<28x256xf32, #tpu.memory_space<vmem>>, vector<1x256xf32>
    %swap3A_733 = vector.shape_cast %swap3A_732 : vector<1x256xf32> to vector<256xf32>
    %swap3A_734 = vector.shape_cast %reduce_sum3A_729 : vector<256xf32> to vector<1x256xf32>
    tpu.vector_store %arg3[%swap3A_730, %swap3A_731], %swap3A_734 {strides = array<i32>} : memref<28x256xf32, #tpu.memory_space<vmem>>, vector<1x256xf32>,
    %slice3A_735 = vector.extract_strided_slice %dot_general3A_43 {offsets = [23, 0], sizes = [1, 1792], strides = [1, 1]} : vector<28x1792xf32> to vector<1x1792xf32>
    %eq3A_736 = vector.broadcast %slice3A_735 : vector<1x1792xf32> to vector<256x1792xf32>
    %eq3A_737 = arith.cmpf oeq, %convert_element_type3A_45, %eq3A_736 : vector<256x1792xf32>
    %slice3A_738 = vector.extract_strided_slice %or3A {offsets = [23, 0], sizes = [1, 1792], strides = [1, 1]} : vector<28x1792xi1> to vector<1x1792xi1>
    %and3A_739 = vector.broadcast %slice3A_738 : vector<1x1792xi1> to vector<256x1792xi1>
    %and3A_740 = arith.andi %eq3A_737, %and3A_739 : vector<256x1792xi1>
    %jit3A_741 = arith.constant 1.000000e+00 : f32
    %jit3A_742 = arith.constant 0.000000e+00 : f32
    %broadcast_in_dim3A_743 = vector.broadcast %jit3A_741 : f32 to vector<256x1792xf32>
    %broadcast_in_dim3A_744 = vector.broadcast %jit3A_742 : f32 to vector<256x1792xf32>
    %select_n3A_745 = arith.select %and3A_740, %broadcast_in_dim3A_743, %broadcast_in_dim3A_744 : vector<256x1792xi1>, vector<256x1792xf32>
    %mul3A_746 = arith.mulf %select_n3A_745, %convert_element_type3A_47 : vector<256x1792xf32>
    %reduce_sum3A_747 = arith.constant dense<0.000000e+00> : vector<256xf32>
    %reduce_sum3A_748 = vector.multi_reduction <add>, %mul3A_746, %reduce_sum3A_747 [1] : vector<256x1792xf32> to vector<256xf32>
    %convert_element_type3A_749 = arith.fptosi %reduce_sum3A_748 : vector<256xf32> to vector<256xi32>
    %swap3A_750 = arith.constant 23 : index
    %swap3A_751 = arith.constant 0 : index
    %swap3A_752 = vector.load %arg2[%swap3A_750, %swap3A_751] : memref<28x256xi32, #tpu.memory_space<vmem>>, vector<1x256xi32>
    %swap3A_753 = vector.shape_cast %swap3A_752 : vector<1x256xi32> to vector<256xi32>
    %swap3A_754 = vector.shape_cast %convert_element_type3A_749 : vector<256xi32> to vector<1x256xi32>
    tpu.vector_store %arg2[%swap3A_750, %swap3A_751], %swap3A_754 {strides = array<i32>} : memref<28x256xi32, #tpu.memory_space<vmem>>, vector<1x256xi32>,
    %slice3A_755 = vector.extract_strided_slice %get3A_5 {offsets = [23, 0], sizes = [1, 1792], strides = [1, 1]} : vector<28x1792xf32> to vector<1x1792xf32>
    %mul3A_756 = vector.broadcast %slice3A_755 : vector<1x1792xf32> to vector<256x1792xf32>
    %mul3A_757 = arith.mulf %select_n3A_745, %mul3A_756 : vector<256x1792xf32>
    %reduce_sum3A_758 = arith.constant dense<0.000000e+00> : vector<256xf32>
    %reduce_sum3A_759 = vector.multi_reduction <add>, %mul3A_757, %reduce_sum3A_758 [1] : vector<256x1792xf32> to vector<256xf32>
    %swap3A_760 = arith.constant 23 : index
    %swap3A_761 = arith.constant 0 : index
    %swap3A_762 = vector.load %arg3[%swap3A_760, %swap3A_761] : memref<28x256xf32, #tpu.memory_space<vmem>>, vector<1x256xf32>
    %swap3A_763 = vector.shape_cast %swap3A_762 : vector<1x256xf32> to vector<256xf32>
    %swap3A_764 = vector.shape_cast %reduce_sum3A_759 : vector<256xf32> to vector<1x256xf32>
    tpu.vector_store %arg3[%swap3A_760, %swap3A_761], %swap3A_764 {strides = array<i32>} : memref<28x256xf32, #tpu.memory_space<vmem>>, vector<1x256xf32>,
    %slice3A_765 = vector.extract_strided_slice %dot_general3A_43 {offsets = [24, 0], sizes = [1, 1792], strides = [1, 1]} : vector<28x1792xf32> to vector<1x1792xf32>
    %eq3A_766 = vector.broadcast %slice3A_765 : vector<1x1792xf32> to vector<256x1792xf32>
    %eq3A_767 = arith.cmpf oeq, %convert_element_type3A_45, %eq3A_766 : vector<256x1792xf32>
    %slice3A_768 = vector.extract_strided_slice %or3A {offsets = [24, 0], sizes = [1, 1792], strides = [1, 1]} : vector<28x1792xi1> to vector<1x1792xi1>
    %and3A_769 = vector.broadcast %slice3A_768 : vector<1x1792xi1> to vector<256x1792xi1>
    %and3A_770 = arith.andi %eq3A_767, %and3A_769 : vector<256x1792xi1>
    %jit3A_771 = arith.constant 1.000000e+00 : f32
    %jit3A_772 = arith.constant 0.000000e+00 : f32
    %broadcast_in_dim3A_773 = vector.broadcast %jit3A_771 : f32 to vector<256x1792xf32>
    %broadcast_in_dim3A_774 = vector.broadcast %jit3A_772 : f32 to vector<256x1792xf32>
    %select_n3A_775 = arith.select %and3A_770, %broadcast_in_dim3A_773, %broadcast_in_dim3A_774 : vector<256x1792xi1>, vector<256x1792xf32>
    %mul3A_776 = arith.mulf %select_n3A_775, %convert_element_type3A_47 : vector<256x1792xf32>
    %reduce_sum3A_777 = arith.constant dense<0.000000e+00> : vector<256xf32>
    %reduce_sum3A_778 = vector.multi_reduction <add>, %mul3A_776, %reduce_sum3A_777 [1] : vector<256x1792xf32> to vector<256xf32>
    %convert_element_type3A_779 = arith.fptosi %reduce_sum3A_778 : vector<256xf32> to vector<256xi32>
    %swap3A_780 = arith.constant 24 : index
    %swap3A_781 = arith.constant 0 : index
    %swap3A_782 = vector.load %arg2[%swap3A_780, %swap3A_781] : memref<28x256xi32, #tpu.memory_space<vmem>>, vector<1x256xi32>
    %swap3A_783 = vector.shape_cast %swap3A_782 : vector<1x256xi32> to vector<256xi32>
    %swap3A_784 = vector.shape_cast %convert_element_type3A_779 : vector<256xi32> to vector<1x256xi32>
    tpu.vector_store %arg2[%swap3A_780, %swap3A_781], %swap3A_784 {strides = array<i32>} : memref<28x256xi32, #tpu.memory_space<vmem>>, vector<1x256xi32>,
    %slice3A_785 = vector.extract_strided_slice %get3A_5 {offsets = [24, 0], sizes = [1, 1792], strides = [1, 1]} : vector<28x1792xf32> to vector<1x1792xf32>
    %mul3A_786 = vector.broadcast %slice3A_785 : vector<1x1792xf32> to vector<256x1792xf32>
    %mul3A_787 = arith.mulf %select_n3A_775, %mul3A_786 : vector<256x1792xf32>
    %reduce_sum3A_788 = arith.constant dense<0.000000e+00> : vector<256xf32>
    %reduce_sum3A_789 = vector.multi_reduction <add>, %mul3A_787, %reduce_sum3A_788 [1] : vector<256x1792xf32> to vector<256xf32>
    %swap3A_790 = arith.constant 24 : index
    %swap3A_791 = arith.constant 0 : index
    %swap3A_792 = vector.load %arg3[%swap3A_790, %swap3A_791] : memref<28x256xf32, #tpu.memory_space<vmem>>, vector<1x256xf32>
    %swap3A_793 = vector.shape_cast %swap3A_792 : vector<1x256xf32> to vector<256xf32>
    %swap3A_794 = vector.shape_cast %reduce_sum3A_789 : vector<256xf32> to vector<1x256xf32>
    tpu.vector_store %arg3[%swap3A_790, %swap3A_791], %swap3A_794 {strides = array<i32>} : memref<28x256xf32, #tpu.memory_space<vmem>>, vector<1x256xf32>,
    %slice3A_795 = vector.extract_strided_slice %dot_general3A_43 {offsets = [25, 0], sizes = [1, 1792], strides = [1, 1]} : vector<28x1792xf32> to vector<1x1792xf32>
    %eq3A_796 = vector.broadcast %slice3A_795 : vector<1x1792xf32> to vector<256x1792xf32>
    %eq3A_797 = arith.cmpf oeq, %convert_element_type3A_45, %eq3A_796 : vector<256x1792xf32>
    %slice3A_798 = vector.extract_strided_slice %or3A {offsets = [25, 0], sizes = [1, 1792], strides = [1, 1]} : vector<28x1792xi1> to vector<1x1792xi1>
    %and3A_799 = vector.broadcast %slice3A_798 : vector<1x1792xi1> to vector<256x1792xi1>
    %and3A_800 = arith.andi %eq3A_797, %and3A_799 : vector<256x1792xi1>
    %jit3A_801 = arith.constant 1.000000e+00 : f32
    %jit3A_802 = arith.constant 0.000000e+00 : f32
    %broadcast_in_dim3A_803 = vector.broadcast %jit3A_801 : f32 to vector<256x1792xf32>
    %broadcast_in_dim3A_804 = vector.broadcast %jit3A_802 : f32 to vector<256x1792xf32>
    %select_n3A_805 = arith.select %and3A_800, %broadcast_in_dim3A_803, %broadcast_in_dim3A_804 : vector<256x1792xi1>, vector<256x1792xf32>
    %mul3A_806 = arith.mulf %select_n3A_805, %convert_element_type3A_47 : vector<256x1792xf32>
    %reduce_sum3A_807 = arith.constant dense<0.000000e+00> : vector<256xf32>
    %reduce_sum3A_808 = vector.multi_reduction <add>, %mul3A_806, %reduce_sum3A_807 [1] : vector<256x1792xf32> to vector<256xf32>
    %convert_element_type3A_809 = arith.fptosi %reduce_sum3A_808 : vector<256xf32> to vector<256xi32>
    %swap3A_810 = arith.constant 25 : index
    %swap3A_811 = arith.constant 0 : index
    %swap3A_812 = vector.load %arg2[%swap3A_810, %swap3A_811] : memref<28x256xi32, #tpu.memory_space<vmem>>, vector<1x256xi32>
    %swap3A_813 = vector.shape_cast %swap3A_812 : vector<1x256xi32> to vector<256xi32>
    %swap3A_814 = vector.shape_cast %convert_element_type3A_809 : vector<256xi32> to vector<1x256xi32>
    tpu.vector_store %arg2[%swap3A_810, %swap3A_811], %swap3A_814 {strides = array<i32>} : memref<28x256xi32, #tpu.memory_space<vmem>>, vector<1x256xi32>,
    %slice3A_815 = vector.extract_strided_slice %get3A_5 {offsets = [25, 0], sizes = [1, 1792], strides = [1, 1]} : vector<28x1792xf32> to vector<1x1792xf32>
    %mul3A_816 = vector.broadcast %slice3A_815 : vector<1x1792xf32> to vector<256x1792xf32>
    %mul3A_817 = arith.mulf %select_n3A_805, %mul3A_816 : vector<256x1792xf32>
    %reduce_sum3A_818 = arith.constant dense<0.000000e+00> : vector<256xf32>
    %reduce_sum3A_819 = vector.multi_reduction <add>, %mul3A_817, %reduce_sum3A_818 [1] : vector<256x1792xf32> to vector<256xf32>
    %swap3A_820 = arith.constant 25 : index
    %swap3A_821 = arith.constant 0 : index
    %swap3A_822 = vector.load %arg3[%swap3A_820, %swap3A_821] : memref<28x256xf32, #tpu.memory_space<vmem>>, vector<1x256xf32>
    %swap3A_823 = vector.shape_cast %swap3A_822 : vector<1x256xf32> to vector<256xf32>
    %swap3A_824 = vector.shape_cast %reduce_sum3A_819 : vector<256xf32> to vector<1x256xf32>
    tpu.vector_store %arg3[%swap3A_820, %swap3A_821], %swap3A_824 {strides = array<i32>} : memref<28x256xf32, #tpu.memory_space<vmem>>, vector<1x256xf32>,
    %slice3A_825 = vector.extract_strided_slice %dot_general3A_43 {offsets = [26, 0], sizes = [1, 1792], strides = [1, 1]} : vector<28x1792xf32> to vector<1x1792xf32>
    %eq3A_826 = vector.broadcast %slice3A_825 : vector<1x1792xf32> to vector<256x1792xf32>
    %eq3A_827 = arith.cmpf oeq, %convert_element_type3A_45, %eq3A_826 : vector<256x1792xf32>
    %slice3A_828 = vector.extract_strided_slice %or3A {offsets = [26, 0], sizes = [1, 1792], strides = [1, 1]} : vector<28x1792xi1> to vector<1x1792xi1>
    %and3A_829 = vector.broadcast %slice3A_828 : vector<1x1792xi1> to vector<256x1792xi1>
    %and3A_830 = arith.andi %eq3A_827, %and3A_829 : vector<256x1792xi1>
    %jit3A_831 = arith.constant 1.000000e+00 : f32
    %jit3A_832 = arith.constant 0.000000e+00 : f32
    %broadcast_in_dim3A_833 = vector.broadcast %jit3A_831 : f32 to vector<256x1792xf32>
    %broadcast_in_dim3A_834 = vector.broadcast %jit3A_832 : f32 to vector<256x1792xf32>
    %select_n3A_835 = arith.select %and3A_830, %broadcast_in_dim3A_833, %broadcast_in_dim3A_834 : vector<256x1792xi1>, vector<256x1792xf32>
    %mul3A_836 = arith.mulf %select_n3A_835, %convert_element_type3A_47 : vector<256x1792xf32>
    %reduce_sum3A_837 = arith.constant dense<0.000000e+00> : vector<256xf32>
    %reduce_sum3A_838 = vector.multi_reduction <add>, %mul3A_836, %reduce_sum3A_837 [1] : vector<256x1792xf32> to vector<256xf32>
    %convert_element_type3A_839 = arith.fptosi %reduce_sum3A_838 : vector<256xf32> to vector<256xi32>
    %swap3A_840 = arith.constant 26 : index
    %swap3A_841 = arith.constant 0 : index
    %swap3A_842 = vector.load %arg2[%swap3A_840, %swap3A_841] : memref<28x256xi32, #tpu.memory_space<vmem>>, vector<1x256xi32>
    %swap3A_843 = vector.shape_cast %swap3A_842 : vector<1x256xi32> to vector<256xi32>
    %swap3A_844 = vector.shape_cast %convert_element_type3A_839 : vector<256xi32> to vector<1x256xi32>
    tpu.vector_store %arg2[%swap3A_840, %swap3A_841], %swap3A_844 {strides = array<i32>} : memref<28x256xi32, #tpu.memory_space<vmem>>, vector<1x256xi32>,
    %slice3A_845 = vector.extract_strided_slice %get3A_5 {offsets = [26, 0], sizes = [1, 1792], strides = [1, 1]} : vector<28x1792xf32> to vector<1x1792xf32>
    %mul3A_846 = vector.broadcast %slice3A_845 : vector<1x1792xf32> to vector<256x1792xf32>
    %mul3A_847 = arith.mulf %select_n3A_835, %mul3A_846 : vector<256x1792xf32>
    %reduce_sum3A_848 = arith.constant dense<0.000000e+00> : vector<256xf32>
    %reduce_sum3A_849 = vector.multi_reduction <add>, %mul3A_847, %reduce_sum3A_848 [1] : vector<256x1792xf32> to vector<256xf32>
    %swap3A_850 = arith.constant 26 : index
    %swap3A_851 = arith.constant 0 : index
    %swap3A_852 = vector.load %arg3[%swap3A_850, %swap3A_851] : memref<28x256xf32, #tpu.memory_space<vmem>>, vector<1x256xf32>
    %swap3A_853 = vector.shape_cast %swap3A_852 : vector<1x256xf32> to vector<256xf32>
    %swap3A_854 = vector.shape_cast %reduce_sum3A_849 : vector<256xf32> to vector<1x256xf32>
    tpu.vector_store %arg3[%swap3A_850, %swap3A_851], %swap3A_854 {strides = array<i32>} : memref<28x256xf32, #tpu.memory_space<vmem>>, vector<1x256xf32>,
    %slice3A_855 = vector.extract_strided_slice %dot_general3A_43 {offsets = [27, 0], sizes = [1, 1792], strides = [1, 1]} : vector<28x1792xf32> to vector<1x1792xf32>
    %eq3A_856 = vector.broadcast %slice3A_855 : vector<1x1792xf32> to vector<256x1792xf32>
    %eq3A_857 = arith.cmpf oeq, %convert_element_type3A_45, %eq3A_856 : vector<256x1792xf32>
    %slice3A_858 = vector.extract_strided_slice %or3A {offsets = [27, 0], sizes = [1, 1792], strides = [1, 1]} : vector<28x1792xi1> to vector<1x1792xi1>
    %and3A_859 = vector.broadcast %slice3A_858 : vector<1x1792xi1> to vector<256x1792xi1>
    %and3A_860 = arith.andi %eq3A_857, %and3A_859 : vector<256x1792xi1>
    %jit3A_861 = arith.constant 1.000000e+00 : f32
    %jit3A_862 = arith.constant 0.000000e+00 : f32
    %broadcast_in_dim3A_863 = vector.broadcast %jit3A_861 : f32 to vector<256x1792xf32>
    %broadcast_in_dim3A_864 = vector.broadcast %jit3A_862 : f32 to vector<256x1792xf32>
    %select_n3A_865 = arith.select %and3A_860, %broadcast_in_dim3A_863, %broadcast_in_dim3A_864 : vector<256x1792xi1>, vector<256x1792xf32>
    %mul3A_866 = arith.mulf %select_n3A_865, %convert_element_type3A_47 : vector<256x1792xf32>
    %reduce_sum3A_867 = arith.constant dense<0.000000e+00> : vector<256xf32>
    %reduce_sum3A_868 = vector.multi_reduction <add>, %mul3A_866, %reduce_sum3A_867 [1] : vector<256x1792xf32> to vector<256xf32>
    %convert_element_type3A_869 = arith.fptosi %reduce_sum3A_868 : vector<256xf32> to vector<256xi32>
    %swap3A_870 = arith.constant 27 : index
    %swap3A_871 = arith.constant 0 : index
    %swap3A_872 = vector.load %arg2[%swap3A_870, %swap3A_871] : memref<28x256xi32, #tpu.memory_space<vmem>>, vector<1x256xi32>
    %swap3A_873 = vector.shape_cast %swap3A_872 : vector<1x256xi32> to vector<256xi32>
    %swap3A_874 = vector.shape_cast %convert_element_type3A_869 : vector<256xi32> to vector<1x256xi32>
    tpu.vector_store %arg2[%swap3A_870, %swap3A_871], %swap3A_874 {strides = array<i32>} : memref<28x256xi32, #tpu.memory_space<vmem>>, vector<1x256xi32>,
    %slice3A_875 = vector.extract_strided_slice %get3A_5 {offsets = [27, 0], sizes = [1, 1792], strides = [1, 1]} : vector<28x1792xf32> to vector<1x1792xf32>
    %mul3A_876 = vector.broadcast %slice3A_875 : vector<1x1792xf32> to vector<256x1792xf32>
    %mul3A_877 = arith.mulf %select_n3A_865, %mul3A_876 : vector<256x1792xf32>
    %reduce_sum3A_878 = arith.constant dense<0.000000e+00> : vector<256xf32>
    %reduce_sum3A_879 = vector.multi_reduction <add>, %mul3A_877, %reduce_sum3A_878 [1] : vector<256x1792xf32> to vector<256xf32>
    %swap3A_880 = arith.constant 27 : index
    %swap3A_881 = arith.constant 0 : index
    %swap3A_882 = vector.load %arg3[%swap3A_880, %swap3A_881] : memref<28x256xf32, #tpu.memory_space<vmem>>, vector<1x256xf32>
    %swap3A_883 = vector.shape_cast %swap3A_882 : vector<1x256xf32> to vector<256xf32>
    %swap3A_884 = vector.shape_cast %reduce_sum3A_879 : vector<256xf32> to vector<1x256xf32>
    tpu.vector_store %arg3[%swap3A_880, %swap3A_881], %swap3A_884 {strides = array<i32>} : memref<28x256xf32, #tpu.memory_space<vmem>>, vector<1x256xf32>,
    return
  }
  func.func @transform_0(%arg0: i32) -> (i32, i32) {
    %c0_i32 = arith.constant 0 : i32
    %c0_i32_0 = arith.constant 0 : i32
    %c0_i32_1 = arith.constant 0 : i32
    return %c0_i32, %c0_i32_0 : i32, i32
  }
  func.func @transform_1(%arg0: i32) -> (i32, i32) {
    %c0_i32 = arith.constant 0 : i32
    %c0_i32_0 = arith.constant 0 : i32
    %c0_i32_1 = arith.constant 0 : i32
    return %c0_i32, %c0_i32_0 : i32, i32
  }
  func.func @transform_2(%arg0: i32) -> (i32, i32) {
    %c0_i32 = arith.constant 0 : i32
    %c0_i32_0 = arith.constant 0 : i32
    %c0_i32_1 = arith.constant 0 : i32
    return %c0_i32, %c0_i32_0 : i32, i32
  }
}

module attributes {stable_mosaic.version = 14 : i64} {
  func.func @_grouped_body(%arg0: i32, %arg1: i32, %arg2: memref<128x1024xf32, #tpu.memory_space<vmem>>, %arg3: memref<256x1024xf32, #tpu.memory_space<vmem>>, %arg4: memref<1x1x128xf32, #tpu.memory_space<vmem>>, %arg5: memref<1x1x256xf32, #tpu.memory_space<vmem>>, %arg6: memref<1x1x256xf32, #tpu.memory_space<vmem>>, %arg7: memref<1x1x1024xf32, #tpu.memory_space<vmem>>, %arg8: memref<1x1x1024xf32, #tpu.memory_space<vmem>>, %arg9: memref<1x1024x1024xbf16, #tpu.memory_space<vmem>>, %arg10: memref<1x2048x1024xbf16, #tpu.memory_space<vmem>>, %arg11: memref<1x1024x1024xbf16, #tpu.memory_space<vmem>>, %arg12: memref<1x16x64xf32, #tpu.memory_space<vmem>>, %arg13: memref<1x16x64xf32, #tpu.memory_space<vmem>>, %arg14: memref<1x128x1024xf32, #tpu.memory_space<vmem>>, %arg15: memref<128x1024xbf16, #tpu.memory_space<vmem>>) attributes {dimension_semantics = [#tpu.dimension_semantics<arbitrary>, #tpu.dimension_semantics<arbitrary>], iteration_bounds = array<i64: 2, 14>, scalar_prefetch = 0 : i64, scratch_operands = 1 : i64, tpu.core_type = #tpu.core_type<tc>, window_params = [{transform_indices = @transform_0, window_bounds = array<i64: 128, 1024>}, {transform_indices = @transform_1, window_bounds = array<i64: 256, 1024>}, {transform_indices = @transform_2, window_bounds = array<i64: 1, 1, 128>}, {transform_indices = @transform_3, window_bounds = array<i64: 1, 1, 256>}, {transform_indices = @transform_4, window_bounds = array<i64: 1, 1, 256>}, {transform_indices = @transform_5, window_bounds = array<i64: 1, 1, 1024>}, {transform_indices = @transform_6, window_bounds = array<i64: 1, 1, 1024>}, {transform_indices = @transform_7, window_bounds = array<i64: 1, 1024, 1024>}, {transform_indices = @transform_8, window_bounds = array<i64: 1, 2048, 1024>}, {transform_indices = @transform_9, window_bounds = array<i64: 1, 1024, 1024>}, {transform_indices = @transform_10, window_bounds = array<i64: 1, 16, 64>}, {transform_indices = @transform_11, window_bounds = array<i64: 1, 16, 64>}, {transform_indices = @transform_12, window_bounds = array<i64: 1, 128, 1024>}]} {
    %get3A = arith.constant 0 : index
    %get3A_0 = arith.constant 0 : index
    %get3A_1 = vector.load %arg2[%get3A, %get3A_0] : memref<128x1024xf32, #tpu.memory_space<vmem>>, vector<128x1024xf32>
    %mul3A = arith.mulf %get3A_1, %get3A_1 : vector<128x1024xf32>
    %reduce_sum3A = arith.constant dense<0.000000e+00> : vector<128xf32>
    %reduce_sum3A_2 = vector.multi_reduction <add>, %mul3A, %reduce_sum3A [1] : vector<128x1024xf32> to vector<128xf32>
    %broadcast_in_dim3A = vector.shape_cast %reduce_sum3A_2 : vector<128xf32> to vector<128x1xf32>
    %sqrt3A = math.sqrt %broadcast_in_dim3A : vector<128x1xf32>
    %max3A = arith.constant 9.99999996E-13 : f32
    %max3A_3 = vector.broadcast %max3A : f32 to vector<128x1xf32>
    %max3A_4 = arith.maximumf %sqrt3A, %max3A_3 : vector<128x1xf32>
    %div3A = vector.broadcast %max3A_4 : vector<128x1xf32> to vector<128x1024xf32>
    %div3A_5 = arith.divf %get3A_1, %div3A : vector<128x1024xf32>
    %mul3A_6 = arith.constant 3.200000e+01 : f32
    %mul3A_7 = vector.broadcast %mul3A_6 : f32 to vector<128x1024xf32>
    %mul3A_8 = arith.mulf %div3A_5, %mul3A_7 : vector<128x1024xf32>
    %get3A_9 = arith.constant 0 : index
    %get3A_10 = arith.constant 0 : index
    %get3A_11 = arith.constant 0 : index
    %get3A_12 = vector.load %arg7[%get3A_9, %get3A_10, %get3A_11] : memref<1x1x1024xf32, #tpu.memory_space<vmem>>, vector<1x1x1024xf32>
    %get3A_13 = vector.shape_cast %get3A_12 : vector<1x1x1024xf32> to vector<1024xf32>
    %broadcast_in_dim3A_14 = vector.shape_cast %get3A_13 : vector<1024xf32> to vector<1x1024xf32>
    %mul3A_15 = vector.broadcast %broadcast_in_dim3A_14 : vector<1x1024xf32> to vector<128x1024xf32>
    %mul3A_16 = arith.mulf %mul3A_8, %mul3A_15 : vector<128x1024xf32>
    %get3A_17 = arith.constant 0 : index
    %get3A_18 = arith.constant 0 : index
    %get3A_19 = vector.load %arg3[%get3A_17, %get3A_18] : memref<256x1024xf32, #tpu.memory_space<vmem>>, vector<256x1024xf32>
    %mul3A_20 = arith.mulf %get3A_19, %get3A_19 : vector<256x1024xf32>
    %reduce_sum3A_21 = arith.constant dense<0.000000e+00> : vector<256xf32>
    %reduce_sum3A_22 = vector.multi_reduction <add>, %mul3A_20, %reduce_sum3A_21 [1] : vector<256x1024xf32> to vector<256xf32>
    %broadcast_in_dim3A_23 = vector.shape_cast %reduce_sum3A_22 : vector<256xf32> to vector<256x1xf32>
    %sqrt3A_24 = math.sqrt %broadcast_in_dim3A_23 : vector<256x1xf32>
    %max3A_25 = arith.constant 9.99999996E-13 : f32
    %max3A_26 = vector.broadcast %max3A_25 : f32 to vector<256x1xf32>
    %max3A_27 = arith.maximumf %sqrt3A_24, %max3A_26 : vector<256x1xf32>
    %div3A_28 = vector.broadcast %max3A_27 : vector<256x1xf32> to vector<256x1024xf32>
    %div3A_29 = arith.divf %get3A_19, %div3A_28 : vector<256x1024xf32>
    %mul3A_30 = arith.constant 3.200000e+01 : f32
    %mul3A_31 = vector.broadcast %mul3A_30 : f32 to vector<256x1024xf32>
    %mul3A_32 = arith.mulf %div3A_29, %mul3A_31 : vector<256x1024xf32>
    %get3A_33 = arith.constant 0 : index
    %get3A_34 = arith.constant 0 : index
    %get3A_35 = arith.constant 0 : index
    %get3A_36 = vector.load %arg8[%get3A_33, %get3A_34, %get3A_35] : memref<1x1x1024xf32, #tpu.memory_space<vmem>>, vector<1x1x1024xf32>
    %get3A_37 = vector.shape_cast %get3A_36 : vector<1x1x1024xf32> to vector<1024xf32>
    %broadcast_in_dim3A_38 = vector.shape_cast %get3A_37 : vector<1024xf32> to vector<1x1024xf32>
    %mul3A_39 = vector.broadcast %broadcast_in_dim3A_38 : vector<1x1024xf32> to vector<256x1024xf32>
    %mul3A_40 = arith.mulf %mul3A_32, %mul3A_39 : vector<256x1024xf32>
    %convert_element_type3A = arith.truncf %mul3A_16 : vector<128x1024xf32> to vector<128x1024xbf16>
    %get3A_41 = arith.constant 0 : index
    %get3A_42 = arith.constant 0 : index
    %get3A_43 = arith.constant 0 : index
    %get3A_44 = vector.load %arg9[%get3A_41, %get3A_42, %get3A_43] : memref<1x1024x1024xbf16, #tpu.memory_space<vmem>>, vector<1x1024x1024xbf16>
    %get3A_45 = vector.shape_cast %get3A_44 : vector<1x1024x1024xbf16> to vector<1024x1024xbf16>
    %dot_general3A = arith.constant dense<0.000000e+00> : vector<128x1024xf32>
    %dot_general3A_46 = tpu.matmul %convert_element_type3A, %get3A_45, %dot_general3A {dimension_numbers = #tpu.dot_dimension_numbers<[1], [1], [0], [0], [0, 0, 1, 0], [], []>, transpose_lhs_hint = false} : vector<128x1024xbf16>, vector<1024x1024xbf16>, vector<128x1024xf32> -> vector<128x1024xf32>
    %convert_element_type3A_47 = arith.truncf %mul3A_40 : vector<256x1024xf32> to vector<256x1024xbf16>
    %get3A_48 = arith.constant 0 : index
    %get3A_49 = arith.constant 0 : index
    %get3A_50 = arith.constant 0 : index
    %get3A_51 = vector.load %arg10[%get3A_48, %get3A_49, %get3A_50] : memref<1x2048x1024xbf16, #tpu.memory_space<vmem>>, vector<1x2048x1024xbf16>
    %get3A_52 = vector.shape_cast %get3A_51 : vector<1x2048x1024xbf16> to vector<2048x1024xbf16>
    %dot_general3A_53 = arith.constant dense<0.000000e+00> : vector<256x2048xf32>
    %dot_general3A_54 = tpu.matmul %convert_element_type3A_47, %get3A_52, %dot_general3A_53 {dimension_numbers = #tpu.dot_dimension_numbers<[1], [1], [0], [0], [0, 0, 1, 0], [], []>, transpose_lhs_hint = false} : vector<256x1024xbf16>, vector<2048x1024xbf16>, vector<256x2048xf32> -> vector<256x2048xf32>
    %slice3A = vector.extract_strided_slice %dot_general3A_54 {offsets = [0, 0], sizes = [256, 1024], strides = [1, 1]} : vector<256x2048xf32> to vector<256x1024xf32>
    %slice3A_55 = vector.extract_strided_slice %dot_general3A_54 {offsets = [0, 1024], sizes = [256, 1024], strides = [1, 1]} : vector<256x2048xf32> to vector<256x1024xf32>
    %get3A_56 = arith.constant 0 : index
    %get3A_57 = arith.constant 0 : index
    %get3A_58 = arith.constant 0 : index
    %get3A_59 = vector.load %arg5[%get3A_56, %get3A_57, %get3A_58] : memref<1x1x256xf32, #tpu.memory_space<vmem>>, vector<1x1x256xf32>
    %get3A_60 = vector.shape_cast %get3A_59 : vector<1x1x256xf32> to vector<256xf32>
    %broadcast_in_dim3A_61 = vector.shape_cast %get3A_60 : vector<256xf32> to vector<256x1xf32>
    %mul3A_62 = vector.broadcast %broadcast_in_dim3A_61 : vector<256x1xf32> to vector<256x1024xf32>
    %mul3A_63 = arith.mulf %slice3A_55, %mul3A_62 : vector<256x1024xf32>
    %get3A_64 = arith.constant 0 : index
    %get3A_65 = arith.constant 0 : index
    %get3A_66 = arith.constant 0 : index
    %get3A_67 = vector.load %arg6[%get3A_64, %get3A_65, %get3A_66] : memref<1x1x256xf32, #tpu.memory_space<vmem>>, vector<1x1x256xf32>
    %get3A_68 = vector.shape_cast %get3A_67 : vector<1x1x256xf32> to vector<256xf32>
    %broadcast_in_dim3A_69 = vector.shape_cast %get3A_68 : vector<256xf32> to vector<1x256xf32>
    %slice3A_70 = vector.extract_strided_slice %dot_general3A_46 {offsets = [0, 0], sizes = [128, 64], strides = [1, 1]} : vector<128x1024xf32> to vector<128x64xf32>
    %mul3A_71 = arith.constant 1.250000e-01 : f32
    %mul3A_72 = vector.broadcast %mul3A_71 : f32 to vector<128x64xf32>
    %mul3A_73 = arith.mulf %slice3A_70, %mul3A_72 : vector<128x64xf32>
    %slice3A_74 = vector.extract_strided_slice %slice3A {offsets = [0, 0], sizes = [256, 64], strides = [1, 1]} : vector<256x1024xf32> to vector<256x64xf32>
    %slice3A_75 = vector.extract_strided_slice %mul3A_63 {offsets = [0, 0], sizes = [256, 64], strides = [1, 1]} : vector<256x1024xf32> to vector<256x64xf32>
    %dot_general3A_76 = arith.constant dense<0.000000e+00> : vector<128x256xf32>
    %dot_general3A_77 = tpu.matmul %mul3A_73, %slice3A_74, %dot_general3A_76 {dimension_numbers = #tpu.dot_dimension_numbers<[1], [1], [0], [0], [0, 0, 1, 0], [], []>, transpose_lhs_hint = false} : vector<128x64xf32>, vector<256x64xf32>, vector<128x256xf32> -> vector<128x256xf32>
    %add3A = vector.broadcast %broadcast_in_dim3A_69 : vector<1x256xf32> to vector<128x256xf32>
    %add3A_78 = arith.addf %dot_general3A_77, %add3A : vector<128x256xf32>
    %get3A_79 = arith.constant 0 : index
    %get3A_80 = arith.constant 0 : index
    %get3A_81 = arith.constant 0 : index
    %get3A_82 = vector.load %arg12[%get3A_79, %get3A_80, %get3A_81] : memref<1x16x64xf32, #tpu.memory_space<vmem>>, vector<1x1x64xf32>
    %get3A_83 = vector.shape_cast %get3A_82 : vector<1x1x64xf32> to vector<64xf32>
    %broadcast_in_dim3A_84 = vector.shape_cast %get3A_83 : vector<64xf32> to vector<1x64xf32>
    %get3A_85 = arith.constant 0 : index
    %get3A_86 = arith.constant 0 : index
    %get3A_87 = arith.constant 0 : index
    %get3A_88 = vector.load %arg13[%get3A_85, %get3A_86, %get3A_87] : memref<1x16x64xf32, #tpu.memory_space<vmem>>, vector<1x1x64xf32>
    %get3A_89 = vector.shape_cast %get3A_88 : vector<1x1x64xf32> to vector<64xf32>
    %broadcast_in_dim3A_90 = vector.shape_cast %get3A_89 : vector<64xf32> to vector<1x64xf32>
    %mul3A_91 = vector.broadcast %broadcast_in_dim3A_84 : vector<1x64xf32> to vector<128x64xf32>
    %mul3A_92 = arith.mulf %mul3A_73, %mul3A_91 : vector<128x64xf32>
    %reduce_sum3A_93 = arith.constant dense<0.000000e+00> : vector<128xf32>
    %reduce_sum3A_94 = vector.multi_reduction <add>, %mul3A_92, %reduce_sum3A_93 [1] : vector<128x64xf32> to vector<128xf32>
    %reduce_max3A = arith.constant dense<0xFF800000> : vector<128xf32>
    %reduce_max3A_95 = vector.multi_reduction <maximumf>, %add3A_78, %reduce_max3A [1] : vector<128x256xf32> to vector<128xf32>
    %max3A_96 = arith.maximumf %reduce_max3A_95, %reduce_sum3A_94 : vector<128xf32>
    %broadcast_in_dim3A_97 = vector.shape_cast %max3A_96 : vector<128xf32> to vector<128x1xf32>
    %sub3A = vector.broadcast %broadcast_in_dim3A_97 : vector<128x1xf32> to vector<128x256xf32>
    %sub3A_98 = arith.subf %add3A_78, %sub3A : vector<128x256xf32>
    %exp3A = math.exp %sub3A_98 : vector<128x256xf32>
    %sub3A_99 = arith.subf %reduce_sum3A_94, %max3A_96 : vector<128xf32>
    %exp3A_100 = math.exp %sub3A_99 : vector<128xf32>
    %reduce_sum3A_101 = arith.constant dense<0.000000e+00> : vector<128xf32>
    %reduce_sum3A_102 = vector.multi_reduction <add>, %exp3A, %reduce_sum3A_101 [1] : vector<128x256xf32> to vector<128xf32>
    %add3A_103 = arith.addf %reduce_sum3A_102, %exp3A_100 : vector<128xf32>
    %dot_general3A_104 = arith.constant dense<0.000000e+00> : vector<128x64xf32>
    %dot_general3A_105 = tpu.matmul %exp3A, %slice3A_75, %dot_general3A_104 {dimension_numbers = #tpu.dot_dimension_numbers<[1], [0], [0], [1], [0, 0, 1, 1], [], []>, transpose_lhs_hint = false} : vector<128x256xf32>, vector<256x64xf32>, vector<128x64xf32> -> vector<128x64xf32>
    %broadcast_in_dim3A_106 = vector.shape_cast %exp3A_100 : vector<128xf32> to vector<128x1xf32>
    %mul3A_107 = vector.broadcast %broadcast_in_dim3A_106 : vector<128x1xf32> to vector<128x64xf32>
    %mul3A_108 = vector.broadcast %broadcast_in_dim3A_90 : vector<1x64xf32> to vector<128x64xf32>
    %mul3A_109 = arith.mulf %mul3A_107, %mul3A_108 : vector<128x64xf32>
    %add3A_110 = arith.addf %dot_general3A_105, %mul3A_109 : vector<128x64xf32>
    %broadcast_in_dim3A_111 = vector.shape_cast %add3A_103 : vector<128xf32> to vector<128x1xf32>
    %div3A_112 = vector.broadcast %broadcast_in_dim3A_111 : vector<128x1xf32> to vector<128x64xf32>
    %div3A_113 = arith.divf %add3A_110, %div3A_112 : vector<128x64xf32>
    %convert_element_type3A_114 = arith.truncf %div3A_113 : vector<128x64xf32> to vector<128x64xbf16>
    %swap3A = arith.constant 0 : index
    %swap3A_115 = arith.constant 0 : index
    %swap3A_116 = vector.load %arg15[%swap3A, %swap3A_115] : memref<128x1024xbf16, #tpu.memory_space<vmem>>, vector<128x64xbf16>
    tpu.vector_store %arg15[%swap3A, %swap3A_115], %convert_element_type3A_114 {strides = array<i32>} : memref<128x1024xbf16, #tpu.memory_space<vmem>>, vector<128x64xbf16>,
    %slice3A_117 = vector.extract_strided_slice %dot_general3A_46 {offsets = [0, 64], sizes = [128, 64], strides = [1, 1]} : vector<128x1024xf32> to vector<128x64xf32>
    %mul3A_118 = arith.constant 1.250000e-01 : f32
    %mul3A_119 = vector.broadcast %mul3A_118 : f32 to vector<128x64xf32>
    %mul3A_120 = arith.mulf %slice3A_117, %mul3A_119 : vector<128x64xf32>
    %slice3A_121 = vector.extract_strided_slice %slice3A {offsets = [0, 64], sizes = [256, 64], strides = [1, 1]} : vector<256x1024xf32> to vector<256x64xf32>
    %slice3A_122 = vector.extract_strided_slice %mul3A_63 {offsets = [0, 64], sizes = [256, 64], strides = [1, 1]} : vector<256x1024xf32> to vector<256x64xf32>
    %dot_general3A_123 = arith.constant dense<0.000000e+00> : vector<128x256xf32>
    %dot_general3A_124 = tpu.matmul %mul3A_120, %slice3A_121, %dot_general3A_123 {dimension_numbers = #tpu.dot_dimension_numbers<[1], [1], [0], [0], [0, 0, 1, 0], [], []>, transpose_lhs_hint = false} : vector<128x64xf32>, vector<256x64xf32>, vector<128x256xf32> -> vector<128x256xf32>
    %add3A_125 = vector.broadcast %broadcast_in_dim3A_69 : vector<1x256xf32> to vector<128x256xf32>
    %add3A_126 = arith.addf %dot_general3A_124, %add3A_125 : vector<128x256xf32>
    %get3A_127 = arith.constant 0 : index
    %get3A_128 = arith.constant 1 : index
    %get3A_129 = arith.constant 0 : index
    %get3A_130 = vector.load %arg12[%get3A_127, %get3A_128, %get3A_129] : memref<1x16x64xf32, #tpu.memory_space<vmem>>, vector<1x1x64xf32>
    %get3A_131 = vector.shape_cast %get3A_130 : vector<1x1x64xf32> to vector<64xf32>
    %broadcast_in_dim3A_132 = vector.shape_cast %get3A_131 : vector<64xf32> to vector<1x64xf32>
    %get3A_133 = arith.constant 0 : index
    %get3A_134 = arith.constant 1 : index
    %get3A_135 = arith.constant 0 : index
    %get3A_136 = vector.load %arg13[%get3A_133, %get3A_134, %get3A_135] : memref<1x16x64xf32, #tpu.memory_space<vmem>>, vector<1x1x64xf32>
    %get3A_137 = vector.shape_cast %get3A_136 : vector<1x1x64xf32> to vector<64xf32>
    %broadcast_in_dim3A_138 = vector.shape_cast %get3A_137 : vector<64xf32> to vector<1x64xf32>
    %mul3A_139 = vector.broadcast %broadcast_in_dim3A_132 : vector<1x64xf32> to vector<128x64xf32>
    %mul3A_140 = arith.mulf %mul3A_120, %mul3A_139 : vector<128x64xf32>
    %reduce_sum3A_141 = arith.constant dense<0.000000e+00> : vector<128xf32>
    %reduce_sum3A_142 = vector.multi_reduction <add>, %mul3A_140, %reduce_sum3A_141 [1] : vector<128x64xf32> to vector<128xf32>
    %reduce_max3A_143 = arith.constant dense<0xFF800000> : vector<128xf32>
    %reduce_max3A_144 = vector.multi_reduction <maximumf>, %add3A_126, %reduce_max3A_143 [1] : vector<128x256xf32> to vector<128xf32>
    %max3A_145 = arith.maximumf %reduce_max3A_144, %reduce_sum3A_142 : vector<128xf32>
    %broadcast_in_dim3A_146 = vector.shape_cast %max3A_145 : vector<128xf32> to vector<128x1xf32>
    %sub3A_147 = vector.broadcast %broadcast_in_dim3A_146 : vector<128x1xf32> to vector<128x256xf32>
    %sub3A_148 = arith.subf %add3A_126, %sub3A_147 : vector<128x256xf32>
    %exp3A_149 = math.exp %sub3A_148 : vector<128x256xf32>
    %sub3A_150 = arith.subf %reduce_sum3A_142, %max3A_145 : vector<128xf32>
    %exp3A_151 = math.exp %sub3A_150 : vector<128xf32>
    %reduce_sum3A_152 = arith.constant dense<0.000000e+00> : vector<128xf32>
    %reduce_sum3A_153 = vector.multi_reduction <add>, %exp3A_149, %reduce_sum3A_152 [1] : vector<128x256xf32> to vector<128xf32>
    %add3A_154 = arith.addf %reduce_sum3A_153, %exp3A_151 : vector<128xf32>
    %dot_general3A_155 = arith.constant dense<0.000000e+00> : vector<128x64xf32>
    %dot_general3A_156 = tpu.matmul %exp3A_149, %slice3A_122, %dot_general3A_155 {dimension_numbers = #tpu.dot_dimension_numbers<[1], [0], [0], [1], [0, 0, 1, 1], [], []>, transpose_lhs_hint = false} : vector<128x256xf32>, vector<256x64xf32>, vector<128x64xf32> -> vector<128x64xf32>
    %broadcast_in_dim3A_157 = vector.shape_cast %exp3A_151 : vector<128xf32> to vector<128x1xf32>
    %mul3A_158 = vector.broadcast %broadcast_in_dim3A_157 : vector<128x1xf32> to vector<128x64xf32>
    %mul3A_159 = vector.broadcast %broadcast_in_dim3A_138 : vector<1x64xf32> to vector<128x64xf32>
    %mul3A_160 = arith.mulf %mul3A_158, %mul3A_159 : vector<128x64xf32>
    %add3A_161 = arith.addf %dot_general3A_156, %mul3A_160 : vector<128x64xf32>
    %broadcast_in_dim3A_162 = vector.shape_cast %add3A_154 : vector<128xf32> to vector<128x1xf32>
    %div3A_163 = vector.broadcast %broadcast_in_dim3A_162 : vector<128x1xf32> to vector<128x64xf32>
    %div3A_164 = arith.divf %add3A_161, %div3A_163 : vector<128x64xf32>
    %convert_element_type3A_165 = arith.truncf %div3A_164 : vector<128x64xf32> to vector<128x64xbf16>
    %swap3A_166 = arith.constant 0 : index
    %swap3A_167 = arith.constant 64 : index
    %swap3A_168 = vector.load %arg15[%swap3A_166, %swap3A_167] : memref<128x1024xbf16, #tpu.memory_space<vmem>>, vector<128x64xbf16>
    tpu.vector_store %arg15[%swap3A_166, %swap3A_167], %convert_element_type3A_165 {strides = array<i32>} : memref<128x1024xbf16, #tpu.memory_space<vmem>>, vector<128x64xbf16>,
    %slice3A_169 = vector.extract_strided_slice %dot_general3A_46 {offsets = [0, 128], sizes = [128, 64], strides = [1, 1]} : vector<128x1024xf32> to vector<128x64xf32>
    %mul3A_170 = arith.constant 1.250000e-01 : f32
    %mul3A_171 = vector.broadcast %mul3A_170 : f32 to vector<128x64xf32>
    %mul3A_172 = arith.mulf %slice3A_169, %mul3A_171 : vector<128x64xf32>
    %slice3A_173 = vector.extract_strided_slice %slice3A {offsets = [0, 128], sizes = [256, 64], strides = [1, 1]} : vector<256x1024xf32> to vector<256x64xf32>
    %slice3A_174 = vector.extract_strided_slice %mul3A_63 {offsets = [0, 128], sizes = [256, 64], strides = [1, 1]} : vector<256x1024xf32> to vector<256x64xf32>
    %dot_general3A_175 = arith.constant dense<0.000000e+00> : vector<128x256xf32>
    %dot_general3A_176 = tpu.matmul %mul3A_172, %slice3A_173, %dot_general3A_175 {dimension_numbers = #tpu.dot_dimension_numbers<[1], [1], [0], [0], [0, 0, 1, 0], [], []>, transpose_lhs_hint = false} : vector<128x64xf32>, vector<256x64xf32>, vector<128x256xf32> -> vector<128x256xf32>
    %add3A_177 = vector.broadcast %broadcast_in_dim3A_69 : vector<1x256xf32> to vector<128x256xf32>
    %add3A_178 = arith.addf %dot_general3A_176, %add3A_177 : vector<128x256xf32>
    %get3A_179 = arith.constant 0 : index
    %get3A_180 = arith.constant 2 : index
    %get3A_181 = arith.constant 0 : index
    %get3A_182 = vector.load %arg12[%get3A_179, %get3A_180, %get3A_181] : memref<1x16x64xf32, #tpu.memory_space<vmem>>, vector<1x1x64xf32>
    %get3A_183 = vector.shape_cast %get3A_182 : vector<1x1x64xf32> to vector<64xf32>
    %broadcast_in_dim3A_184 = vector.shape_cast %get3A_183 : vector<64xf32> to vector<1x64xf32>
    %get3A_185 = arith.constant 0 : index
    %get3A_186 = arith.constant 2 : index
    %get3A_187 = arith.constant 0 : index
    %get3A_188 = vector.load %arg13[%get3A_185, %get3A_186, %get3A_187] : memref<1x16x64xf32, #tpu.memory_space<vmem>>, vector<1x1x64xf32>
    %get3A_189 = vector.shape_cast %get3A_188 : vector<1x1x64xf32> to vector<64xf32>
    %broadcast_in_dim3A_190 = vector.shape_cast %get3A_189 : vector<64xf32> to vector<1x64xf32>
    %mul3A_191 = vector.broadcast %broadcast_in_dim3A_184 : vector<1x64xf32> to vector<128x64xf32>
    %mul3A_192 = arith.mulf %mul3A_172, %mul3A_191 : vector<128x64xf32>
    %reduce_sum3A_193 = arith.constant dense<0.000000e+00> : vector<128xf32>
    %reduce_sum3A_194 = vector.multi_reduction <add>, %mul3A_192, %reduce_sum3A_193 [1] : vector<128x64xf32> to vector<128xf32>
    %reduce_max3A_195 = arith.constant dense<0xFF800000> : vector<128xf32>
    %reduce_max3A_196 = vector.multi_reduction <maximumf>, %add3A_178, %reduce_max3A_195 [1] : vector<128x256xf32> to vector<128xf32>
    %max3A_197 = arith.maximumf %reduce_max3A_196, %reduce_sum3A_194 : vector<128xf32>
    %broadcast_in_dim3A_198 = vector.shape_cast %max3A_197 : vector<128xf32> to vector<128x1xf32>
    %sub3A_199 = vector.broadcast %broadcast_in_dim3A_198 : vector<128x1xf32> to vector<128x256xf32>
    %sub3A_200 = arith.subf %add3A_178, %sub3A_199 : vector<128x256xf32>
    %exp3A_201 = math.exp %sub3A_200 : vector<128x256xf32>
    %sub3A_202 = arith.subf %reduce_sum3A_194, %max3A_197 : vector<128xf32>
    %exp3A_203 = math.exp %sub3A_202 : vector<128xf32>
    %reduce_sum3A_204 = arith.constant dense<0.000000e+00> : vector<128xf32>
    %reduce_sum3A_205 = vector.multi_reduction <add>, %exp3A_201, %reduce_sum3A_204 [1] : vector<128x256xf32> to vector<128xf32>
    %add3A_206 = arith.addf %reduce_sum3A_205, %exp3A_203 : vector<128xf32>
    %dot_general3A_207 = arith.constant dense<0.000000e+00> : vector<128x64xf32>
    %dot_general3A_208 = tpu.matmul %exp3A_201, %slice3A_174, %dot_general3A_207 {dimension_numbers = #tpu.dot_dimension_numbers<[1], [0], [0], [1], [0, 0, 1, 1], [], []>, transpose_lhs_hint = false} : vector<128x256xf32>, vector<256x64xf32>, vector<128x64xf32> -> vector<128x64xf32>
    %broadcast_in_dim3A_209 = vector.shape_cast %exp3A_203 : vector<128xf32> to vector<128x1xf32>
    %mul3A_210 = vector.broadcast %broadcast_in_dim3A_209 : vector<128x1xf32> to vector<128x64xf32>
    %mul3A_211 = vector.broadcast %broadcast_in_dim3A_190 : vector<1x64xf32> to vector<128x64xf32>
    %mul3A_212 = arith.mulf %mul3A_210, %mul3A_211 : vector<128x64xf32>
    %add3A_213 = arith.addf %dot_general3A_208, %mul3A_212 : vector<128x64xf32>
    %broadcast_in_dim3A_214 = vector.shape_cast %add3A_206 : vector<128xf32> to vector<128x1xf32>
    %div3A_215 = vector.broadcast %broadcast_in_dim3A_214 : vector<128x1xf32> to vector<128x64xf32>
    %div3A_216 = arith.divf %add3A_213, %div3A_215 : vector<128x64xf32>
    %convert_element_type3A_217 = arith.truncf %div3A_216 : vector<128x64xf32> to vector<128x64xbf16>
    %swap3A_218 = arith.constant 0 : index
    %swap3A_219 = arith.constant 128 : index
    %swap3A_220 = vector.load %arg15[%swap3A_218, %swap3A_219] : memref<128x1024xbf16, #tpu.memory_space<vmem>>, vector<128x64xbf16>
    tpu.vector_store %arg15[%swap3A_218, %swap3A_219], %convert_element_type3A_217 {strides = array<i32>} : memref<128x1024xbf16, #tpu.memory_space<vmem>>, vector<128x64xbf16>,
    %slice3A_221 = vector.extract_strided_slice %dot_general3A_46 {offsets = [0, 192], sizes = [128, 64], strides = [1, 1]} : vector<128x1024xf32> to vector<128x64xf32>
    %mul3A_222 = arith.constant 1.250000e-01 : f32
    %mul3A_223 = vector.broadcast %mul3A_222 : f32 to vector<128x64xf32>
    %mul3A_224 = arith.mulf %slice3A_221, %mul3A_223 : vector<128x64xf32>
    %slice3A_225 = vector.extract_strided_slice %slice3A {offsets = [0, 192], sizes = [256, 64], strides = [1, 1]} : vector<256x1024xf32> to vector<256x64xf32>
    %slice3A_226 = vector.extract_strided_slice %mul3A_63 {offsets = [0, 192], sizes = [256, 64], strides = [1, 1]} : vector<256x1024xf32> to vector<256x64xf32>
    %dot_general3A_227 = arith.constant dense<0.000000e+00> : vector<128x256xf32>
    %dot_general3A_228 = tpu.matmul %mul3A_224, %slice3A_225, %dot_general3A_227 {dimension_numbers = #tpu.dot_dimension_numbers<[1], [1], [0], [0], [0, 0, 1, 0], [], []>, transpose_lhs_hint = false} : vector<128x64xf32>, vector<256x64xf32>, vector<128x256xf32> -> vector<128x256xf32>
    %add3A_229 = vector.broadcast %broadcast_in_dim3A_69 : vector<1x256xf32> to vector<128x256xf32>
    %add3A_230 = arith.addf %dot_general3A_228, %add3A_229 : vector<128x256xf32>
    %get3A_231 = arith.constant 0 : index
    %get3A_232 = arith.constant 3 : index
    %get3A_233 = arith.constant 0 : index
    %get3A_234 = vector.load %arg12[%get3A_231, %get3A_232, %get3A_233] : memref<1x16x64xf32, #tpu.memory_space<vmem>>, vector<1x1x64xf32>
    %get3A_235 = vector.shape_cast %get3A_234 : vector<1x1x64xf32> to vector<64xf32>
    %broadcast_in_dim3A_236 = vector.shape_cast %get3A_235 : vector<64xf32> to vector<1x64xf32>
    %get3A_237 = arith.constant 0 : index
    %get3A_238 = arith.constant 3 : index
    %get3A_239 = arith.constant 0 : index
    %get3A_240 = vector.load %arg13[%get3A_237, %get3A_238, %get3A_239] : memref<1x16x64xf32, #tpu.memory_space<vmem>>, vector<1x1x64xf32>
    %get3A_241 = vector.shape_cast %get3A_240 : vector<1x1x64xf32> to vector<64xf32>
    %broadcast_in_dim3A_242 = vector.shape_cast %get3A_241 : vector<64xf32> to vector<1x64xf32>
    %mul3A_243 = vector.broadcast %broadcast_in_dim3A_236 : vector<1x64xf32> to vector<128x64xf32>
    %mul3A_244 = arith.mulf %mul3A_224, %mul3A_243 : vector<128x64xf32>
    %reduce_sum3A_245 = arith.constant dense<0.000000e+00> : vector<128xf32>
    %reduce_sum3A_246 = vector.multi_reduction <add>, %mul3A_244, %reduce_sum3A_245 [1] : vector<128x64xf32> to vector<128xf32>
    %reduce_max3A_247 = arith.constant dense<0xFF800000> : vector<128xf32>
    %reduce_max3A_248 = vector.multi_reduction <maximumf>, %add3A_230, %reduce_max3A_247 [1] : vector<128x256xf32> to vector<128xf32>
    %max3A_249 = arith.maximumf %reduce_max3A_248, %reduce_sum3A_246 : vector<128xf32>
    %broadcast_in_dim3A_250 = vector.shape_cast %max3A_249 : vector<128xf32> to vector<128x1xf32>
    %sub3A_251 = vector.broadcast %broadcast_in_dim3A_250 : vector<128x1xf32> to vector<128x256xf32>
    %sub3A_252 = arith.subf %add3A_230, %sub3A_251 : vector<128x256xf32>
    %exp3A_253 = math.exp %sub3A_252 : vector<128x256xf32>
    %sub3A_254 = arith.subf %reduce_sum3A_246, %max3A_249 : vector<128xf32>
    %exp3A_255 = math.exp %sub3A_254 : vector<128xf32>
    %reduce_sum3A_256 = arith.constant dense<0.000000e+00> : vector<128xf32>
    %reduce_sum3A_257 = vector.multi_reduction <add>, %exp3A_253, %reduce_sum3A_256 [1] : vector<128x256xf32> to vector<128xf32>
    %add3A_258 = arith.addf %reduce_sum3A_257, %exp3A_255 : vector<128xf32>
    %dot_general3A_259 = arith.constant dense<0.000000e+00> : vector<128x64xf32>
    %dot_general3A_260 = tpu.matmul %exp3A_253, %slice3A_226, %dot_general3A_259 {dimension_numbers = #tpu.dot_dimension_numbers<[1], [0], [0], [1], [0, 0, 1, 1], [], []>, transpose_lhs_hint = false} : vector<128x256xf32>, vector<256x64xf32>, vector<128x64xf32> -> vector<128x64xf32>
    %broadcast_in_dim3A_261 = vector.shape_cast %exp3A_255 : vector<128xf32> to vector<128x1xf32>
    %mul3A_262 = vector.broadcast %broadcast_in_dim3A_261 : vector<128x1xf32> to vector<128x64xf32>
    %mul3A_263 = vector.broadcast %broadcast_in_dim3A_242 : vector<1x64xf32> to vector<128x64xf32>
    %mul3A_264 = arith.mulf %mul3A_262, %mul3A_263 : vector<128x64xf32>
    %add3A_265 = arith.addf %dot_general3A_260, %mul3A_264 : vector<128x64xf32>
    %broadcast_in_dim3A_266 = vector.shape_cast %add3A_258 : vector<128xf32> to vector<128x1xf32>
    %div3A_267 = vector.broadcast %broadcast_in_dim3A_266 : vector<128x1xf32> to vector<128x64xf32>
    %div3A_268 = arith.divf %add3A_265, %div3A_267 : vector<128x64xf32>
    %convert_element_type3A_269 = arith.truncf %div3A_268 : vector<128x64xf32> to vector<128x64xbf16>
    %swap3A_270 = arith.constant 0 : index
    %swap3A_271 = arith.constant 192 : index
    %swap3A_272 = vector.load %arg15[%swap3A_270, %swap3A_271] : memref<128x1024xbf16, #tpu.memory_space<vmem>>, vector<128x64xbf16>
    tpu.vector_store %arg15[%swap3A_270, %swap3A_271], %convert_element_type3A_269 {strides = array<i32>} : memref<128x1024xbf16, #tpu.memory_space<vmem>>, vector<128x64xbf16>,
    %slice3A_273 = vector.extract_strided_slice %dot_general3A_46 {offsets = [0, 256], sizes = [128, 64], strides = [1, 1]} : vector<128x1024xf32> to vector<128x64xf32>
    %mul3A_274 = arith.constant 1.250000e-01 : f32
    %mul3A_275 = vector.broadcast %mul3A_274 : f32 to vector<128x64xf32>
    %mul3A_276 = arith.mulf %slice3A_273, %mul3A_275 : vector<128x64xf32>
    %slice3A_277 = vector.extract_strided_slice %slice3A {offsets = [0, 256], sizes = [256, 64], strides = [1, 1]} : vector<256x1024xf32> to vector<256x64xf32>
    %slice3A_278 = vector.extract_strided_slice %mul3A_63 {offsets = [0, 256], sizes = [256, 64], strides = [1, 1]} : vector<256x1024xf32> to vector<256x64xf32>
    %dot_general3A_279 = arith.constant dense<0.000000e+00> : vector<128x256xf32>
    %dot_general3A_280 = tpu.matmul %mul3A_276, %slice3A_277, %dot_general3A_279 {dimension_numbers = #tpu.dot_dimension_numbers<[1], [1], [0], [0], [0, 0, 1, 0], [], []>, transpose_lhs_hint = false} : vector<128x64xf32>, vector<256x64xf32>, vector<128x256xf32> -> vector<128x256xf32>
    %add3A_281 = vector.broadcast %broadcast_in_dim3A_69 : vector<1x256xf32> to vector<128x256xf32>
    %add3A_282 = arith.addf %dot_general3A_280, %add3A_281 : vector<128x256xf32>
    %get3A_283 = arith.constant 0 : index
    %get3A_284 = arith.constant 4 : index
    %get3A_285 = arith.constant 0 : index
    %get3A_286 = vector.load %arg12[%get3A_283, %get3A_284, %get3A_285] : memref<1x16x64xf32, #tpu.memory_space<vmem>>, vector<1x1x64xf32>
    %get3A_287 = vector.shape_cast %get3A_286 : vector<1x1x64xf32> to vector<64xf32>
    %broadcast_in_dim3A_288 = vector.shape_cast %get3A_287 : vector<64xf32> to vector<1x64xf32>
    %get3A_289 = arith.constant 0 : index
    %get3A_290 = arith.constant 4 : index
    %get3A_291 = arith.constant 0 : index
    %get3A_292 = vector.load %arg13[%get3A_289, %get3A_290, %get3A_291] : memref<1x16x64xf32, #tpu.memory_space<vmem>>, vector<1x1x64xf32>
    %get3A_293 = vector.shape_cast %get3A_292 : vector<1x1x64xf32> to vector<64xf32>
    %broadcast_in_dim3A_294 = vector.shape_cast %get3A_293 : vector<64xf32> to vector<1x64xf32>
    %mul3A_295 = vector.broadcast %broadcast_in_dim3A_288 : vector<1x64xf32> to vector<128x64xf32>
    %mul3A_296 = arith.mulf %mul3A_276, %mul3A_295 : vector<128x64xf32>
    %reduce_sum3A_297 = arith.constant dense<0.000000e+00> : vector<128xf32>
    %reduce_sum3A_298 = vector.multi_reduction <add>, %mul3A_296, %reduce_sum3A_297 [1] : vector<128x64xf32> to vector<128xf32>
    %reduce_max3A_299 = arith.constant dense<0xFF800000> : vector<128xf32>
    %reduce_max3A_300 = vector.multi_reduction <maximumf>, %add3A_282, %reduce_max3A_299 [1] : vector<128x256xf32> to vector<128xf32>
    %max3A_301 = arith.maximumf %reduce_max3A_300, %reduce_sum3A_298 : vector<128xf32>
    %broadcast_in_dim3A_302 = vector.shape_cast %max3A_301 : vector<128xf32> to vector<128x1xf32>
    %sub3A_303 = vector.broadcast %broadcast_in_dim3A_302 : vector<128x1xf32> to vector<128x256xf32>
    %sub3A_304 = arith.subf %add3A_282, %sub3A_303 : vector<128x256xf32>
    %exp3A_305 = math.exp %sub3A_304 : vector<128x256xf32>
    %sub3A_306 = arith.subf %reduce_sum3A_298, %max3A_301 : vector<128xf32>
    %exp3A_307 = math.exp %sub3A_306 : vector<128xf32>
    %reduce_sum3A_308 = arith.constant dense<0.000000e+00> : vector<128xf32>
    %reduce_sum3A_309 = vector.multi_reduction <add>, %exp3A_305, %reduce_sum3A_308 [1] : vector<128x256xf32> to vector<128xf32>
    %add3A_310 = arith.addf %reduce_sum3A_309, %exp3A_307 : vector<128xf32>
    %dot_general3A_311 = arith.constant dense<0.000000e+00> : vector<128x64xf32>
    %dot_general3A_312 = tpu.matmul %exp3A_305, %slice3A_278, %dot_general3A_311 {dimension_numbers = #tpu.dot_dimension_numbers<[1], [0], [0], [1], [0, 0, 1, 1], [], []>, transpose_lhs_hint = false} : vector<128x256xf32>, vector<256x64xf32>, vector<128x64xf32> -> vector<128x64xf32>
    %broadcast_in_dim3A_313 = vector.shape_cast %exp3A_307 : vector<128xf32> to vector<128x1xf32>
    %mul3A_314 = vector.broadcast %broadcast_in_dim3A_313 : vector<128x1xf32> to vector<128x64xf32>
    %mul3A_315 = vector.broadcast %broadcast_in_dim3A_294 : vector<1x64xf32> to vector<128x64xf32>
    %mul3A_316 = arith.mulf %mul3A_314, %mul3A_315 : vector<128x64xf32>
    %add3A_317 = arith.addf %dot_general3A_312, %mul3A_316 : vector<128x64xf32>
    %broadcast_in_dim3A_318 = vector.shape_cast %add3A_310 : vector<128xf32> to vector<128x1xf32>
    %div3A_319 = vector.broadcast %broadcast_in_dim3A_318 : vector<128x1xf32> to vector<128x64xf32>
    %div3A_320 = arith.divf %add3A_317, %div3A_319 : vector<128x64xf32>
    %convert_element_type3A_321 = arith.truncf %div3A_320 : vector<128x64xf32> to vector<128x64xbf16>
    %swap3A_322 = arith.constant 0 : index
    %swap3A_323 = arith.constant 256 : index
    %swap3A_324 = vector.load %arg15[%swap3A_322, %swap3A_323] : memref<128x1024xbf16, #tpu.memory_space<vmem>>, vector<128x64xbf16>
    tpu.vector_store %arg15[%swap3A_322, %swap3A_323], %convert_element_type3A_321 {strides = array<i32>} : memref<128x1024xbf16, #tpu.memory_space<vmem>>, vector<128x64xbf16>,
    %slice3A_325 = vector.extract_strided_slice %dot_general3A_46 {offsets = [0, 320], sizes = [128, 64], strides = [1, 1]} : vector<128x1024xf32> to vector<128x64xf32>
    %mul3A_326 = arith.constant 1.250000e-01 : f32
    %mul3A_327 = vector.broadcast %mul3A_326 : f32 to vector<128x64xf32>
    %mul3A_328 = arith.mulf %slice3A_325, %mul3A_327 : vector<128x64xf32>
    %slice3A_329 = vector.extract_strided_slice %slice3A {offsets = [0, 320], sizes = [256, 64], strides = [1, 1]} : vector<256x1024xf32> to vector<256x64xf32>
    %slice3A_330 = vector.extract_strided_slice %mul3A_63 {offsets = [0, 320], sizes = [256, 64], strides = [1, 1]} : vector<256x1024xf32> to vector<256x64xf32>
    %dot_general3A_331 = arith.constant dense<0.000000e+00> : vector<128x256xf32>
    %dot_general3A_332 = tpu.matmul %mul3A_328, %slice3A_329, %dot_general3A_331 {dimension_numbers = #tpu.dot_dimension_numbers<[1], [1], [0], [0], [0, 0, 1, 0], [], []>, transpose_lhs_hint = false} : vector<128x64xf32>, vector<256x64xf32>, vector<128x256xf32> -> vector<128x256xf32>
    %add3A_333 = vector.broadcast %broadcast_in_dim3A_69 : vector<1x256xf32> to vector<128x256xf32>
    %add3A_334 = arith.addf %dot_general3A_332, %add3A_333 : vector<128x256xf32>
    %get3A_335 = arith.constant 0 : index
    %get3A_336 = arith.constant 5 : index
    %get3A_337 = arith.constant 0 : index
    %get3A_338 = vector.load %arg12[%get3A_335, %get3A_336, %get3A_337] : memref<1x16x64xf32, #tpu.memory_space<vmem>>, vector<1x1x64xf32>
    %get3A_339 = vector.shape_cast %get3A_338 : vector<1x1x64xf32> to vector<64xf32>
    %broadcast_in_dim3A_340 = vector.shape_cast %get3A_339 : vector<64xf32> to vector<1x64xf32>
    %get3A_341 = arith.constant 0 : index
    %get3A_342 = arith.constant 5 : index
    %get3A_343 = arith.constant 0 : index
    %get3A_344 = vector.load %arg13[%get3A_341, %get3A_342, %get3A_343] : memref<1x16x64xf32, #tpu.memory_space<vmem>>, vector<1x1x64xf32>
    %get3A_345 = vector.shape_cast %get3A_344 : vector<1x1x64xf32> to vector<64xf32>
    %broadcast_in_dim3A_346 = vector.shape_cast %get3A_345 : vector<64xf32> to vector<1x64xf32>
    %mul3A_347 = vector.broadcast %broadcast_in_dim3A_340 : vector<1x64xf32> to vector<128x64xf32>
    %mul3A_348 = arith.mulf %mul3A_328, %mul3A_347 : vector<128x64xf32>
    %reduce_sum3A_349 = arith.constant dense<0.000000e+00> : vector<128xf32>
    %reduce_sum3A_350 = vector.multi_reduction <add>, %mul3A_348, %reduce_sum3A_349 [1] : vector<128x64xf32> to vector<128xf32>
    %reduce_max3A_351 = arith.constant dense<0xFF800000> : vector<128xf32>
    %reduce_max3A_352 = vector.multi_reduction <maximumf>, %add3A_334, %reduce_max3A_351 [1] : vector<128x256xf32> to vector<128xf32>
    %max3A_353 = arith.maximumf %reduce_max3A_352, %reduce_sum3A_350 : vector<128xf32>
    %broadcast_in_dim3A_354 = vector.shape_cast %max3A_353 : vector<128xf32> to vector<128x1xf32>
    %sub3A_355 = vector.broadcast %broadcast_in_dim3A_354 : vector<128x1xf32> to vector<128x256xf32>
    %sub3A_356 = arith.subf %add3A_334, %sub3A_355 : vector<128x256xf32>
    %exp3A_357 = math.exp %sub3A_356 : vector<128x256xf32>
    %sub3A_358 = arith.subf %reduce_sum3A_350, %max3A_353 : vector<128xf32>
    %exp3A_359 = math.exp %sub3A_358 : vector<128xf32>
    %reduce_sum3A_360 = arith.constant dense<0.000000e+00> : vector<128xf32>
    %reduce_sum3A_361 = vector.multi_reduction <add>, %exp3A_357, %reduce_sum3A_360 [1] : vector<128x256xf32> to vector<128xf32>
    %add3A_362 = arith.addf %reduce_sum3A_361, %exp3A_359 : vector<128xf32>
    %dot_general3A_363 = arith.constant dense<0.000000e+00> : vector<128x64xf32>
    %dot_general3A_364 = tpu.matmul %exp3A_357, %slice3A_330, %dot_general3A_363 {dimension_numbers = #tpu.dot_dimension_numbers<[1], [0], [0], [1], [0, 0, 1, 1], [], []>, transpose_lhs_hint = false} : vector<128x256xf32>, vector<256x64xf32>, vector<128x64xf32> -> vector<128x64xf32>
    %broadcast_in_dim3A_365 = vector.shape_cast %exp3A_359 : vector<128xf32> to vector<128x1xf32>
    %mul3A_366 = vector.broadcast %broadcast_in_dim3A_365 : vector<128x1xf32> to vector<128x64xf32>
    %mul3A_367 = vector.broadcast %broadcast_in_dim3A_346 : vector<1x64xf32> to vector<128x64xf32>
    %mul3A_368 = arith.mulf %mul3A_366, %mul3A_367 : vector<128x64xf32>
    %add3A_369 = arith.addf %dot_general3A_364, %mul3A_368 : vector<128x64xf32>
    %broadcast_in_dim3A_370 = vector.shape_cast %add3A_362 : vector<128xf32> to vector<128x1xf32>
    %div3A_371 = vector.broadcast %broadcast_in_dim3A_370 : vector<128x1xf32> to vector<128x64xf32>
    %div3A_372 = arith.divf %add3A_369, %div3A_371 : vector<128x64xf32>
    %convert_element_type3A_373 = arith.truncf %div3A_372 : vector<128x64xf32> to vector<128x64xbf16>
    %swap3A_374 = arith.constant 0 : index
    %swap3A_375 = arith.constant 320 : index
    %swap3A_376 = vector.load %arg15[%swap3A_374, %swap3A_375] : memref<128x1024xbf16, #tpu.memory_space<vmem>>, vector<128x64xbf16>
    tpu.vector_store %arg15[%swap3A_374, %swap3A_375], %convert_element_type3A_373 {strides = array<i32>} : memref<128x1024xbf16, #tpu.memory_space<vmem>>, vector<128x64xbf16>,
    %slice3A_377 = vector.extract_strided_slice %dot_general3A_46 {offsets = [0, 384], sizes = [128, 64], strides = [1, 1]} : vector<128x1024xf32> to vector<128x64xf32>
    %mul3A_378 = arith.constant 1.250000e-01 : f32
    %mul3A_379 = vector.broadcast %mul3A_378 : f32 to vector<128x64xf32>
    %mul3A_380 = arith.mulf %slice3A_377, %mul3A_379 : vector<128x64xf32>
    %slice3A_381 = vector.extract_strided_slice %slice3A {offsets = [0, 384], sizes = [256, 64], strides = [1, 1]} : vector<256x1024xf32> to vector<256x64xf32>
    %slice3A_382 = vector.extract_strided_slice %mul3A_63 {offsets = [0, 384], sizes = [256, 64], strides = [1, 1]} : vector<256x1024xf32> to vector<256x64xf32>
    %dot_general3A_383 = arith.constant dense<0.000000e+00> : vector<128x256xf32>
    %dot_general3A_384 = tpu.matmul %mul3A_380, %slice3A_381, %dot_general3A_383 {dimension_numbers = #tpu.dot_dimension_numbers<[1], [1], [0], [0], [0, 0, 1, 0], [], []>, transpose_lhs_hint = false} : vector<128x64xf32>, vector<256x64xf32>, vector<128x256xf32> -> vector<128x256xf32>
    %add3A_385 = vector.broadcast %broadcast_in_dim3A_69 : vector<1x256xf32> to vector<128x256xf32>
    %add3A_386 = arith.addf %dot_general3A_384, %add3A_385 : vector<128x256xf32>
    %get3A_387 = arith.constant 0 : index
    %get3A_388 = arith.constant 6 : index
    %get3A_389 = arith.constant 0 : index
    %get3A_390 = vector.load %arg12[%get3A_387, %get3A_388, %get3A_389] : memref<1x16x64xf32, #tpu.memory_space<vmem>>, vector<1x1x64xf32>
    %get3A_391 = vector.shape_cast %get3A_390 : vector<1x1x64xf32> to vector<64xf32>
    %broadcast_in_dim3A_392 = vector.shape_cast %get3A_391 : vector<64xf32> to vector<1x64xf32>
    %get3A_393 = arith.constant 0 : index
    %get3A_394 = arith.constant 6 : index
    %get3A_395 = arith.constant 0 : index
    %get3A_396 = vector.load %arg13[%get3A_393, %get3A_394, %get3A_395] : memref<1x16x64xf32, #tpu.memory_space<vmem>>, vector<1x1x64xf32>
    %get3A_397 = vector.shape_cast %get3A_396 : vector<1x1x64xf32> to vector<64xf32>
    %broadcast_in_dim3A_398 = vector.shape_cast %get3A_397 : vector<64xf32> to vector<1x64xf32>
    %mul3A_399 = vector.broadcast %broadcast_in_dim3A_392 : vector<1x64xf32> to vector<128x64xf32>
    %mul3A_400 = arith.mulf %mul3A_380, %mul3A_399 : vector<128x64xf32>
    %reduce_sum3A_401 = arith.constant dense<0.000000e+00> : vector<128xf32>
    %reduce_sum3A_402 = vector.multi_reduction <add>, %mul3A_400, %reduce_sum3A_401 [1] : vector<128x64xf32> to vector<128xf32>
    %reduce_max3A_403 = arith.constant dense<0xFF800000> : vector<128xf32>
    %reduce_max3A_404 = vector.multi_reduction <maximumf>, %add3A_386, %reduce_max3A_403 [1] : vector<128x256xf32> to vector<128xf32>
    %max3A_405 = arith.maximumf %reduce_max3A_404, %reduce_sum3A_402 : vector<128xf32>
    %broadcast_in_dim3A_406 = vector.shape_cast %max3A_405 : vector<128xf32> to vector<128x1xf32>
    %sub3A_407 = vector.broadcast %broadcast_in_dim3A_406 : vector<128x1xf32> to vector<128x256xf32>
    %sub3A_408 = arith.subf %add3A_386, %sub3A_407 : vector<128x256xf32>
    %exp3A_409 = math.exp %sub3A_408 : vector<128x256xf32>
    %sub3A_410 = arith.subf %reduce_sum3A_402, %max3A_405 : vector<128xf32>
    %exp3A_411 = math.exp %sub3A_410 : vector<128xf32>
    %reduce_sum3A_412 = arith.constant dense<0.000000e+00> : vector<128xf32>
    %reduce_sum3A_413 = vector.multi_reduction <add>, %exp3A_409, %reduce_sum3A_412 [1] : vector<128x256xf32> to vector<128xf32>
    %add3A_414 = arith.addf %reduce_sum3A_413, %exp3A_411 : vector<128xf32>
    %dot_general3A_415 = arith.constant dense<0.000000e+00> : vector<128x64xf32>
    %dot_general3A_416 = tpu.matmul %exp3A_409, %slice3A_382, %dot_general3A_415 {dimension_numbers = #tpu.dot_dimension_numbers<[1], [0], [0], [1], [0, 0, 1, 1], [], []>, transpose_lhs_hint = false} : vector<128x256xf32>, vector<256x64xf32>, vector<128x64xf32> -> vector<128x64xf32>
    %broadcast_in_dim3A_417 = vector.shape_cast %exp3A_411 : vector<128xf32> to vector<128x1xf32>
    %mul3A_418 = vector.broadcast %broadcast_in_dim3A_417 : vector<128x1xf32> to vector<128x64xf32>
    %mul3A_419 = vector.broadcast %broadcast_in_dim3A_398 : vector<1x64xf32> to vector<128x64xf32>
    %mul3A_420 = arith.mulf %mul3A_418, %mul3A_419 : vector<128x64xf32>
    %add3A_421 = arith.addf %dot_general3A_416, %mul3A_420 : vector<128x64xf32>
    %broadcast_in_dim3A_422 = vector.shape_cast %add3A_414 : vector<128xf32> to vector<128x1xf32>
    %div3A_423 = vector.broadcast %broadcast_in_dim3A_422 : vector<128x1xf32> to vector<128x64xf32>
    %div3A_424 = arith.divf %add3A_421, %div3A_423 : vector<128x64xf32>
    %convert_element_type3A_425 = arith.truncf %div3A_424 : vector<128x64xf32> to vector<128x64xbf16>
    %swap3A_426 = arith.constant 0 : index
    %swap3A_427 = arith.constant 384 : index
    %swap3A_428 = vector.load %arg15[%swap3A_426, %swap3A_427] : memref<128x1024xbf16, #tpu.memory_space<vmem>>, vector<128x64xbf16>
    tpu.vector_store %arg15[%swap3A_426, %swap3A_427], %convert_element_type3A_425 {strides = array<i32>} : memref<128x1024xbf16, #tpu.memory_space<vmem>>, vector<128x64xbf16>,
    %slice3A_429 = vector.extract_strided_slice %dot_general3A_46 {offsets = [0, 448], sizes = [128, 64], strides = [1, 1]} : vector<128x1024xf32> to vector<128x64xf32>
    %mul3A_430 = arith.constant 1.250000e-01 : f32
    %mul3A_431 = vector.broadcast %mul3A_430 : f32 to vector<128x64xf32>
    %mul3A_432 = arith.mulf %slice3A_429, %mul3A_431 : vector<128x64xf32>
    %slice3A_433 = vector.extract_strided_slice %slice3A {offsets = [0, 448], sizes = [256, 64], strides = [1, 1]} : vector<256x1024xf32> to vector<256x64xf32>
    %slice3A_434 = vector.extract_strided_slice %mul3A_63 {offsets = [0, 448], sizes = [256, 64], strides = [1, 1]} : vector<256x1024xf32> to vector<256x64xf32>
    %dot_general3A_435 = arith.constant dense<0.000000e+00> : vector<128x256xf32>
    %dot_general3A_436 = tpu.matmul %mul3A_432, %slice3A_433, %dot_general3A_435 {dimension_numbers = #tpu.dot_dimension_numbers<[1], [1], [0], [0], [0, 0, 1, 0], [], []>, transpose_lhs_hint = false} : vector<128x64xf32>, vector<256x64xf32>, vector<128x256xf32> -> vector<128x256xf32>
    %add3A_437 = vector.broadcast %broadcast_in_dim3A_69 : vector<1x256xf32> to vector<128x256xf32>
    %add3A_438 = arith.addf %dot_general3A_436, %add3A_437 : vector<128x256xf32>
    %get3A_439 = arith.constant 0 : index
    %get3A_440 = arith.constant 7 : index
    %get3A_441 = arith.constant 0 : index
    %get3A_442 = vector.load %arg12[%get3A_439, %get3A_440, %get3A_441] : memref<1x16x64xf32, #tpu.memory_space<vmem>>, vector<1x1x64xf32>
    %get3A_443 = vector.shape_cast %get3A_442 : vector<1x1x64xf32> to vector<64xf32>
    %broadcast_in_dim3A_444 = vector.shape_cast %get3A_443 : vector<64xf32> to vector<1x64xf32>
    %get3A_445 = arith.constant 0 : index
    %get3A_446 = arith.constant 7 : index
    %get3A_447 = arith.constant 0 : index
    %get3A_448 = vector.load %arg13[%get3A_445, %get3A_446, %get3A_447] : memref<1x16x64xf32, #tpu.memory_space<vmem>>, vector<1x1x64xf32>
    %get3A_449 = vector.shape_cast %get3A_448 : vector<1x1x64xf32> to vector<64xf32>
    %broadcast_in_dim3A_450 = vector.shape_cast %get3A_449 : vector<64xf32> to vector<1x64xf32>
    %mul3A_451 = vector.broadcast %broadcast_in_dim3A_444 : vector<1x64xf32> to vector<128x64xf32>
    %mul3A_452 = arith.mulf %mul3A_432, %mul3A_451 : vector<128x64xf32>
    %reduce_sum3A_453 = arith.constant dense<0.000000e+00> : vector<128xf32>
    %reduce_sum3A_454 = vector.multi_reduction <add>, %mul3A_452, %reduce_sum3A_453 [1] : vector<128x64xf32> to vector<128xf32>
    %reduce_max3A_455 = arith.constant dense<0xFF800000> : vector<128xf32>
    %reduce_max3A_456 = vector.multi_reduction <maximumf>, %add3A_438, %reduce_max3A_455 [1] : vector<128x256xf32> to vector<128xf32>
    %max3A_457 = arith.maximumf %reduce_max3A_456, %reduce_sum3A_454 : vector<128xf32>
    %broadcast_in_dim3A_458 = vector.shape_cast %max3A_457 : vector<128xf32> to vector<128x1xf32>
    %sub3A_459 = vector.broadcast %broadcast_in_dim3A_458 : vector<128x1xf32> to vector<128x256xf32>
    %sub3A_460 = arith.subf %add3A_438, %sub3A_459 : vector<128x256xf32>
    %exp3A_461 = math.exp %sub3A_460 : vector<128x256xf32>
    %sub3A_462 = arith.subf %reduce_sum3A_454, %max3A_457 : vector<128xf32>
    %exp3A_463 = math.exp %sub3A_462 : vector<128xf32>
    %reduce_sum3A_464 = arith.constant dense<0.000000e+00> : vector<128xf32>
    %reduce_sum3A_465 = vector.multi_reduction <add>, %exp3A_461, %reduce_sum3A_464 [1] : vector<128x256xf32> to vector<128xf32>
    %add3A_466 = arith.addf %reduce_sum3A_465, %exp3A_463 : vector<128xf32>
    %dot_general3A_467 = arith.constant dense<0.000000e+00> : vector<128x64xf32>
    %dot_general3A_468 = tpu.matmul %exp3A_461, %slice3A_434, %dot_general3A_467 {dimension_numbers = #tpu.dot_dimension_numbers<[1], [0], [0], [1], [0, 0, 1, 1], [], []>, transpose_lhs_hint = false} : vector<128x256xf32>, vector<256x64xf32>, vector<128x64xf32> -> vector<128x64xf32>
    %broadcast_in_dim3A_469 = vector.shape_cast %exp3A_463 : vector<128xf32> to vector<128x1xf32>
    %mul3A_470 = vector.broadcast %broadcast_in_dim3A_469 : vector<128x1xf32> to vector<128x64xf32>
    %mul3A_471 = vector.broadcast %broadcast_in_dim3A_450 : vector<1x64xf32> to vector<128x64xf32>
    %mul3A_472 = arith.mulf %mul3A_470, %mul3A_471 : vector<128x64xf32>
    %add3A_473 = arith.addf %dot_general3A_468, %mul3A_472 : vector<128x64xf32>
    %broadcast_in_dim3A_474 = vector.shape_cast %add3A_466 : vector<128xf32> to vector<128x1xf32>
    %div3A_475 = vector.broadcast %broadcast_in_dim3A_474 : vector<128x1xf32> to vector<128x64xf32>
    %div3A_476 = arith.divf %add3A_473, %div3A_475 : vector<128x64xf32>
    %convert_element_type3A_477 = arith.truncf %div3A_476 : vector<128x64xf32> to vector<128x64xbf16>
    %swap3A_478 = arith.constant 0 : index
    %swap3A_479 = arith.constant 448 : index
    %swap3A_480 = vector.load %arg15[%swap3A_478, %swap3A_479] : memref<128x1024xbf16, #tpu.memory_space<vmem>>, vector<128x64xbf16>
    tpu.vector_store %arg15[%swap3A_478, %swap3A_479], %convert_element_type3A_477 {strides = array<i32>} : memref<128x1024xbf16, #tpu.memory_space<vmem>>, vector<128x64xbf16>,
    %slice3A_481 = vector.extract_strided_slice %dot_general3A_46 {offsets = [0, 512], sizes = [128, 64], strides = [1, 1]} : vector<128x1024xf32> to vector<128x64xf32>
    %mul3A_482 = arith.constant 1.250000e-01 : f32
    %mul3A_483 = vector.broadcast %mul3A_482 : f32 to vector<128x64xf32>
    %mul3A_484 = arith.mulf %slice3A_481, %mul3A_483 : vector<128x64xf32>
    %slice3A_485 = vector.extract_strided_slice %slice3A {offsets = [0, 512], sizes = [256, 64], strides = [1, 1]} : vector<256x1024xf32> to vector<256x64xf32>
    %slice3A_486 = vector.extract_strided_slice %mul3A_63 {offsets = [0, 512], sizes = [256, 64], strides = [1, 1]} : vector<256x1024xf32> to vector<256x64xf32>
    %dot_general3A_487 = arith.constant dense<0.000000e+00> : vector<128x256xf32>
    %dot_general3A_488 = tpu.matmul %mul3A_484, %slice3A_485, %dot_general3A_487 {dimension_numbers = #tpu.dot_dimension_numbers<[1], [1], [0], [0], [0, 0, 1, 0], [], []>, transpose_lhs_hint = false} : vector<128x64xf32>, vector<256x64xf32>, vector<128x256xf32> -> vector<128x256xf32>
    %add3A_489 = vector.broadcast %broadcast_in_dim3A_69 : vector<1x256xf32> to vector<128x256xf32>
    %add3A_490 = arith.addf %dot_general3A_488, %add3A_489 : vector<128x256xf32>
    %get3A_491 = arith.constant 0 : index
    %get3A_492 = arith.constant 8 : index
    %get3A_493 = arith.constant 0 : index
    %get3A_494 = vector.load %arg12[%get3A_491, %get3A_492, %get3A_493] : memref<1x16x64xf32, #tpu.memory_space<vmem>>, vector<1x1x64xf32>
    %get3A_495 = vector.shape_cast %get3A_494 : vector<1x1x64xf32> to vector<64xf32>
    %broadcast_in_dim3A_496 = vector.shape_cast %get3A_495 : vector<64xf32> to vector<1x64xf32>
    %get3A_497 = arith.constant 0 : index
    %get3A_498 = arith.constant 8 : index
    %get3A_499 = arith.constant 0 : index
    %get3A_500 = vector.load %arg13[%get3A_497, %get3A_498, %get3A_499] : memref<1x16x64xf32, #tpu.memory_space<vmem>>, vector<1x1x64xf32>
    %get3A_501 = vector.shape_cast %get3A_500 : vector<1x1x64xf32> to vector<64xf32>
    %broadcast_in_dim3A_502 = vector.shape_cast %get3A_501 : vector<64xf32> to vector<1x64xf32>
    %mul3A_503 = vector.broadcast %broadcast_in_dim3A_496 : vector<1x64xf32> to vector<128x64xf32>
    %mul3A_504 = arith.mulf %mul3A_484, %mul3A_503 : vector<128x64xf32>
    %reduce_sum3A_505 = arith.constant dense<0.000000e+00> : vector<128xf32>
    %reduce_sum3A_506 = vector.multi_reduction <add>, %mul3A_504, %reduce_sum3A_505 [1] : vector<128x64xf32> to vector<128xf32>
    %reduce_max3A_507 = arith.constant dense<0xFF800000> : vector<128xf32>
    %reduce_max3A_508 = vector.multi_reduction <maximumf>, %add3A_490, %reduce_max3A_507 [1] : vector<128x256xf32> to vector<128xf32>
    %max3A_509 = arith.maximumf %reduce_max3A_508, %reduce_sum3A_506 : vector<128xf32>
    %broadcast_in_dim3A_510 = vector.shape_cast %max3A_509 : vector<128xf32> to vector<128x1xf32>
    %sub3A_511 = vector.broadcast %broadcast_in_dim3A_510 : vector<128x1xf32> to vector<128x256xf32>
    %sub3A_512 = arith.subf %add3A_490, %sub3A_511 : vector<128x256xf32>
    %exp3A_513 = math.exp %sub3A_512 : vector<128x256xf32>
    %sub3A_514 = arith.subf %reduce_sum3A_506, %max3A_509 : vector<128xf32>
    %exp3A_515 = math.exp %sub3A_514 : vector<128xf32>
    %reduce_sum3A_516 = arith.constant dense<0.000000e+00> : vector<128xf32>
    %reduce_sum3A_517 = vector.multi_reduction <add>, %exp3A_513, %reduce_sum3A_516 [1] : vector<128x256xf32> to vector<128xf32>
    %add3A_518 = arith.addf %reduce_sum3A_517, %exp3A_515 : vector<128xf32>
    %dot_general3A_519 = arith.constant dense<0.000000e+00> : vector<128x64xf32>
    %dot_general3A_520 = tpu.matmul %exp3A_513, %slice3A_486, %dot_general3A_519 {dimension_numbers = #tpu.dot_dimension_numbers<[1], [0], [0], [1], [0, 0, 1, 1], [], []>, transpose_lhs_hint = false} : vector<128x256xf32>, vector<256x64xf32>, vector<128x64xf32> -> vector<128x64xf32>
    %broadcast_in_dim3A_521 = vector.shape_cast %exp3A_515 : vector<128xf32> to vector<128x1xf32>
    %mul3A_522 = vector.broadcast %broadcast_in_dim3A_521 : vector<128x1xf32> to vector<128x64xf32>
    %mul3A_523 = vector.broadcast %broadcast_in_dim3A_502 : vector<1x64xf32> to vector<128x64xf32>
    %mul3A_524 = arith.mulf %mul3A_522, %mul3A_523 : vector<128x64xf32>
    %add3A_525 = arith.addf %dot_general3A_520, %mul3A_524 : vector<128x64xf32>
    %broadcast_in_dim3A_526 = vector.shape_cast %add3A_518 : vector<128xf32> to vector<128x1xf32>
    %div3A_527 = vector.broadcast %broadcast_in_dim3A_526 : vector<128x1xf32> to vector<128x64xf32>
    %div3A_528 = arith.divf %add3A_525, %div3A_527 : vector<128x64xf32>
    %convert_element_type3A_529 = arith.truncf %div3A_528 : vector<128x64xf32> to vector<128x64xbf16>
    %swap3A_530 = arith.constant 0 : index
    %swap3A_531 = arith.constant 512 : index
    %swap3A_532 = vector.load %arg15[%swap3A_530, %swap3A_531] : memref<128x1024xbf16, #tpu.memory_space<vmem>>, vector<128x64xbf16>
    tpu.vector_store %arg15[%swap3A_530, %swap3A_531], %convert_element_type3A_529 {strides = array<i32>} : memref<128x1024xbf16, #tpu.memory_space<vmem>>, vector<128x64xbf16>,
    %slice3A_533 = vector.extract_strided_slice %dot_general3A_46 {offsets = [0, 576], sizes = [128, 64], strides = [1, 1]} : vector<128x1024xf32> to vector<128x64xf32>
    %mul3A_534 = arith.constant 1.250000e-01 : f32
    %mul3A_535 = vector.broadcast %mul3A_534 : f32 to vector<128x64xf32>
    %mul3A_536 = arith.mulf %slice3A_533, %mul3A_535 : vector<128x64xf32>
    %slice3A_537 = vector.extract_strided_slice %slice3A {offsets = [0, 576], sizes = [256, 64], strides = [1, 1]} : vector<256x1024xf32> to vector<256x64xf32>
    %slice3A_538 = vector.extract_strided_slice %mul3A_63 {offsets = [0, 576], sizes = [256, 64], strides = [1, 1]} : vector<256x1024xf32> to vector<256x64xf32>
    %dot_general3A_539 = arith.constant dense<0.000000e+00> : vector<128x256xf32>
    %dot_general3A_540 = tpu.matmul %mul3A_536, %slice3A_537, %dot_general3A_539 {dimension_numbers = #tpu.dot_dimension_numbers<[1], [1], [0], [0], [0, 0, 1, 0], [], []>, transpose_lhs_hint = false} : vector<128x64xf32>, vector<256x64xf32>, vector<128x256xf32> -> vector<128x256xf32>
    %add3A_541 = vector.broadcast %broadcast_in_dim3A_69 : vector<1x256xf32> to vector<128x256xf32>
    %add3A_542 = arith.addf %dot_general3A_540, %add3A_541 : vector<128x256xf32>
    %get3A_543 = arith.constant 0 : index
    %get3A_544 = arith.constant 9 : index
    %get3A_545 = arith.constant 0 : index
    %get3A_546 = vector.load %arg12[%get3A_543, %get3A_544, %get3A_545] : memref<1x16x64xf32, #tpu.memory_space<vmem>>, vector<1x1x64xf32>
    %get3A_547 = vector.shape_cast %get3A_546 : vector<1x1x64xf32> to vector<64xf32>
    %broadcast_in_dim3A_548 = vector.shape_cast %get3A_547 : vector<64xf32> to vector<1x64xf32>
    %get3A_549 = arith.constant 0 : index
    %get3A_550 = arith.constant 9 : index
    %get3A_551 = arith.constant 0 : index
    %get3A_552 = vector.load %arg13[%get3A_549, %get3A_550, %get3A_551] : memref<1x16x64xf32, #tpu.memory_space<vmem>>, vector<1x1x64xf32>
    %get3A_553 = vector.shape_cast %get3A_552 : vector<1x1x64xf32> to vector<64xf32>
    %broadcast_in_dim3A_554 = vector.shape_cast %get3A_553 : vector<64xf32> to vector<1x64xf32>
    %mul3A_555 = vector.broadcast %broadcast_in_dim3A_548 : vector<1x64xf32> to vector<128x64xf32>
    %mul3A_556 = arith.mulf %mul3A_536, %mul3A_555 : vector<128x64xf32>
    %reduce_sum3A_557 = arith.constant dense<0.000000e+00> : vector<128xf32>
    %reduce_sum3A_558 = vector.multi_reduction <add>, %mul3A_556, %reduce_sum3A_557 [1] : vector<128x64xf32> to vector<128xf32>
    %reduce_max3A_559 = arith.constant dense<0xFF800000> : vector<128xf32>
    %reduce_max3A_560 = vector.multi_reduction <maximumf>, %add3A_542, %reduce_max3A_559 [1] : vector<128x256xf32> to vector<128xf32>
    %max3A_561 = arith.maximumf %reduce_max3A_560, %reduce_sum3A_558 : vector<128xf32>
    %broadcast_in_dim3A_562 = vector.shape_cast %max3A_561 : vector<128xf32> to vector<128x1xf32>
    %sub3A_563 = vector.broadcast %broadcast_in_dim3A_562 : vector<128x1xf32> to vector<128x256xf32>
    %sub3A_564 = arith.subf %add3A_542, %sub3A_563 : vector<128x256xf32>
    %exp3A_565 = math.exp %sub3A_564 : vector<128x256xf32>
    %sub3A_566 = arith.subf %reduce_sum3A_558, %max3A_561 : vector<128xf32>
    %exp3A_567 = math.exp %sub3A_566 : vector<128xf32>
    %reduce_sum3A_568 = arith.constant dense<0.000000e+00> : vector<128xf32>
    %reduce_sum3A_569 = vector.multi_reduction <add>, %exp3A_565, %reduce_sum3A_568 [1] : vector<128x256xf32> to vector<128xf32>
    %add3A_570 = arith.addf %reduce_sum3A_569, %exp3A_567 : vector<128xf32>
    %dot_general3A_571 = arith.constant dense<0.000000e+00> : vector<128x64xf32>
    %dot_general3A_572 = tpu.matmul %exp3A_565, %slice3A_538, %dot_general3A_571 {dimension_numbers = #tpu.dot_dimension_numbers<[1], [0], [0], [1], [0, 0, 1, 1], [], []>, transpose_lhs_hint = false} : vector<128x256xf32>, vector<256x64xf32>, vector<128x64xf32> -> vector<128x64xf32>
    %broadcast_in_dim3A_573 = vector.shape_cast %exp3A_567 : vector<128xf32> to vector<128x1xf32>
    %mul3A_574 = vector.broadcast %broadcast_in_dim3A_573 : vector<128x1xf32> to vector<128x64xf32>
    %mul3A_575 = vector.broadcast %broadcast_in_dim3A_554 : vector<1x64xf32> to vector<128x64xf32>
    %mul3A_576 = arith.mulf %mul3A_574, %mul3A_575 : vector<128x64xf32>
    %add3A_577 = arith.addf %dot_general3A_572, %mul3A_576 : vector<128x64xf32>
    %broadcast_in_dim3A_578 = vector.shape_cast %add3A_570 : vector<128xf32> to vector<128x1xf32>
    %div3A_579 = vector.broadcast %broadcast_in_dim3A_578 : vector<128x1xf32> to vector<128x64xf32>
    %div3A_580 = arith.divf %add3A_577, %div3A_579 : vector<128x64xf32>
    %convert_element_type3A_581 = arith.truncf %div3A_580 : vector<128x64xf32> to vector<128x64xbf16>
    %swap3A_582 = arith.constant 0 : index
    %swap3A_583 = arith.constant 576 : index
    %swap3A_584 = vector.load %arg15[%swap3A_582, %swap3A_583] : memref<128x1024xbf16, #tpu.memory_space<vmem>>, vector<128x64xbf16>
    tpu.vector_store %arg15[%swap3A_582, %swap3A_583], %convert_element_type3A_581 {strides = array<i32>} : memref<128x1024xbf16, #tpu.memory_space<vmem>>, vector<128x64xbf16>,
    %slice3A_585 = vector.extract_strided_slice %dot_general3A_46 {offsets = [0, 640], sizes = [128, 64], strides = [1, 1]} : vector<128x1024xf32> to vector<128x64xf32>
    %mul3A_586 = arith.constant 1.250000e-01 : f32
    %mul3A_587 = vector.broadcast %mul3A_586 : f32 to vector<128x64xf32>
    %mul3A_588 = arith.mulf %slice3A_585, %mul3A_587 : vector<128x64xf32>
    %slice3A_589 = vector.extract_strided_slice %slice3A {offsets = [0, 640], sizes = [256, 64], strides = [1, 1]} : vector<256x1024xf32> to vector<256x64xf32>
    %slice3A_590 = vector.extract_strided_slice %mul3A_63 {offsets = [0, 640], sizes = [256, 64], strides = [1, 1]} : vector<256x1024xf32> to vector<256x64xf32>
    %dot_general3A_591 = arith.constant dense<0.000000e+00> : vector<128x256xf32>
    %dot_general3A_592 = tpu.matmul %mul3A_588, %slice3A_589, %dot_general3A_591 {dimension_numbers = #tpu.dot_dimension_numbers<[1], [1], [0], [0], [0, 0, 1, 0], [], []>, transpose_lhs_hint = false} : vector<128x64xf32>, vector<256x64xf32>, vector<128x256xf32> -> vector<128x256xf32>
    %add3A_593 = vector.broadcast %broadcast_in_dim3A_69 : vector<1x256xf32> to vector<128x256xf32>
    %add3A_594 = arith.addf %dot_general3A_592, %add3A_593 : vector<128x256xf32>
    %get3A_595 = arith.constant 0 : index
    %get3A_596 = arith.constant 10 : index
    %get3A_597 = arith.constant 0 : index
    %get3A_598 = vector.load %arg12[%get3A_595, %get3A_596, %get3A_597] : memref<1x16x64xf32, #tpu.memory_space<vmem>>, vector<1x1x64xf32>
    %get3A_599 = vector.shape_cast %get3A_598 : vector<1x1x64xf32> to vector<64xf32>
    %broadcast_in_dim3A_600 = vector.shape_cast %get3A_599 : vector<64xf32> to vector<1x64xf32>
    %get3A_601 = arith.constant 0 : index
    %get3A_602 = arith.constant 10 : index
    %get3A_603 = arith.constant 0 : index
    %get3A_604 = vector.load %arg13[%get3A_601, %get3A_602, %get3A_603] : memref<1x16x64xf32, #tpu.memory_space<vmem>>, vector<1x1x64xf32>
    %get3A_605 = vector.shape_cast %get3A_604 : vector<1x1x64xf32> to vector<64xf32>
    %broadcast_in_dim3A_606 = vector.shape_cast %get3A_605 : vector<64xf32> to vector<1x64xf32>
    %mul3A_607 = vector.broadcast %broadcast_in_dim3A_600 : vector<1x64xf32> to vector<128x64xf32>
    %mul3A_608 = arith.mulf %mul3A_588, %mul3A_607 : vector<128x64xf32>
    %reduce_sum3A_609 = arith.constant dense<0.000000e+00> : vector<128xf32>
    %reduce_sum3A_610 = vector.multi_reduction <add>, %mul3A_608, %reduce_sum3A_609 [1] : vector<128x64xf32> to vector<128xf32>
    %reduce_max3A_611 = arith.constant dense<0xFF800000> : vector<128xf32>
    %reduce_max3A_612 = vector.multi_reduction <maximumf>, %add3A_594, %reduce_max3A_611 [1] : vector<128x256xf32> to vector<128xf32>
    %max3A_613 = arith.maximumf %reduce_max3A_612, %reduce_sum3A_610 : vector<128xf32>
    %broadcast_in_dim3A_614 = vector.shape_cast %max3A_613 : vector<128xf32> to vector<128x1xf32>
    %sub3A_615 = vector.broadcast %broadcast_in_dim3A_614 : vector<128x1xf32> to vector<128x256xf32>
    %sub3A_616 = arith.subf %add3A_594, %sub3A_615 : vector<128x256xf32>
    %exp3A_617 = math.exp %sub3A_616 : vector<128x256xf32>
    %sub3A_618 = arith.subf %reduce_sum3A_610, %max3A_613 : vector<128xf32>
    %exp3A_619 = math.exp %sub3A_618 : vector<128xf32>
    %reduce_sum3A_620 = arith.constant dense<0.000000e+00> : vector<128xf32>
    %reduce_sum3A_621 = vector.multi_reduction <add>, %exp3A_617, %reduce_sum3A_620 [1] : vector<128x256xf32> to vector<128xf32>
    %add3A_622 = arith.addf %reduce_sum3A_621, %exp3A_619 : vector<128xf32>
    %dot_general3A_623 = arith.constant dense<0.000000e+00> : vector<128x64xf32>
    %dot_general3A_624 = tpu.matmul %exp3A_617, %slice3A_590, %dot_general3A_623 {dimension_numbers = #tpu.dot_dimension_numbers<[1], [0], [0], [1], [0, 0, 1, 1], [], []>, transpose_lhs_hint = false} : vector<128x256xf32>, vector<256x64xf32>, vector<128x64xf32> -> vector<128x64xf32>
    %broadcast_in_dim3A_625 = vector.shape_cast %exp3A_619 : vector<128xf32> to vector<128x1xf32>
    %mul3A_626 = vector.broadcast %broadcast_in_dim3A_625 : vector<128x1xf32> to vector<128x64xf32>
    %mul3A_627 = vector.broadcast %broadcast_in_dim3A_606 : vector<1x64xf32> to vector<128x64xf32>
    %mul3A_628 = arith.mulf %mul3A_626, %mul3A_627 : vector<128x64xf32>
    %add3A_629 = arith.addf %dot_general3A_624, %mul3A_628 : vector<128x64xf32>
    %broadcast_in_dim3A_630 = vector.shape_cast %add3A_622 : vector<128xf32> to vector<128x1xf32>
    %div3A_631 = vector.broadcast %broadcast_in_dim3A_630 : vector<128x1xf32> to vector<128x64xf32>
    %div3A_632 = arith.divf %add3A_629, %div3A_631 : vector<128x64xf32>
    %convert_element_type3A_633 = arith.truncf %div3A_632 : vector<128x64xf32> to vector<128x64xbf16>
    %swap3A_634 = arith.constant 0 : index
    %swap3A_635 = arith.constant 640 : index
    %swap3A_636 = vector.load %arg15[%swap3A_634, %swap3A_635] : memref<128x1024xbf16, #tpu.memory_space<vmem>>, vector<128x64xbf16>
    tpu.vector_store %arg15[%swap3A_634, %swap3A_635], %convert_element_type3A_633 {strides = array<i32>} : memref<128x1024xbf16, #tpu.memory_space<vmem>>, vector<128x64xbf16>,
    %slice3A_637 = vector.extract_strided_slice %dot_general3A_46 {offsets = [0, 704], sizes = [128, 64], strides = [1, 1]} : vector<128x1024xf32> to vector<128x64xf32>
    %mul3A_638 = arith.constant 1.250000e-01 : f32
    %mul3A_639 = vector.broadcast %mul3A_638 : f32 to vector<128x64xf32>
    %mul3A_640 = arith.mulf %slice3A_637, %mul3A_639 : vector<128x64xf32>
    %slice3A_641 = vector.extract_strided_slice %slice3A {offsets = [0, 704], sizes = [256, 64], strides = [1, 1]} : vector<256x1024xf32> to vector<256x64xf32>
    %slice3A_642 = vector.extract_strided_slice %mul3A_63 {offsets = [0, 704], sizes = [256, 64], strides = [1, 1]} : vector<256x1024xf32> to vector<256x64xf32>
    %dot_general3A_643 = arith.constant dense<0.000000e+00> : vector<128x256xf32>
    %dot_general3A_644 = tpu.matmul %mul3A_640, %slice3A_641, %dot_general3A_643 {dimension_numbers = #tpu.dot_dimension_numbers<[1], [1], [0], [0], [0, 0, 1, 0], [], []>, transpose_lhs_hint = false} : vector<128x64xf32>, vector<256x64xf32>, vector<128x256xf32> -> vector<128x256xf32>
    %add3A_645 = vector.broadcast %broadcast_in_dim3A_69 : vector<1x256xf32> to vector<128x256xf32>
    %add3A_646 = arith.addf %dot_general3A_644, %add3A_645 : vector<128x256xf32>
    %get3A_647 = arith.constant 0 : index
    %get3A_648 = arith.constant 11 : index
    %get3A_649 = arith.constant 0 : index
    %get3A_650 = vector.load %arg12[%get3A_647, %get3A_648, %get3A_649] : memref<1x16x64xf32, #tpu.memory_space<vmem>>, vector<1x1x64xf32>
    %get3A_651 = vector.shape_cast %get3A_650 : vector<1x1x64xf32> to vector<64xf32>
    %broadcast_in_dim3A_652 = vector.shape_cast %get3A_651 : vector<64xf32> to vector<1x64xf32>
    %get3A_653 = arith.constant 0 : index
    %get3A_654 = arith.constant 11 : index
    %get3A_655 = arith.constant 0 : index
    %get3A_656 = vector.load %arg13[%get3A_653, %get3A_654, %get3A_655] : memref<1x16x64xf32, #tpu.memory_space<vmem>>, vector<1x1x64xf32>
    %get3A_657 = vector.shape_cast %get3A_656 : vector<1x1x64xf32> to vector<64xf32>
    %broadcast_in_dim3A_658 = vector.shape_cast %get3A_657 : vector<64xf32> to vector<1x64xf32>
    %mul3A_659 = vector.broadcast %broadcast_in_dim3A_652 : vector<1x64xf32> to vector<128x64xf32>
    %mul3A_660 = arith.mulf %mul3A_640, %mul3A_659 : vector<128x64xf32>
    %reduce_sum3A_661 = arith.constant dense<0.000000e+00> : vector<128xf32>
    %reduce_sum3A_662 = vector.multi_reduction <add>, %mul3A_660, %reduce_sum3A_661 [1] : vector<128x64xf32> to vector<128xf32>
    %reduce_max3A_663 = arith.constant dense<0xFF800000> : vector<128xf32>
    %reduce_max3A_664 = vector.multi_reduction <maximumf>, %add3A_646, %reduce_max3A_663 [1] : vector<128x256xf32> to vector<128xf32>
    %max3A_665 = arith.maximumf %reduce_max3A_664, %reduce_sum3A_662 : vector<128xf32>
    %broadcast_in_dim3A_666 = vector.shape_cast %max3A_665 : vector<128xf32> to vector<128x1xf32>
    %sub3A_667 = vector.broadcast %broadcast_in_dim3A_666 : vector<128x1xf32> to vector<128x256xf32>
    %sub3A_668 = arith.subf %add3A_646, %sub3A_667 : vector<128x256xf32>
    %exp3A_669 = math.exp %sub3A_668 : vector<128x256xf32>
    %sub3A_670 = arith.subf %reduce_sum3A_662, %max3A_665 : vector<128xf32>
    %exp3A_671 = math.exp %sub3A_670 : vector<128xf32>
    %reduce_sum3A_672 = arith.constant dense<0.000000e+00> : vector<128xf32>
    %reduce_sum3A_673 = vector.multi_reduction <add>, %exp3A_669, %reduce_sum3A_672 [1] : vector<128x256xf32> to vector<128xf32>
    %add3A_674 = arith.addf %reduce_sum3A_673, %exp3A_671 : vector<128xf32>
    %dot_general3A_675 = arith.constant dense<0.000000e+00> : vector<128x64xf32>
    %dot_general3A_676 = tpu.matmul %exp3A_669, %slice3A_642, %dot_general3A_675 {dimension_numbers = #tpu.dot_dimension_numbers<[1], [0], [0], [1], [0, 0, 1, 1], [], []>, transpose_lhs_hint = false} : vector<128x256xf32>, vector<256x64xf32>, vector<128x64xf32> -> vector<128x64xf32>
    %broadcast_in_dim3A_677 = vector.shape_cast %exp3A_671 : vector<128xf32> to vector<128x1xf32>
    %mul3A_678 = vector.broadcast %broadcast_in_dim3A_677 : vector<128x1xf32> to vector<128x64xf32>
    %mul3A_679 = vector.broadcast %broadcast_in_dim3A_658 : vector<1x64xf32> to vector<128x64xf32>
    %mul3A_680 = arith.mulf %mul3A_678, %mul3A_679 : vector<128x64xf32>
    %add3A_681 = arith.addf %dot_general3A_676, %mul3A_680 : vector<128x64xf32>
    %broadcast_in_dim3A_682 = vector.shape_cast %add3A_674 : vector<128xf32> to vector<128x1xf32>
    %div3A_683 = vector.broadcast %broadcast_in_dim3A_682 : vector<128x1xf32> to vector<128x64xf32>
    %div3A_684 = arith.divf %add3A_681, %div3A_683 : vector<128x64xf32>
    %convert_element_type3A_685 = arith.truncf %div3A_684 : vector<128x64xf32> to vector<128x64xbf16>
    %swap3A_686 = arith.constant 0 : index
    %swap3A_687 = arith.constant 704 : index
    %swap3A_688 = vector.load %arg15[%swap3A_686, %swap3A_687] : memref<128x1024xbf16, #tpu.memory_space<vmem>>, vector<128x64xbf16>
    tpu.vector_store %arg15[%swap3A_686, %swap3A_687], %convert_element_type3A_685 {strides = array<i32>} : memref<128x1024xbf16, #tpu.memory_space<vmem>>, vector<128x64xbf16>,
    %slice3A_689 = vector.extract_strided_slice %dot_general3A_46 {offsets = [0, 768], sizes = [128, 64], strides = [1, 1]} : vector<128x1024xf32> to vector<128x64xf32>
    %mul3A_690 = arith.constant 1.250000e-01 : f32
    %mul3A_691 = vector.broadcast %mul3A_690 : f32 to vector<128x64xf32>
    %mul3A_692 = arith.mulf %slice3A_689, %mul3A_691 : vector<128x64xf32>
    %slice3A_693 = vector.extract_strided_slice %slice3A {offsets = [0, 768], sizes = [256, 64], strides = [1, 1]} : vector<256x1024xf32> to vector<256x64xf32>
    %slice3A_694 = vector.extract_strided_slice %mul3A_63 {offsets = [0, 768], sizes = [256, 64], strides = [1, 1]} : vector<256x1024xf32> to vector<256x64xf32>
    %dot_general3A_695 = arith.constant dense<0.000000e+00> : vector<128x256xf32>
    %dot_general3A_696 = tpu.matmul %mul3A_692, %slice3A_693, %dot_general3A_695 {dimension_numbers = #tpu.dot_dimension_numbers<[1], [1], [0], [0], [0, 0, 1, 0], [], []>, transpose_lhs_hint = false} : vector<128x64xf32>, vector<256x64xf32>, vector<128x256xf32> -> vector<128x256xf32>
    %add3A_697 = vector.broadcast %broadcast_in_dim3A_69 : vector<1x256xf32> to vector<128x256xf32>
    %add3A_698 = arith.addf %dot_general3A_696, %add3A_697 : vector<128x256xf32>
    %get3A_699 = arith.constant 0 : index
    %get3A_700 = arith.constant 12 : index
    %get3A_701 = arith.constant 0 : index
    %get3A_702 = vector.load %arg12[%get3A_699, %get3A_700, %get3A_701] : memref<1x16x64xf32, #tpu.memory_space<vmem>>, vector<1x1x64xf32>
    %get3A_703 = vector.shape_cast %get3A_702 : vector<1x1x64xf32> to vector<64xf32>
    %broadcast_in_dim3A_704 = vector.shape_cast %get3A_703 : vector<64xf32> to vector<1x64xf32>
    %get3A_705 = arith.constant 0 : index
    %get3A_706 = arith.constant 12 : index
    %get3A_707 = arith.constant 0 : index
    %get3A_708 = vector.load %arg13[%get3A_705, %get3A_706, %get3A_707] : memref<1x16x64xf32, #tpu.memory_space<vmem>>, vector<1x1x64xf32>
    %get3A_709 = vector.shape_cast %get3A_708 : vector<1x1x64xf32> to vector<64xf32>
    %broadcast_in_dim3A_710 = vector.shape_cast %get3A_709 : vector<64xf32> to vector<1x64xf32>
    %mul3A_711 = vector.broadcast %broadcast_in_dim3A_704 : vector<1x64xf32> to vector<128x64xf32>
    %mul3A_712 = arith.mulf %mul3A_692, %mul3A_711 : vector<128x64xf32>
    %reduce_sum3A_713 = arith.constant dense<0.000000e+00> : vector<128xf32>
    %reduce_sum3A_714 = vector.multi_reduction <add>, %mul3A_712, %reduce_sum3A_713 [1] : vector<128x64xf32> to vector<128xf32>
    %reduce_max3A_715 = arith.constant dense<0xFF800000> : vector<128xf32>
    %reduce_max3A_716 = vector.multi_reduction <maximumf>, %add3A_698, %reduce_max3A_715 [1] : vector<128x256xf32> to vector<128xf32>
    %max3A_717 = arith.maximumf %reduce_max3A_716, %reduce_sum3A_714 : vector<128xf32>
    %broadcast_in_dim3A_718 = vector.shape_cast %max3A_717 : vector<128xf32> to vector<128x1xf32>
    %sub3A_719 = vector.broadcast %broadcast_in_dim3A_718 : vector<128x1xf32> to vector<128x256xf32>
    %sub3A_720 = arith.subf %add3A_698, %sub3A_719 : vector<128x256xf32>
    %exp3A_721 = math.exp %sub3A_720 : vector<128x256xf32>
    %sub3A_722 = arith.subf %reduce_sum3A_714, %max3A_717 : vector<128xf32>
    %exp3A_723 = math.exp %sub3A_722 : vector<128xf32>
    %reduce_sum3A_724 = arith.constant dense<0.000000e+00> : vector<128xf32>
    %reduce_sum3A_725 = vector.multi_reduction <add>, %exp3A_721, %reduce_sum3A_724 [1] : vector<128x256xf32> to vector<128xf32>
    %add3A_726 = arith.addf %reduce_sum3A_725, %exp3A_723 : vector<128xf32>
    %dot_general3A_727 = arith.constant dense<0.000000e+00> : vector<128x64xf32>
    %dot_general3A_728 = tpu.matmul %exp3A_721, %slice3A_694, %dot_general3A_727 {dimension_numbers = #tpu.dot_dimension_numbers<[1], [0], [0], [1], [0, 0, 1, 1], [], []>, transpose_lhs_hint = false} : vector<128x256xf32>, vector<256x64xf32>, vector<128x64xf32> -> vector<128x64xf32>
    %broadcast_in_dim3A_729 = vector.shape_cast %exp3A_723 : vector<128xf32> to vector<128x1xf32>
    %mul3A_730 = vector.broadcast %broadcast_in_dim3A_729 : vector<128x1xf32> to vector<128x64xf32>
    %mul3A_731 = vector.broadcast %broadcast_in_dim3A_710 : vector<1x64xf32> to vector<128x64xf32>
    %mul3A_732 = arith.mulf %mul3A_730, %mul3A_731 : vector<128x64xf32>
    %add3A_733 = arith.addf %dot_general3A_728, %mul3A_732 : vector<128x64xf32>
    %broadcast_in_dim3A_734 = vector.shape_cast %add3A_726 : vector<128xf32> to vector<128x1xf32>
    %div3A_735 = vector.broadcast %broadcast_in_dim3A_734 : vector<128x1xf32> to vector<128x64xf32>
    %div3A_736 = arith.divf %add3A_733, %div3A_735 : vector<128x64xf32>
    %convert_element_type3A_737 = arith.truncf %div3A_736 : vector<128x64xf32> to vector<128x64xbf16>
    %swap3A_738 = arith.constant 0 : index
    %swap3A_739 = arith.constant 768 : index
    %swap3A_740 = vector.load %arg15[%swap3A_738, %swap3A_739] : memref<128x1024xbf16, #tpu.memory_space<vmem>>, vector<128x64xbf16>
    tpu.vector_store %arg15[%swap3A_738, %swap3A_739], %convert_element_type3A_737 {strides = array<i32>} : memref<128x1024xbf16, #tpu.memory_space<vmem>>, vector<128x64xbf16>,
    %slice3A_741 = vector.extract_strided_slice %dot_general3A_46 {offsets = [0, 832], sizes = [128, 64], strides = [1, 1]} : vector<128x1024xf32> to vector<128x64xf32>
    %mul3A_742 = arith.constant 1.250000e-01 : f32
    %mul3A_743 = vector.broadcast %mul3A_742 : f32 to vector<128x64xf32>
    %mul3A_744 = arith.mulf %slice3A_741, %mul3A_743 : vector<128x64xf32>
    %slice3A_745 = vector.extract_strided_slice %slice3A {offsets = [0, 832], sizes = [256, 64], strides = [1, 1]} : vector<256x1024xf32> to vector<256x64xf32>
    %slice3A_746 = vector.extract_strided_slice %mul3A_63 {offsets = [0, 832], sizes = [256, 64], strides = [1, 1]} : vector<256x1024xf32> to vector<256x64xf32>
    %dot_general3A_747 = arith.constant dense<0.000000e+00> : vector<128x256xf32>
    %dot_general3A_748 = tpu.matmul %mul3A_744, %slice3A_745, %dot_general3A_747 {dimension_numbers = #tpu.dot_dimension_numbers<[1], [1], [0], [0], [0, 0, 1, 0], [], []>, transpose_lhs_hint = false} : vector<128x64xf32>, vector<256x64xf32>, vector<128x256xf32> -> vector<128x256xf32>
    %add3A_749 = vector.broadcast %broadcast_in_dim3A_69 : vector<1x256xf32> to vector<128x256xf32>
    %add3A_750 = arith.addf %dot_general3A_748, %add3A_749 : vector<128x256xf32>
    %get3A_751 = arith.constant 0 : index
    %get3A_752 = arith.constant 13 : index
    %get3A_753 = arith.constant 0 : index
    %get3A_754 = vector.load %arg12[%get3A_751, %get3A_752, %get3A_753] : memref<1x16x64xf32, #tpu.memory_space<vmem>>, vector<1x1x64xf32>
    %get3A_755 = vector.shape_cast %get3A_754 : vector<1x1x64xf32> to vector<64xf32>
    %broadcast_in_dim3A_756 = vector.shape_cast %get3A_755 : vector<64xf32> to vector<1x64xf32>
    %get3A_757 = arith.constant 0 : index
    %get3A_758 = arith.constant 13 : index
    %get3A_759 = arith.constant 0 : index
    %get3A_760 = vector.load %arg13[%get3A_757, %get3A_758, %get3A_759] : memref<1x16x64xf32, #tpu.memory_space<vmem>>, vector<1x1x64xf32>
    %get3A_761 = vector.shape_cast %get3A_760 : vector<1x1x64xf32> to vector<64xf32>
    %broadcast_in_dim3A_762 = vector.shape_cast %get3A_761 : vector<64xf32> to vector<1x64xf32>
    %mul3A_763 = vector.broadcast %broadcast_in_dim3A_756 : vector<1x64xf32> to vector<128x64xf32>
    %mul3A_764 = arith.mulf %mul3A_744, %mul3A_763 : vector<128x64xf32>
    %reduce_sum3A_765 = arith.constant dense<0.000000e+00> : vector<128xf32>
    %reduce_sum3A_766 = vector.multi_reduction <add>, %mul3A_764, %reduce_sum3A_765 [1] : vector<128x64xf32> to vector<128xf32>
    %reduce_max3A_767 = arith.constant dense<0xFF800000> : vector<128xf32>
    %reduce_max3A_768 = vector.multi_reduction <maximumf>, %add3A_750, %reduce_max3A_767 [1] : vector<128x256xf32> to vector<128xf32>
    %max3A_769 = arith.maximumf %reduce_max3A_768, %reduce_sum3A_766 : vector<128xf32>
    %broadcast_in_dim3A_770 = vector.shape_cast %max3A_769 : vector<128xf32> to vector<128x1xf32>
    %sub3A_771 = vector.broadcast %broadcast_in_dim3A_770 : vector<128x1xf32> to vector<128x256xf32>
    %sub3A_772 = arith.subf %add3A_750, %sub3A_771 : vector<128x256xf32>
    %exp3A_773 = math.exp %sub3A_772 : vector<128x256xf32>
    %sub3A_774 = arith.subf %reduce_sum3A_766, %max3A_769 : vector<128xf32>
    %exp3A_775 = math.exp %sub3A_774 : vector<128xf32>
    %reduce_sum3A_776 = arith.constant dense<0.000000e+00> : vector<128xf32>
    %reduce_sum3A_777 = vector.multi_reduction <add>, %exp3A_773, %reduce_sum3A_776 [1] : vector<128x256xf32> to vector<128xf32>
    %add3A_778 = arith.addf %reduce_sum3A_777, %exp3A_775 : vector<128xf32>
    %dot_general3A_779 = arith.constant dense<0.000000e+00> : vector<128x64xf32>
    %dot_general3A_780 = tpu.matmul %exp3A_773, %slice3A_746, %dot_general3A_779 {dimension_numbers = #tpu.dot_dimension_numbers<[1], [0], [0], [1], [0, 0, 1, 1], [], []>, transpose_lhs_hint = false} : vector<128x256xf32>, vector<256x64xf32>, vector<128x64xf32> -> vector<128x64xf32>
    %broadcast_in_dim3A_781 = vector.shape_cast %exp3A_775 : vector<128xf32> to vector<128x1xf32>
    %mul3A_782 = vector.broadcast %broadcast_in_dim3A_781 : vector<128x1xf32> to vector<128x64xf32>
    %mul3A_783 = vector.broadcast %broadcast_in_dim3A_762 : vector<1x64xf32> to vector<128x64xf32>
    %mul3A_784 = arith.mulf %mul3A_782, %mul3A_783 : vector<128x64xf32>
    %add3A_785 = arith.addf %dot_general3A_780, %mul3A_784 : vector<128x64xf32>
    %broadcast_in_dim3A_786 = vector.shape_cast %add3A_778 : vector<128xf32> to vector<128x1xf32>
    %div3A_787 = vector.broadcast %broadcast_in_dim3A_786 : vector<128x1xf32> to vector<128x64xf32>
    %div3A_788 = arith.divf %add3A_785, %div3A_787 : vector<128x64xf32>
    %convert_element_type3A_789 = arith.truncf %div3A_788 : vector<128x64xf32> to vector<128x64xbf16>
    %swap3A_790 = arith.constant 0 : index
    %swap3A_791 = arith.constant 832 : index
    %swap3A_792 = vector.load %arg15[%swap3A_790, %swap3A_791] : memref<128x1024xbf16, #tpu.memory_space<vmem>>, vector<128x64xbf16>
    tpu.vector_store %arg15[%swap3A_790, %swap3A_791], %convert_element_type3A_789 {strides = array<i32>} : memref<128x1024xbf16, #tpu.memory_space<vmem>>, vector<128x64xbf16>,
    %slice3A_793 = vector.extract_strided_slice %dot_general3A_46 {offsets = [0, 896], sizes = [128, 64], strides = [1, 1]} : vector<128x1024xf32> to vector<128x64xf32>
    %mul3A_794 = arith.constant 1.250000e-01 : f32
    %mul3A_795 = vector.broadcast %mul3A_794 : f32 to vector<128x64xf32>
    %mul3A_796 = arith.mulf %slice3A_793, %mul3A_795 : vector<128x64xf32>
    %slice3A_797 = vector.extract_strided_slice %slice3A {offsets = [0, 896], sizes = [256, 64], strides = [1, 1]} : vector<256x1024xf32> to vector<256x64xf32>
    %slice3A_798 = vector.extract_strided_slice %mul3A_63 {offsets = [0, 896], sizes = [256, 64], strides = [1, 1]} : vector<256x1024xf32> to vector<256x64xf32>
    %dot_general3A_799 = arith.constant dense<0.000000e+00> : vector<128x256xf32>
    %dot_general3A_800 = tpu.matmul %mul3A_796, %slice3A_797, %dot_general3A_799 {dimension_numbers = #tpu.dot_dimension_numbers<[1], [1], [0], [0], [0, 0, 1, 0], [], []>, transpose_lhs_hint = false} : vector<128x64xf32>, vector<256x64xf32>, vector<128x256xf32> -> vector<128x256xf32>
    %add3A_801 = vector.broadcast %broadcast_in_dim3A_69 : vector<1x256xf32> to vector<128x256xf32>
    %add3A_802 = arith.addf %dot_general3A_800, %add3A_801 : vector<128x256xf32>
    %get3A_803 = arith.constant 0 : index
    %get3A_804 = arith.constant 14 : index
    %get3A_805 = arith.constant 0 : index
    %get3A_806 = vector.load %arg12[%get3A_803, %get3A_804, %get3A_805] : memref<1x16x64xf32, #tpu.memory_space<vmem>>, vector<1x1x64xf32>
    %get3A_807 = vector.shape_cast %get3A_806 : vector<1x1x64xf32> to vector<64xf32>
    %broadcast_in_dim3A_808 = vector.shape_cast %get3A_807 : vector<64xf32> to vector<1x64xf32>
    %get3A_809 = arith.constant 0 : index
    %get3A_810 = arith.constant 14 : index
    %get3A_811 = arith.constant 0 : index
    %get3A_812 = vector.load %arg13[%get3A_809, %get3A_810, %get3A_811] : memref<1x16x64xf32, #tpu.memory_space<vmem>>, vector<1x1x64xf32>
    %get3A_813 = vector.shape_cast %get3A_812 : vector<1x1x64xf32> to vector<64xf32>
    %broadcast_in_dim3A_814 = vector.shape_cast %get3A_813 : vector<64xf32> to vector<1x64xf32>
    %mul3A_815 = vector.broadcast %broadcast_in_dim3A_808 : vector<1x64xf32> to vector<128x64xf32>
    %mul3A_816 = arith.mulf %mul3A_796, %mul3A_815 : vector<128x64xf32>
    %reduce_sum3A_817 = arith.constant dense<0.000000e+00> : vector<128xf32>
    %reduce_sum3A_818 = vector.multi_reduction <add>, %mul3A_816, %reduce_sum3A_817 [1] : vector<128x64xf32> to vector<128xf32>
    %reduce_max3A_819 = arith.constant dense<0xFF800000> : vector<128xf32>
    %reduce_max3A_820 = vector.multi_reduction <maximumf>, %add3A_802, %reduce_max3A_819 [1] : vector<128x256xf32> to vector<128xf32>
    %max3A_821 = arith.maximumf %reduce_max3A_820, %reduce_sum3A_818 : vector<128xf32>
    %broadcast_in_dim3A_822 = vector.shape_cast %max3A_821 : vector<128xf32> to vector<128x1xf32>
    %sub3A_823 = vector.broadcast %broadcast_in_dim3A_822 : vector<128x1xf32> to vector<128x256xf32>
    %sub3A_824 = arith.subf %add3A_802, %sub3A_823 : vector<128x256xf32>
    %exp3A_825 = math.exp %sub3A_824 : vector<128x256xf32>
    %sub3A_826 = arith.subf %reduce_sum3A_818, %max3A_821 : vector<128xf32>
    %exp3A_827 = math.exp %sub3A_826 : vector<128xf32>
    %reduce_sum3A_828 = arith.constant dense<0.000000e+00> : vector<128xf32>
    %reduce_sum3A_829 = vector.multi_reduction <add>, %exp3A_825, %reduce_sum3A_828 [1] : vector<128x256xf32> to vector<128xf32>
    %add3A_830 = arith.addf %reduce_sum3A_829, %exp3A_827 : vector<128xf32>
    %dot_general3A_831 = arith.constant dense<0.000000e+00> : vector<128x64xf32>
    %dot_general3A_832 = tpu.matmul %exp3A_825, %slice3A_798, %dot_general3A_831 {dimension_numbers = #tpu.dot_dimension_numbers<[1], [0], [0], [1], [0, 0, 1, 1], [], []>, transpose_lhs_hint = false} : vector<128x256xf32>, vector<256x64xf32>, vector<128x64xf32> -> vector<128x64xf32>
    %broadcast_in_dim3A_833 = vector.shape_cast %exp3A_827 : vector<128xf32> to vector<128x1xf32>
    %mul3A_834 = vector.broadcast %broadcast_in_dim3A_833 : vector<128x1xf32> to vector<128x64xf32>
    %mul3A_835 = vector.broadcast %broadcast_in_dim3A_814 : vector<1x64xf32> to vector<128x64xf32>
    %mul3A_836 = arith.mulf %mul3A_834, %mul3A_835 : vector<128x64xf32>
    %add3A_837 = arith.addf %dot_general3A_832, %mul3A_836 : vector<128x64xf32>
    %broadcast_in_dim3A_838 = vector.shape_cast %add3A_830 : vector<128xf32> to vector<128x1xf32>
    %div3A_839 = vector.broadcast %broadcast_in_dim3A_838 : vector<128x1xf32> to vector<128x64xf32>
    %div3A_840 = arith.divf %add3A_837, %div3A_839 : vector<128x64xf32>
    %convert_element_type3A_841 = arith.truncf %div3A_840 : vector<128x64xf32> to vector<128x64xbf16>
    %swap3A_842 = arith.constant 0 : index
    %swap3A_843 = arith.constant 896 : index
    %swap3A_844 = vector.load %arg15[%swap3A_842, %swap3A_843] : memref<128x1024xbf16, #tpu.memory_space<vmem>>, vector<128x64xbf16>
    tpu.vector_store %arg15[%swap3A_842, %swap3A_843], %convert_element_type3A_841 {strides = array<i32>} : memref<128x1024xbf16, #tpu.memory_space<vmem>>, vector<128x64xbf16>,
    %slice3A_845 = vector.extract_strided_slice %dot_general3A_46 {offsets = [0, 960], sizes = [128, 64], strides = [1, 1]} : vector<128x1024xf32> to vector<128x64xf32>
    %mul3A_846 = arith.constant 1.250000e-01 : f32
    %mul3A_847 = vector.broadcast %mul3A_846 : f32 to vector<128x64xf32>
    %mul3A_848 = arith.mulf %slice3A_845, %mul3A_847 : vector<128x64xf32>
    %slice3A_849 = vector.extract_strided_slice %slice3A {offsets = [0, 960], sizes = [256, 64], strides = [1, 1]} : vector<256x1024xf32> to vector<256x64xf32>
    %slice3A_850 = vector.extract_strided_slice %mul3A_63 {offsets = [0, 960], sizes = [256, 64], strides = [1, 1]} : vector<256x1024xf32> to vector<256x64xf32>
    %dot_general3A_851 = arith.constant dense<0.000000e+00> : vector<128x256xf32>
    %dot_general3A_852 = tpu.matmul %mul3A_848, %slice3A_849, %dot_general3A_851 {dimension_numbers = #tpu.dot_dimension_numbers<[1], [1], [0], [0], [0, 0, 1, 0], [], []>, transpose_lhs_hint = false} : vector<128x64xf32>, vector<256x64xf32>, vector<128x256xf32> -> vector<128x256xf32>
    %add3A_853 = vector.broadcast %broadcast_in_dim3A_69 : vector<1x256xf32> to vector<128x256xf32>
    %add3A_854 = arith.addf %dot_general3A_852, %add3A_853 : vector<128x256xf32>
    %get3A_855 = arith.constant 0 : index
    %get3A_856 = arith.constant 15 : index
    %get3A_857 = arith.constant 0 : index
    %get3A_858 = vector.load %arg12[%get3A_855, %get3A_856, %get3A_857] : memref<1x16x64xf32, #tpu.memory_space<vmem>>, vector<1x1x64xf32>
    %get3A_859 = vector.shape_cast %get3A_858 : vector<1x1x64xf32> to vector<64xf32>
    %broadcast_in_dim3A_860 = vector.shape_cast %get3A_859 : vector<64xf32> to vector<1x64xf32>
    %get3A_861 = arith.constant 0 : index
    %get3A_862 = arith.constant 15 : index
    %get3A_863 = arith.constant 0 : index
    %get3A_864 = vector.load %arg13[%get3A_861, %get3A_862, %get3A_863] : memref<1x16x64xf32, #tpu.memory_space<vmem>>, vector<1x1x64xf32>
    %get3A_865 = vector.shape_cast %get3A_864 : vector<1x1x64xf32> to vector<64xf32>
    %broadcast_in_dim3A_866 = vector.shape_cast %get3A_865 : vector<64xf32> to vector<1x64xf32>
    %mul3A_867 = vector.broadcast %broadcast_in_dim3A_860 : vector<1x64xf32> to vector<128x64xf32>
    %mul3A_868 = arith.mulf %mul3A_848, %mul3A_867 : vector<128x64xf32>
    %reduce_sum3A_869 = arith.constant dense<0.000000e+00> : vector<128xf32>
    %reduce_sum3A_870 = vector.multi_reduction <add>, %mul3A_868, %reduce_sum3A_869 [1] : vector<128x64xf32> to vector<128xf32>
    %reduce_max3A_871 = arith.constant dense<0xFF800000> : vector<128xf32>
    %reduce_max3A_872 = vector.multi_reduction <maximumf>, %add3A_854, %reduce_max3A_871 [1] : vector<128x256xf32> to vector<128xf32>
    %max3A_873 = arith.maximumf %reduce_max3A_872, %reduce_sum3A_870 : vector<128xf32>
    %broadcast_in_dim3A_874 = vector.shape_cast %max3A_873 : vector<128xf32> to vector<128x1xf32>
    %sub3A_875 = vector.broadcast %broadcast_in_dim3A_874 : vector<128x1xf32> to vector<128x256xf32>
    %sub3A_876 = arith.subf %add3A_854, %sub3A_875 : vector<128x256xf32>
    %exp3A_877 = math.exp %sub3A_876 : vector<128x256xf32>
    %sub3A_878 = arith.subf %reduce_sum3A_870, %max3A_873 : vector<128xf32>
    %exp3A_879 = math.exp %sub3A_878 : vector<128xf32>
    %reduce_sum3A_880 = arith.constant dense<0.000000e+00> : vector<128xf32>
    %reduce_sum3A_881 = vector.multi_reduction <add>, %exp3A_877, %reduce_sum3A_880 [1] : vector<128x256xf32> to vector<128xf32>
    %add3A_882 = arith.addf %reduce_sum3A_881, %exp3A_879 : vector<128xf32>
    %dot_general3A_883 = arith.constant dense<0.000000e+00> : vector<128x64xf32>
    %dot_general3A_884 = tpu.matmul %exp3A_877, %slice3A_850, %dot_general3A_883 {dimension_numbers = #tpu.dot_dimension_numbers<[1], [0], [0], [1], [0, 0, 1, 1], [], []>, transpose_lhs_hint = false} : vector<128x256xf32>, vector<256x64xf32>, vector<128x64xf32> -> vector<128x64xf32>
    %broadcast_in_dim3A_885 = vector.shape_cast %exp3A_879 : vector<128xf32> to vector<128x1xf32>
    %mul3A_886 = vector.broadcast %broadcast_in_dim3A_885 : vector<128x1xf32> to vector<128x64xf32>
    %mul3A_887 = vector.broadcast %broadcast_in_dim3A_866 : vector<1x64xf32> to vector<128x64xf32>
    %mul3A_888 = arith.mulf %mul3A_886, %mul3A_887 : vector<128x64xf32>
    %add3A_889 = arith.addf %dot_general3A_884, %mul3A_888 : vector<128x64xf32>
    %broadcast_in_dim3A_890 = vector.shape_cast %add3A_882 : vector<128xf32> to vector<128x1xf32>
    %div3A_891 = vector.broadcast %broadcast_in_dim3A_890 : vector<128x1xf32> to vector<128x64xf32>
    %div3A_892 = arith.divf %add3A_889, %div3A_891 : vector<128x64xf32>
    %convert_element_type3A_893 = arith.truncf %div3A_892 : vector<128x64xf32> to vector<128x64xbf16>
    %swap3A_894 = arith.constant 0 : index
    %swap3A_895 = arith.constant 960 : index
    %swap3A_896 = vector.load %arg15[%swap3A_894, %swap3A_895] : memref<128x1024xbf16, #tpu.memory_space<vmem>>, vector<128x64xbf16>
    tpu.vector_store %arg15[%swap3A_894, %swap3A_895], %convert_element_type3A_893 {strides = array<i32>} : memref<128x1024xbf16, #tpu.memory_space<vmem>>, vector<128x64xbf16>,
    %get3A_897 = arith.constant 0 : index
    %get3A_898 = arith.constant 0 : index
    %get3A_899 = vector.load %arg15[%get3A_897, %get3A_898] : memref<128x1024xbf16, #tpu.memory_space<vmem>>, vector<128x1024xbf16>
    %get3A_900 = arith.constant 0 : index
    %get3A_901 = arith.constant 0 : index
    %get3A_902 = arith.constant 0 : index
    %get3A_903 = vector.load %arg11[%get3A_900, %get3A_901, %get3A_902] : memref<1x1024x1024xbf16, #tpu.memory_space<vmem>>, vector<1x1024x1024xbf16>
    %get3A_904 = vector.shape_cast %get3A_903 : vector<1x1024x1024xbf16> to vector<1024x1024xbf16>
    %dot_general3A_905 = arith.constant dense<0.000000e+00> : vector<128x1024xf32>
    %dot_general3A_906 = tpu.matmul %get3A_899, %get3A_904, %dot_general3A_905 {dimension_numbers = #tpu.dot_dimension_numbers<[1], [1], [0], [0], [0, 0, 1, 0], [], []>, transpose_lhs_hint = false} : vector<128x1024xbf16>, vector<1024x1024xbf16>, vector<128x1024xf32> -> vector<128x1024xf32>
    %get3A_907 = arith.constant 0 : index
    %get3A_908 = arith.constant 0 : index
    %get3A_909 = arith.constant 0 : index
    %get3A_910 = vector.load %arg4[%get3A_907, %get3A_908, %get3A_909] : memref<1x1x128xf32, #tpu.memory_space<vmem>>, vector<1x1x128xf32>
    %get3A_911 = vector.shape_cast %get3A_910 : vector<1x1x128xf32> to vector<128xf32>
    %broadcast_in_dim3A_912 = vector.shape_cast %get3A_911 : vector<128xf32> to vector<128x1xf32>
    %mul3A_913 = vector.broadcast %broadcast_in_dim3A_912 : vector<128x1xf32> to vector<128x1024xf32>
    %mul3A_914 = arith.mulf %dot_general3A_906, %mul3A_913 : vector<128x1024xf32>
    %swap3A_915 = arith.constant 0 : index
    %swap3A_916 = arith.constant 0 : index
    %swap3A_917 = arith.constant 0 : index
    %swap3A_918 = vector.load %arg14[%swap3A_915, %swap3A_916, %swap3A_917] : memref<1x128x1024xf32, #tpu.memory_space<vmem>>, vector<1x128x1024xf32>
    %swap3A_919 = vector.shape_cast %swap3A_918 : vector<1x128x1024xf32> to vector<128x1024xf32>
    %swap3A_920 = vector.shape_cast %mul3A_914 : vector<128x1024xf32> to vector<1x128x1024xf32>
    tpu.vector_store %arg14[%swap3A_915, %swap3A_916, %swap3A_917], %swap3A_920 {strides = array<i32>} : memref<1x128x1024xf32, #tpu.memory_space<vmem>>, vector<1x128x1024xf32>,
    return
  }
  func.func @transform_0(%arg0: i32, %arg1: i32) -> (i32, i32) {
    %mul3A = arith.constant 2 : i32
    %mul3A_0 = arith.muli %arg1, %mul3A : i32
    %add3A = arith.addi %mul3A_0, %arg0 : i32
    %c0_i32 = arith.constant 0 : i32
    %c0_i32_1 = arith.constant 0 : i32
    return %add3A, %c0_i32 : i32, i32
  }
  func.func @transform_1(%arg0: i32, %arg1: i32) -> (i32, i32) {
    %mul3A = arith.constant 2 : i32
    %mul3A_0 = arith.muli %arg1, %mul3A : i32
    %add3A = arith.constant 14 : i32
    %add3A_1 = arith.addi %add3A, %mul3A_0 : i32
    %add3A_2 = arith.addi %add3A_1, %arg0 : i32
    %c0_i32 = arith.constant 0 : i32
    %c0_i32_3 = arith.constant 0 : i32
    return %add3A_2, %c0_i32 : i32, i32
  }
  func.func @transform_2(%arg0: i32, %arg1: i32) -> (i32, i32, i32) {
    %mul3A = arith.constant 2 : i32
    %mul3A_0 = arith.muli %arg1, %mul3A : i32
    %add3A = arith.addi %mul3A_0, %arg0 : i32
    %c0_i32 = arith.constant 0 : i32
    %c0_i32_1 = arith.constant 0 : i32
    %c0_i32_2 = arith.constant 0 : i32
    return %add3A, %c0_i32, %c0_i32_1 : i32, i32, i32
  }
  func.func @transform_3(%arg0: i32, %arg1: i32) -> (i32, i32, i32) {
    %mul3A = arith.constant 2 : i32
    %mul3A_0 = arith.muli %arg1, %mul3A : i32
    %add3A = arith.addi %mul3A_0, %arg0 : i32
    %c0_i32 = arith.constant 0 : i32
    %c0_i32_1 = arith.constant 0 : i32
    %c0_i32_2 = arith.constant 0 : i32
    return %add3A, %c0_i32, %c0_i32_1 : i32, i32, i32
  }
  func.func @transform_4(%arg0: i32, %arg1: i32) -> (i32, i32, i32) {
    %mul3A = arith.constant 2 : i32
    %mul3A_0 = arith.muli %arg1, %mul3A : i32
    %add3A = arith.addi %mul3A_0, %arg0 : i32
    %c0_i32 = arith.constant 0 : i32
    %c0_i32_1 = arith.constant 0 : i32
    %c0_i32_2 = arith.constant 0 : i32
    return %add3A, %c0_i32, %c0_i32_1 : i32, i32, i32
  }
  func.func @transform_5(%arg0: i32, %arg1: i32) -> (i32, i32, i32) {
    %c0_i32 = arith.constant 0 : i32
    %c0_i32_0 = arith.constant 0 : i32
    %c0_i32_1 = arith.constant 0 : i32
    return %arg0, %c0_i32, %c0_i32_0 : i32, i32, i32
  }
  func.func @transform_6(%arg0: i32, %arg1: i32) -> (i32, i32, i32) {
    %c0_i32 = arith.constant 0 : i32
    %c0_i32_0 = arith.constant 0 : i32
    %c0_i32_1 = arith.constant 0 : i32
    return %arg0, %c0_i32, %c0_i32_0 : i32, i32, i32
  }
  func.func @transform_7(%arg0: i32, %arg1: i32) -> (i32, i32, i32) {
    %c0_i32 = arith.constant 0 : i32
    %c0_i32_0 = arith.constant 0 : i32
    %c0_i32_1 = arith.constant 0 : i32
    return %arg0, %c0_i32, %c0_i32_0 : i32, i32, i32
  }
  func.func @transform_8(%arg0: i32, %arg1: i32) -> (i32, i32, i32) {
    %c0_i32 = arith.constant 0 : i32
    %c0_i32_0 = arith.constant 0 : i32
    %c0_i32_1 = arith.constant 0 : i32
    return %arg0, %c0_i32, %c0_i32_0 : i32, i32, i32
  }
  func.func @transform_9(%arg0: i32, %arg1: i32) -> (i32, i32, i32) {
    %c0_i32 = arith.constant 0 : i32
    %c0_i32_0 = arith.constant 0 : i32
    %c0_i32_1 = arith.constant 0 : i32
    return %arg0, %c0_i32, %c0_i32_0 : i32, i32, i32
  }
  func.func @transform_10(%arg0: i32, %arg1: i32) -> (i32, i32, i32) {
    %c0_i32 = arith.constant 0 : i32
    %c0_i32_0 = arith.constant 0 : i32
    %c0_i32_1 = arith.constant 0 : i32
    return %arg0, %c0_i32, %c0_i32_0 : i32, i32, i32
  }
  func.func @transform_11(%arg0: i32, %arg1: i32) -> (i32, i32, i32) {
    %c0_i32 = arith.constant 0 : i32
    %c0_i32_0 = arith.constant 0 : i32
    %c0_i32_1 = arith.constant 0 : i32
    return %arg0, %c0_i32, %c0_i32_0 : i32, i32, i32
  }
  func.func @transform_12(%arg0: i32, %arg1: i32) -> (i32, i32, i32) {
    %mul3A = arith.constant 2 : i32
    %mul3A_0 = arith.muli %arg1, %mul3A : i32
    %add3A = arith.addi %mul3A_0, %arg0 : i32
    %c0_i32 = arith.constant 0 : i32
    %c0_i32_1 = arith.constant 0 : i32
    %c0_i32_2 = arith.constant 0 : i32
    return %add3A, %c0_i32, %c0_i32_1 : i32, i32, i32
  }
}

module attributes {stable_mosaic.version = 14 : i64} {
  func.func @_scatter_body(%arg0: i32, %arg1: memref<1x256x1024xf32, #tpu.memory_space<vmem>>, %arg2: memref<1x1x256xi32, #tpu.memory_space<vmem>>, %arg3: memref<1x256x1024xf32, #tpu.memory_space<vmem>>, %arg4: memref<1x256x1024xf32, #tpu.memory_space<vmem>>) attributes {dimension_semantics = [#tpu.dimension_semantics<arbitrary>], iteration_bounds = array<i64: 16>, scalar_prefetch = 0 : i64, scratch_operands = 0 : i64, tpu.core_type = #tpu.core_type<tc>, window_params = [{transform_indices = @transform_0, window_bounds = array<i64: 1, 256, 1024>}, {transform_indices = @transform_1, window_bounds = array<i64: 1, 1, 256>}, {transform_indices = @transform_2, window_bounds = array<i64: 1, 256, 1024>}, {transform_indices = @transform_3, window_bounds = array<i64: 1, 256, 1024>}]} {
    %jit3A = arith.constant 8 : i32
    %eq3A = arith.constant 0 : i32
    %eq3A_0 = arith.cmpi eq, %jit3A, %eq3A : i32
    %jit3A_1 = arith.constant 1 : i32
    %select_n3A = arith.select %eq3A_0, %jit3A_1, %jit3A : i32
    %rem3A = arith.remsi %arg0, %select_n3A : i32
    %ne3A = arith.constant 0 : i32
    %ne3A_2 = arith.cmpi ne, %rem3A, %ne3A : i32
    %lt3A = arith.constant 0 : i32
    %lt3A_3 = arith.cmpi slt, %rem3A, %lt3A : i32
    %lt3A_4 = arith.constant 0 : i32
    %lt3A_5 = arith.cmpi slt, %select_n3A, %lt3A_4 : i32
    %ne3A_6 = arith.xori %lt3A_3, %lt3A_5 : i1
    %and3A = arith.andi %ne3A_6, %ne3A_2 : i1
    %add3A = arith.addi %rem3A, %select_n3A : i32
    %select_n3A_7 = arith.select %and3A, %add3A, %rem3A : i32
    %ne3A_8 = arith.constant 0 : i32
    %ne3A_9 = arith.cmpi ne, %select_n3A_7, %ne3A_8 : i32
    %get3A = arith.constant 0 : index
    %get3A_10 = arith.constant 0 : index
    %get3A_11 = arith.constant 0 : index
    %get3A_12 = vector.load %arg3[%get3A, %get3A_10, %get3A_11] : memref<1x256x1024xf32, #tpu.memory_space<vmem>>, vector<1x256x1024xf32>
    %get3A_13 = vector.shape_cast %get3A_12 : vector<1x256x1024xf32> to vector<256x1024xf32>
    %get3A_14 = arith.constant 0 : index
    %get3A_15 = arith.constant 0 : index
    %get3A_16 = arith.constant 0 : index
    %get3A_17 = vector.load %arg2[%get3A_14, %get3A_15, %get3A_16] : memref<1x1x256xi32, #tpu.memory_space<vmem>>, vector<1x1x256xi32>
    %get3A_18 = vector.shape_cast %get3A_17 : vector<1x1x256xi32> to vector<256xi32>
    %iota3A = tpu.iota {dimensions = array<i32: 1>} : vector<256x256xi32>
    %broadcast_in_dim3A = vector.shape_cast %get3A_18 : vector<256xi32> to vector<256x1xi32>
    %eq3A_19 = vector.broadcast %broadcast_in_dim3A : vector<256x1xi32> to vector<256x256xi32>
    %eq3A_20 = arith.cmpi eq, %iota3A, %eq3A_19 : vector<256x256xi32>
    %convert_element_type3A = arith.extui %eq3A_20 : vector<256x256xi1> to vector<256x256xi32>
    %convert_element_type3A_21 = arith.sitofp %convert_element_type3A : vector<256x256xi32> to vector<256x256xf32>
    %get3A_22 = arith.constant 0 : index
    %get3A_23 = arith.constant 0 : index
    %get3A_24 = arith.constant 0 : index
    %get3A_25 = vector.load %arg1[%get3A_22, %get3A_23, %get3A_24] : memref<1x256x1024xf32, #tpu.memory_space<vmem>>, vector<1x256x1024xf32>
    %get3A_26 = vector.shape_cast %get3A_25 : vector<1x256x1024xf32> to vector<256x1024xf32>
    %dot_general3A = arith.constant dense<0.000000e+00> : vector<256x1024xf32>
    %dot_general3A_27 = tpu.matmul %convert_element_type3A_21, %get3A_26, %dot_general3A {dimension_numbers = #tpu.dot_dimension_numbers<[0], [0], [1], [1], [0, 1, 1, 1], [], []>, transpose_lhs_hint = false} : vector<256x256xf32>, vector<256x1024xf32>, vector<256x1024xf32> -> vector<256x1024xf32>
    %reduce_sum3A = arith.constant dense<0.000000e+00> : vector<256xf32>
    %reduce_sum3A_28 = vector.multi_reduction <add>, %convert_element_type3A_21, %reduce_sum3A [0] : vector<256x256xf32> to vector<256xf32>
    %max3A = arith.constant 9.99999974E-6 : f32
    %max3A_29 = vector.broadcast %max3A : f32 to vector<256xf32>
    %max3A_30 = arith.maximumf %reduce_sum3A_28, %max3A_29 : vector<256xf32>
    %broadcast_in_dim3A_31 = vector.shape_cast %max3A_30 : vector<256xf32> to vector<256x1xf32>
    %div3A = vector.broadcast %broadcast_in_dim3A_31 : vector<256x1xf32> to vector<256x1024xf32>
    %div3A_32 = arith.divf %dot_general3A_27, %div3A : vector<256x1024xf32>
    %jit3A_33 = arith.constant 0.000000e+00 : f32
    %broadcast_in_dim3A_34 = vector.broadcast %jit3A_33 : f32 to vector<256x1024xf32>
    %select_n3A_35 = arith.select %ne3A_9, %div3A_32, %broadcast_in_dim3A_34 : vector<256x1024xf32>
    %add3A_36 = arith.addf %get3A_13, %select_n3A_35 : vector<256x1024xf32>
    %swap3A = arith.constant 0 : index
    %swap3A_37 = arith.constant 0 : index
    %swap3A_38 = arith.constant 0 : index
    %swap3A_39 = vector.load %arg4[%swap3A, %swap3A_37, %swap3A_38] : memref<1x256x1024xf32, #tpu.memory_space<vmem>>, vector<1x256x1024xf32>
    %swap3A_40 = vector.shape_cast %swap3A_39 : vector<1x256x1024xf32> to vector<256x1024xf32>
    %swap3A_41 = vector.shape_cast %add3A_36 : vector<256x1024xf32> to vector<1x256x1024xf32>
    tpu.vector_store %arg4[%swap3A, %swap3A_37, %swap3A_38], %swap3A_41 {strides = array<i32>} : memref<1x256x1024xf32, #tpu.memory_space<vmem>>, vector<1x256x1024xf32>,
    return
  }
  func.func @transform_0(%arg0: i32) -> (i32, i32, i32) {
    %jit3A = arith.constant 8 : i32
    %eq3A = arith.constant 0 : i32
    %eq3A_0 = arith.cmpi eq, %jit3A, %eq3A : i32
    %jit3A_1 = arith.constant 1 : i32
    %select_n3A = arith.select %eq3A_0, %jit3A_1, %jit3A : i32
    %rem3A = arith.remsi %arg0, %select_n3A : i32
    %ne3A = arith.constant 0 : i32
    %ne3A_2 = arith.cmpi ne, %rem3A, %ne3A : i32
    %lt3A = arith.constant 0 : i32
    %lt3A_3 = arith.cmpi slt, %rem3A, %lt3A : i32
    %lt3A_4 = arith.constant 0 : i32
    %lt3A_5 = arith.cmpi slt, %select_n3A, %lt3A_4 : i32
    %ne3A_6 = arith.xori %lt3A_3, %lt3A_5 : i1
    %and3A = arith.andi %ne3A_6, %ne3A_2 : i1
    %add3A = arith.addi %rem3A, %select_n3A : i32
    %select_n3A_7 = arith.select %and3A, %add3A, %rem3A : i32
    %eq3A_8 = arith.constant 0 : i32
    %eq3A_9 = arith.cmpi eq, %select_n3A_7, %eq3A_8 : i32
    %jit3A_10 = arith.constant 8 : i32
    %div3A = arith.divsi %arg0, %jit3A_10 : i32
    %sign3A = arith.constant 0 : i32
    %sign3A_11 = arith.cmpi sgt, %arg0, %sign3A : i32
    %sign3A_12 = arith.extui %sign3A_11 : i1 to i32
    %sign3A_13 = arith.constant 0 : i32
    %sign3A_14 = arith.cmpi slt, %arg0, %sign3A_13 : i32
    %sign3A_15 = arith.extui %sign3A_14 : i1 to i32
    %sign3A_16 = arith.subi %sign3A_12, %sign3A_15 : i32
    %sign3A_17 = arith.constant 0 : i32
    %sign3A_18 = arith.cmpi sgt, %jit3A_10, %sign3A_17 : i32
    %sign3A_19 = arith.extui %sign3A_18 : i1 to i32
    %sign3A_20 = arith.constant 0 : i32
    %sign3A_21 = arith.cmpi slt, %jit3A_10, %sign3A_20 : i32
    %sign3A_22 = arith.extui %sign3A_21 : i1 to i32
    %sign3A_23 = arith.subi %sign3A_19, %sign3A_22 : i32
    %ne3A_24 = arith.cmpi ne, %sign3A_16, %sign3A_23 : i32
    %rem3A_25 = arith.remsi %arg0, %jit3A_10 : i32
    %ne3A_26 = arith.constant 0 : i32
    %ne3A_27 = arith.cmpi ne, %rem3A_25, %ne3A_26 : i32
    %and3A_28 = arith.andi %ne3A_24, %ne3A_27 : i1
    %sub3A = arith.constant 1 : i32
    %sub3A_29 = arith.subi %div3A, %sub3A : i32
    %select_n3A_30 = arith.select %and3A_28, %sub3A_29, %div3A : i32
    %sub3A_31 = arith.subi %arg0, %select_n3A_30 : i32
    %sub3A_32 = arith.constant 1 : i32
    %sub3A_33 = arith.subi %sub3A_31, %sub3A_32 : i32
    %jit3A_34 = arith.constant 0 : i32
    %select_n3A_35 = arith.select %eq3A_9, %jit3A_34, %sub3A_33 : i32
    %c0_i32 = arith.constant 0 : i32
    %c0_i32_36 = arith.constant 0 : i32
    %c0_i32_37 = arith.constant 0 : i32
    return %select_n3A_35, %c0_i32, %c0_i32_36 : i32, i32, i32
  }
  func.func @transform_1(%arg0: i32) -> (i32, i32, i32) {
    %jit3A = arith.constant 8 : i32
    %eq3A = arith.constant 0 : i32
    %eq3A_0 = arith.cmpi eq, %jit3A, %eq3A : i32
    %jit3A_1 = arith.constant 1 : i32
    %select_n3A = arith.select %eq3A_0, %jit3A_1, %jit3A : i32
    %rem3A = arith.remsi %arg0, %select_n3A : i32
    %ne3A = arith.constant 0 : i32
    %ne3A_2 = arith.cmpi ne, %rem3A, %ne3A : i32
    %lt3A = arith.constant 0 : i32
    %lt3A_3 = arith.cmpi slt, %rem3A, %lt3A : i32
    %lt3A_4 = arith.constant 0 : i32
    %lt3A_5 = arith.cmpi slt, %select_n3A, %lt3A_4 : i32
    %ne3A_6 = arith.xori %lt3A_3, %lt3A_5 : i1
    %and3A = arith.andi %ne3A_6, %ne3A_2 : i1
    %add3A = arith.addi %rem3A, %select_n3A : i32
    %select_n3A_7 = arith.select %and3A, %add3A, %rem3A : i32
    %eq3A_8 = arith.constant 0 : i32
    %eq3A_9 = arith.cmpi eq, %select_n3A_7, %eq3A_8 : i32
    %jit3A_10 = arith.constant 8 : i32
    %div3A = arith.divsi %arg0, %jit3A_10 : i32
    %sign3A = arith.constant 0 : i32
    %sign3A_11 = arith.cmpi sgt, %arg0, %sign3A : i32
    %sign3A_12 = arith.extui %sign3A_11 : i1 to i32
    %sign3A_13 = arith.constant 0 : i32
    %sign3A_14 = arith.cmpi slt, %arg0, %sign3A_13 : i32
    %sign3A_15 = arith.extui %sign3A_14 : i1 to i32
    %sign3A_16 = arith.subi %sign3A_12, %sign3A_15 : i32
    %sign3A_17 = arith.constant 0 : i32
    %sign3A_18 = arith.cmpi sgt, %jit3A_10, %sign3A_17 : i32
    %sign3A_19 = arith.extui %sign3A_18 : i1 to i32
    %sign3A_20 = arith.constant 0 : i32
    %sign3A_21 = arith.cmpi slt, %jit3A_10, %sign3A_20 : i32
    %sign3A_22 = arith.extui %sign3A_21 : i1 to i32
    %sign3A_23 = arith.subi %sign3A_19, %sign3A_22 : i32
    %ne3A_24 = arith.cmpi ne, %sign3A_16, %sign3A_23 : i32
    %rem3A_25 = arith.remsi %arg0, %jit3A_10 : i32
    %ne3A_26 = arith.constant 0 : i32
    %ne3A_27 = arith.cmpi ne, %rem3A_25, %ne3A_26 : i32
    %and3A_28 = arith.andi %ne3A_24, %ne3A_27 : i1
    %sub3A = arith.constant 1 : i32
    %sub3A_29 = arith.subi %div3A, %sub3A : i32
    %select_n3A_30 = arith.select %and3A_28, %sub3A_29, %div3A : i32
    %sub3A_31 = arith.subi %arg0, %select_n3A_30 : i32
    %sub3A_32 = arith.constant 1 : i32
    %sub3A_33 = arith.subi %sub3A_31, %sub3A_32 : i32
    %jit3A_34 = arith.constant 0 : i32
    %select_n3A_35 = arith.select %eq3A_9, %jit3A_34, %sub3A_33 : i32
    %c0_i32 = arith.constant 0 : i32
    %c0_i32_36 = arith.constant 0 : i32
    %c0_i32_37 = arith.constant 0 : i32
    return %select_n3A_35, %c0_i32, %c0_i32_36 : i32, i32, i32
  }
  func.func @transform_2(%arg0: i32) -> (i32, i32, i32) {
    %c0_i32 = arith.constant 0 : i32
    %c0_i32_0 = arith.constant 0 : i32
    %c0_i32_1 = arith.constant 0 : i32
    return %arg0, %c0_i32, %c0_i32_0 : i32, i32, i32
  }
  func.func @transform_3(%arg0: i32) -> (i32, i32, i32) {
    %c0_i32 = arith.constant 0 : i32
    %c0_i32_0 = arith.constant 0 : i32
    %c0_i32_1 = arith.constant 0 : i32
    return %arg0, %c0_i32, %c0_i32_0 : i32, i32, i32
  }
}

</mosaic_0001>

<sc_bundles>
// kernel: kernel.8.cloned.1.call-start
scs
__scs_entry_jumppad:
0x0: {  	(pc) =	sbr.rel $0x88, $3  }
0x1: {  	(tag) =	ssettag $0x0;
	lr =	simm.s32 $0x1  }
0x2: {  	[smem:$0x3F94] =	sst lr;
	_ =	strace $0xD0000000  }
0x3: {  	_ = 	snop  }
0x4: {  	_ = 	snop  }
0x5: {  	_ = 	snop  }
0x6: {  	_ = 	snop  }
0x7: {  	_ = 	snop  }
__scs_overlays_trampoline_lowered:
0x8: {  	[smem:$0x3FA3] =	sst s0  }
0x9: {  	[smem:$0x3FA4] =	sst s1  }
0xa: {  	[smem:$0x3FA5] =	sst s2  }
0xb: {  	[smem:$0x3FA6] =	sst s3  }
0xc: {  	[smem:$0x3FA7] =	sst s4  }
0xd: {  	[smem:$0x3FA8] =	sst s5  }
0xe: {  	[smem:$0x3FA9] =	sst s6  }
0xf: {  	[smem:$0x3FAA] =	sst s7  }
0x10: {  	[smem:$0x3FAB] =	sst s8  }
0x11: {  	[smem:$0x3FAC] =	sst s9;
	s0 =	simm.s32 @!p0 $0x0  }
0x12: {  	s1 =	sld [smem:$0x3F92];
	s0 =	simm.s32 @p0 $0x1  }
0x13: {  	[smem:$0x3FAD] =	sst s0;
	s0 =	simm.s32 @!p1 $0x0  }
0x14: {  	s2 =	sld [smem:$0x3F91];
	s0 =	simm.s32 @p1 $0x1  }
0x15: {  	[smem:$0x3FAE] =	sst s0;
	s0 =	simm.s32 @!p2 $0x0  }
0x16: {  	s3 =	sld [smem:$0x3FDB];
	s0 =	simm.s32 @p2 $0x1  }
0x17: {  	s4 =	simm.s32 $0x1BF5;
	[smem:$0x3FB0] =	sst s0  }
0x18: {  	s0 =	sld [smem:$0x3F93];
	_ =	swait.ge [sflag:s4], $0x0  }
0x19: {  	s7 =	sld [smem:$0x3F94]  }
0x1a: {  	s8 =	sadd.s32 $0xFFFFE003, lr  }
0x1b: {  	s9 =	sadd.s32 $0xFFFFFEF7, lr;
	s5 =	simm.s32 $0xFFFFFFFF;
	p2 =	slt.u32 s8, $0xFFFFF086  }
0x1c: {  	p1 =	slt.u32 s9, $0xF7A;
	s5 =	simm.s32 @!p2 $0x0  }
0x1d: {  	s5 =	simm.s32 @p1 $0x1;
	p0 =	seq.s32 s7, s2  }
0x1e: {  	s7 =	smul.u32 @!p0 $0xF7A, s2;
	p2 =	seq.s32 @!p0 s5, $0x0  }
0x1f: {  	s9 =	smul.u32 $0xF7A, s1;
	s8 =	simm.s32 @!p0 $0x1BF5;
	p2 =	por !p2, p0  }
0x20: {  	[sflag:s8] =	ssyncset.s32 @!p0 $0xFFFFF086;
	s6 =	sadd.s32 @!p0 s3, s7;
	s7 =	simm.s32 @!p0 $0x108  }
0x21: {  	s3 =	sadd.s32 s3, s9;
	s6 =	sadd.s32 @!p0 $0x88, s6;
	s7 =	simm.s32 @p2 $0x1082  }
0x22: {  	[simem:s7], [sflag:s8] =	dma.local @!p0 [hbm:s6], $0xF7A  }
0x23: {  	s9 =	sor.u32 $0xD0000000, s2;
	s6 =	simm.s32 $0x108;
	_ =	swait.ge @!p0 [sflag:s8], $0x0  }
0x24: {  	s3 =	sadd.s32 $0x88, s3;
	s6 =	simm.s32 @!p1 $0x1082;
	[sflag:s4] =	ssyncset.s32 $0xFFFFF086  }
0x25: {  	[simem:s6], [sflag:s4] =	dma.local [hbm:s3], $0xF7A  }
0x26: {  	[smem:$0x3F94] =	sst s1;
	(tag) =	ssettag s2;
	_ =	strace s9  }
0x27: {  	s1 =	sld [smem:$0x3FA4]  }
0x28: {  	s2 =	sld [smem:$0x3FA5]  }
0x29: {  	s4 =	sld [smem:$0x3FA7]  }
0x2a: {  	p0 =	seq.s32 s5, $0x0;
	s5 =	sld [smem:$0x3FA8]  }
0x2b: {  	s6 =	sld [smem:$0x3FA9]  }
0x2c: {  	s7 =	sld [smem:$0x3FAA]  }
0x2d: {  	s3 =	simm.s32 $0x108;
	s8 =	sld [smem:$0x3FAB]  }
0x2e: {  	s3 =	simm.s32 @!p0 $0x1082;
	s9 =	sld [smem:$0x3FAC]  }
0x2f: {  	lr =	sadd.s32 s0, s3;
	s0 =	sld [smem:$0x3FA3]  }
0x30: {  	s3 =	sld [smem:$0x3FA6]  }
0x31: {  	[smem:$0x3FAF] =	sst s10  }
0x32: {  	s10 =	sld [smem:$0x3FAD];
	_ =	sdelay $0x3  }
0x33: {  	p0 =	seq.s32 s10, $0x1;
	s10 =	sld [smem:$0x3FAF];
	_ =	sdelay $0x3  }
0x34: {  	[smem:$0x3FAF] =	sst s10  }
0x35: {  	s10 =	sld [smem:$0x3FAE];
	_ =	sdelay $0x3  }
0x36: {  	p1 =	seq.s32 s10, $0x1;
	s10 =	sld [smem:$0x3FAF];
	_ =	sdelay $0x3  }
0x37: {  	[smem:$0x3FAF] =	sst s10  }
0x38: {  	s10 =	sld [smem:$0x3FB0]  }
0x39: {  	_ = 	snop;
	(pc) =	sbr.ind lr, $3  }
0x3a: {  	_ = 	snop  }
0x3b: {  	_ = 	snop  }
0x3c: {  	p2 =	seq.s32 s10, $0x1;
	s10 =	sld [smem:$0x3FAF]  }
0x3d: {  	_ =	shalt  }
0x3e: {  	_ =	shalt  }
0x3f: {  	_ =	shalt  }
0x40: {  	_ =	shalt  }
0x41: {  	_ =	shalt  }
0x42: {  	_ =	shalt  }
0x43: {  	_ =	shalt  }
0x44: {  	_ =	shalt  }
0x45: {  	_ =	shalt  }
0x46: {  	_ =	shalt  }
0x47: {  	_ =	shalt  }
0x48: {  	_ =	shalt  }
0x49: {  	_ =	shalt  }
0x4a: {  	_ =	shalt  }
0x4b: {  	_ =	shalt  }
0x4c: {  	_ =	shalt  }
0x4d: {  	_ =	shalt  }
0x4e: {  	_ =	shalt  }
0x4f: {  	_ =	shalt  }
0x50: {  	_ =	shalt  }
0x51: {  	_ =	shalt  }
0x52: {  	_ =	shalt  }
0x53: {  	_ =	shalt  }
0x54: {  	_ =	shalt  }
0x55: {  	_ =	shalt  }
0x56: {  	_ =	shalt  }
0x57: {  	_ =	shalt  }
0x58: {  	_ =	shalt  }
0x59: {  	_ =	shalt  }
0x5a: {  	_ =	shalt  }
0x5b: {  	_ =	shalt  }
0x5c: {  	_ =	shalt  }
0x5d: {  	_ =	shalt  }
0x5e: {  	_ =	shalt  }
0x5f: {  	_ =	shalt  }
0x60: {  	_ =	shalt  }
0x61: {  	_ =	shalt  }
0x62: {  	_ =	shalt  }
0x63: {  	_ =	shalt  }
0x64: {  	_ =	shalt  }
0x65: {  	_ =	shalt  }
0x66: {  	_ =	shalt  }
0x67: {  	_ =	shalt  }
0x68: {  	_ =	shalt  }
0x69: {  	_ =	shalt  }
0x6a: {  	_ =	shalt  }
0x6b: {  	_ =	shalt  }
0x6c: {  	_ =	shalt  }
0x6d: {  	_ =	shalt  }
0x6e: {  	_ =	shalt  }
0x6f: {  	_ =	shalt  }
0x70: {  	_ =	shalt  }
0x71: {  	_ =	shalt  }
0x72: {  	_ =	shalt  }
0x73: {  	_ =	shalt  }
0x74: {  	_ =	shalt  }
0x75: {  	_ =	shalt  }
0x76: {  	_ =	shalt  }
0x77: {  	_ =	shalt  }
0x78: {  	_ =	shalt  }
0x79: {  	_ =	shalt  }
0x7a: {  	_ =	shalt  }
0x7b: {  	_ =	shalt  }
0x7c: {  	_ =	shalt  }
0x7d: {  	_ =	shalt  }
0x7e: {  	_ =	shalt  }
0x7f: {  	_ =	shalt  }
0x80: {  	_ =	shalt  }
0x81: {  	_ =	shalt  }
0x82: {  	_ =	shalt  }
0x83: {  	_ =	shalt  }
0x84: {  	_ =	shalt  }
0x85: {  	_ =	shalt  }
0x86: {  	_ =	shalt  }
0x87: {  	_ =	shalt  }
.Lfunc_end0:
.L_simem_size_0:
called_computation_lowered:
.L_overlay_start_0:
0x88: {  	s2 =	sld [smem:$0x3FD9]  }
0x89: {  	s3 =	sld [smem:$0x3FFE];
	_ =	sdelay $0x1  }
0x8a: {  	s1 =	srdreg.scid  }
0x8b: {  	s0 =	sand.u32 $0x1, s1  }
0x8c: {  	s17 =	sshll.u32 s0, $0xA;
	s2 =	sadd.s32 s3, s2  }
0x8d: {  	s2 =	sadd.s32 s2, s17  }
0x8e: {  	[smem:$0x3FBB] =	sst s2  }
0x8f: {  	_ = 	snop  }
0x90: {  	s2 =	sld [smem:$0x3FC9]  }
0x91: {  	s18 =	sld [smem:$0x3FD0];
	(tm) =	ssettm $0x1  }
0x92: {  	s4 =	sld [smem:$0x3FFB];
	_ =	sdelay $0x3  }
0x93: {  	_ =	strace s4  }
0x94: {  	s4 =	sld [smem:$0x3FFC];
	_ =	sdelay $0x3  }
0x95: {  	_ =	strace s4  }
0x96: {  	s4 =	sld [smem:$0x3FFD];
	_ =	sdelay $0x3  }
0x97: {  	_ =	strace s4  }
0x98: {  	_ =	strace $0x8FFFFFFF  }
0x99: {  	s19 =	sld [smem:$0x3FDB];
	_ =	sdelay $0x1  }
0x9a: {  	s5 =	simm.s32 $_scs_section_size  }
0x9b: {  	s6 =	simm.s32 $_size__tile_overlayer_lowered;
	s7 =	simm.s32 $_tile_overlayer_lowered  }
0x9c: {  	s22 =	simm.s32 $0x1BFF;
	s21 =	sshll.u32 s7, $0x1;
	s4 =	sadd.s32 s5, s19  }
0x9d: {  	s8 =	simm.s32 $0x0;
	s20 =	sshll.u32 s6, $0x1;
	s6 =	sadd.s32 s21, s4  }
0x9e: {  	[timem:s8], [sflag:s22] =	dma.local [hbm:s6], s20  }
0x9f: {  	_ =	swait.ge [sflag:s22], s20  }
0xa0: {  	s5 =	ssub.s32 $0x0, s20;
	[sflag:s22] =	ssyncset.done $0x0  }
0xa1: {  	[sflag:s22] =	ssyncadd.s32 s5;
	_ =	sdelay $0x1  }
0xa2: {  	s23 =	simm.s32 $0x1B8B  }
0xa3: {  	_ =	swait.ge [sflag:s23], $0x1  }
0xa4: {  	[sflag:s23] =	ssyncset.done $0x0  }
0xa5: {  	s25 =	simm.s32 $0x1B8E;
	s24 =	sld [smem:$0x3FFE];
	[sflag:s23] =	ssyncadd.s32 $0xFFFFFFFF  }
0xa6: {  	s26 =	simm.s32 $execute0_lowered;
	[smem:$0x3FD2] =	sst s25  }
0xa7: {  	s6 =	sshll.u32 s26, $0x1;
	_ =	strace $0x80000046;
	[dreg:$0x1] =	wrdreg $0xFFFFFFFF  }
0xa8: {  	s28 =	simm.s32 $_size_execute0_lowered;
	s4 =	sadd.s32 s4, s6;
	[dreg:$0x0] =	wrdreg $0x0  }
0xa9: {  	s6 =	sshll.u32 s28, $0x1;
	[dreg:$0x2] =	wrdreg s4  }
0xaa: {  	[dreg:$0x3] =	wrdreg s6  }
0xab: {  	[dreg:$0x4] =	wrdreg $0xC0  }
0xac: {  	_ =	task [dreg:s8], $0x5FFFF  }
0xad: {  	[dreg:$0x1] =	wrdreg $0xFFFFFFFF  }
0xae: {  	[dreg:$0x0] =	wrdreg $0x60  }
0xaf: {  	[dreg:$0x2] =	wrdreg s18  }
0xb0: {  	[dreg:$0x3] =	wrdreg s2  }
0xb1: {  	[dreg:$0x4] =	wrdreg s24  }
0xb2: {  	[dreg:$0x5] =	wrdreg $0x9  }
0xb3: {  	_ =	task.clear_ibuf [dreg:s8], $0x6FFFF;
	_ =	strace $0x90000046  }
0xb4: {  	s29 =	simm.s32 $0x9;
	_ =	strace $0x80000048  }
0xb5: {  	_ =	swait.ge [sflag:s29], $0x1  }
0xb6: {  	[sflag:s29] =	ssyncadd.s32 $0xFFFFFFFF  }
0xb7: {  	_ =	strace $0x90000048  }
0xb8: {  	_ =	sfence  }
0xb9: {  	s30 =	sld [smem:$0x0];
	_ =	sdelay $0x2  }
0xba: {  	s31 =	sshll.u32 s1, $0xD;
	s1 =	sshrl.u32 s1, $0x2  }
0xbb: {  	s3 =	sand.u32 $0x4000, s31;
	s1 =	sadd.s32 s1, s30  }
0xbc: {  	s0 =	sor.u32 s3, s0;
	s1 =	sshll.u32 s1, $0x11  }
0xbd: {  	s0 =	sor.u32 s1, s0  }
0xbe: {  	s0 =	sadd.s32 $0x8F2B, s0  }
0xbf: {  	[sflag:s0] =	ssyncadd.remote.s32 $0x1  }
0xc0: {  	_ =	sfence.sel $0xFFFF  }
0xc1: {  	[dreg:$0x0] =	wrdreg $0xFFFFFFFF;
	(pc) =	sbr.abs _section_cstart, $3  }
0xc2: {  	[dreg:$0x1] =	wrdreg $0xFFFFFFFF  }
0xc3: {  	_ =	task.clear_ibuf [dreg:s8], $0x2FFFF;
	_ =	strace $0x9FFFFFFF  }
0xc4: {  	(tm) =	ssettm $0x7FFFFFFF  }
0xc5: {  	_ =	shalt  }
tec
execute0_lowered:
.L_overlay_start_1:
0x0: {  	(tag) =	ssettag $0x1  }
0x1: {  	s0 =	rddreg [dreg:$0x0]  }
0x2: {  	s1 =	srdreg.scid;
	s2 =	rddreg [dreg:$0x1]  }
0x3: {  	s3 =	stileid.u32;
	s4 =	rddreg [dreg:$0x2];
	s28 =	simm.s32 $0x180  }
0x4: {  	s10 =	simm.s32 $0x1;
	s1 =	sand.u32 $0x1, s1;
	s3 =	sshll.u32 s3, $0x1  }
0x5: {  	s11 =	simm.s32 $0x3;
	s12 =	simm.s32 $0x2;
	s5 =	sor.u32 s1, s3  }
0x6: {  	s13 =	simm.s32 $0x4;
	s29 =	simm.s32 $0x14180;
	s6 =	smul.u32 $0x2A, s5  }
0x7: {  	s30 =	simm.s32 $0x14980;
	s3 =	simm.s32 $0x0;
	s7 =	smul.u32 $0x54000, s5  }
0x8: {  	s4 =	sadd.s32 $0x82C00, s4;
	[smem:$0x7FF] =	sst s3;
	s5 =	smul.u32 $0xA800, s5  }
0x9: {  	_ =	strace $0x80000047;
	s0 =	sadd.s32 s0, s6;
	s17 =	sshrl.u32 s7, $0x3  }
0xa: {  	s18 =	sadd.s32 s4, s5;
	[dreg:$0x4] =	wrdreg s0;
	s19 =	sadd.s32 s4, s17  }
0xb: {  	s31 =	simm.s32 $0x15180;
	[dreg:$0x5] =	wrdreg s18;
	s20 =	sadd.s32 $0x1800, s19  }
0xc: {  	s1 =	ssub.s32 $0x2, s1;
	s21 =	sadd.s32 $0x3000, s19;
	[dreg:$0x6] =	wrdreg s20  }
0xd: {  	s23 =	sshrl.u32 s1, $0x1;
	s22 =	sadd.s32 $0x4800, s19;
	[dreg:$0x7] =	wrdreg s21  }
0xe: {  	s1 =	ssub.s32 s1, s23;
	s24 =	sadd.s32 $0x6000, s19;
	[dreg:$0x8] =	wrdreg s22  }
0xf: {  	v2 =	vlaneseq.u32;
	s5 =	sadd.s32 $0x200, s2;
	s25 =	sadd.s32 $0x7800, s19;
	[dreg:$0x9] =	wrdreg s24  }
0x10: {  	vm0 =	vmmov $0xffff;
	v1 =	vshrl.u32 v2, $0x3;
	s6 =	sadd.s32 $0x300, s2;
	s26 =	sadd.s32 $0x9000, s19;
	[dreg:$0xa] =	wrdreg s25  }
0x11: {  	v0 =	vand.u32 $0x7, v2;
	v2 =	vor.u32 $0x8, v2;
	v1 =	vmul.u32 $0x8, v1;
	s7 =	smax.u32 s1, $0x1;
	s4 =	sadd.s32 $0x100, s2;
	[dreg:$0xb] =	wrdreg s26  }
.LBB2_1:
0x12: {  	s14 =	rddreg [dreg:$0x4];
	s22 =	simm.s32 $0x5  }
0x13: {  	[tilespmem:s3], [sflag:$0x5] =	stream.linear.gather [hbm4b:s14+s3], $0x150, $0x38;
	[tilespmem:$0x18180] =	vst v63  }
0x14: {  	_ =	swait.ge [sflag:s22], $0x150  }
0x15: {  	[sflag:s22] =	ssyncset.done $0x0  }
0x16: {  	[sflag:s22] =	ssyncadd.s32 $0xFFFFFEB0  }
0x17: {  	v3 =	vld [tilespmem:$0x0];
	_ =	sdelay $0x4  }
0x18: {  	v4 =	vshll.u32 v3, $0x3  }
0x19: {  	v3 =	vand.u32 $0x7, v3;
	v4 =	vand.u32 $0xFFFFFFC0, v4  }
0x1a: {  	v3 =	vor.u32 v3, v4  }
0x1b: {  	v4 =	vperm.xlane v3, v0;
	_ =	sdelay $0x1  }
0x1c: {  	v4 =	vadd.s32 v1, v4;
	_ =	sdelay $0x4  }
0x1d: {  	[tilespmem:s28], [sflag:$0x1] =	stream.indirect_vreg.gather [hbm4b:s2+s3], $0x80, v4, vm0, $0xb8;
	[tilespmem:$0x18180] =	vst v63  }
0x1e: {  	s0 =	simm.s32 $0x980;
	v3 =	vperm.xlane v3, v2  }
0x1f: {  	[tilespmem:s0], [sflag:$0x1] =	stream.indirect_vreg.gather [hbm4b:s4+s3], $0x80, v4, vm0, $0xb8;
	[tilespmem:$0x18180] =	vst v63  }
0x20: {  	s23 =	simm.s32 $0x1180;
	v3 =	vadd.s32 v1, v3  }
0x21: {  	[tilespmem:s23], [sflag:$0x1] =	stream.indirect_vreg.gather [hbm4b:s5+s3], $0x80, v4, vm0, $0xb8;
	[tilespmem:$0x18180] =	vst v63  }
0x22: {  	s24 =	simm.s32 $0x1980  }
0x23: {  	[tilespmem:s24], [sflag:$0x1] =	stream.indirect_vreg.gather [hbm4b:s6+s3], $0x80, v4, vm0, $0xb8;
	[tilespmem:$0x18180] =	vst v63  }
0x24: {  	s25 =	simm.s32 $0x2180  }
0x25: {  	[tilespmem:s25], [sflag:$0x1] =	stream.indirect_vreg.gather [hbm4b:s2+s3], $0x80, v3, vm0, $0xb8;
	[tilespmem:$0x18180] =	vst v63  }
0x26: {  	s26 =	simm.s32 $0x2980  }
0x27: {  	[tilespmem:s26], [sflag:$0x1] =	stream.indirect_vreg.gather [hbm4b:s4+s3], $0x80, v3, vm0, $0xb8;
	[tilespmem:$0x18180] =	vst v63  }
0x28: {  	s8 =	simm.s32 $0x3180  }
0x29: {  	[tilespmem:s8], [sflag:$0x1] =	stream.indirect_vreg.gather [hbm4b:s5+s3], $0x80, v3, vm0, $0xb8;
	[tilespmem:$0x18180] =	vst v63  }
0x2a: {  	s9 =	simm.s32 $0x3980  }
0x2b: {  	[tilespmem:s9], [sflag:$0x1] =	stream.indirect_vreg.gather [hbm4b:s6+s3], $0x80, v3, vm0, $0xb8;
	[tilespmem:$0x18180] =	vst v63  }
0x2c: {  	v3 =	vld [tilespmem:$0x10];
	_ =	sdelay $0x4  }
0x2d: {  	v44 =	vshll.u32 v3, $0x3  }
0x2e: {  	v3 =	vand.u32 $0x7, v3;
	v4 =	vand.u32 $0xFFFFFFC0, v44  }
0x2f: {  	v3 =	vor.u32 v3, v4  }
0x30: {  	v4 =	vperm.xlane v3, v0;
	_ =	sdelay $0x1  }
0x31: {  	v4 =	vadd.s32 v1, v4;
	_ =	sdelay $0x3  }
0x32: {  	s14 =	simm.s32 $0x4180  }
0x33: {  	[tilespmem:s14], [sflag:$0x1] =	stream.indirect_vreg.gather [hbm4b:s2+s3], $0x80, v4, vm0, $0xb8;
	[tilespmem:$0x18180] =	vst v63  }
0x34: {  	s15 =	simm.s32 $0x4980;
	v3 =	vperm.xlane v3, v2  }
0x35: {  	[tilespmem:s15], [sflag:$0x1] =	stream.indirect_vreg.gather [hbm4b:s4+s3], $0x80, v4, vm0, $0xb8;
	[tilespmem:$0x18180] =	vst v63  }
0x36: {  	s16 =	simm.s32 $0x5180;
	v3 =	vadd.s32 v1, v3  }
0x37: {  	[tilespmem:s16], [sflag:$0x1] =	stream.indirect_vreg.gather [hbm4b:s5+s3], $0x80, v4, vm0, $0xb8;
	[tilespmem:$0x18180] =	vst v63  }
0x38: {  	s20 =	simm.s32 $0x5980  }
0x39: {  	[tilespmem:s20], [sflag:$0x1] =	stream.indirect_vreg.gather [hbm4b:s6+s3], $0x80, v4, vm0, $0xb8;
	[tilespmem:$0x18180] =	vst v63  }
0x3a: {  	s21 =	simm.s32 $0x6180  }
0x3b: {  	[tilespmem:s21], [sflag:$0x1] =	stream.indirect_vreg.gather [hbm4b:s2+s3], $0x80, v3, vm0, $0xb8;
	[tilespmem:$0x18180] =	vst v63  }
0x3c: {  	s22 =	simm.s32 $0x6980  }
0x3d: {  	[tilespmem:s22], [sflag:$0x1] =	stream.indirect_vreg.gather [hbm4b:s4+s3], $0x80, v3, vm0, $0xb8;
	[tilespmem:$0x18180] =	vst v63  }
0x3e: {  	s23 =	simm.s32 $0x7180  }
0x3f: {  	[tilespmem:s23], [sflag:$0x1] =	stream.indirect_vreg.gather [hbm4b:s5+s3], $0x80, v3, vm0, $0xb8;
	[tilespmem:$0x18180] =	vst v63  }
0x40: {  	s24 =	simm.s32 $0x7980  }
0x41: {  	[tilespmem:s24], [sflag:$0x1] =	stream.indirect_vreg.gather [hbm4b:s6+s3], $0x80, v3, vm0, $0xb8;
	[tilespmem:$0x18180] =	vst v63  }
0x42: {  	v3 =	vld [tilespmem:$0x20];
	_ =	sdelay $0x4  }
0x43: {  	v45 =	vshll.u32 v3, $0x3  }
0x44: {  	v3 =	vand.u32 $0x7, v3;
	v4 =	vand.u32 $0xFFFFFFC0, v45  }
0x45: {  	v3 =	vor.u32 v3, v4  }
0x46: {  	v4 =	vperm.xlane v3, v0;
	_ =	sdelay $0x1  }
0x47: {  	v4 =	vadd.s32 v1, v4;
	_ =	sdelay $0x3  }
0x48: {  	s25 =	simm.s32 $0x8180  }
0x49: {  	[tilespmem:s25], [sflag:$0x1] =	stream.indirect_vreg.gather [hbm4b:s2+s3], $0x80, v4, vm0, $0xb8;
	[tilespmem:$0x18180] =	vst v63  }
0x4a: {  	s26 =	simm.s32 $0x8980;
	v3 =	vperm.xlane v3, v2  }
0x4b: {  	[tilespmem:s26], [sflag:$0x1] =	stream.indirect_vreg.gather [hbm4b:s4+s3], $0x80, v4, vm0, $0xb8;
	[tilespmem:$0x18180] =	vst v63  }
0x4c: {  	s8 =	simm.s32 $0x9180;
	v3 =	vadd.s32 v1, v3  }
0x4d: {  	[tilespmem:s8], [sflag:$0x1] =	stream.indirect_vreg.gather [hbm4b:s5+s3], $0x80, v4, vm0, $0xb8;
	[tilespmem:$0x18180] =	vst v63  }
0x4e: {  	s9 =	simm.s32 $0x9980  }
0x4f: {  	[tilespmem:s9], [sflag:$0x1] =	stream.indirect_vreg.gather [hbm4b:s6+s3], $0x80, v4, vm0, $0xb8;
	[tilespmem:$0x18180] =	vst v63  }
0x50: {  	s14 =	simm.s32 $0xA180  }
0x51: {  	[tilespmem:s14], [sflag:$0x1] =	stream.indirect_vreg.gather [hbm4b:s2+s3], $0x80, v3, vm0, $0xb8;
	[tilespmem:$0x18180] =	vst v63  }
0x52: {  	s15 =	simm.s32 $0xA980  }
0x53: {  	[tilespmem:s15], [sflag:$0x1] =	stream.indirect_vreg.gather [hbm4b:s4+s3], $0x80, v3, vm0, $0xb8;
	[tilespmem:$0x18180] =	vst v63  }
0x54: {  	s16 =	simm.s32 $0xB180  }
0x55: {  	[tilespmem:s16], [sflag:$0x1] =	stream.indirect_vreg.gather [hbm4b:s5+s3], $0x80, v3, vm0, $0xb8;
	[tilespmem:$0x18180] =	vst v63  }
0x56: {  	s20 =	simm.s32 $0xB980  }
0x57: {  	[tilespmem:s20], [sflag:$0x1] =	stream.indirect_vreg.gather [hbm4b:s6+s3], $0x80, v3, vm0, $0xb8;
	[tilespmem:$0x18180] =	vst v63  }
0x58: {  	v3 =	vld [tilespmem:$0x30];
	_ =	sdelay $0x4  }
0x59: {  	v46 =	vshll.u32 v3, $0x3  }
0x5a: {  	v3 =	vand.u32 $0x7, v3;
	v4 =	vand.u32 $0xFFFFFFC0, v46  }
0x5b: {  	v3 =	vor.u32 v3, v4  }
0x5c: {  	v4 =	vperm.xlane v3, v0;
	_ =	sdelay $0x1  }
0x5d: {  	v4 =	vadd.s32 v1, v4;
	_ =	sdelay $0x3  }
0x5e: {  	s0 =	simm.s32 $0xC180  }
0x5f: {  	[tilespmem:s0], [sflag:$0x2] =	stream.indirect_vreg.gather [hbm4b:s2+s3], $0x80, v4, vm0, $0xb8;
	[tilespmem:$0x18180] =	vst v63  }
0x60: {  	s8 =	simm.s32 $0xC980;
	v3 =	vperm.xlane v3, v2  }
0x61: {  	[tilespmem:s8], [sflag:$0x2] =	stream.indirect_vreg.gather [hbm4b:s4+s3], $0x80, v4, vm0, $0xb8;
	[tilespmem:$0x18180] =	vst v63  }
0x62: {  	s21 =	simm.s32 $0xD180;
	v3 =	vadd.s32 v1, v3  }
0x63: {  	[tilespmem:s21], [sflag:$0x2] =	stream.indirect_vreg.gather [hbm4b:s5+s3], $0x80, v4, vm0, $0xb8;
	[tilespmem:$0x18180] =	vst v63  }
0x64: {  	s25 =	simm.s32 $0xD980  }
0x65: {  	[tilespmem:s25], [sflag:$0x2] =	stream.indirect_vreg.gather [hbm4b:s6+s3], $0x80, v4, vm0, $0xb8;
	[tilespmem:$0x18180] =	vst v63  }
0x66: {  	s26 =	simm.s32 $0xE180  }
0x67: {  	[tilespmem:s26], [sflag:$0x2] =	stream.indirect_vreg.gather [hbm4b:s2+s3], $0x80, v3, vm0, $0xb8;
	[tilespmem:$0x18180] =	vst v63  }
0x68: {  	s9 =	simm.s32 $0xE980  }
0x69: {  	[tilespmem:s9], [sflag:$0x2] =	stream.indirect_vreg.gather [hbm4b:s4+s3], $0x80, v3, vm0, $0xb8;
	[tilespmem:$0x18180] =	vst v63  }
0x6a: {  	s14 =	simm.s32 $0xF180  }
0x6b: {  	[tilespmem:s14], [sflag:$0x2] =	stream.indirect_vreg.gather [hbm4b:s5+s3], $0x80, v3, vm0, $0xb8;
	[tilespmem:$0x18180] =	vst v63  }
0x6c: {  	s15 =	simm.s32 $0xF980  }
0x6d: {  	[tilespmem:s15], [sflag:$0x2] =	stream.indirect_vreg.gather [hbm4b:s6+s3], $0x80, v3, vm0, $0xb8;
	[tilespmem:$0x18180] =	vst v63  }
0x6e: {  	v3 =	vld [tilespmem:$0x40];
	_ =	sdelay $0x4  }
0x6f: {  	v47 =	vshll.u32 v3, $0x3  }
0x70: {  	v3 =	vand.u32 $0x7, v3;
	v4 =	vand.u32 $0xFFFFFFC0, v47  }
0x71: {  	v3 =	vor.u32 v3, v4  }
0x72: {  	v4 =	vperm.xlane v3, v0;
	_ =	sdelay $0x1  }
0x73: {  	v4 =	vadd.s32 v1, v4;
	_ =	sdelay $0x3  }
0x74: {  	s16 =	simm.s32 $0x10180  }
0x75: {  	[tilespmem:s16], [sflag:$0x2] =	stream.indirect_vreg.gather [hbm4b:s2+s3], $0x80, v4, vm0, $0xb8;
	[tilespmem:$0x18180] =	vst v63  }
0x76: {  	s20 =	simm.s32 $0x10980;
	v3 =	vperm.xlane v3, v2  }
0x77: {  	[tilespmem:s20], [sflag:$0x2] =	stream.indirect_vreg.gather [hbm4b:s4+s3], $0x80, v4, vm0, $0xb8;
	[tilespmem:$0x18180] =	vst v63  }
0x78: {  	s21 =	simm.s32 $0x11180;
	v3 =	vadd.s32 v1, v3  }
0x79: {  	[tilespmem:s21], [sflag:$0x2] =	stream.indirect_vreg.gather [hbm4b:s5+s3], $0x80, v4, vm0, $0xb8;
	[tilespmem:$0x18180] =	vst v63  }
0x7a: {  	s25 =	simm.s32 $0x11980  }
0x7b: {  	[tilespmem:s25], [sflag:$0x2] =	stream.indirect_vreg.gather [hbm4b:s6+s3], $0x80, v4, vm0, $0xb8;
	[tilespmem:$0x18180] =	vst v63  }
0x7c: {  	s26 =	simm.s32 $0x12180  }
0x7d: {  	[tilespmem:s26], [sflag:$0x2] =	stream.indirect_vreg.gather [hbm4b:s2+s3], $0x80, v3, vm0, $0xb8;
	[tilespmem:$0x18180] =	vst v63  }
0x7e: {  	s9 =	simm.s32 $0x12980  }
0x7f: {  	[tilespmem:s9], [sflag:$0x2] =	stream.indirect_vreg.gather [hbm4b:s4+s3], $0x80, v3, vm0, $0xb8;
	[tilespmem:$0x18180] =	vst v63  }
0x80: {  	s14 =	simm.s32 $0x13180  }
0x81: {  	[tilespmem:s14], [sflag:$0x2] =	stream.indirect_vreg.gather [hbm4b:s5+s3], $0x80, v3, vm0, $0xb8;
	[tilespmem:$0x18180] =	vst v63  }
0x82: {  	s15 =	simm.s32 $0x13980  }
0x83: {  	[tilespmem:s15], [sflag:$0x2] =	stream.indirect_vreg.gather [hbm4b:s6+s3], $0x80, v3, vm0, $0xb8;
	[tilespmem:$0x18180] =	vst v63  }
0x84: {  	v3 =	vld [tilespmem:$0x50];
	_ =	sdelay $0x4  }
0x85: {  	v48 =	vshll.u32 v3, $0x3  }
0x86: {  	v3 =	vand.u32 $0x7, v3;
	v4 =	vand.u32 $0xFFFFFFC0, v48  }
0x87: {  	v3 =	vor.u32 v3, v4  }
0x88: {  	v4 =	vperm.xlane v3, v0;
	_ =	sdelay $0x1  }
0x89: {  	v4 =	vadd.s32 v1, v4;
	_ =	sdelay $0x4  }
0x8a: {  	[tilespmem:s29], [sflag:$0x2] =	stream.indirect_vreg.gather [hbm4b:s2+s3], $0x80, v4, vm0, $0xb8;
	[tilespmem:$0x18180] =	vst v63  }
0x8b: {  	v3 =	vperm.xlane v3, v2  }
0x8c: {  	[tilespmem:s30], [sflag:$0x2] =	stream.indirect_vreg.gather [hbm4b:s4+s3], $0x80, v4, vm0, $0xb8;
	[tilespmem:$0x18180] =	vst v63  }
0x8d: {  	v3 =	vadd.s32 v1, v3  }
0x8e: {  	[tilespmem:s31], [sflag:$0x2] =	stream.indirect_vreg.gather [hbm4b:s5+s3], $0x80, v4, vm0, $0xb8;
	[tilespmem:$0x18180] =	vst v63  }
0x8f: {  	s16 =	simm.s32 $0x15980  }
0x90: {  	[tilespmem:s16], [sflag:$0x2] =	stream.indirect_vreg.gather [hbm4b:s6+s3], $0x80, v4, vm0, $0xb8;
	[tilespmem:$0x18180] =	vst v63  }
0x91: {  	s20 =	simm.s32 $0x16180  }
0x92: {  	[tilespmem:s20], [sflag:$0x2] =	stream.indirect_vreg.gather [hbm4b:s2+s3], $0x80, v3, vm0, $0xb8;
	[tilespmem:$0x18180] =	vst v63  }
0x93: {  	s21 =	simm.s32 $0x16980  }
0x94: {  	[tilespmem:s21], [sflag:$0x2] =	stream.indirect_vreg.gather [hbm4b:s4+s3], $0x80, v3, vm0, $0xb8;
	[tilespmem:$0x18180] =	vst v63  }
0x95: {  	s25 =	simm.s32 $0x17180  }
0x96: {  	[tilespmem:s25], [sflag:$0x2] =	stream.indirect_vreg.gather [hbm4b:s5+s3], $0x80, v3, vm0, $0xb8;
	[tilespmem:$0x18180] =	vst v63  }
0x97: {  	s26 =	simm.s32 $0x17980  }
0x98: {  	[tilespmem:s26], [sflag:$0x2] =	stream.indirect_vreg.gather [hbm4b:s6+s3], $0x80, v3, vm0, $0xb8;
	[tilespmem:$0x18180] =	vst v63  }
0x99: {  	_ =	swait.ge [sflag:s10], $0xC000  }
0x9a: {  	[sflag:s10] =	ssyncset.done $0x0  }
0x9b: {  	s9 =	rddreg [dreg:$0x5];
	[sflag:s10] =	ssyncadd.s32 $0xFFFF4000  }
0x9c: {  	[hbm4b:s9+s3] =	stream.linear.scatter [tilespmem:s28], [sflag:$0x3], $0xC000, $0x38;
	[tilespmem:$0x18180] =	vst v63  }
0x9d: {  	_ =	swait.ge [sflag:s11], $0xC000  }
0x9e: {  	[sflag:s11] =	ssyncset.done $0x0  }
0x9f: {  	[sflag:s11] =	ssyncadd.s32 $0xFFFF4000  }
0xa0: {  	v3 =	vld [tilespmem:$0x60];
	_ =	sdelay $0x4  }
0xa1: {  	v49 =	vshll.u32 v3, $0x3  }
0xa2: {  	v3 =	vand.u32 $0x7, v3;
	v4 =	vand.u32 $0xFFFFFFC0, v49  }
0xa3: {  	v3 =	vor.u32 v3, v4  }
0xa4: {  	v4 =	vperm.xlane v3, v0;
	_ =	sdelay $0x1  }
0xa5: {  	v4 =	vadd.s32 v1, v4;
	_ =	sdelay $0x4  }
0xa6: {  	[tilespmem:s28], [sflag:$0x1] =	stream.indirect_vreg.gather [hbm4b:s2+s3], $0x80, v4, vm0, $0xb8;
	[tilespmem:$0x18180] =	vst v63  }
0xa7: {  	s1 =	simm.s32 $0x980;
	v3 =	vperm.xlane v3, v2  }
0xa8: {  	[tilespmem:s1], [sflag:$0x1] =	stream.indirect_vreg.gather [hbm4b:s4+s3], $0x80, v4, vm0, $0xb8;
	[tilespmem:$0x18180] =	vst v63  }
0xa9: {  	s9 =	simm.s32 $0x1180;
	v3 =	vadd.s32 v1, v3  }
0xaa: {  	[tilespmem:s9], [sflag:$0x1] =	stream.indirect_vreg.gather [hbm4b:s5+s3], $0x80, v4, vm0, $0xb8;
	[tilespmem:$0x18180] =	vst v63  }
0xab: {  	s1 =	simm.s32 $0x1980  }
0xac: {  	[tilespmem:s1], [sflag:$0x1] =	stream.indirect_vreg.gather [hbm4b:s6+s3], $0x80, v4, vm0, $0xb8;
	[tilespmem:$0x18180] =	vst v63  }
0xad: {  	s8 =	simm.s32 $0x2180  }
0xae: {  	[tilespmem:s8], [sflag:$0x1] =	stream.indirect_vreg.gather [hbm4b:s2+s3], $0x80, v3, vm0, $0xb8;
	[tilespmem:$0x18180] =	vst v63  }
0xaf: {  	s15 =	simm.s32 $0x2980  }
0xb0: {  	[tilespmem:s15], [sflag:$0x1] =	stream.indirect_vreg.gather [hbm4b:s4+s3], $0x80, v3, vm0, $0xb8;
	[tilespmem:$0x18180] =	vst v63  }
0xb1: {  	s16 =	simm.s32 $0x3180  }
0xb2: {  	[tilespmem:s16], [sflag:$0x1] =	stream.indirect_vreg.gather [hbm4b:s5+s3], $0x80, v3, vm0, $0xb8;
	[tilespmem:$0x18180] =	vst v63  }
0xb3: {  	s17 =	simm.s32 $0x3980  }
0xb4: {  	[tilespmem:s17], [sflag:$0x1] =	stream.indirect_vreg.gather [hbm4b:s6+s3], $0x80, v3, vm0, $0xb8;
	[tilespmem:$0x18180] =	vst v63  }
0xb5: {  	v3 =	vld [tilespmem:$0x70];
	_ =	sdelay $0x4  }
0xb6: {  	v50 =	vshll.u32 v3, $0x3  }
0xb7: {  	v3 =	vand.u32 $0x7, v3;
	v4 =	vand.u32 $0xFFFFFFC0, v50  }
0xb8: {  	v3 =	vor.u32 v3, v4  }
0xb9: {  	v4 =	vperm.xlane v3, v0;
	_ =	sdelay $0x1  }
0xba: {  	v4 =	vadd.s32 v1, v4;
	_ =	sdelay $0x3  }
0xbb: {  	s18 =	simm.s32 $0x4180  }
0xbc: {  	[tilespmem:s18], [sflag:$0x1] =	stream.indirect_vreg.gather [hbm4b:s2+s3], $0x80, v4, vm0, $0xb8;
	[tilespmem:$0x18180] =	vst v63  }
0xbd: {  	s19 =	simm.s32 $0x4980;
	v3 =	vperm.xlane v3, v2  }
0xbe: {  	[tilespmem:s19], [sflag:$0x1] =	stream.indirect_vreg.gather [hbm4b:s4+s3], $0x80, v4, vm0, $0xb8;
	[tilespmem:$0x18180] =	vst v63  }
0xbf: {  	s17 =	simm.s32 $0x5180;
	v3 =	vadd.s32 v1, v3  }
0xc0: {  	[tilespmem:s17], [sflag:$0x1] =	stream.indirect_vreg.gather [hbm4b:s5+s3], $0x80, v4, vm0, $0xb8;
	[tilespmem:$0x18180] =	vst v63  }
0xc1: {  	s18 =	simm.s32 $0x5980  }
0xc2: {  	[tilespmem:s18], [sflag:$0x1] =	stream.indirect_vreg.gather [hbm4b:s6+s3], $0x80, v4, vm0, $0xb8;
	[tilespmem:$0x18180] =	vst v63  }
0xc3: {  	s19 =	simm.s32 $0x6180  }
0xc4: {  	[tilespmem:s19], [sflag:$0x1] =	stream.indirect_vreg.gather [hbm4b:s2+s3], $0x80, v3, vm0, $0xb8;
	[tilespmem:$0x18180] =	vst v63  }
0xc5: {  	s20 =	simm.s32 $0x6980  }
0xc6: {  	[tilespmem:s20], [sflag:$0x1] =	stream.indirect_vreg.gather [hbm4b:s4+s3], $0x80, v3, vm0, $0xb8;
	[tilespmem:$0x18180] =	vst v63  }
0xc7: {  	s21 =	simm.s32 $0x7180  }
0xc8: {  	[tilespmem:s21], [sflag:$0x1] =	stream.indirect_vreg.gather [hbm4b:s5+s3], $0x80, v3, vm0, $0xb8;
	[tilespmem:$0x18180] =	vst v63  }
0xc9: {  	s22 =	simm.s32 $0x7980  }
0xca: {  	[tilespmem:s22], [sflag:$0x1] =	stream.indirect_vreg.gather [hbm4b:s6+s3], $0x80, v3, vm0, $0xb8;
	[tilespmem:$0x18180] =	vst v63  }
0xcb: {  	v3 =	vld [tilespmem:$0x80];
	_ =	sdelay $0x4  }
0xcc: {  	v51 =	vshll.u32 v3, $0x3  }
0xcd: {  	v3 =	vand.u32 $0x7, v3;
	v4 =	vand.u32 $0xFFFFFFC0, v51  }
0xce: {  	v3 =	vor.u32 v3, v4  }
0xcf: {  	v4 =	vperm.xlane v3, v0;
	_ =	sdelay $0x1  }
0xd0: {  	v4 =	vadd.s32 v1, v4;
	_ =	sdelay $0x3  }
0xd1: {  	s23 =	simm.s32 $0x8180  }
0xd2: {  	[tilespmem:s23], [sflag:$0x1] =	stream.indirect_vreg.gather [hbm4b:s2+s3], $0x80, v4, vm0, $0xb8;
	[tilespmem:$0x18180] =	vst v63  }
0xd3: {  	s24 =	simm.s32 $0x8980;
	v3 =	vperm.xlane v3, v2  }
0xd4: {  	[tilespmem:s24], [sflag:$0x1] =	stream.indirect_vreg.gather [hbm4b:s4+s3], $0x80, v4, vm0, $0xb8;
	[tilespmem:$0x18180] =	vst v63  }
0xd5: {  	s22 =	simm.s32 $0x9180;
	v3 =	vadd.s32 v1, v3  }
0xd6: {  	[tilespmem:s22], [sflag:$0x1] =	stream.indirect_vreg.gather [hbm4b:s5+s3], $0x80, v4, vm0, $0xb8;
	[tilespmem:$0x18180] =	vst v63  }
0xd7: {  	s23 =	simm.s32 $0x9980  }
0xd8: {  	[tilespmem:s23], [sflag:$0x1] =	stream.indirect_vreg.gather [hbm4b:s6+s3], $0x80, v4, vm0, $0xb8;
	[tilespmem:$0x18180] =	vst v63  }
0xd9: {  	s24 =	simm.s32 $0xA180  }
0xda: {  	[tilespmem:s24], [sflag:$0x1] =	stream.indirect_vreg.gather [hbm4b:s2+s3], $0x80, v3, vm0, $0xb8;
	[tilespmem:$0x18180] =	vst v63  }
0xdb: {  	s25 =	simm.s32 $0xA980  }
0xdc: {  	[tilespmem:s25], [sflag:$0x1] =	stream.indirect_vreg.gather [hbm4b:s4+s3], $0x80, v3, vm0, $0xb8;
	[tilespmem:$0x18180] =	vst v63  }
0xdd: {  	s26 =	simm.s32 $0xB180  }
0xde: {  	[tilespmem:s26], [sflag:$0x1] =	stream.indirect_vreg.gather [hbm4b:s5+s3], $0x80, v3, vm0, $0xb8;
	[tilespmem:$0x18180] =	vst v63  }
0xdf: {  	s14 =	simm.s32 $0xB980  }
0xe0: {  	[tilespmem:s14], [sflag:$0x1] =	stream.indirect_vreg.gather [hbm4b:s6+s3], $0x80, v3, vm0, $0xb8;
	[tilespmem:$0x18180] =	vst v63  }
0xe1: {  	_ =	swait.ge [sflag:s12], $0xC000  }
0xe2: {  	[sflag:s12] =	ssyncset.done $0x0  }
0xe3: {  	s14 =	rddreg [dreg:$0x6];
	[sflag:s12] =	ssyncadd.s32 $0xFFFF4000  }
0xe4: {  	[hbm4b:s14+s3] =	stream.linear.scatter [tilespmem:s0], [sflag:$0x4], $0xC000, $0x38;
	[tilespmem:$0x18180] =	vst v63  }
0xe5: {  	_ =	swait.ge [sflag:s13], $0xC000  }
0xe6: {  	[sflag:s13] =	ssyncset.done $0x0  }
0xe7: {  	[sflag:s13] =	ssyncadd.s32 $0xFFFF4000  }
0xe8: {  	v3 =	vld [tilespmem:$0x90];
	_ =	sdelay $0x4  }
0xe9: {  	v52 =	vshll.u32 v3, $0x3  }
0xea: {  	v3 =	vand.u32 $0x7, v3;
	v4 =	vand.u32 $0xFFFFFFC0, v52  }
0xeb: {  	v3 =	vor.u32 v3, v4  }
0xec: {  	v4 =	vperm.xlane v3, v0;
	_ =	sdelay $0x1  }
0xed: {  	v4 =	vadd.s32 v1, v4;
	_ =	sdelay $0x4  }
0xee: {  	[tilespmem:s0], [sflag:$0x2] =	stream.indirect_vreg.gather [hbm4b:s2+s3], $0x80, v4, vm0, $0xb8;
	[tilespmem:$0x18180] =	vst v63  }
0xef: {  	s14 =	simm.s32 $0xC980;
	v3 =	vperm.xlane v3, v2  }
0xf0: {  	[tilespmem:s14], [sflag:$0x2] =	stream.indirect_vreg.gather [hbm4b:s4+s3], $0x80, v4, vm0, $0xb8;
	[tilespmem:$0x18180] =	vst v63  }
0xf1: {  	v3 =	vadd.s32 v1, v3;
	s14 =	simm.s32 $0xD180  }
0xf2: {  	[tilespmem:s14], [sflag:$0x2] =	stream.indirect_vreg.gather [hbm4b:s5+s3], $0x80, v4, vm0, $0xb8;
	[tilespmem:$0x18180] =	vst v63  }
0xf3: {  	s14 =	simm.s32 $0xD980  }
0xf4: {  	[tilespmem:s14], [sflag:$0x2] =	stream.indirect_vreg.gather [hbm4b:s6+s3], $0x80, v4, vm0, $0xb8;
	[tilespmem:$0x18180] =	vst v63  }
0xf5: {  	s14 =	simm.s32 $0xE180  }
0xf6: {  	[tilespmem:s14], [sflag:$0x2] =	stream.indirect_vreg.gather [hbm4b:s2+s3], $0x80, v3, vm0, $0xb8;
	[tilespmem:$0x18180] =	vst v63  }
0xf7: {  	s14 =	simm.s32 $0xE980  }
0xf8: {  	[tilespmem:s14], [sflag:$0x2] =	stream.indirect_vreg.gather [hbm4b:s4+s3], $0x80, v3, vm0, $0xb8;
	[tilespmem:$0x18180] =	vst v63  }
0xf9: {  	s14 =	simm.s32 $0xF180  }
0xfa: {  	[tilespmem:s14], [sflag:$0x2] =	stream.indirect_vreg.gather [hbm4b:s5+s3], $0x80, v3, vm0, $0xb8;
	[tilespmem:$0x18180] =	vst v63  }
0xfb: {  	s14 =	simm.s32 $0xF980  }
0xfc: {  	[tilespmem:s14], [sflag:$0x2] =	stream.indirect_vreg.gather [hbm4b:s6+s3], $0x80, v3, vm0, $0xb8;
	[tilespmem:$0x18180] =	vst v63  }
0xfd: {  	v3 =	vld [tilespmem:$0xA0];
	_ =	sdelay $0x4  }
0xfe: {  	v53 =	vshll.u32 v3, $0x3  }
0xff: {  	v3 =	vand.u32 $0x7, v3;
	v4 =	vand.u32 $0xFFFFFFC0, v53  }
0x100: {  	v3 =	vor.u32 v3, v4  }
0x101: {  	v4 =	vperm.xlane v3, v0;
	_ =	sdelay $0x1  }
0x102: {  	v4 =	vadd.s32 v1, v4;
	_ =	sdelay $0x3  }
0x103: {  	s14 =	simm.s32 $0x10180  }
0x104: {  	[tilespmem:s14], [sflag:$0x2] =	stream.indirect_vreg.gather [hbm4b:s2+s3], $0x80, v4, vm0, $0xb8;
	[tilespmem:$0x18180] =	vst v63  }
0x105: {  	v3 =	vperm.xlane v3, v2;
	s14 =	simm.s32 $0x10980  }
0x106: {  	[tilespmem:s14], [sflag:$0x2] =	stream.indirect_vreg.gather [hbm4b:s4+s3], $0x80, v4, vm0, $0xb8;
	[tilespmem:$0x18180] =	vst v63  }
0x107: {  	v3 =	vadd.s32 v1, v3;
	s14 =	simm.s32 $0x11180  }
0x108: {  	[tilespmem:s14], [sflag:$0x2] =	stream.indirect_vreg.gather [hbm4b:s5+s3], $0x80, v4, vm0, $0xb8;
	[tilespmem:$0x18180] =	vst v63  }
0x109: {  	s14 =	simm.s32 $0x11980  }
0x10a: {  	[tilespmem:s14], [sflag:$0x2] =	stream.indirect_vreg.gather [hbm4b:s6+s3], $0x80, v4, vm0, $0xb8;
	[tilespmem:$0x18180] =	vst v63  }
0x10b: {  	s14 =	simm.s32 $0x12180  }
0x10c: {  	[tilespmem:s14], [sflag:$0x2] =	stream.indirect_vreg.gather [hbm4b:s2+s3], $0x80, v3, vm0, $0xb8;
	[tilespmem:$0x18180] =	vst v63  }
0x10d: {  	s14 =	simm.s32 $0x12980  }
0x10e: {  	[tilespmem:s14], [sflag:$0x2] =	stream.indirect_vreg.gather [hbm4b:s4+s3], $0x80, v3, vm0, $0xb8;
	[tilespmem:$0x18180] =	vst v63  }
0x10f: {  	s14 =	simm.s32 $0x13180  }
0x110: {  	[tilespmem:s14], [sflag:$0x2] =	stream.indirect_vreg.gather [hbm4b:s5+s3], $0x80, v3, vm0, $0xb8;
	[tilespmem:$0x18180] =	vst v63  }
0x111: {  	s14 =	simm.s32 $0x13980  }
0x112: {  	[tilespmem:s14], [sflag:$0x2] =	stream.indirect_vreg.gather [hbm4b:s6+s3], $0x80, v3, vm0, $0xb8;
	[tilespmem:$0x18180] =	vst v63  }
0x113: {  	v3 =	vld [tilespmem:$0xB0];
	_ =	sdelay $0x4  }
0x114: {  	v54 =	vshll.u32 v3, $0x3  }
0x115: {  	v3 =	vand.u32 $0x7, v3;
	v4 =	vand.u32 $0xFFFFFFC0, v54  }
0x116: {  	v3 =	vor.u32 v3, v4  }
0x117: {  	v4 =	vperm.xlane v3, v0;
	_ =	sdelay $0x1  }
0x118: {  	v4 =	vadd.s32 v1, v4;
	_ =	sdelay $0x4  }
0x119: {  	[tilespmem:s29], [sflag:$0x2] =	stream.indirect_vreg.gather [hbm4b:s2+s3], $0x80, v4, vm0, $0xb8;
	[tilespmem:$0x18180] =	vst v63  }
0x11a: {  	v3 =	vperm.xlane v3, v2  }
0x11b: {  	[tilespmem:s30], [sflag:$0x2] =	stream.indirect_vreg.gather [hbm4b:s4+s3], $0x80, v4, vm0, $0xb8;
	[tilespmem:$0x18180] =	vst v63  }
0x11c: {  	v3 =	vadd.s32 v1, v3  }
0x11d: {  	[tilespmem:s31], [sflag:$0x2] =	stream.indirect_vreg.gather [hbm4b:s5+s3], $0x80, v4, vm0, $0xb8;
	[tilespmem:$0x18180] =	vst v63  }
0x11e: {  	s14 =	simm.s32 $0x15980  }
0x11f: {  	[tilespmem:s14], [sflag:$0x2] =	stream.indirect_vreg.gather [hbm4b:s6+s3], $0x80, v4, vm0, $0xb8;
	[tilespmem:$0x18180] =	vst v63  }
0x120: {  	s14 =	simm.s32 $0x16180  }
0x121: {  	[tilespmem:s14], [sflag:$0x2] =	stream.indirect_vreg.gather [hbm4b:s2+s3], $0x80, v3, vm0, $0xb8;
	[tilespmem:$0x18180] =	vst v63  }
0x122: {  	s14 =	simm.s32 $0x16980  }
0x123: {  	[tilespmem:s14], [sflag:$0x2] =	stream.indirect_vreg.gather [hbm4b:s4+s3], $0x80, v3, vm0, $0xb8;
	[tilespmem:$0x18180] =	vst v63  }
0x124: {  	s14 =	simm.s32 $0x17180  }
0x125: {  	[tilespmem:s14], [sflag:$0x2] =	stream.indirect_vreg.gather [hbm4b:s5+s3], $0x80, v3, vm0, $0xb8;
	[tilespmem:$0x18180] =	vst v63  }
0x126: {  	s14 =	simm.s32 $0x17980  }
0x127: {  	[tilespmem:s14], [sflag:$0x2] =	stream.indirect_vreg.gather [hbm4b:s6+s3], $0x80, v3, vm0, $0xb8;
	[tilespmem:$0x18180] =	vst v63  }
0x128: {  	_ =	swait.ge [sflag:s10], $0xC000  }
0x129: {  	[sflag:s10] =	ssyncset.done $0x0  }
0x12a: {  	s14 =	rddreg [dreg:$0x7];
	[sflag:s10] =	ssyncadd.s32 $0xFFFF4000  }
0x12b: {  	[hbm4b:s14+s3] =	stream.linear.scatter [tilespmem:s28], [sflag:$0x3], $0xC000, $0x38;
	[tilespmem:$0x18180] =	vst v63  }
0x12c: {  	_ =	swait.ge [sflag:s11], $0xC000  }
0x12d: {  	[sflag:s11] =	ssyncset.done $0x0  }
0x12e: {  	[sflag:s11] =	ssyncadd.s32 $0xFFFF4000  }
0x12f: {  	v3 =	vld [tilespmem:$0xC0];
	_ =	sdelay $0x4  }
0x130: {  	v55 =	vshll.u32 v3, $0x3  }
0x131: {  	v3 =	vand.u32 $0x7, v3;
	v4 =	vand.u32 $0xFFFFFFC0, v55  }
0x132: {  	v3 =	vor.u32 v3, v4  }
0x133: {  	v4 =	vperm.xlane v3, v0;
	_ =	sdelay $0x1  }
0x134: {  	v4 =	vadd.s32 v1, v4;
	_ =	sdelay $0x4  }
0x135: {  	[tilespmem:s28], [sflag:$0x1] =	stream.indirect_vreg.gather [hbm4b:s2+s3], $0x80, v4, vm0, $0xb8;
	[tilespmem:$0x18180] =	vst v63  }
0x136: {  	s14 =	simm.s32 $0x980;
	v3 =	vperm.xlane v3, v2  }
0x137: {  	[tilespmem:s14], [sflag:$0x1] =	stream.indirect_vreg.gather [hbm4b:s4+s3], $0x80, v4, vm0, $0xb8;
	[tilespmem:$0x18180] =	vst v63  }
0x138: {  	v3 =	vadd.s32 v1, v3  }
0x139: {  	[tilespmem:s9], [sflag:$0x1] =	stream.indirect_vreg.gather [hbm4b:s5+s3], $0x80, v4, vm0, $0xb8;
	[tilespmem:$0x18180] =	vst v63  }
0x13a: {  	_ = 	snop  }
0x13b: {  	[tilespmem:s1], [sflag:$0x1] =	stream.indirect_vreg.gather [hbm4b:s6+s3], $0x80, v4, vm0, $0xb8;
	[tilespmem:$0x18180] =	vst v63  }
0x13c: {  	_ = 	snop  }
0x13d: {  	[tilespmem:s8], [sflag:$0x1] =	stream.indirect_vreg.gather [hbm4b:s2+s3], $0x80, v3, vm0, $0xb8;
	[tilespmem:$0x18180] =	vst v63  }
0x13e: {  	_ = 	snop  }
0x13f: {  	[tilespmem:s15], [sflag:$0x1] =	stream.indirect_vreg.gather [hbm4b:s4+s3], $0x80, v3, vm0, $0xb8;
	[tilespmem:$0x18180] =	vst v63  }
0x140: {  	_ = 	snop  }
0x141: {  	[tilespmem:s16], [sflag:$0x1] =	stream.indirect_vreg.gather [hbm4b:s5+s3], $0x80, v3, vm0, $0xb8;
	[tilespmem:$0x18180] =	vst v63  }
0x142: {  	s14 =	simm.s32 $0x3980  }
0x143: {  	[tilespmem:s14], [sflag:$0x1] =	stream.indirect_vreg.gather [hbm4b:s6+s3], $0x80, v3, vm0, $0xb8;
	[tilespmem:$0x18180] =	vst v63  }
0x144: {  	v3 =	vld [tilespmem:$0xD0];
	_ =	sdelay $0x4  }
0x145: {  	v56 =	vshll.u32 v3, $0x3  }
0x146: {  	v3 =	vand.u32 $0x7, v3;
	v4 =	vand.u32 $0xFFFFFFC0, v56  }
0x147: {  	v3 =	vor.u32 v3, v4  }
0x148: {  	v4 =	vperm.xlane v3, v0;
	_ =	sdelay $0x1  }
0x149: {  	v4 =	vadd.s32 v1, v4;
	_ =	sdelay $0x3  }
0x14a: {  	s14 =	simm.s32 $0x4180  }
0x14b: {  	[tilespmem:s14], [sflag:$0x1] =	stream.indirect_vreg.gather [hbm4b:s2+s3], $0x80, v4, vm0, $0xb8;
	[tilespmem:$0x18180] =	vst v63  }
0x14c: {  	v3 =	vperm.xlane v3, v2;
	s14 =	simm.s32 $0x4980  }
0x14d: {  	[tilespmem:s14], [sflag:$0x1] =	stream.indirect_vreg.gather [hbm4b:s4+s3], $0x80, v4, vm0, $0xb8;
	[tilespmem:$0x18180] =	vst v63  }
0x14e: {  	v3 =	vadd.s32 v1, v3  }
0x14f: {  	[tilespmem:s17], [sflag:$0x1] =	stream.indirect_vreg.gather [hbm4b:s5+s3], $0x80, v4, vm0, $0xb8;
	[tilespmem:$0x18180] =	vst v63  }
0x150: {  	_ = 	snop  }
0x151: {  	[tilespmem:s18], [sflag:$0x1] =	stream.indirect_vreg.gather [hbm4b:s6+s3], $0x80, v4, vm0, $0xb8;
	[tilespmem:$0x18180] =	vst v63  }
0x152: {  	_ = 	snop  }
0x153: {  	[tilespmem:s19], [sflag:$0x1] =	stream.indirect_vreg.gather [hbm4b:s2+s3], $0x80, v3, vm0, $0xb8;
	[tilespmem:$0x18180] =	vst v63  }
0x154: {  	_ = 	snop  }
0x155: {  	[tilespmem:s20], [sflag:$0x1] =	stream.indirect_vreg.gather [hbm4b:s4+s3], $0x80, v3, vm0, $0xb8;
	[tilespmem:$0x18180] =	vst v63  }
0x156: {  	_ = 	snop  }
0x157: {  	[tilespmem:s21], [sflag:$0x1] =	stream.indirect_vreg.gather [hbm4b:s5+s3], $0x80, v3, vm0, $0xb8;
	[tilespmem:$0x18180] =	vst v63  }
0x158: {  	s14 =	simm.s32 $0x7980  }
0x159: {  	[tilespmem:s14], [sflag:$0x1] =	stream.indirect_vreg.gather [hbm4b:s6+s3], $0x80, v3, vm0, $0xb8;
	[tilespmem:$0x18180] =	vst v63  }
0x15a: {  	v3 =	vld [tilespmem:$0xE0];
	_ =	sdelay $0x4  }
0x15b: {  	v57 =	vshll.u32 v3, $0x3  }
0x15c: {  	v3 =	vand.u32 $0x7, v3;
	v4 =	vand.u32 $0xFFFFFFC0, v57  }
0x15d: {  	v3 =	vor.u32 v3, v4  }
0x15e: {  	v4 =	vperm.xlane v3, v0;
	_ =	sdelay $0x1  }
0x15f: {  	v4 =	vadd.s32 v1, v4;
	_ =	sdelay $0x3  }
0x160: {  	s14 =	simm.s32 $0x8180  }
0x161: {  	[tilespmem:s14], [sflag:$0x1] =	stream.indirect_vreg.gather [hbm4b:s2+s3], $0x80, v4, vm0, $0xb8;
	[tilespmem:$0x18180] =	vst v63  }
0x162: {  	v3 =	vperm.xlane v3, v2;
	s14 =	simm.s32 $0x8980  }
0x163: {  	[tilespmem:s14], [sflag:$0x1] =	stream.indirect_vreg.gather [hbm4b:s4+s3], $0x80, v4, vm0, $0xb8;
	[tilespmem:$0x18180] =	vst v63  }
0x164: {  	v3 =	vadd.s32 v1, v3  }
0x165: {  	[tilespmem:s22], [sflag:$0x1] =	stream.indirect_vreg.gather [hbm4b:s5+s3], $0x80, v4, vm0, $0xb8;
	[tilespmem:$0x18180] =	vst v63  }
0x166: {  	_ = 	snop  }
0x167: {  	[tilespmem:s23], [sflag:$0x1] =	stream.indirect_vreg.gather [hbm4b:s6+s3], $0x80, v4, vm0, $0xb8;
	[tilespmem:$0x18180] =	vst v63  }
0x168: {  	_ = 	snop  }
0x169: {  	[tilespmem:s24], [sflag:$0x1] =	stream.indirect_vreg.gather [hbm4b:s2+s3], $0x80, v3, vm0, $0xb8;
	[tilespmem:$0x18180] =	vst v63  }
0x16a: {  	_ = 	snop  }
0x16b: {  	[tilespmem:s25], [sflag:$0x1] =	stream.indirect_vreg.gather [hbm4b:s4+s3], $0x80, v3, vm0, $0xb8;
	[tilespmem:$0x18180] =	vst v63  }
0x16c: {  	_ = 	snop  }
0x16d: {  	[tilespmem:s26], [sflag:$0x1] =	stream.indirect_vreg.gather [hbm4b:s5+s3], $0x80, v3, vm0, $0xb8;
	[tilespmem:$0x18180] =	vst v63  }
0x16e: {  	s14 =	simm.s32 $0xB980  }
0x16f: {  	[tilespmem:s14], [sflag:$0x1] =	stream.indirect_vreg.gather [hbm4b:s6+s3], $0x80, v3, vm0, $0xb8;
	[tilespmem:$0x18180] =	vst v63  }
0x170: {  	_ =	swait.ge [sflag:s12], $0xC000  }
0x171: {  	[sflag:s12] =	ssyncset.done $0x0  }
0x172: {  	s14 =	rddreg [dreg:$0x8];
	[sflag:s12] =	ssyncadd.s32 $0xFFFF4000  }
0x173: {  	[hbm4b:s14+s3] =	stream.linear.scatter [tilespmem:s0], [sflag:$0x4], $0xC000, $0x38;
	[tilespmem:$0x18180] =	vst v63  }
0x174: {  	_ =	swait.ge [sflag:s13], $0xC000  }
0x175: {  	[sflag:s13] =	ssyncset.done $0x0  }
0x176: {  	[sflag:s13] =	ssyncadd.s32 $0xFFFF4000  }
0x177: {  	v3 =	vld [tilespmem:$0xF0];
	_ =	sdelay $0x4  }
0x178: {  	v58 =	vshll.u32 v3, $0x3  }
0x179: {  	v3 =	vand.u32 $0x7, v3;
	v4 =	vand.u32 $0xFFFFFFC0, v58  }
0x17a: {  	v3 =	vor.u32 v3, v4  }
0x17b: {  	v4 =	vperm.xlane v3, v0;
	_ =	sdelay $0x1  }
0x17c: {  	v4 =	vadd.s32 v1, v4;
	_ =	sdelay $0x4  }
0x17d: {  	[tilespmem:s0], [sflag:$0x2] =	stream.indirect_vreg.gather [hbm4b:s2+s3], $0x80, v4, vm0, $0xb8;
	[tilespmem:$0x18180] =	vst v63  }
0x17e: {  	s14 =	simm.s32 $0xC980;
	v3 =	vperm.xlane v3, v2  }
0x17f: {  	[tilespmem:s14], [sflag:$0x2] =	stream.indirect_vreg.gather [hbm4b:s4+s3], $0x80, v4, vm0, $0xb8;
	[tilespmem:$0x18180] =	vst v63  }
0x180: {  	v3 =	vadd.s32 v1, v3;
	s14 =	simm.s32 $0xD180  }
0x181: {  	[tilespmem:s14], [sflag:$0x2] =	stream.indirect_vreg.gather [hbm4b:s5+s3], $0x80, v4, vm0, $0xb8;
	[tilespmem:$0x18180] =	vst v63  }
0x182: {  	s14 =	simm.s32 $0xD980  }
0x183: {  	[tilespmem:s14], [sflag:$0x2] =	stream.indirect_vreg.gather [hbm4b:s6+s3], $0x80, v4, vm0, $0xb8;
	[tilespmem:$0x18180] =	vst v63  }
0x184: {  	s14 =	simm.s32 $0xE180  }
0x185: {  	[tilespmem:s14], [sflag:$0x2] =	stream.indirect_vreg.gather [hbm4b:s2+s3], $0x80, v3, vm0, $0xb8;
	[tilespmem:$0x18180] =	vst v63  }
0x186: {  	s14 =	simm.s32 $0xE980  }
0x187: {  	[tilespmem:s14], [sflag:$0x2] =	stream.indirect_vreg.gather [hbm4b:s4+s3], $0x80, v3, vm0, $0xb8;
	[tilespmem:$0x18180] =	vst v63  }
0x188: {  	s14 =	simm.s32 $0xF180  }
0x189: {  	[tilespmem:s14], [sflag:$0x2] =	stream.indirect_vreg.gather [hbm4b:s5+s3], $0x80, v3, vm0, $0xb8;
	[tilespmem:$0x18180] =	vst v63  }
0x18a: {  	s14 =	simm.s32 $0xF980  }
0x18b: {  	[tilespmem:s14], [sflag:$0x2] =	stream.indirect_vreg.gather [hbm4b:s6+s3], $0x80, v3, vm0, $0xb8;
	[tilespmem:$0x18180] =	vst v63  }
0x18c: {  	v3 =	vld [tilespmem:$0x100];
	_ =	sdelay $0x4  }
0x18d: {  	v59 =	vshll.u32 v3, $0x3  }
0x18e: {  	v3 =	vand.u32 $0x7, v3;
	v4 =	vand.u32 $0xFFFFFFC0, v59  }
0x18f: {  	v3 =	vor.u32 v3, v4  }
0x190: {  	v4 =	vperm.xlane v3, v0;
	_ =	sdelay $0x1  }
0x191: {  	v4 =	vadd.s32 v1, v4;
	_ =	sdelay $0x3  }
0x192: {  	s14 =	simm.s32 $0x10180  }
0x193: {  	[tilespmem:s14], [sflag:$0x2] =	stream.indirect_vreg.gather [hbm4b:s2+s3], $0x80, v4, vm0, $0xb8;
	[tilespmem:$0x18180] =	vst v63  }
0x194: {  	v3 =	vperm.xlane v3, v2;
	s14 =	simm.s32 $0x10980  }
0x195: {  	[tilespmem:s14], [sflag:$0x2] =	stream.indirect_vreg.gather [hbm4b:s4+s3], $0x80, v4, vm0, $0xb8;
	[tilespmem:$0x18180] =	vst v63  }
0x196: {  	v3 =	vadd.s32 v1, v3;
	s14 =	simm.s32 $0x11180  }
0x197: {  	[tilespmem:s14], [sflag:$0x2] =	stream.indirect_vreg.gather [hbm4b:s5+s3], $0x80, v4, vm0, $0xb8;
	[tilespmem:$0x18180] =	vst v63  }
0x198: {  	s14 =	simm.s32 $0x11980  }
0x199: {  	[tilespmem:s14], [sflag:$0x2] =	stream.indirect_vreg.gather [hbm4b:s6+s3], $0x80, v4, vm0, $0xb8;
	[tilespmem:$0x18180] =	vst v63  }
0x19a: {  	s14 =	simm.s32 $0x12180  }
0x19b: {  	[tilespmem:s14], [sflag:$0x2] =	stream.indirect_vreg.gather [hbm4b:s2+s3], $0x80, v3, vm0, $0xb8;
	[tilespmem:$0x18180] =	vst v63  }
0x19c: {  	s14 =	simm.s32 $0x12980  }
0x19d: {  	[tilespmem:s14], [sflag:$0x2] =	stream.indirect_vreg.gather [hbm4b:s4+s3], $0x80, v3, vm0, $0xb8;
	[tilespmem:$0x18180] =	vst v63  }
0x19e: {  	s14 =	simm.s32 $0x13180  }
0x19f: {  	[tilespmem:s14], [sflag:$0x2] =	stream.indirect_vreg.gather [hbm4b:s5+s3], $0x80, v3, vm0, $0xb8;
	[tilespmem:$0x18180] =	vst v63  }
0x1a0: {  	s14 =	simm.s32 $0x13980  }
0x1a1: {  	[tilespmem:s14], [sflag:$0x2] =	stream.indirect_vreg.gather [hbm4b:s6+s3], $0x80, v3, vm0, $0xb8;
	[tilespmem:$0x18180] =	vst v63  }
0x1a2: {  	v3 =	vld [tilespmem:$0x110];
	_ =	sdelay $0x4  }
0x1a3: {  	v60 =	vshll.u32 v3, $0x3  }
0x1a4: {  	v3 =	vand.u32 $0x7, v3;
	v4 =	vand.u32 $0xFFFFFFC0, v60  }
0x1a5: {  	v3 =	vor.u32 v3, v4  }
0x1a6: {  	v4 =	vperm.xlane v3, v0;
	_ =	sdelay $0x1  }
0x1a7: {  	v4 =	vadd.s32 v1, v4;
	_ =	sdelay $0x4  }
0x1a8: {  	[tilespmem:s29], [sflag:$0x2] =	stream.indirect_vreg.gather [hbm4b:s2+s3], $0x80, v4, vm0, $0xb8;
	[tilespmem:$0x18180] =	vst v63  }
0x1a9: {  	v3 =	vperm.xlane v3, v2  }
0x1aa: {  	[tilespmem:s30], [sflag:$0x2] =	stream.indirect_vreg.gather [hbm4b:s4+s3], $0x80, v4, vm0, $0xb8;
	[tilespmem:$0x18180] =	vst v63  }
0x1ab: {  	v3 =	vadd.s32 v1, v3  }
0x1ac: {  	[tilespmem:s31], [sflag:$0x2] =	stream.indirect_vreg.gather [hbm4b:s5+s3], $0x80, v4, vm0, $0xb8;
	[tilespmem:$0x18180] =	vst v63  }
0x1ad: {  	s14 =	simm.s32 $0x15980  }
0x1ae: {  	[tilespmem:s14], [sflag:$0x2] =	stream.indirect_vreg.gather [hbm4b:s6+s3], $0x80, v4, vm0, $0xb8;
	[tilespmem:$0x18180] =	vst v63  }
0x1af: {  	s14 =	simm.s32 $0x16180  }
0x1b0: {  	[tilespmem:s14], [sflag:$0x2] =	stream.indirect_vreg.gather [hbm4b:s2+s3], $0x80, v3, vm0, $0xb8;
	[tilespmem:$0x18180] =	vst v63  }
0x1b1: {  	s14 =	simm.s32 $0x16980  }
0x1b2: {  	[tilespmem:s14], [sflag:$0x2] =	stream.indirect_vreg.gather [hbm4b:s4+s3], $0x80, v3, vm0, $0xb8;
	[tilespmem:$0x18180] =	vst v63  }
0x1b3: {  	s14 =	simm.s32 $0x17180  }
0x1b4: {  	[tilespmem:s14], [sflag:$0x2] =	stream.indirect_vreg.gather [hbm4b:s5+s3], $0x80, v3, vm0, $0xb8;
	[tilespmem:$0x18180] =	vst v63  }
0x1b5: {  	s14 =	simm.s32 $0x17980  }
0x1b6: {  	[tilespmem:s14], [sflag:$0x2] =	stream.indirect_vreg.gather [hbm4b:s6+s3], $0x80, v3, vm0, $0xb8;
	[tilespmem:$0x18180] =	vst v63  }
0x1b7: {  	_ =	swait.ge [sflag:s10], $0xC000  }
0x1b8: {  	[sflag:s10] =	ssyncset.done $0x0  }
0x1b9: {  	s14 =	rddreg [dreg:$0x9];
	[sflag:s10] =	ssyncadd.s32 $0xFFFF4000  }
0x1ba: {  	[hbm4b:s14+s3] =	stream.linear.scatter [tilespmem:s28], [sflag:$0x3], $0xC000, $0x38;
	[tilespmem:$0x18180] =	vst v63  }
0x1bb: {  	_ =	swait.ge [sflag:s11], $0xC000  }
0x1bc: {  	[sflag:s11] =	ssyncset.done $0x0  }
0x1bd: {  	[sflag:s11] =	ssyncadd.s32 $0xFFFF4000  }
0x1be: {  	v3 =	vld [tilespmem:$0x120];
	_ =	sdelay $0x4  }
0x1bf: {  	v61 =	vshll.u32 v3, $0x3  }
0x1c0: {  	v3 =	vand.u32 $0x7, v3;
	v4 =	vand.u32 $0xFFFFFFC0, v61  }
0x1c1: {  	v3 =	vor.u32 v3, v4  }
0x1c2: {  	v4 =	vperm.xlane v3, v0;
	_ =	sdelay $0x1  }
0x1c3: {  	v4 =	vadd.s32 v1, v4;
	_ =	sdelay $0x4  }
0x1c4: {  	[tilespmem:s28], [sflag:$0x1] =	stream.indirect_vreg.gather [hbm4b:s2+s3], $0x80, v4, vm0, $0xb8;
	[tilespmem:$0x18180] =	vst v63  }
0x1c5: {  	s14 =	simm.s32 $0x980;
	v3 =	vperm.xlane v3, v2  }
0x1c6: {  	[tilespmem:s14], [sflag:$0x1] =	stream.indirect_vreg.gather [hbm4b:s4+s3], $0x80, v4, vm0, $0xb8;
	[tilespmem:$0x18180] =	vst v63  }
0x1c7: {  	s9 =	simm.s32 $0x1180;
	v3 =	vadd.s32 v1, v3  }
0x1c8: {  	[tilespmem:s9], [sflag:$0x1] =	stream.indirect_vreg.gather [hbm4b:s5+s3], $0x80, v4, vm0, $0xb8;
	[tilespmem:$0x18180] =	vst v63  }
0x1c9: {  	s1 =	simm.s32 $0x1980  }
0x1ca: {  	[tilespmem:s1], [sflag:$0x1] =	stream.indirect_vreg.gather [hbm4b:s6+s3], $0x80, v4, vm0, $0xb8;
	[tilespmem:$0x18180] =	vst v63  }
0x1cb: {  	s8 =	simm.s32 $0x2180  }
0x1cc: {  	[tilespmem:s8], [sflag:$0x1] =	stream.indirect_vreg.gather [hbm4b:s2+s3], $0x80, v3, vm0, $0xb8;
	[tilespmem:$0x18180] =	vst v63  }
0x1cd: {  	s15 =	simm.s32 $0x2980  }
0x1ce: {  	[tilespmem:s15], [sflag:$0x1] =	stream.indirect_vreg.gather [hbm4b:s4+s3], $0x80, v3, vm0, $0xb8;
	[tilespmem:$0x18180] =	vst v63  }
0x1cf: {  	s16 =	simm.s32 $0x3180  }
0x1d0: {  	[tilespmem:s16], [sflag:$0x1] =	stream.indirect_vreg.gather [hbm4b:s5+s3], $0x80, v3, vm0, $0xb8;
	[tilespmem:$0x18180] =	vst v63  }
0x1d1: {  	s14 =	simm.s32 $0x3980  }
0x1d2: {  	[tilespmem:s14], [sflag:$0x1] =	stream.indirect_vreg.gather [hbm4b:s6+s3], $0x80, v3, vm0, $0xb8;
	[tilespmem:$0x18180] =	vst v63  }
0x1d3: {  	v3 =	vld [tilespmem:$0x130];
	_ =	sdelay $0x4  }
0x1d4: {  	v62 =	vshll.u32 v3, $0x3  }
0x1d5: {  	v3 =	vand.u32 $0x7, v3;
	v4 =	vand.u32 $0xFFFFFFC0, v62  }
0x1d6: {  	v3 =	vor.u32 v3, v4  }
0x1d7: {  	v4 =	vperm.xlane v3, v0;
	_ =	sdelay $0x1  }
0x1d8: {  	v4 =	vadd.s32 v1, v4;
	_ =	sdelay $0x3  }
0x1d9: {  	s15 =	simm.s32 $0x4180  }
0x1da: {  	[tilespmem:s15], [sflag:$0x1] =	stream.indirect_vreg.gather [hbm4b:s2+s3], $0x80, v4, vm0, $0xb8;
	[tilespmem:$0x18180] =	vst v63  }
0x1db: {  	s16 =	simm.s32 $0x4980;
	v3 =	vperm.xlane v3, v2  }
0x1dc: {  	[tilespmem:s16], [sflag:$0x1] =	stream.indirect_vreg.gather [hbm4b:s4+s3], $0x80, v4, vm0, $0xb8;
	[tilespmem:$0x18180] =	vst v63  }
0x1dd: {  	s17 =	simm.s32 $0x5180;
	v3 =	vadd.s32 v1, v3  }
0x1de: {  	[tilespmem:s17], [sflag:$0x1] =	stream.indirect_vreg.gather [hbm4b:s5+s3], $0x80, v4, vm0, $0xb8;
	[tilespmem:$0x18180] =	vst v63  }
0x1df: {  	s18 =	simm.s32 $0x5980  }
0x1e0: {  	[tilespmem:s18], [sflag:$0x1] =	stream.indirect_vreg.gather [hbm4b:s6+s3], $0x80, v4, vm0, $0xb8;
	[tilespmem:$0x18180] =	vst v63  }
0x1e1: {  	s19 =	simm.s32 $0x6180  }
0x1e2: {  	[tilespmem:s19], [sflag:$0x1] =	stream.indirect_vreg.gather [hbm4b:s2+s3], $0x80, v3, vm0, $0xb8;
	[tilespmem:$0x18180] =	vst v63  }
0x1e3: {  	s20 =	simm.s32 $0x6980  }
0x1e4: {  	[tilespmem:s20], [sflag:$0x1] =	stream.indirect_vreg.gather [hbm4b:s4+s3], $0x80, v3, vm0, $0xb8;
	[tilespmem:$0x18180] =	vst v63  }
0x1e5: {  	s21 =	simm.s32 $0x7180  }
0x1e6: {  	[tilespmem:s21], [sflag:$0x1] =	stream.indirect_vreg.gather [hbm4b:s5+s3], $0x80, v3, vm0, $0xb8;
	[tilespmem:$0x18180] =	vst v63  }
0x1e7: {  	s19 =	simm.s32 $0x7980  }
0x1e8: {  	[tilespmem:s19], [sflag:$0x1] =	stream.indirect_vreg.gather [hbm4b:s6+s3], $0x80, v3, vm0, $0xb8;
	[tilespmem:$0x18180] =	vst v63  }
0x1e9: {  	v3 =	vld [tilespmem:$0x140];
	_ =	sdelay $0x4  }
0x1ea: {  	v63 =	vshll.u32 v3, $0x3  }
0x1eb: {  	v3 =	vand.u32 $0x7, v3;
	v4 =	vand.u32 $0xFFFFFFC0, v63  }
0x1ec: {  	v3 =	vor.u32 v3, v4  }
0x1ed: {  	v4 =	vperm.xlane v3, v0;
	_ =	sdelay $0x1  }
0x1ee: {  	v4 =	vadd.s32 v1, v4;
	_ =	sdelay $0x3  }
0x1ef: {  	s20 =	simm.s32 $0x8180  }
0x1f0: {  	[tilespmem:s20], [sflag:$0x1] =	stream.indirect_vreg.gather [hbm4b:s2+s3], $0x80, v4, vm0, $0xb8;
	[tilespmem:$0x18180] =	vst v63  }
0x1f1: {  	s21 =	simm.s32 $0x8980;
	v3 =	vperm.xlane v3, v2  }
0x1f2: {  	[tilespmem:s21], [sflag:$0x1] =	stream.indirect_vreg.gather [hbm4b:s4+s3], $0x80, v4, vm0, $0xb8;
	[tilespmem:$0x18180] =	vst v63  }
0x1f3: {  	s22 =	simm.s32 $0x9180;
	v3 =	vadd.s32 v1, v3  }
0x1f4: {  	[tilespmem:s22], [sflag:$0x1] =	stream.indirect_vreg.gather [hbm4b:s5+s3], $0x80, v4, vm0, $0xb8;
	[tilespmem:$0x18180] =	vst v63  }
0x1f5: {  	s23 =	simm.s32 $0x9980  }
0x1f6: {  	[tilespmem:s23], [sflag:$0x1] =	stream.indirect_vreg.gather [hbm4b:s6+s3], $0x80, v4, vm0, $0xb8;
	[tilespmem:$0x18180] =	vst v63  }
0x1f7: {  	s24 =	simm.s32 $0xA180  }
0x1f8: {  	[tilespmem:s24], [sflag:$0x1] =	stream.indirect_vreg.gather [hbm4b:s2+s3], $0x80, v3, vm0, $0xb8;
	[tilespmem:$0x18180] =	vst v63  }
0x1f9: {  	s25 =	simm.s32 $0xA980  }
0x1fa: {  	[tilespmem:s25], [sflag:$0x1] =	stream.indirect_vreg.gather [hbm4b:s4+s3], $0x80, v3, vm0, $0xb8;
	[tilespmem:$0x18180] =	vst v63  }
0x1fb: {  	s26 =	simm.s32 $0xB180  }
0x1fc: {  	[tilespmem:s26], [sflag:$0x1] =	stream.indirect_vreg.gather [hbm4b:s5+s3], $0x80, v3, vm0, $0xb8;
	[tilespmem:$0x18180] =	vst v63  }
0x1fd: {  	s24 =	simm.s32 $0xB980  }
0x1fe: {  	[tilespmem:s24], [sflag:$0x1] =	stream.indirect_vreg.gather [hbm4b:s6+s3], $0x80, v3, vm0, $0xb8;
	[tilespmem:$0x18180] =	vst v63  }
0x1ff: {  	_ =	swait.ge [sflag:s12], $0xC000  }
0x200: {  	[sflag:s12] =	ssyncset.done $0x0  }
0x201: {  	s25 =	rddreg [dreg:$0xa];
	[sflag:s12] =	ssyncadd.s32 $0xFFFF4000  }
0x202: {  	[hbm4b:s25+s3] =	stream.linear.scatter [tilespmem:s0], [sflag:$0x4], $0xC000, $0x38;
	[tilespmem:$0x18180] =	vst v63  }
0x203: {  	_ =	swait.ge [sflag:s10], $0xC000  }
0x204: {  	[sflag:s10] =	ssyncset.done $0x0  }
0x205: {  	s26 =	rddreg [dreg:$0xb];
	[sflag:s10] =	ssyncadd.s32 $0xFFFF4000  }
0x206: {  	[hbm4b:s26+s3] =	stream.linear.scatter [tilespmem:s28], [sflag:$0x3], $0xC000, $0x38;
	[tilespmem:$0x18180] =	vst v63  }
0x207: {  	p0 =	sne.s32 s7, $0x1;
	_ =	swait.ge [sflag:s11], $0xC000  }
.Ltmp0:
0x208: {  	[sflag:s11] =	ssyncset.done $0x0;
	(pc) =	sbr.rel @p0 .LBB2_1-.Ltmp0, $4  }
0x209: {  	[sflag:s11] =	ssyncadd.s32 $0xFFFF4000  }
0x20a: {  	_ =	swait.ge [sflag:s13], $0xC000  }
0x20b: {  	[sflag:s13] =	ssyncset.done $0x0  }
0x20c: {  	s7 =	sadd.s32 $0xFFFFFFFF, s7;
	[sflag:s13] =	ssyncadd.s32 $0xFFFF4000  }
0x20d: {  	_ =	sfence.sel $0x180000  }
0x20e: {  	[bflag:$0x0] =	sbarrier.arrive $0xFFFF  }
0x20f: {  	_ =	strace $0x90000047  }
0x210: {  	s0 =	stileid.u32;
	[bflag:$0x2] =	sbarrier.arrive $0xFFFF  }
0x211: {  	p0 =	sne.s32 s0, $0x0;
	s0 =	rddreg [dreg:$0x3]  }
0x212: {  	s0 =	sadd.s32 @!p0 $0x100000, s0  }
0x213: {  	[sflag:s0] =	ssyncadd.tile.s32 @!p0 $0x1;
	_ =	shalt  }
.Lfunc_end2:
_tile_overlayer_lowered:
.L_overlay_start_2:
0x214: {  	(tag) =	ssettag $0x2  }
0x215: {  	s0 =	rddreg [dreg:$0x0];
	s2 =	stileid.u32  }
0x216: {  	s1 =	rddreg [dreg:$0x1];
	p0 =	sne.s32 s2, $0x0  }
0x217: {  	s3 =	rddreg [dreg:$0x2];
	[bflag:$0x3] =	sbarrier.arrive $0xFFFF;
	s2 =	simm.s32 @!p0 $0x1C05  }
0x218: {  	[timem:s3], [sflag:s2] =	dma.local @!p0 [hbm:s0], s1  }
0x219: {  	s0 =	simm.s32 @!p0 $0x5  }
0x21a: {  	_ =	swait.ge @!p0 [sflag:s0], s1  }
0x21b: {  	s1 =	ssub.s32 @!p0 $0x0, s1;
	[sflag:s0] =	ssyncset.done @!p0 $0x0  }
0x21c: {  	[sflag:s0] =	ssyncadd.s32 @!p0 s1  }
0x21d: {  	[bflag:$0x3] =	sbarrier.arrive $0xFFFF  }
0x21e: {  	_ =	shalt  }

</sc_bundles>
